<compile_context>
chip_gen: v7x
topology: tpu7x:2x2x1
jax: 0.10.2.dev20260603
libtpu: 0.0.44.dev20260713+nightly
codegen_flags: <defaults>
</compile_context>

<pallas_src>
import functools

import jax
import jax.numpy as jnp
from jax import lax
from jax.experimental import pallas as pl
from jax.experimental.pallas import tpu as pltpu
from jax.experimental.pallas import tpu_sc as plsc

_N = 10000
_E = 320000
_G = 64
_DX = 104
_DD = 12
_EMB = 12
_NST = 256
_H = 128
_OUT = 10

_NC = 2
_NS = 16
_NW = _NC * _NS
_EPW = _E // _NW
_RPT = 624
_RREM = _N - _NS * _RPT

_BN = 2000
_NBLK = _N // _BN


def _sc_agg_body(w, ch, nb, *refs):
    (h_hbm, src_hbm, dst_hbm, zrows_hbm, out_agg,
     acc, sidx, didx, *bufs) = refs
    rows = bufs[0]
    gsems = tuple(bufs[1:1 + nb])
    ssems = tuple(bufs[1 + nb:1 + 2 * nb])
    nch = _EPW // ch
    c = lax.axis_index("c")
    s = lax.axis_index("s")
    wid = s * _NC + c

    ebase = pl.multiple_of(wid * _EPW, 8)
    pltpu.sync_copy(src_hbm.at[pl.ds(ebase, _EPW)], sidx)
    pltpu.sync_copy(dst_hbm.at[pl.ds(ebase, _EPW)], didx)

    row0 = pl.multiple_of(s * _RPT, 8)
    pltpu.sync_copy(zrows_hbm.at[pl.ds(row0, _RPT)],
                    acc.at[pl.ds(row0, _RPT)])

    @pl.when(s == 0)
    def _():
        pltpu.sync_copy(zrows_hbm.at[pl.ds(_NS * _RPT, _RREM)],
                        acc.at[pl.ds(_NS * _RPT, _RREM)])
    plsc.subcore_barrier()

    def _idx(ref, j):
        st = pl.multiple_of(j * ch, 8)
        return ref.at[pl.ds(st, ch)]

    def _fire_g(j, b):
        pltpu.async_copy(h_hbm.at[_idx(sidx, j)], rows.at[b], gsems[b])

    def _wait_g(b):
        pltpu.make_async_copy(h_hbm.at[_idx(sidx, 0)], rows.at[b],
                              gsems[b]).wait()

    def _fire_s(j, b):
        pltpu.async_copy(rows.at[b], acc.at[_idx(didx, j)], ssems[b],
                         add=True)

    def _wait_s(b):
        pltpu.make_async_copy(rows.at[b], acc.at[_idx(didx, 0)],
                              ssems[b]).wait()

    lag = nb - 1
    for b in range(nb):
        _fire_g(b, b)
    for k in range(lag):
        _wait_g(k % nb)
        _fire_s(k, k % nb)
        _wait_s(k % nb)
        _fire_g(k + nb, k % nb)
    for k in range(lag, nb):
        _wait_g(k)
        _fire_s(k, k)

    ngrp = (nch - lag) // nb
    def _group(grp, carry):
        for r in range(nb):
            k = grp * nb + r
            ba = (r + lag) % nb
            _wait_s(ba)
            _fire_g(k + lag, ba)
            _wait_g(r)
            _fire_s(k, r)
        return carry

    lax.fori_loop(1, ngrp, _group, 0)

    for j in range(ngrp * nb, nch):
        if j + lag < nch:
            _wait_s((j + lag) % nb)
            _fire_g(j + lag, (j + lag) % nb)
        _wait_g(j % nb)
        _fire_s(j, j % nb)
    for b in range(nb):
        _wait_s(b)
    plsc.subcore_barrier()

    pltpu.sync_copy(acc.at[pl.ds(row0, _RPT)],
                    out_agg.at[c, pl.ds(row0, _RPT)])

    @pl.when(s == 0)
    def _():
        pltpu.sync_copy(acc.at[pl.ds(_NS * _RPT, _RREM)],
                        out_agg.at[c, pl.ds(_NS * _RPT, _RREM)])


def _sc_mesh():
    return plsc.VectorSubcoreMesh(core_axis_name="c", subcore_axis_name="s",
                                  num_cores=_NC, num_subcores=_NS)


def _make_sc_agg(w, ch, nb):
    return pl.kernel(
        functools.partial(_sc_agg_body, w, ch, nb),
        out_type=jax.ShapeDtypeStruct((_NC, _N, w), jnp.float32),
        mesh=_sc_mesh(),
        scratch_types=[
            pltpu.VMEM_SHARED((_N, w), jnp.float32),
            pltpu.VMEM((_EPW,), jnp.int32),
            pltpu.VMEM((_EPW,), jnp.int32),
            pltpu.VMEM((nb, ch, w), jnp.float32),
        ] + [pltpu.SemaphoreType.DMA] * (2 * nb),
    )


def _sc_cnt_body(dst_hbm, zrows_hbm, out_cnt, cacc, didx, ones, csem):
    c = lax.axis_index("c")
    s = lax.axis_index("s")
    wid = s * _NC + c

    ebase = pl.multiple_of(wid * _EPW, 8)
    pltpu.sync_copy(dst_hbm.at[pl.ds(ebase, _EPW)], didx)
    row0 = pl.multiple_of(s * _RPT, 8)
    pltpu.sync_copy(zrows_hbm.at[pl.ds(row0, _RPT)],
                    cacc.at[pl.ds(row0, _RPT)])

    @pl.when(s == 0)
    def _():
        pltpu.sync_copy(zrows_hbm.at[pl.ds(_NS * _RPT, _RREM)],
                        cacc.at[pl.ds(_NS * _RPT, _RREM)])

    def _fill(k, carry):
        for q in range(_H // 16):
            ones[k, pl.ds(q * 16, 16)] = jnp.full((16,), 1.0, jnp.float32)
        return carry

    lax.fori_loop(0, 80, _fill, 0)
    plsc.subcore_barrier()

    def _scat(j):
        st = pl.multiple_of(j * 80, 8)
        pltpu.async_copy(ones, cacc.at[didx.at[pl.ds(st, 80)]], csem,
                         add=True)

    def _drain():
        pltpu.make_async_copy(ones, cacc.at[didx.at[pl.ds(0, 80)]],
                              csem).wait()

    grp = 5
    def _body(g, carry):
        for b in range(grp):
            _scat(g * grp + b)
        for _ in range(grp):
            _drain()
        return carry

    lax.fori_loop(0, (_EPW // 80) // grp, _body, 0)
    plsc.subcore_barrier()

    pltpu.sync_copy(cacc.at[pl.ds(row0, _RPT)],
                    out_cnt.at[c, pl.ds(row0, _RPT)])

    @pl.when(s == 0)
    def _():
        pltpu.sync_copy(cacc.at[pl.ds(_NS * _RPT, _RREM)],
                        out_cnt.at[c, pl.ds(_NS * _RPT, _RREM)])


def _make_sc_cnt():
    return pl.kernel(
        _sc_cnt_body,
        out_type=jax.ShapeDtypeStruct((_NC, _N, _H), jnp.float32),
        mesh=_sc_mesh(),
        scratch_types=[
            pltpu.VMEM_SHARED((_N, _H), jnp.float32),
            pltpu.VMEM((_EPW,), jnp.int32),
            pltpu.VMEM((80, _H), jnp.float32),
            pltpu.SemaphoreType.DMA,
        ],
    )


@functools.lru_cache(maxsize=None)
def _sc_cached(kind, *args):
    return _make_sc_agg(*args) if kind == "agg" else _make_sc_cnt()


def _embed_body(x_ref, xd_ref, xst_ref, st_ref, out_ref):
    xst = xst_ref[0, 0, :]
    oh = (xst[:, None] == lax.broadcasted_iota(jnp.int32, (_BN, _NST), 1))
    emb = jnp.dot(oh.astype(jnp.float32), st_ref[...],
                  preferred_element_type=jnp.float32)
    out_ref[...] = jnp.concatenate([x_ref[...], xd_ref[...], emb], axis=1)


def _embed_concat(x, xdims, xst3, st_table):
    return pl.pallas_call(
        _embed_body,
        grid=(_NBLK,),
        in_specs=[
            pl.BlockSpec((_BN, _DX), lambda i: (i, 0)),
            pl.BlockSpec((_BN, _DD), lambda i: (i, 0)),
            pl.BlockSpec((1, 1, _BN), lambda i: (i, 0, 0)),
            pl.BlockSpec((_NST, _EMB), lambda i: (0, 0)),
        ],
        out_specs=pl.BlockSpec((_BN, _H), lambda i: (i, 0)),
        out_shape=jax.ShapeDtypeStruct((_N, _H), jnp.float32),
    )(x, xdims, xst3, st_table)


def _layer_math(agg_ref, cnt_ref, h_ref, wl_ref, wr_ref, b_ref, g_ref, be_ref):
    cnt = cnt_ref[0, :, 0:1] + cnt_ref[1, :, 0:1]
    inv = 1.0 / jnp.maximum(cnt, 1.0)
    mean = (agg_ref[0] + agg_ref[1]) * inv
    z = (jnp.dot(mean, wl_ref[...], preferred_element_type=jnp.float32)
         + jnp.dot(h_ref[...], wr_ref[...], preferred_element_type=jnp.float32)
         + b_ref[...])
    m = jnp.mean(z, axis=-1, keepdims=True)
    zc = z - m
    v = jnp.mean(zc * zc, axis=-1, keepdims=True)
    hn = zc * lax.rsqrt(v + 1e-5) * g_ref[...] + be_ref[...]
    return jnp.maximum(hn, 0.0)


def _layer_body(agg_ref, cnt_ref, h_ref, wl_ref, wr_ref, b_ref, g_ref,
                be_ref, out_ref):
    out_ref[...] = _layer_math(agg_ref, cnt_ref, h_ref, wl_ref, wr_ref,
                               b_ref, g_ref, be_ref)


_W_SPECS = [
    pl.BlockSpec((_H, _H), lambda i: (0, 0)),
    pl.BlockSpec((_H, _H), lambda i: (0, 0)),
    pl.BlockSpec((_H,), lambda i: (0,)),
    pl.BlockSpec((_H,), lambda i: (0,)),
    pl.BlockSpec((_H,), lambda i: (0,)),
]


def _layer(agg, cnt3, h, wl, wr, b, g, be):
    return pl.pallas_call(
        _layer_body,
        grid=(_NBLK,),
        in_specs=[
            pl.BlockSpec((_NC, _BN, _H), lambda i: (0, i, 0)),
            pl.BlockSpec((_NC, _BN, 8), lambda i: (0, i, 0)),
            pl.BlockSpec((_BN, _H), lambda i: (i, 0)),
        ] + _W_SPECS,
        out_specs=pl.BlockSpec((_BN, _H), lambda i: (i, 0)),
        out_shape=jax.ShapeDtypeStruct((_N, _H), jnp.float32),
    )(agg, cnt3, h, wl, wr, b, g, be)


def _layer_pool_body(agg_ref, cnt_ref, h_ref, wl_ref, wr_ref, b_ref, g_ref,
                     be_ref, bt_ref, btc_ref, psum_ref, pmax_ref, pcnt_ref):
    i = pl.program_id(0)
    h2 = _layer_math(agg_ref, cnt_ref, h_ref, wl_ref, wr_ref, b_ref, g_ref,
                     be_ref)
    bt = bt_ref[0, 0, :]
    oh = (bt[:, None] == lax.broadcasted_iota(jnp.int32, (_BN, _G), 1))
    ohf = oh.astype(jnp.float32)
    contrib_sum = lax.dot_general(ohf, h2, (((0,), (0,)), ((), ())),
                                  preferred_element_type=jnp.float32)
    ones_h = jnp.ones((_BN, _H), jnp.float32)
    contrib_cnt = lax.dot_general(ohf, ones_h, (((0,), (0,)), ((), ())),
                                  preferred_element_type=jnp.float32)
    neg = jnp.float32(-jnp.inf)

    @pl.when(i == 0)
    def _():
        psum_ref[...] = jnp.zeros((_G, _H), jnp.float32)
        pcnt_ref[...] = jnp.zeros((_G, _H), jnp.float32)
        pmax_ref[...] = jnp.full((_G, _H), neg, jnp.float32)

    psum_ref[...] += contrib_sum
    pcnt_ref[...] += contrib_cnt

    glo = jnp.min(bt)
    ghi = jnp.max(bt)
    span = ghi - glo

    @pl.when(span < 24)
    def _():
        for w in range(24):
            gi = glo + w

            @pl.when(gi <= ghi)
            def _(gi=gi):
                mask = btc_ref[...] == gi
                m = jnp.max(jnp.where(mask, h2, neg), axis=0, keepdims=True)
                cur = pmax_ref[pl.ds(gi, 1), :]
                pmax_ref[pl.ds(gi, 1), :] = jnp.maximum(cur, m)

    @pl.when(span >= 24)
    def _():
        for gidx in range(_G):
            @pl.when(jnp.logical_and(glo <= gidx, gidx <= ghi))
            def _(gidx=gidx):
                m = jnp.max(jnp.where(oh[:, gidx:gidx + 1], h2, neg), axis=0,
                            keepdims=True)
                pmax_ref[gidx:gidx + 1, :] = jnp.maximum(
                    pmax_ref[gidx:gidx + 1, :], m)


def _layer_pool(agg, cnt3, h, wl, wr, b, g, be, bt3, btc):
    return pl.pallas_call(
        _layer_pool_body,
        grid=(_NBLK,),
        in_specs=[
            pl.BlockSpec((_NC, _BN, _H), lambda i: (0, i, 0)),
            pl.BlockSpec((_NC, _BN, 8), lambda i: (0, i, 0)),
            pl.BlockSpec((_BN, _H), lambda i: (i, 0)),
        ] + _W_SPECS + [
            pl.BlockSpec((1, 1, _BN), lambda i: (i, 0, 0)),
            pl.BlockSpec((_BN, 1), lambda i: (i, 0)),
        ],
        out_specs=[
            pl.BlockSpec((_G, _H), lambda i: (0, 0)),
            pl.BlockSpec((_G, _H), lambda i: (0, 0)),
            pl.BlockSpec((_G, _H), lambda i: (0, 0)),
        ],
        out_shape=[
            jax.ShapeDtypeStruct((_G, _H), jnp.float32),
            jax.ShapeDtypeStruct((_G, _H), jnp.float32),
            jax.ShapeDtypeStruct((_G, _H), jnp.float32),
        ],
    )(agg, cnt3, h, wl, wr, b, g, be, bt3, btc)


def _head_body(psum_ref, pmax_ref, pcnt_ref, w_ref, b_ref, out_ref):
    mean = psum_ref[...] / jnp.maximum(pcnt_ref[...], 1.0)
    pooled = jnp.concatenate([mean, pmax_ref[...]], axis=1)
    out_ref[...] = (jnp.dot(pooled, w_ref[...],
                            preferred_element_type=jnp.float32)
                    + b_ref[...])


def _head(psum, pmax, pcnt, linW, linb2):
    return pl.pallas_call(
        _head_body,
        out_shape=jax.ShapeDtypeStruct((_G, _OUT), jnp.float32),
    )(psum, pmax, pcnt, linW, linb2)


def kernel(x, xdims, edge_attr, edge_index, xsttype, batch, st_table,
           Wl0, Wr0, b0, g0, be0, Wl1, Wr1, b1, g1, be1, linW, linb):
    del edge_attr
    zrows = jnp.zeros((_N, _H), jnp.float32)
    xst3 = xsttype.reshape(_NBLK, 1, _BN)
    bt3 = batch.reshape(_NBLK, 1, _BN)
    btc = batch.reshape(_N, 1)

    src = edge_index[0]
    dst = edge_index[1]
    cnt3 = _sc_cached("cnt")(dst, zrows)[:, :, 0:8]
    h0 = _embed_concat(x, xdims, xst3, st_table)
    agg0 = _sc_cached("agg", _H, 80, 3)(h0, src, dst, zrows)
    h1 = _layer(agg0, cnt3, h0, Wl0, Wr0, b0, g0, be0)
    agg1 = _sc_cached("agg", _H, 80, 3)(h1, src, dst, zrows)
    psum, pmax, pcnt = _layer_pool(agg1, cnt3, h1, Wl1, Wr1, b1, g1, be1,
                                   bt3, btc)
    return _head(psum, pmax, pcnt, linW, linb.reshape(1, _OUT))

# --- scband reference (transcript-rebuilt; emitter-appended) ---
"""Pipeline reference for scband-graph-sagegraph-level-55980603736137 (READ-ONLY COPY).

The authoritative reference and input builder live on the scoring server;
editing this copy changes nothing except your own understanding.
"""

import jax, jax.numpy as jnp
import numpy as np

N = 10000
E = 320000
G = 64
DX = 104
DD = 12
EMB = 12
NST = 256
H = 128
OUT = 10


def setup_inputs(seed: int = 0) -> dict:
    key = jax.random.key(seed)
    ks = jax.random.split(key, 20)
    x = jax.random.normal(ks[0], (N, DX), dtype=jnp.float32)
    xdims = jax.random.normal(ks[1], (N, DD), dtype=jnp.float32)
    edge_index = jax.random.randint(ks[2], (2, E), 0, N, dtype=jnp.int32)
    edge_attr = jax.random.normal(ks[3], (E, 16), dtype=jnp.float32)
    xsttype = jax.random.randint(ks[4], (N,), 0, NST, dtype=jnp.int32)
    batch = jnp.sort(jax.random.randint(ks[5], (N,), 0, G, dtype=jnp.int32))
    st_table = jax.random.normal(ks[6], (NST, EMB), dtype=jnp.float32) * 0.02
    Wl0 = jax.random.normal(ks[7], (DX + DD + EMB, H), dtype=jnp.float32) * 0.05
    Wr0 = jax.random.normal(ks[8], (DX + DD + EMB, H), dtype=jnp.float32) * 0.05
    b0 = jnp.zeros((H,), dtype=jnp.float32)
    g0 = jnp.ones((H,), dtype=jnp.float32)
    be0 = jnp.zeros((H,), dtype=jnp.float32)
    Wl1 = jax.random.normal(ks[9], (H, H), dtype=jnp.float32) * 0.05
    Wr1 = jax.random.normal(ks[10], (H, H), dtype=jnp.float32) * 0.05
    b1 = jnp.zeros((H,), dtype=jnp.float32)
    g1 = jnp.ones((H,), dtype=jnp.float32)
    be1 = jnp.zeros((H,), dtype=jnp.float32)
    linW = jax.random.normal(ks[11], (2 * H, OUT), dtype=jnp.float32) * 0.05
    linb = jnp.zeros((OUT,), dtype=jnp.float32)
    return {"x": x, "xdims": xdims, "edge_attr": edge_attr, "edge_index": edge_index,
            "xsttype": xsttype, "batch": batch, "st_table": st_table,
            "Wl0": Wl0, "Wr0": Wr0, "b0": b0, "g0": g0, "be0": be0,
            "Wl1": Wl1, "Wr1": Wr1, "b1": b1, "g1": g1, "be1": be1,
            "linW": linW, "linb": linb}


def _layer_norm(h, g, b, eps=1e-5):
    m = h.mean(axis=-1, keepdims=True)
    v = ((h - m) ** 2).mean(axis=-1, keepdims=True)
    return (h - m) / jnp.sqrt(v + eps) * g + b


def _sage_conv(h, edge_index, Wl, Wr, b):
    src = edge_index[0]
    dst = edge_index[1]
    msg = h[src]
    agg = jax.ops.segment_sum(msg, dst, num_segments=N)
    cnt = jax.ops.segment_sum(jnp.ones((edge_index.shape[1],), h.dtype), dst, num_segments=N)
    mean = agg / jnp.clip(cnt, 1.0)[:, None]
    return mean @ Wl + h @ Wr + b


def reference(x, xdims, edge_attr, edge_index, xsttype, batch, st_table,
              Wl0, Wr0, b0, g0, be0, Wl1, Wr1, b1, g1, be1, linW, linb):
    st_embedded = st_table[xsttype]
    h = jnp.concatenate([x, xdims, st_embedded], axis=1)
    for (Wl, Wr, b, g, be) in ((Wl0, Wr0, b0, g0, be0), (Wl1, Wr1, b1, g1, be1)):
        h = _sage_conv(h, edge_index, Wl, Wr, b)
        h = _layer_norm(h, g, be)
        h = jax.nn.relu(h)
        # dropout: identity in eval mode
    cnt = jax.ops.segment_sum(jnp.ones((N,), h.dtype), batch, num_segments=G)
    xmean = jax.ops.segment_sum(h, batch, num_segments=G) / jnp.clip(cnt, 1.0)[:, None]
    xmax = jax.ops.segment_max(h, batch, num_segments=G)
    pooled = jnp.concatenate([xmean, xmax], axis=1)
    logits = pooled @ linW + linb
    return logits

if __name__ == "__main__":
    import jax
    _d = setup_inputs()
    print(jax.jit(kernel)(*tuple(_d.values())))

</pallas_src>

<mosaic_0001>
#map = affine_map<(d0, d1) -> (0)>
#map1 = affine_map<(d0, d1) -> (0, 0)>
#map2 = affine_map<(d0, d1) -> (0, 0, 0)>
module attributes {stable_mosaic.version = 14 : i64} {
  func.func @_sc_cnt_body(%arg0: i32, %arg1: i32, %arg2: memref<320000xi32, #tpu.memory_space<hbm>>, %arg3: memref<10000x128xf32, #tpu.memory_space<hbm>>, %arg4: memref<2x10000x128xf32, #tpu.memory_space<hbm>>, %arg5: memref<10000x128xf32, #tpu.memory_space<vmem_shared>>, %arg6: memref<10000xi32, #tpu.memory_space<vmem>>, %arg7: memref<80x128xf32, #tpu.memory_space<vmem>>, %arg8: memref<!tpu.dma_semaphore, #tpu.memory_space<semaphore_mem>>) attributes {dimension_semantics = [#tpu.dimension_semantics<core_parallel>, #tpu.dimension_semantics<subcore_parallel>], iteration_bounds = array<i64: 2, 16>, scalar_prefetch = 0 : i64, scratch_operands = 4 : i64, tpu.core_type = #tpu.core_type<sc_vector_subcore>, window_params = [{transform_indices = #map}, {transform_indices = #map1}, {transform_indices = #map2}]} {
    %mul3A = arith.constant 2 : i32
    %mul3A_0 = arith.muli %arg1, %mul3A : i32
    %add3A = arith.addi %mul3A_0, %arg0 : i32
    %mul3A_1 = arith.constant 10000 : i32
    %mul3A_2 = arith.muli %add3A, %mul3A_1 : i32
    %multiple_of3A = tpu.assume_multiple %mul3A_2, 8 : i32
    "tpu.region"() ({
      %run_scoped3A = tpu.sem_alloc : memref<!tpu.dma_semaphore, #tpu.memory_space<semaphore_mem>>
      %dma_start3A = tpu.memref_slice %arg2[%multiple_of3A] : memref<320000xi32, #tpu.memory_space<hbm>> -> memref<10000xi32, #tpu.memory_space<hbm>>
      %dma_start3A_25 = tpu.memref_slice %arg2[%multiple_of3A] : memref<320000xi32, #tpu.memory_space<hbm>> -> memref<10000xi32, #tpu.memory_space<hbm>>
      tpu.enqueue_dma source(%dma_start3A_25 : memref<10000xi32, #tpu.memory_space<hbm>>) target(%arg6 : memref<10000xi32, #tpu.memory_space<vmem>>) target_semaphore(%run_scoped3A : memref<!tpu.dma_semaphore, #tpu.memory_space<semaphore_mem>>)
      %dma_wait3A = tpu.memref_slice %arg2[%multiple_of3A] : memref<320000xi32, #tpu.memory_space<hbm>> -> memref<10000xi32, #tpu.memory_space<hbm>>
      %dma_wait3A_26 = tpu.memref_slice %arg2[%multiple_of3A] : memref<320000xi32, #tpu.memory_space<hbm>> -> memref<10000xi32, #tpu.memory_space<hbm>>
      tpu.wait_dma2 semaphore(%run_scoped3A : memref<!tpu.dma_semaphore, #tpu.memory_space<semaphore_mem>>) src(%dma_wait3A_26 : memref<10000xi32, #tpu.memory_space<hbm>>) dst(%arg6 : memref<10000xi32, #tpu.memory_space<vmem>>)
      tpu.yield
    }) : () -> ()
    %mul3A_3 = arith.constant 624 : i32
    %mul3A_4 = arith.muli %arg1, %mul3A_3 : i32
    %multiple_of3A_5 = tpu.assume_multiple %mul3A_4, 8 : i32
    "tpu.region"() ({
      %run_scoped3A = tpu.sem_alloc : memref<!tpu.dma_semaphore, #tpu.memory_space<semaphore_mem>>
      %dma_start3A = arith.constant 0 : i32
      %dma_start3A_25 = tpu.memref_slice %arg5[%multiple_of3A_5, %dma_start3A] : memref<10000x128xf32, #tpu.memory_space<vmem_shared>> -> memref<624x128xf32, #tpu.memory_space<vmem_shared>>
      %dma_start3A_26 = arith.constant 0 : i32
      %dma_start3A_27 = tpu.memref_slice %arg3[%multiple_of3A_5, %dma_start3A_26] : memref<10000x128xf32, #tpu.memory_space<hbm>> -> memref<624x128xf32, #tpu.memory_space<hbm>>
      tpu.enqueue_dma source(%dma_start3A_27 : memref<624x128xf32, #tpu.memory_space<hbm>>) target(%dma_start3A_25 : memref<624x128xf32, #tpu.memory_space<vmem_shared>>) target_semaphore(%run_scoped3A : memref<!tpu.dma_semaphore, #tpu.memory_space<semaphore_mem>>)
      %dma_wait3A = arith.constant 0 : i32
      %dma_wait3A_28 = tpu.memref_slice %arg5[%multiple_of3A_5, %dma_wait3A] : memref<10000x128xf32, #tpu.memory_space<vmem_shared>> -> memref<624x128xf32, #tpu.memory_space<vmem_shared>>
      %dma_wait3A_29 = arith.constant 0 : i32
      %dma_wait3A_30 = tpu.memref_slice %arg3[%multiple_of3A_5, %dma_wait3A_29] : memref<10000x128xf32, #tpu.memory_space<hbm>> -> memref<624x128xf32, #tpu.memory_space<hbm>>
      tpu.wait_dma2 semaphore(%run_scoped3A : memref<!tpu.dma_semaphore, #tpu.memory_space<semaphore_mem>>) src(%dma_wait3A_30 : memref<624x128xf32, #tpu.memory_space<hbm>>) dst(%dma_wait3A_28 : memref<624x128xf32, #tpu.memory_space<vmem_shared>>)
      tpu.yield
    }) : () -> ()
    %eq3A = arith.constant 0 : i32
    %eq3A_6 = arith.cmpi eq, %arg1, %eq3A : i32
    %convert_element_type3A = arith.extui %eq3A_6 : i1 to i32
    %cond3A = arith.constant 0 : i32
    %cond3A_7 = arith.cmpi ne, %convert_element_type3A, %cond3A : i32
    scf.if %cond3A_7 {
      "tpu.region"() ({
        %run_scoped3A = tpu.sem_alloc : memref<!tpu.dma_semaphore, #tpu.memory_space<semaphore_mem>>
        %dma_start3A = arith.constant 9984 : i32
        %dma_start3A_25 = arith.constant 0 : i32
        %dma_start3A_26 = tpu.memref_slice %arg5[%dma_start3A, %dma_start3A_25] : memref<10000x128xf32, #tpu.memory_space<vmem_shared>> -> memref<16x128xf32, #tpu.memory_space<vmem_shared>>
        %dma_start3A_27 = arith.constant 9984 : i32
        %dma_start3A_28 = arith.constant 0 : i32
        %dma_start3A_29 = tpu.memref_slice %arg3[%dma_start3A_27, %dma_start3A_28] : memref<10000x128xf32, #tpu.memory_space<hbm>> -> memref<16x128xf32, #tpu.memory_space<hbm>>
        tpu.enqueue_dma source(%dma_start3A_29 : memref<16x128xf32, #tpu.memory_space<hbm>>) target(%dma_start3A_26 : memref<16x128xf32, #tpu.memory_space<vmem_shared>>) target_semaphore(%run_scoped3A : memref<!tpu.dma_semaphore, #tpu.memory_space<semaphore_mem>>)
        %dma_wait3A = arith.constant 9984 : i32
        %dma_wait3A_30 = arith.constant 0 : i32
        %dma_wait3A_31 = tpu.memref_slice %arg5[%dma_wait3A, %dma_wait3A_30] : memref<10000x128xf32, #tpu.memory_space<vmem_shared>> -> memref<16x128xf32, #tpu.memory_space<vmem_shared>>
        %dma_wait3A_32 = arith.constant 9984 : i32
        %dma_wait3A_33 = arith.constant 0 : i32
        %dma_wait3A_34 = tpu.memref_slice %arg3[%dma_wait3A_32, %dma_wait3A_33] : memref<10000x128xf32, #tpu.memory_space<hbm>> -> memref<16x128xf32, #tpu.memory_space<hbm>>
        tpu.wait_dma2 semaphore(%run_scoped3A : memref<!tpu.dma_semaphore, #tpu.memory_space<semaphore_mem>>) src(%dma_wait3A_34 : memref<16x128xf32, #tpu.memory_space<hbm>>) dst(%dma_wait3A_31 : memref<16x128xf32, #tpu.memory_space<vmem_shared>>)
        tpu.yield
      }) : () -> ()
    } else {
    }
    %scan3A = arith.constant 0 : i32
    %scan3A_8 = arith.constant 0 : i32
    %scan3A_9 = arith.constant 80 : i32
    %scan3A_10 = arith.addi %scan3A_8, %scan3A_9 : i32
    %scan3A_11 = arith.constant 1 : i32
    scf.for %scan3A_25 = %scan3A_8 to %scan3A_10 step %scan3A_11  : i32 {
      %broadcast_in_dim3A = arith.constant 1.000000e+00 : f32
      %broadcast_in_dim3A_26 = vector.broadcast %broadcast_in_dim3A : f32 to vector<16xf32>
      %swap3A = arith.index_cast %scan3A_25 : i32 to index
      %swap3A_27 = arith.constant 0 : index
      %swap3A_28 = tpu.vector_load %arg7[%swap3A, %swap3A_27] {strides = array<i32>} : memref<80x128xf32, #tpu.memory_space<vmem>>, vector<1x16xf32>,
      %swap3A_29 = vector.shape_cast %swap3A_28 : vector<1x16xf32> to vector<16xf32>
      %swap3A_30 = vector.shape_cast %broadcast_in_dim3A_26 : vector<16xf32> to vector<1x16xf32>
      tpu.vector_store %arg7[%swap3A, %swap3A_27], %swap3A_30 {strides = array<i32>} : memref<80x128xf32, #tpu.memory_space<vmem>>, vector<1x16xf32>,
      %broadcast_in_dim3A_31 = arith.constant 1.000000e+00 : f32
      %broadcast_in_dim3A_32 = vector.broadcast %broadcast_in_dim3A_31 : f32 to vector<16xf32>
      %swap3A_33 = arith.index_cast %scan3A_25 : i32 to index
      %swap3A_34 = arith.constant 16 : index
      %swap3A_35 = tpu.vector_load %arg7[%swap3A_33, %swap3A_34] {strides = array<i32>} : memref<80x128xf32, #tpu.memory_space<vmem>>, vector<1x16xf32>,
      %swap3A_36 = vector.shape_cast %swap3A_35 : vector<1x16xf32> to vector<16xf32>
      %swap3A_37 = vector.shape_cast %broadcast_in_dim3A_32 : vector<16xf32> to vector<1x16xf32>
      tpu.vector_store %arg7[%swap3A_33, %swap3A_34], %swap3A_37 {strides = array<i32>} : memref<80x128xf32, #tpu.memory_space<vmem>>, vector<1x16xf32>,
      %broadcast_in_dim3A_38 = arith.constant 1.000000e+00 : f32
      %broadcast_in_dim3A_39 = vector.broadcast %broadcast_in_dim3A_38 : f32 to vector<16xf32>
      %swap3A_40 = arith.index_cast %scan3A_25 : i32 to index
      %swap3A_41 = arith.constant 32 : index
      %swap3A_42 = tpu.vector_load %arg7[%swap3A_40, %swap3A_41] {strides = array<i32>} : memref<80x128xf32, #tpu.memory_space<vmem>>, vector<1x16xf32>,
      %swap3A_43 = vector.shape_cast %swap3A_42 : vector<1x16xf32> to vector<16xf32>
      %swap3A_44 = vector.shape_cast %broadcast_in_dim3A_39 : vector<16xf32> to vector<1x16xf32>
      tpu.vector_store %arg7[%swap3A_40, %swap3A_41], %swap3A_44 {strides = array<i32>} : memref<80x128xf32, #tpu.memory_space<vmem>>, vector<1x16xf32>,
      %broadcast_in_dim3A_45 = arith.constant 1.000000e+00 : f32
      %broadcast_in_dim3A_46 = vector.broadcast %broadcast_in_dim3A_45 : f32 to vector<16xf32>
      %swap3A_47 = arith.index_cast %scan3A_25 : i32 to index
      %swap3A_48 = arith.constant 48 : index
      %swap3A_49 = tpu.vector_load %arg7[%swap3A_47, %swap3A_48] {strides = array<i32>} : memref<80x128xf32, #tpu.memory_space<vmem>>, vector<1x16xf32>,
      %swap3A_50 = vector.shape_cast %swap3A_49 : vector<1x16xf32> to vector<16xf32>
      %swap3A_51 = vector.shape_cast %broadcast_in_dim3A_46 : vector<16xf32> to vector<1x16xf32>
      tpu.vector_store %arg7[%swap3A_47, %swap3A_48], %swap3A_51 {strides = array<i32>} : memref<80x128xf32, #tpu.memory_space<vmem>>, vector<1x16xf32>,
      %broadcast_in_dim3A_52 = arith.constant 1.000000e+00 : f32
      %broadcast_in_dim3A_53 = vector.broadcast %broadcast_in_dim3A_52 : f32 to vector<16xf32>
      %swap3A_54 = arith.index_cast %scan3A_25 : i32 to index
      %swap3A_55 = arith.constant 64 : index
      %swap3A_56 = tpu.vector_load %arg7[%swap3A_54, %swap3A_55] {strides = array<i32>} : memref<80x128xf32, #tpu.memory_space<vmem>>, vector<1x16xf32>,
      %swap3A_57 = vector.shape_cast %swap3A_56 : vector<1x16xf32> to vector<16xf32>
      %swap3A_58 = vector.shape_cast %broadcast_in_dim3A_53 : vector<16xf32> to vector<1x16xf32>
      tpu.vector_store %arg7[%swap3A_54, %swap3A_55], %swap3A_58 {strides = array<i32>} : memref<80x128xf32, #tpu.memory_space<vmem>>, vector<1x16xf32>,
      %broadcast_in_dim3A_59 = arith.constant 1.000000e+00 : f32
      %broadcast_in_dim3A_60 = vector.broadcast %broadcast_in_dim3A_59 : f32 to vector<16xf32>
      %swap3A_61 = arith.index_cast %scan3A_25 : i32 to index
      %swap3A_62 = arith.constant 80 : index
      %swap3A_63 = tpu.vector_load %arg7[%swap3A_61, %swap3A_62] {strides = array<i32>} : memref<80x128xf32, #tpu.memory_space<vmem>>, vector<1x16xf32>,
      %swap3A_64 = vector.shape_cast %swap3A_63 : vector<1x16xf32> to vector<16xf32>
      %swap3A_65 = vector.shape_cast %broadcast_in_dim3A_60 : vector<16xf32> to vector<1x16xf32>
      tpu.vector_store %arg7[%swap3A_61, %swap3A_62], %swap3A_65 {strides = array<i32>} : memref<80x128xf32, #tpu.memory_space<vmem>>, vector<1x16xf32>,
      %broadcast_in_dim3A_66 = arith.constant 1.000000e+00 : f32
      %broadcast_in_dim3A_67 = vector.broadcast %broadcast_in_dim3A_66 : f32 to vector<16xf32>
      %swap3A_68 = arith.index_cast %scan3A_25 : i32 to index
      %swap3A_69 = arith.constant 96 : index
      %swap3A_70 = tpu.vector_load %arg7[%swap3A_68, %swap3A_69] {strides = array<i32>} : memref<80x128xf32, #tpu.memory_space<vmem>>, vector<1x16xf32>,
      %swap3A_71 = vector.shape_cast %swap3A_70 : vector<1x16xf32> to vector<16xf32>
      %swap3A_72 = vector.shape_cast %broadcast_in_dim3A_67 : vector<16xf32> to vector<1x16xf32>
      tpu.vector_store %arg7[%swap3A_68, %swap3A_69], %swap3A_72 {strides = array<i32>} : memref<80x128xf32, #tpu.memory_space<vmem>>, vector<1x16xf32>,
      %broadcast_in_dim3A_73 = arith.constant 1.000000e+00 : f32
      %broadcast_in_dim3A_74 = vector.broadcast %broadcast_in_dim3A_73 : f32 to vector<16xf32>
      %swap3A_75 = arith.index_cast %scan3A_25 : i32 to index
      %swap3A_76 = arith.constant 112 : index
      %swap3A_77 = tpu.vector_load %arg7[%swap3A_75, %swap3A_76] {strides = array<i32>} : memref<80x128xf32, #tpu.memory_space<vmem>>, vector<1x16xf32>,
      %swap3A_78 = vector.shape_cast %swap3A_77 : vector<1x16xf32> to vector<16xf32>
      %swap3A_79 = vector.shape_cast %broadcast_in_dim3A_74 : vector<16xf32> to vector<1x16xf32>
      tpu.vector_store %arg7[%swap3A_75, %swap3A_76], %swap3A_79 {strides = array<i32>} : memref<80x128xf32, #tpu.memory_space<vmem>>, vector<1x16xf32>,
    }
    %scan3A_12 = arith.constant 80 : i32
    %barrier3A = arith.constant 0 : index
    tpu.barrier barrier_id(%barrier3A)
    %scan3A_13 = arith.constant 0 : i32
    %scan3A_14 = arith.constant 0 : i32
    %scan3A_15 = arith.constant 25 : i32
    %scan3A_16 = arith.addi %scan3A_14, %scan3A_15 : i32
    %scan3A_17 = arith.constant 1 : i32
    scf.for %scan3A_25 = %scan3A_14 to %scan3A_16 step %scan3A_17  : i32 {
      %mul3A_26 = arith.constant 5 : i32
      %mul3A_27 = arith.muli %scan3A_25, %mul3A_26 : i32
      %add3A_28 = arith.constant 0 : i32
      %add3A_29 = arith.addi %mul3A_27, %add3A_28 : i32
      %mul3A_30 = arith.constant 80 : i32
      %mul3A_31 = arith.muli %add3A_29, %mul3A_30 : i32
      %multiple_of3A_32 = tpu.assume_multiple %mul3A_31, 8 : i32
      %dma_start3A = tpu.memref_slice %arg6[%multiple_of3A_32] : memref<10000xi32, #tpu.memory_space<vmem>> -> memref<80xi32, #tpu.memory_space<vmem>>
      %dma_start3A_33 = arith.constant 0 : i32
      %dma_start3A_34 = arith.constant 0 : i32
      %dma_start3A_35 = tpu.memref_slice %arg5[%dma_start3A_33, %dma_start3A_34] : memref<10000x128xf32, #tpu.memory_space<vmem_shared>> -> memref<10000x128xf32, #tpu.memory_space<vmem_shared>>
      tpu.enqueue_indirect_dma source(%arg7 : memref<80x128xf32, #tpu.memory_space<vmem>>) target(%dma_start3A_35 : memref<10000x128xf32, #tpu.memory_space<vmem_shared>>) offsets(%dma_start3A : memref<80xi32, #tpu.memory_space<vmem>>) semaphore(%arg8 : memref<!tpu.dma_semaphore, #tpu.memory_space<semaphore_mem>>) {add = true}
      %mul3A_36 = arith.constant 5 : i32
      %mul3A_37 = arith.muli %scan3A_25, %mul3A_36 : i32
      %add3A_38 = arith.constant 1 : i32
      %add3A_39 = arith.addi %mul3A_37, %add3A_38 : i32
      %mul3A_40 = arith.constant 80 : i32
      %mul3A_41 = arith.muli %add3A_39, %mul3A_40 : i32
      %multiple_of3A_42 = tpu.assume_multiple %mul3A_41, 8 : i32
      %dma_start3A_43 = tpu.memref_slice %arg6[%multiple_of3A_42] : memref<10000xi32, #tpu.memory_space<vmem>> -> memref<80xi32, #tpu.memory_space<vmem>>
      %dma_start3A_44 = arith.constant 0 : i32
      %dma_start3A_45 = arith.constant 0 : i32
      %dma_start3A_46 = tpu.memref_slice %arg5[%dma_start3A_44, %dma_start3A_45] : memref<10000x128xf32, #tpu.memory_space<vmem_shared>> -> memref<10000x128xf32, #tpu.memory_space<vmem_shared>>
      tpu.enqueue_indirect_dma source(%arg7 : memref<80x128xf32, #tpu.memory_space<vmem>>) target(%dma_start3A_46 : memref<10000x128xf32, #tpu.memory_space<vmem_shared>>) offsets(%dma_start3A_43 : memref<80xi32, #tpu.memory_space<vmem>>) semaphore(%arg8 : memref<!tpu.dma_semaphore, #tpu.memory_space<semaphore_mem>>) {add = true}
      %mul3A_47 = arith.constant 5 : i32
      %mul3A_48 = arith.muli %scan3A_25, %mul3A_47 : i32
      %add3A_49 = arith.constant 2 : i32
      %add3A_50 = arith.addi %mul3A_48, %add3A_49 : i32
      %mul3A_51 = arith.constant 80 : i32
      %mul3A_52 = arith.muli %add3A_50, %mul3A_51 : i32
      %multiple_of3A_53 = tpu.assume_multiple %mul3A_52, 8 : i32
      %dma_start3A_54 = tpu.memref_slice %arg6[%multiple_of3A_53] : memref<10000xi32, #tpu.memory_space<vmem>> -> memref<80xi32, #tpu.memory_space<vmem>>
      %dma_start3A_55 = arith.constant 0 : i32
      %dma_start3A_56 = arith.constant 0 : i32
      %dma_start3A_57 = tpu.memref_slice %arg5[%dma_start3A_55, %dma_start3A_56] : memref<10000x128xf32, #tpu.memory_space<vmem_shared>> -> memref<10000x128xf32, #tpu.memory_space<vmem_shared>>
      tpu.enqueue_indirect_dma source(%arg7 : memref<80x128xf32, #tpu.memory_space<vmem>>) target(%dma_start3A_57 : memref<10000x128xf32, #tpu.memory_space<vmem_shared>>) offsets(%dma_start3A_54 : memref<80xi32, #tpu.memory_space<vmem>>) semaphore(%arg8 : memref<!tpu.dma_semaphore, #tpu.memory_space<semaphore_mem>>) {add = true}
      %mul3A_58 = arith.constant 5 : i32
      %mul3A_59 = arith.muli %scan3A_25, %mul3A_58 : i32
      %add3A_60 = arith.constant 3 : i32
      %add3A_61 = arith.addi %mul3A_59, %add3A_60 : i32
      %mul3A_62 = arith.constant 80 : i32
      %mul3A_63 = arith.muli %add3A_61, %mul3A_62 : i32
      %multiple_of3A_64 = tpu.assume_multiple %mul3A_63, 8 : i32
      %dma_start3A_65 = tpu.memref_slice %arg6[%multiple_of3A_64] : memref<10000xi32, #tpu.memory_space<vmem>> -> memref<80xi32, #tpu.memory_space<vmem>>
      %dma_start3A_66 = arith.constant 0 : i32
      %dma_start3A_67 = arith.constant 0 : i32
      %dma_start3A_68 = tpu.memref_slice %arg5[%dma_start3A_66, %dma_start3A_67] : memref<10000x128xf32, #tpu.memory_space<vmem_shared>> -> memref<10000x128xf32, #tpu.memory_space<vmem_shared>>
      tpu.enqueue_indirect_dma source(%arg7 : memref<80x128xf32, #tpu.memory_space<vmem>>) target(%dma_start3A_68 : memref<10000x128xf32, #tpu.memory_space<vmem_shared>>) offsets(%dma_start3A_65 : memref<80xi32, #tpu.memory_space<vmem>>) semaphore(%arg8 : memref<!tpu.dma_semaphore, #tpu.memory_space<semaphore_mem>>) {add = true}
      %mul3A_69 = arith.constant 5 : i32
      %mul3A_70 = arith.muli %scan3A_25, %mul3A_69 : i32
      %add3A_71 = arith.constant 4 : i32
      %add3A_72 = arith.addi %mul3A_70, %add3A_71 : i32
      %mul3A_73 = arith.constant 80 : i32
      %mul3A_74 = arith.muli %add3A_72, %mul3A_73 : i32
      %multiple_of3A_75 = tpu.assume_multiple %mul3A_74, 8 : i32
      %dma_start3A_76 = tpu.memref_slice %arg6[%multiple_of3A_75] : memref<10000xi32, #tpu.memory_space<vmem>> -> memref<80xi32, #tpu.memory_space<vmem>>
      %dma_start3A_77 = arith.constant 0 : i32
      %dma_start3A_78 = arith.constant 0 : i32
      %dma_start3A_79 = tpu.memref_slice %arg5[%dma_start3A_77, %dma_start3A_78] : memref<10000x128xf32, #tpu.memory_space<vmem_shared>> -> memref<10000x128xf32, #tpu.memory_space<vmem_shared>>
      tpu.enqueue_indirect_dma source(%arg7 : memref<80x128xf32, #tpu.memory_space<vmem>>) target(%dma_start3A_79 : memref<10000x128xf32, #tpu.memory_space<vmem_shared>>) offsets(%dma_start3A_76 : memref<80xi32, #tpu.memory_space<vmem>>) semaphore(%arg8 : memref<!tpu.dma_semaphore, #tpu.memory_space<semaphore_mem>>) {add = true}
      %dma_wait3A = arith.constant 0 : i32
      %dma_wait3A_80 = tpu.memref_slice %arg6[%dma_wait3A] : memref<10000xi32, #tpu.memory_space<vmem>> -> memref<80xi32, #tpu.memory_space<vmem>>
      %dma_wait3A_81 = arith.constant 0 : i32
      %dma_wait3A_82 = arith.constant 0 : i32
      %dma_wait3A_83 = tpu.memref_slice %arg5[%dma_wait3A_81, %dma_wait3A_82] : memref<10000x128xf32, #tpu.memory_space<vmem_shared>> -> memref<10000x128xf32, #tpu.memory_space<vmem_shared>>
      tpu.wait_indirect_dma semaphore(%arg8 : memref<!tpu.dma_semaphore, #tpu.memory_space<semaphore_mem>>) src(%arg7 : memref<80x128xf32, #tpu.memory_space<vmem>>) dst(%dma_wait3A_83 : memref<10000x128xf32, #tpu.memory_space<vmem_shared>>)
      %dma_wait3A_84 = arith.constant 0 : i32
      %dma_wait3A_85 = tpu.memref_slice %arg6[%dma_wait3A_84] : memref<10000xi32, #tpu.memory_space<vmem>> -> memref<80xi32, #tpu.memory_space<vmem>>
      %dma_wait3A_86 = arith.constant 0 : i32
      %dma_wait3A_87 = arith.constant 0 : i32
      %dma_wait3A_88 = tpu.memref_slice %arg5[%dma_wait3A_86, %dma_wait3A_87] : memref<10000x128xf32, #tpu.memory_space<vmem_shared>> -> memref<10000x128xf32, #tpu.memory_space<vmem_shared>>
      tpu.wait_indirect_dma semaphore(%arg8 : memref<!tpu.dma_semaphore, #tpu.memory_space<semaphore_mem>>) src(%arg7 : memref<80x128xf32, #tpu.memory_space<vmem>>) dst(%dma_wait3A_88 : memref<10000x128xf32, #tpu.memory_space<vmem_shared>>)
      %dma_wait3A_89 = arith.constant 0 : i32
      %dma_wait3A_90 = tpu.memref_slice %arg6[%dma_wait3A_89] : memref<10000xi32, #tpu.memory_space<vmem>> -> memref<80xi32, #tpu.memory_space<vmem>>
      %dma_wait3A_91 = arith.constant 0 : i32
      %dma_wait3A_92 = arith.constant 0 : i32
      %dma_wait3A_93 = tpu.memref_slice %arg5[%dma_wait3A_91, %dma_wait3A_92] : memref<10000x128xf32, #tpu.memory_space<vmem_shared>> -> memref<10000x128xf32, #tpu.memory_space<vmem_shared>>
      tpu.wait_indirect_dma semaphore(%arg8 : memref<!tpu.dma_semaphore, #tpu.memory_space<semaphore_mem>>) src(%arg7 : memref<80x128xf32, #tpu.memory_space<vmem>>) dst(%dma_wait3A_93 : memref<10000x128xf32, #tpu.memory_space<vmem_shared>>)
      %dma_wait3A_94 = arith.constant 0 : i32
      %dma_wait3A_95 = tpu.memref_slice %arg6[%dma_wait3A_94] : memref<10000xi32, #tpu.memory_space<vmem>> -> memref<80xi32, #tpu.memory_space<vmem>>
      %dma_wait3A_96 = arith.constant 0 : i32
      %dma_wait3A_97 = arith.constant 0 : i32
      %dma_wait3A_98 = tpu.memref_slice %arg5[%dma_wait3A_96, %dma_wait3A_97] : memref<10000x128xf32, #tpu.memory_space<vmem_shared>> -> memref<10000x128xf32, #tpu.memory_space<vmem_shared>>
      tpu.wait_indirect_dma semaphore(%arg8 : memref<!tpu.dma_semaphore, #tpu.memory_space<semaphore_mem>>) src(%arg7 : memref<80x128xf32, #tpu.memory_space<vmem>>) dst(%dma_wait3A_98 : memref<10000x128xf32, #tpu.memory_space<vmem_shared>>)
      %dma_wait3A_99 = arith.constant 0 : i32
      %dma_wait3A_100 = tpu.memref_slice %arg6[%dma_wait3A_99] : memref<10000xi32, #tpu.memory_space<vmem>> -> memref<80xi32, #tpu.memory_space<vmem>>
      %dma_wait3A_101 = arith.constant 0 : i32
      %dma_wait3A_102 = arith.constant 0 : i32
      %dma_wait3A_103 = tpu.memref_slice %arg5[%dma_wait3A_101, %dma_wait3A_102] : memref<10000x128xf32, #tpu.memory_space<vmem_shared>> -> memref<10000x128xf32, #tpu.memory_space<vmem_shared>>
      tpu.wait_indirect_dma semaphore(%arg8 : memref<!tpu.dma_semaphore, #tpu.memory_space<semaphore_mem>>) src(%arg7 : memref<80x128xf32, #tpu.memory_space<vmem>>) dst(%dma_wait3A_103 : memref<10000x128xf32, #tpu.memory_space<vmem_shared>>)
    }
    %scan3A_18 = arith.constant 25 : i32
    %barrier3A_19 = arith.constant 0 : index
    tpu.barrier barrier_id(%barrier3A_19)
    "tpu.region"() ({
      %run_scoped3A = tpu.sem_alloc : memref<!tpu.dma_semaphore, #tpu.memory_space<semaphore_mem>>
      %dma_start3A = arith.constant 0 : i32
      %dma_start3A_25 = tpu.memref_slice %arg4[%arg0, %multiple_of3A_5, %dma_start3A] : memref<2x10000x128xf32, #tpu.memory_space<hbm>> -> memref<1x624x128xf32, #tpu.memory_space<hbm>>
      %dma_start3A_26 = tpu.memref_squeeze %dma_start3A_25 : memref<1x624x128xf32, #tpu.memory_space<hbm>> -> memref<624x128xf32, #tpu.memory_space<hbm>>
      %dma_start3A_27 = arith.constant 0 : i32
      %dma_start3A_28 = tpu.memref_slice %arg5[%multiple_of3A_5, %dma_start3A_27] : memref<10000x128xf32, #tpu.memory_space<vmem_shared>> -> memref<624x128xf32, #tpu.memory_space<vmem_shared>>
      tpu.enqueue_dma source(%dma_start3A_28 : memref<624x128xf32, #tpu.memory_space<vmem_shared>>) target(%dma_start3A_26 : memref<624x128xf32, #tpu.memory_space<hbm>>) target_semaphore(%run_scoped3A : memref<!tpu.dma_semaphore, #tpu.memory_space<semaphore_mem>>)
      %dma_wait3A = arith.constant 0 : i32
      %dma_wait3A_29 = tpu.memref_slice %arg4[%arg0, %multiple_of3A_5, %dma_wait3A] : memref<2x10000x128xf32, #tpu.memory_space<hbm>> -> memref<1x624x128xf32, #tpu.memory_space<hbm>>
      %dma_wait3A_30 = tpu.memref_squeeze %dma_wait3A_29 : memref<1x624x128xf32, #tpu.memory_space<hbm>> -> memref<624x128xf32, #tpu.memory_space<hbm>>
      %dma_wait3A_31 = arith.constant 0 : i32
      %dma_wait3A_32 = tpu.memref_slice %arg5[%multiple_of3A_5, %dma_wait3A_31] : memref<10000x128xf32, #tpu.memory_space<vmem_shared>> -> memref<624x128xf32, #tpu.memory_space<vmem_shared>>
      tpu.wait_dma2 semaphore(%run_scoped3A : memref<!tpu.dma_semaphore, #tpu.memory_space<semaphore_mem>>) src(%dma_wait3A_32 : memref<624x128xf32, #tpu.memory_space<vmem_shared>>) dst(%dma_wait3A_30 : memref<624x128xf32, #tpu.memory_space<hbm>>)
      tpu.yield
    }) : () -> ()
    %eq3A_20 = arith.constant 0 : i32
    %eq3A_21 = arith.cmpi eq, %arg1, %eq3A_20 : i32
    %convert_element_type3A_22 = arith.extui %eq3A_21 : i1 to i32
    %cond3A_23 = arith.constant 0 : i32
    %cond3A_24 = arith.cmpi ne, %convert_element_type3A_22, %cond3A_23 : i32
    scf.if %cond3A_24 {
      "tpu.region"() ({
        %run_scoped3A = tpu.sem_alloc : memref<!tpu.dma_semaphore, #tpu.memory_space<semaphore_mem>>
        %dma_start3A = arith.constant 9984 : i32
        %dma_start3A_25 = arith.constant 0 : i32
        %dma_start3A_26 = tpu.memref_slice %arg4[%arg0, %dma_start3A, %dma_start3A_25] : memref<2x10000x128xf32, #tpu.memory_space<hbm>> -> memref<1x16x128xf32, #tpu.memory_space<hbm>>
        %dma_start3A_27 = tpu.memref_squeeze %dma_start3A_26 : memref<1x16x128xf32, #tpu.memory_space<hbm>> -> memref<16x128xf32, #tpu.memory_space<hbm>>
        %dma_start3A_28 = arith.constant 9984 : i32
        %dma_start3A_29 = arith.constant 0 : i32
        %dma_start3A_30 = tpu.memref_slice %arg5[%dma_start3A_28, %dma_start3A_29] : memref<10000x128xf32, #tpu.memory_space<vmem_shared>> -> memref<16x128xf32, #tpu.memory_space<vmem_shared>>
        tpu.enqueue_dma source(%dma_start3A_30 : memref<16x128xf32, #tpu.memory_space<vmem_shared>>) target(%dma_start3A_27 : memref<16x128xf32, #tpu.memory_space<hbm>>) target_semaphore(%run_scoped3A : memref<!tpu.dma_semaphore, #tpu.memory_space<semaphore_mem>>)
        %dma_wait3A = arith.constant 9984 : i32
        %dma_wait3A_31 = arith.constant 0 : i32
        %dma_wait3A_32 = tpu.memref_slice %arg4[%arg0, %dma_wait3A, %dma_wait3A_31] : memref<2x10000x128xf32, #tpu.memory_space<hbm>> -> memref<1x16x128xf32, #tpu.memory_space<hbm>>
        %dma_wait3A_33 = tpu.memref_squeeze %dma_wait3A_32 : memref<1x16x128xf32, #tpu.memory_space<hbm>> -> memref<16x128xf32, #tpu.memory_space<hbm>>
        %dma_wait3A_34 = arith.constant 9984 : i32
        %dma_wait3A_35 = arith.constant 0 : i32
        %dma_wait3A_36 = tpu.memref_slice %arg5[%dma_wait3A_34, %dma_wait3A_35] : memref<10000x128xf32, #tpu.memory_space<vmem_shared>> -> memref<16x128xf32, #tpu.memory_space<vmem_shared>>
        tpu.wait_dma2 semaphore(%run_scoped3A : memref<!tpu.dma_semaphore, #tpu.memory_space<semaphore_mem>>) src(%dma_wait3A_36 : memref<16x128xf32, #tpu.memory_space<vmem_shared>>) dst(%dma_wait3A_33 : memref<16x128xf32, #tpu.memory_space<hbm>>)
        tpu.yield
      }) : () -> ()
    } else {
    }
    return
  }
}

#map = affine_map<(d0, d1) -> (0, 0)>
#map1 = affine_map<(d0, d1) -> (0)>
#map2 = affine_map<(d0, d1) -> (0, 0, 0)>
module attributes {stable_mosaic.version = 14 : i64} {
  func.func @_sc_agg_body(%arg0: i32, %arg1: i32, %arg2: memref<10000x128xf32, #tpu.memory_space<hbm>>, %arg3: memref<320000xi32, #tpu.memory_space<hbm>>, %arg4: memref<320000xi32, #tpu.memory_space<hbm>>, %arg5: memref<10000x128xf32, #tpu.memory_space<hbm>>, %arg6: memref<2x10000x128xf32, #tpu.memory_space<hbm>>, %arg7: memref<10000x128xf32, #tpu.memory_space<vmem_shared>>, %arg8: memref<10000xi32, #tpu.memory_space<vmem>>, %arg9: memref<10000xi32, #tpu.memory_space<vmem>>, %arg10: memref<3x80x128xf32, #tpu.memory_space<vmem>>, %arg11: memref<!tpu.dma_semaphore, #tpu.memory_space<semaphore_mem>>, %arg12: memref<!tpu.dma_semaphore, #tpu.memory_space<semaphore_mem>>, %arg13: memref<!tpu.dma_semaphore, #tpu.memory_space<semaphore_mem>>, %arg14: memref<!tpu.dma_semaphore, #tpu.memory_space<semaphore_mem>>, %arg15: memref<!tpu.dma_semaphore, #tpu.memory_space<semaphore_mem>>, %arg16: memref<!tpu.dma_semaphore, #tpu.memory_space<semaphore_mem>>) attributes {dimension_semantics = [#tpu.dimension_semantics<core_parallel>, #tpu.dimension_semantics<subcore_parallel>], iteration_bounds = array<i64: 2, 16>, scalar_prefetch = 0 : i64, scratch_operands = 10 : i64, tpu.core_type = #tpu.core_type<sc_vector_subcore>, window_params = [{transform_indices = #map}, {transform_indices = #map1}, {transform_indices = #map1}, {transform_indices = #map}, {transform_indices = #map2}]} {
    %mul3A = arith.constant 2 : i32
    %mul3A_0 = arith.muli %arg1, %mul3A : i32
    %add3A = arith.addi %mul3A_0, %arg0 : i32
    %mul3A_1 = arith.constant 10000 : i32
    %mul3A_2 = arith.muli %add3A, %mul3A_1 : i32
    %multiple_of3A = tpu.assume_multiple %mul3A_2, 8 : i32
    "tpu.region"() ({
      %run_scoped3A = tpu.sem_alloc : memref<!tpu.dma_semaphore, #tpu.memory_space<semaphore_mem>>
      %dma_start3A_237 = tpu.memref_slice %arg3[%multiple_of3A] : memref<320000xi32, #tpu.memory_space<hbm>> -> memref<10000xi32, #tpu.memory_space<hbm>>
      %dma_start3A_238 = tpu.memref_slice %arg3[%multiple_of3A] : memref<320000xi32, #tpu.memory_space<hbm>> -> memref<10000xi32, #tpu.memory_space<hbm>>
      tpu.enqueue_dma source(%dma_start3A_238 : memref<10000xi32, #tpu.memory_space<hbm>>) target(%arg8 : memref<10000xi32, #tpu.memory_space<vmem>>) target_semaphore(%run_scoped3A : memref<!tpu.dma_semaphore, #tpu.memory_space<semaphore_mem>>)
      %dma_wait3A_239 = tpu.memref_slice %arg3[%multiple_of3A] : memref<320000xi32, #tpu.memory_space<hbm>> -> memref<10000xi32, #tpu.memory_space<hbm>>
      %dma_wait3A_240 = tpu.memref_slice %arg3[%multiple_of3A] : memref<320000xi32, #tpu.memory_space<hbm>> -> memref<10000xi32, #tpu.memory_space<hbm>>
      tpu.wait_dma2 semaphore(%run_scoped3A : memref<!tpu.dma_semaphore, #tpu.memory_space<semaphore_mem>>) src(%dma_wait3A_240 : memref<10000xi32, #tpu.memory_space<hbm>>) dst(%arg8 : memref<10000xi32, #tpu.memory_space<vmem>>)
      tpu.yield
    }) : () -> ()
    "tpu.region"() ({
      %run_scoped3A = tpu.sem_alloc : memref<!tpu.dma_semaphore, #tpu.memory_space<semaphore_mem>>
      %dma_start3A_237 = tpu.memref_slice %arg4[%multiple_of3A] : memref<320000xi32, #tpu.memory_space<hbm>> -> memref<10000xi32, #tpu.memory_space<hbm>>
      %dma_start3A_238 = tpu.memref_slice %arg4[%multiple_of3A] : memref<320000xi32, #tpu.memory_space<hbm>> -> memref<10000xi32, #tpu.memory_space<hbm>>
      tpu.enqueue_dma source(%dma_start3A_238 : memref<10000xi32, #tpu.memory_space<hbm>>) target(%arg9 : memref<10000xi32, #tpu.memory_space<vmem>>) target_semaphore(%run_scoped3A : memref<!tpu.dma_semaphore, #tpu.memory_space<semaphore_mem>>)
      %dma_wait3A_239 = tpu.memref_slice %arg4[%multiple_of3A] : memref<320000xi32, #tpu.memory_space<hbm>> -> memref<10000xi32, #tpu.memory_space<hbm>>
      %dma_wait3A_240 = tpu.memref_slice %arg4[%multiple_of3A] : memref<320000xi32, #tpu.memory_space<hbm>> -> memref<10000xi32, #tpu.memory_space<hbm>>
      tpu.wait_dma2 semaphore(%run_scoped3A : memref<!tpu.dma_semaphore, #tpu.memory_space<semaphore_mem>>) src(%dma_wait3A_240 : memref<10000xi32, #tpu.memory_space<hbm>>) dst(%arg9 : memref<10000xi32, #tpu.memory_space<vmem>>)
      tpu.yield
    }) : () -> ()
    %mul3A_3 = arith.constant 624 : i32
    %mul3A_4 = arith.muli %arg1, %mul3A_3 : i32
    %multiple_of3A_5 = tpu.assume_multiple %mul3A_4, 8 : i32
    "tpu.region"() ({
      %run_scoped3A = tpu.sem_alloc : memref<!tpu.dma_semaphore, #tpu.memory_space<semaphore_mem>>
      %dma_start3A_237 = arith.constant 0 : i32
      %dma_start3A_238 = tpu.memref_slice %arg7[%multiple_of3A_5, %dma_start3A_237] : memref<10000x128xf32, #tpu.memory_space<vmem_shared>> -> memref<624x128xf32, #tpu.memory_space<vmem_shared>>
      %dma_start3A_239 = arith.constant 0 : i32
      %dma_start3A_240 = tpu.memref_slice %arg5[%multiple_of3A_5, %dma_start3A_239] : memref<10000x128xf32, #tpu.memory_space<hbm>> -> memref<624x128xf32, #tpu.memory_space<hbm>>
      tpu.enqueue_dma source(%dma_start3A_240 : memref<624x128xf32, #tpu.memory_space<hbm>>) target(%dma_start3A_238 : memref<624x128xf32, #tpu.memory_space<vmem_shared>>) target_semaphore(%run_scoped3A : memref<!tpu.dma_semaphore, #tpu.memory_space<semaphore_mem>>)
      %dma_wait3A_241 = arith.constant 0 : i32
      %dma_wait3A_242 = tpu.memref_slice %arg7[%multiple_of3A_5, %dma_wait3A_241] : memref<10000x128xf32, #tpu.memory_space<vmem_shared>> -> memref<624x128xf32, #tpu.memory_space<vmem_shared>>
      %dma_wait3A_243 = arith.constant 0 : i32
      %dma_wait3A_244 = tpu.memref_slice %arg5[%multiple_of3A_5, %dma_wait3A_243] : memref<10000x128xf32, #tpu.memory_space<hbm>> -> memref<624x128xf32, #tpu.memory_space<hbm>>
      tpu.wait_dma2 semaphore(%run_scoped3A : memref<!tpu.dma_semaphore, #tpu.memory_space<semaphore_mem>>) src(%dma_wait3A_244 : memref<624x128xf32, #tpu.memory_space<hbm>>) dst(%dma_wait3A_242 : memref<624x128xf32, #tpu.memory_space<vmem_shared>>)
      tpu.yield
    }) : () -> ()
    %eq3A = arith.constant 0 : i32
    %eq3A_6 = arith.cmpi eq, %arg1, %eq3A : i32
    %convert_element_type3A = arith.extui %eq3A_6 : i1 to i32
    %cond3A = arith.constant 0 : i32
    %cond3A_7 = arith.cmpi ne, %convert_element_type3A, %cond3A : i32
    scf.if %cond3A_7 {
      "tpu.region"() ({
        %run_scoped3A = tpu.sem_alloc : memref<!tpu.dma_semaphore, #tpu.memory_space<semaphore_mem>>
        %dma_start3A_237 = arith.constant 9984 : i32
        %dma_start3A_238 = arith.constant 0 : i32
        %dma_start3A_239 = tpu.memref_slice %arg7[%dma_start3A_237, %dma_start3A_238] : memref<10000x128xf32, #tpu.memory_space<vmem_shared>> -> memref<16x128xf32, #tpu.memory_space<vmem_shared>>
        %dma_start3A_240 = arith.constant 9984 : i32
        %dma_start3A_241 = arith.constant 0 : i32
        %dma_start3A_242 = tpu.memref_slice %arg5[%dma_start3A_240, %dma_start3A_241] : memref<10000x128xf32, #tpu.memory_space<hbm>> -> memref<16x128xf32, #tpu.memory_space<hbm>>
        tpu.enqueue_dma source(%dma_start3A_242 : memref<16x128xf32, #tpu.memory_space<hbm>>) target(%dma_start3A_239 : memref<16x128xf32, #tpu.memory_space<vmem_shared>>) target_semaphore(%run_scoped3A : memref<!tpu.dma_semaphore, #tpu.memory_space<semaphore_mem>>)
        %dma_wait3A_243 = arith.constant 9984 : i32
        %dma_wait3A_244 = arith.constant 0 : i32
        %dma_wait3A_245 = tpu.memref_slice %arg7[%dma_wait3A_243, %dma_wait3A_244] : memref<10000x128xf32, #tpu.memory_space<vmem_shared>> -> memref<16x128xf32, #tpu.memory_space<vmem_shared>>
        %dma_wait3A_246 = arith.constant 9984 : i32
        %dma_wait3A_247 = arith.constant 0 : i32
        %dma_wait3A_248 = tpu.memref_slice %arg5[%dma_wait3A_246, %dma_wait3A_247] : memref<10000x128xf32, #tpu.memory_space<hbm>> -> memref<16x128xf32, #tpu.memory_space<hbm>>
        tpu.wait_dma2 semaphore(%run_scoped3A : memref<!tpu.dma_semaphore, #tpu.memory_space<semaphore_mem>>) src(%dma_wait3A_248 : memref<16x128xf32, #tpu.memory_space<hbm>>) dst(%dma_wait3A_245 : memref<16x128xf32, #tpu.memory_space<vmem_shared>>)
        tpu.yield
      }) : () -> ()
    } else {
    }
    %barrier3A = arith.constant 0 : index
    tpu.barrier barrier_id(%barrier3A)
    %multiple_of3A_8 = arith.constant 0 : i32
    %multiple_of3A_9 = tpu.assume_multiple %multiple_of3A_8, 8 : i32
    %dma_start3A = arith.constant 0 : i32
    %dma_start3A_10 = arith.constant 0 : i32
    %dma_start3A_11 = arith.constant 0 : i32
    %dma_start3A_12 = tpu.memref_slice %arg10[%dma_start3A, %dma_start3A_10, %dma_start3A_11] : memref<3x80x128xf32, #tpu.memory_space<vmem>> -> memref<1x80x128xf32, #tpu.memory_space<vmem>>
    %dma_start3A_13 = tpu.memref_squeeze %dma_start3A_12 : memref<1x80x128xf32, #tpu.memory_space<vmem>> -> memref<80x128xf32, #tpu.memory_space<vmem>>
    %dma_start3A_14 = tpu.memref_slice %arg8[%multiple_of3A_9] : memref<10000xi32, #tpu.memory_space<vmem>> -> memref<80xi32, #tpu.memory_space<vmem>>
    %dma_start3A_15 = arith.constant 0 : i32
    %dma_start3A_16 = arith.constant 0 : i32
    %dma_start3A_17 = tpu.memref_slice %arg2[%dma_start3A_15, %dma_start3A_16] : memref<10000x128xf32, #tpu.memory_space<hbm>> -> memref<10000x128xf32, #tpu.memory_space<hbm>>
    tpu.enqueue_indirect_dma source(%dma_start3A_17 : memref<10000x128xf32, #tpu.memory_space<hbm>>) target(%dma_start3A_13 : memref<80x128xf32, #tpu.memory_space<vmem>>) offsets(%dma_start3A_14 : memref<80xi32, #tpu.memory_space<vmem>>) semaphore(%arg11 : memref<!tpu.dma_semaphore, #tpu.memory_space<semaphore_mem>>)
    %multiple_of3A_18 = arith.constant 80 : i32
    %multiple_of3A_19 = tpu.assume_multiple %multiple_of3A_18, 8 : i32
    %dma_start3A_20 = arith.constant 1 : i32
    %dma_start3A_21 = arith.constant 0 : i32
    %dma_start3A_22 = arith.constant 0 : i32
    %dma_start3A_23 = tpu.memref_slice %arg10[%dma_start3A_20, %dma_start3A_21, %dma_start3A_22] : memref<3x80x128xf32, #tpu.memory_space<vmem>> -> memref<1x80x128xf32, #tpu.memory_space<vmem>>
    %dma_start3A_24 = tpu.memref_squeeze %dma_start3A_23 : memref<1x80x128xf32, #tpu.memory_space<vmem>> -> memref<80x128xf32, #tpu.memory_space<vmem>>
    %dma_start3A_25 = tpu.memref_slice %arg8[%multiple_of3A_19] : memref<10000xi32, #tpu.memory_space<vmem>> -> memref<80xi32, #tpu.memory_space<vmem>>
    %dma_start3A_26 = arith.constant 0 : i32
    %dma_start3A_27 = arith.constant 0 : i32
    %dma_start3A_28 = tpu.memref_slice %arg2[%dma_start3A_26, %dma_start3A_27] : memref<10000x128xf32, #tpu.memory_space<hbm>> -> memref<10000x128xf32, #tpu.memory_space<hbm>>
    tpu.enqueue_indirect_dma source(%dma_start3A_28 : memref<10000x128xf32, #tpu.memory_space<hbm>>) target(%dma_start3A_24 : memref<80x128xf32, #tpu.memory_space<vmem>>) offsets(%dma_start3A_25 : memref<80xi32, #tpu.memory_space<vmem>>) semaphore(%arg12 : memref<!tpu.dma_semaphore, #tpu.memory_space<semaphore_mem>>)
    %multiple_of3A_29 = arith.constant 160 : i32
    %multiple_of3A_30 = tpu.assume_multiple %multiple_of3A_29, 8 : i32
    %dma_start3A_31 = arith.constant 2 : i32
    %dma_start3A_32 = arith.constant 0 : i32
    %dma_start3A_33 = arith.constant 0 : i32
    %dma_start3A_34 = tpu.memref_slice %arg10[%dma_start3A_31, %dma_start3A_32, %dma_start3A_33] : memref<3x80x128xf32, #tpu.memory_space<vmem>> -> memref<1x80x128xf32, #tpu.memory_space<vmem>>
    %dma_start3A_35 = tpu.memref_squeeze %dma_start3A_34 : memref<1x80x128xf32, #tpu.memory_space<vmem>> -> memref<80x128xf32, #tpu.memory_space<vmem>>
    %dma_start3A_36 = tpu.memref_slice %arg8[%multiple_of3A_30] : memref<10000xi32, #tpu.memory_space<vmem>> -> memref<80xi32, #tpu.memory_space<vmem>>
    %dma_start3A_37 = arith.constant 0 : i32
    %dma_start3A_38 = arith.constant 0 : i32
    %dma_start3A_39 = tpu.memref_slice %arg2[%dma_start3A_37, %dma_start3A_38] : memref<10000x128xf32, #tpu.memory_space<hbm>> -> memref<10000x128xf32, #tpu.memory_space<hbm>>
    tpu.enqueue_indirect_dma source(%dma_start3A_39 : memref<10000x128xf32, #tpu.memory_space<hbm>>) target(%dma_start3A_35 : memref<80x128xf32, #tpu.memory_space<vmem>>) offsets(%dma_start3A_36 : memref<80xi32, #tpu.memory_space<vmem>>) semaphore(%arg13 : memref<!tpu.dma_semaphore, #tpu.memory_space<semaphore_mem>>)
    %multiple_of3A_40 = arith.constant 0 : i32
    %multiple_of3A_41 = tpu.assume_multiple %multiple_of3A_40, 8 : i32
    %dma_wait3A = arith.constant 0 : i32
    %dma_wait3A_42 = arith.constant 0 : i32
    %dma_wait3A_43 = arith.constant 0 : i32
    %dma_wait3A_44 = tpu.memref_slice %arg10[%dma_wait3A, %dma_wait3A_42, %dma_wait3A_43] : memref<3x80x128xf32, #tpu.memory_space<vmem>> -> memref<1x80x128xf32, #tpu.memory_space<vmem>>
    %dma_wait3A_45 = tpu.memref_squeeze %dma_wait3A_44 : memref<1x80x128xf32, #tpu.memory_space<vmem>> -> memref<80x128xf32, #tpu.memory_space<vmem>>
    %dma_wait3A_46 = tpu.memref_slice %arg8[%multiple_of3A_41] : memref<10000xi32, #tpu.memory_space<vmem>> -> memref<80xi32, #tpu.memory_space<vmem>>
    %dma_wait3A_47 = arith.constant 0 : i32
    %dma_wait3A_48 = arith.constant 0 : i32
    %dma_wait3A_49 = tpu.memref_slice %arg2[%dma_wait3A_47, %dma_wait3A_48] : memref<10000x128xf32, #tpu.memory_space<hbm>> -> memref<10000x128xf32, #tpu.memory_space<hbm>>
    tpu.wait_indirect_dma semaphore(%arg11 : memref<!tpu.dma_semaphore, #tpu.memory_space<semaphore_mem>>) src(%dma_wait3A_49 : memref<10000x128xf32, #tpu.memory_space<hbm>>) dst(%dma_wait3A_45 : memref<80x128xf32, #tpu.memory_space<vmem>>)
    %multiple_of3A_50 = arith.constant 0 : i32
    %multiple_of3A_51 = tpu.assume_multiple %multiple_of3A_50, 8 : i32
    %dma_start3A_52 = arith.constant 0 : i32
    %dma_start3A_53 = arith.constant 0 : i32
    %dma_start3A_54 = arith.constant 0 : i32
    %dma_start3A_55 = tpu.memref_slice %arg10[%dma_start3A_52, %dma_start3A_53, %dma_start3A_54] : memref<3x80x128xf32, #tpu.memory_space<vmem>> -> memref<1x80x128xf32, #tpu.memory_space<vmem>>
    %dma_start3A_56 = tpu.memref_squeeze %dma_start3A_55 : memref<1x80x128xf32, #tpu.memory_space<vmem>> -> memref<80x128xf32, #tpu.memory_space<vmem>>
    %dma_start3A_57 = tpu.memref_slice %arg9[%multiple_of3A_51] : memref<10000xi32, #tpu.memory_space<vmem>> -> memref<80xi32, #tpu.memory_space<vmem>>
    %dma_start3A_58 = arith.constant 0 : i32
    %dma_start3A_59 = arith.constant 0 : i32
    %dma_start3A_60 = tpu.memref_slice %arg7[%dma_start3A_58, %dma_start3A_59] : memref<10000x128xf32, #tpu.memory_space<vmem_shared>> -> memref<10000x128xf32, #tpu.memory_space<vmem_shared>>
    tpu.enqueue_indirect_dma source(%dma_start3A_56 : memref<80x128xf32, #tpu.memory_space<vmem>>) target(%dma_start3A_60 : memref<10000x128xf32, #tpu.memory_space<vmem_shared>>) offsets(%dma_start3A_57 : memref<80xi32, #tpu.memory_space<vmem>>) semaphore(%arg14 : memref<!tpu.dma_semaphore, #tpu.memory_space<semaphore_mem>>) {add = true}
    %multiple_of3A_61 = arith.constant 0 : i32
    %multiple_of3A_62 = tpu.assume_multiple %multiple_of3A_61, 8 : i32
    %dma_wait3A_63 = arith.constant 0 : i32
    %dma_wait3A_64 = arith.constant 0 : i32
    %dma_wait3A_65 = arith.constant 0 : i32
    %dma_wait3A_66 = tpu.memref_slice %arg10[%dma_wait3A_63, %dma_wait3A_64, %dma_wait3A_65] : memref<3x80x128xf32, #tpu.memory_space<vmem>> -> memref<1x80x128xf32, #tpu.memory_space<vmem>>
    %dma_wait3A_67 = tpu.memref_squeeze %dma_wait3A_66 : memref<1x80x128xf32, #tpu.memory_space<vmem>> -> memref<80x128xf32, #tpu.memory_space<vmem>>
    %dma_wait3A_68 = tpu.memref_slice %arg9[%multiple_of3A_62] : memref<10000xi32, #tpu.memory_space<vmem>> -> memref<80xi32, #tpu.memory_space<vmem>>
    %dma_wait3A_69 = arith.constant 0 : i32
    %dma_wait3A_70 = arith.constant 0 : i32
    %dma_wait3A_71 = tpu.memref_slice %arg7[%dma_wait3A_69, %dma_wait3A_70] : memref<10000x128xf32, #tpu.memory_space<vmem_shared>> -> memref<10000x128xf32, #tpu.memory_space<vmem_shared>>
    tpu.wait_indirect_dma semaphore(%arg14 : memref<!tpu.dma_semaphore, #tpu.memory_space<semaphore_mem>>) src(%dma_wait3A_67 : memref<80x128xf32, #tpu.memory_space<vmem>>) dst(%dma_wait3A_71 : memref<10000x128xf32, #tpu.memory_space<vmem_shared>>)
    %multiple_of3A_72 = arith.constant 240 : i32
    %multiple_of3A_73 = tpu.assume_multiple %multiple_of3A_72, 8 : i32
    %dma_start3A_74 = arith.constant 0 : i32
    %dma_start3A_75 = arith.constant 0 : i32
    %dma_start3A_76 = arith.constant 0 : i32
    %dma_start3A_77 = tpu.memref_slice %arg10[%dma_start3A_74, %dma_start3A_75, %dma_start3A_76] : memref<3x80x128xf32, #tpu.memory_space<vmem>> -> memref<1x80x128xf32, #tpu.memory_space<vmem>>
    %dma_start3A_78 = tpu.memref_squeeze %dma_start3A_77 : memref<1x80x128xf32, #tpu.memory_space<vmem>> -> memref<80x128xf32, #tpu.memory_space<vmem>>
    %dma_start3A_79 = tpu.memref_slice %arg8[%multiple_of3A_73] : memref<10000xi32, #tpu.memory_space<vmem>> -> memref<80xi32, #tpu.memory_space<vmem>>
    %dma_start3A_80 = arith.constant 0 : i32
    %dma_start3A_81 = arith.constant 0 : i32
    %dma_start3A_82 = tpu.memref_slice %arg2[%dma_start3A_80, %dma_start3A_81] : memref<10000x128xf32, #tpu.memory_space<hbm>> -> memref<10000x128xf32, #tpu.memory_space<hbm>>
    tpu.enqueue_indirect_dma source(%dma_start3A_82 : memref<10000x128xf32, #tpu.memory_space<hbm>>) target(%dma_start3A_78 : memref<80x128xf32, #tpu.memory_space<vmem>>) offsets(%dma_start3A_79 : memref<80xi32, #tpu.memory_space<vmem>>) semaphore(%arg11 : memref<!tpu.dma_semaphore, #tpu.memory_space<semaphore_mem>>)
    %multiple_of3A_83 = arith.constant 0 : i32
    %multiple_of3A_84 = tpu.assume_multiple %multiple_of3A_83, 8 : i32
    %dma_wait3A_85 = arith.constant 1 : i32
    %dma_wait3A_86 = arith.constant 0 : i32
    %dma_wait3A_87 = arith.constant 0 : i32
    %dma_wait3A_88 = tpu.memref_slice %arg10[%dma_wait3A_85, %dma_wait3A_86, %dma_wait3A_87] : memref<3x80x128xf32, #tpu.memory_space<vmem>> -> memref<1x80x128xf32, #tpu.memory_space<vmem>>
    %dma_wait3A_89 = tpu.memref_squeeze %dma_wait3A_88 : memref<1x80x128xf32, #tpu.memory_space<vmem>> -> memref<80x128xf32, #tpu.memory_space<vmem>>
    %dma_wait3A_90 = tpu.memref_slice %arg8[%multiple_of3A_84] : memref<10000xi32, #tpu.memory_space<vmem>> -> memref<80xi32, #tpu.memory_space<vmem>>
    %dma_wait3A_91 = arith.constant 0 : i32
    %dma_wait3A_92 = arith.constant 0 : i32
    %dma_wait3A_93 = tpu.memref_slice %arg2[%dma_wait3A_91, %dma_wait3A_92] : memref<10000x128xf32, #tpu.memory_space<hbm>> -> memref<10000x128xf32, #tpu.memory_space<hbm>>
    tpu.wait_indirect_dma semaphore(%arg12 : memref<!tpu.dma_semaphore, #tpu.memory_space<semaphore_mem>>) src(%dma_wait3A_93 : memref<10000x128xf32, #tpu.memory_space<hbm>>) dst(%dma_wait3A_89 : memref<80x128xf32, #tpu.memory_space<vmem>>)
    %multiple_of3A_94 = arith.constant 80 : i32
    %multiple_of3A_95 = tpu.assume_multiple %multiple_of3A_94, 8 : i32
    %dma_start3A_96 = arith.constant 1 : i32
    %dma_start3A_97 = arith.constant 0 : i32
    %dma_start3A_98 = arith.constant 0 : i32
    %dma_start3A_99 = tpu.memref_slice %arg10[%dma_start3A_96, %dma_start3A_97, %dma_start3A_98] : memref<3x80x128xf32, #tpu.memory_space<vmem>> -> memref<1x80x128xf32, #tpu.memory_space<vmem>>
    %dma_start3A_100 = tpu.memref_squeeze %dma_start3A_99 : memref<1x80x128xf32, #tpu.memory_space<vmem>> -> memref<80x128xf32, #tpu.memory_space<vmem>>
    %dma_start3A_101 = tpu.memref_slice %arg9[%multiple_of3A_95] : memref<10000xi32, #tpu.memory_space<vmem>> -> memref<80xi32, #tpu.memory_space<vmem>>
    %dma_start3A_102 = arith.constant 0 : i32
    %dma_start3A_103 = arith.constant 0 : i32
    %dma_start3A_104 = tpu.memref_slice %arg7[%dma_start3A_102, %dma_start3A_103] : memref<10000x128xf32, #tpu.memory_space<vmem_shared>> -> memref<10000x128xf32, #tpu.memory_space<vmem_shared>>
    tpu.enqueue_indirect_dma source(%dma_start3A_100 : memref<80x128xf32, #tpu.memory_space<vmem>>) target(%dma_start3A_104 : memref<10000x128xf32, #tpu.memory_space<vmem_shared>>) offsets(%dma_start3A_101 : memref<80xi32, #tpu.memory_space<vmem>>) semaphore(%arg15 : memref<!tpu.dma_semaphore, #tpu.memory_space<semaphore_mem>>) {add = true}
    %multiple_of3A_105 = arith.constant 0 : i32
    %multiple_of3A_106 = tpu.assume_multiple %multiple_of3A_105, 8 : i32
    %dma_wait3A_107 = arith.constant 1 : i32
    %dma_wait3A_108 = arith.constant 0 : i32
    %dma_wait3A_109 = arith.constant 0 : i32
    %dma_wait3A_110 = tpu.memref_slice %arg10[%dma_wait3A_107, %dma_wait3A_108, %dma_wait3A_109] : memref<3x80x128xf32, #tpu.memory_space<vmem>> -> memref<1x80x128xf32, #tpu.memory_space<vmem>>
    %dma_wait3A_111 = tpu.memref_squeeze %dma_wait3A_110 : memref<1x80x128xf32, #tpu.memory_space<vmem>> -> memref<80x128xf32, #tpu.memory_space<vmem>>
    %dma_wait3A_112 = tpu.memref_slice %arg9[%multiple_of3A_106] : memref<10000xi32, #tpu.memory_space<vmem>> -> memref<80xi32, #tpu.memory_space<vmem>>
    %dma_wait3A_113 = arith.constant 0 : i32
    %dma_wait3A_114 = arith.constant 0 : i32
    %dma_wait3A_115 = tpu.memref_slice %arg7[%dma_wait3A_113, %dma_wait3A_114] : memref<10000x128xf32, #tpu.memory_space<vmem_shared>> -> memref<10000x128xf32, #tpu.memory_space<vmem_shared>>
    tpu.wait_indirect_dma semaphore(%arg15 : memref<!tpu.dma_semaphore, #tpu.memory_space<semaphore_mem>>) src(%dma_wait3A_111 : memref<80x128xf32, #tpu.memory_space<vmem>>) dst(%dma_wait3A_115 : memref<10000x128xf32, #tpu.memory_space<vmem_shared>>)
    %multiple_of3A_116 = arith.constant 320 : i32
    %multiple_of3A_117 = tpu.assume_multiple %multiple_of3A_116, 8 : i32
    %dma_start3A_118 = arith.constant 1 : i32
    %dma_start3A_119 = arith.constant 0 : i32
    %dma_start3A_120 = arith.constant 0 : i32
    %dma_start3A_121 = tpu.memref_slice %arg10[%dma_start3A_118, %dma_start3A_119, %dma_start3A_120] : memref<3x80x128xf32, #tpu.memory_space<vmem>> -> memref<1x80x128xf32, #tpu.memory_space<vmem>>
    %dma_start3A_122 = tpu.memref_squeeze %dma_start3A_121 : memref<1x80x128xf32, #tpu.memory_space<vmem>> -> memref<80x128xf32, #tpu.memory_space<vmem>>
    %dma_start3A_123 = tpu.memref_slice %arg8[%multiple_of3A_117] : memref<10000xi32, #tpu.memory_space<vmem>> -> memref<80xi32, #tpu.memory_space<vmem>>
    %dma_start3A_124 = arith.constant 0 : i32
    %dma_start3A_125 = arith.constant 0 : i32
    %dma_start3A_126 = tpu.memref_slice %arg2[%dma_start3A_124, %dma_start3A_125] : memref<10000x128xf32, #tpu.memory_space<hbm>> -> memref<10000x128xf32, #tpu.memory_space<hbm>>
    tpu.enqueue_indirect_dma source(%dma_start3A_126 : memref<10000x128xf32, #tpu.memory_space<hbm>>) target(%dma_start3A_122 : memref<80x128xf32, #tpu.memory_space<vmem>>) offsets(%dma_start3A_123 : memref<80xi32, #tpu.memory_space<vmem>>) semaphore(%arg12 : memref<!tpu.dma_semaphore, #tpu.memory_space<semaphore_mem>>)
    %multiple_of3A_127 = arith.constant 0 : i32
    %multiple_of3A_128 = tpu.assume_multiple %multiple_of3A_127, 8 : i32
    %dma_wait3A_129 = arith.constant 2 : i32
    %dma_wait3A_130 = arith.constant 0 : i32
    %dma_wait3A_131 = arith.constant 0 : i32
    %dma_wait3A_132 = tpu.memref_slice %arg10[%dma_wait3A_129, %dma_wait3A_130, %dma_wait3A_131] : memref<3x80x128xf32, #tpu.memory_space<vmem>> -> memref<1x80x128xf32, #tpu.memory_space<vmem>>
    %dma_wait3A_133 = tpu.memref_squeeze %dma_wait3A_132 : memref<1x80x128xf32, #tpu.memory_space<vmem>> -> memref<80x128xf32, #tpu.memory_space<vmem>>
    %dma_wait3A_134 = tpu.memref_slice %arg8[%multiple_of3A_128] : memref<10000xi32, #tpu.memory_space<vmem>> -> memref<80xi32, #tpu.memory_space<vmem>>
    %dma_wait3A_135 = arith.constant 0 : i32
    %dma_wait3A_136 = arith.constant 0 : i32
    %dma_wait3A_137 = tpu.memref_slice %arg2[%dma_wait3A_135, %dma_wait3A_136] : memref<10000x128xf32, #tpu.memory_space<hbm>> -> memref<10000x128xf32, #tpu.memory_space<hbm>>
    tpu.wait_indirect_dma semaphore(%arg13 : memref<!tpu.dma_semaphore, #tpu.memory_space<semaphore_mem>>) src(%dma_wait3A_137 : memref<10000x128xf32, #tpu.memory_space<hbm>>) dst(%dma_wait3A_133 : memref<80x128xf32, #tpu.memory_space<vmem>>)
    %multiple_of3A_138 = arith.constant 160 : i32
    %multiple_of3A_139 = tpu.assume_multiple %multiple_of3A_138, 8 : i32
    %dma_start3A_140 = arith.constant 2 : i32
    %dma_start3A_141 = arith.constant 0 : i32
    %dma_start3A_142 = arith.constant 0 : i32
    %dma_start3A_143 = tpu.memref_slice %arg10[%dma_start3A_140, %dma_start3A_141, %dma_start3A_142] : memref<3x80x128xf32, #tpu.memory_space<vmem>> -> memref<1x80x128xf32, #tpu.memory_space<vmem>>
    %dma_start3A_144 = tpu.memref_squeeze %dma_start3A_143 : memref<1x80x128xf32, #tpu.memory_space<vmem>> -> memref<80x128xf32, #tpu.memory_space<vmem>>
    %dma_start3A_145 = tpu.memref_slice %arg9[%multiple_of3A_139] : memref<10000xi32, #tpu.memory_space<vmem>> -> memref<80xi32, #tpu.memory_space<vmem>>
    %dma_start3A_146 = arith.constant 0 : i32
    %dma_start3A_147 = arith.constant 0 : i32
    %dma_start3A_148 = tpu.memref_slice %arg7[%dma_start3A_146, %dma_start3A_147] : memref<10000x128xf32, #tpu.memory_space<vmem_shared>> -> memref<10000x128xf32, #tpu.memory_space<vmem_shared>>
    tpu.enqueue_indirect_dma source(%dma_start3A_144 : memref<80x128xf32, #tpu.memory_space<vmem>>) target(%dma_start3A_148 : memref<10000x128xf32, #tpu.memory_space<vmem_shared>>) offsets(%dma_start3A_145 : memref<80xi32, #tpu.memory_space<vmem>>) semaphore(%arg16 : memref<!tpu.dma_semaphore, #tpu.memory_space<semaphore_mem>>) {add = true}
    %scan3A = arith.constant 0 : i32
    %scan3A_149 = arith.constant 1 : i32
    %scan3A_150 = arith.constant 40 : i32
    %scan3A_151 = arith.addi %scan3A_149, %scan3A_150 : i32
    %scan3A_152 = arith.constant 1 : i32
    scf.for %scan3A_237 = %scan3A_149 to %scan3A_151 step %scan3A_152  : i32 {
      %mul3A_238 = arith.constant 3 : i32
      %mul3A_239 = arith.muli %scan3A_237, %mul3A_238 : i32
      %add3A_240 = arith.constant 0 : i32
      %add3A_241 = arith.addi %mul3A_239, %add3A_240 : i32
      %multiple_of3A_242 = arith.constant 0 : i32
      %multiple_of3A_243 = tpu.assume_multiple %multiple_of3A_242, 8 : i32
      %dma_wait3A_244 = arith.constant 2 : i32
      %dma_wait3A_245 = arith.constant 0 : i32
      %dma_wait3A_246 = arith.constant 0 : i32
      %dma_wait3A_247 = tpu.memref_slice %arg10[%dma_wait3A_244, %dma_wait3A_245, %dma_wait3A_246] : memref<3x80x128xf32, #tpu.memory_space<vmem>> -> memref<1x80x128xf32, #tpu.memory_space<vmem>>
      %dma_wait3A_248 = tpu.memref_squeeze %dma_wait3A_247 : memref<1x80x128xf32, #tpu.memory_space<vmem>> -> memref<80x128xf32, #tpu.memory_space<vmem>>
      %dma_wait3A_249 = tpu.memref_slice %arg9[%multiple_of3A_243] : memref<10000xi32, #tpu.memory_space<vmem>> -> memref<80xi32, #tpu.memory_space<vmem>>
      %dma_wait3A_250 = arith.constant 0 : i32
      %dma_wait3A_251 = arith.constant 0 : i32
      %dma_wait3A_252 = tpu.memref_slice %arg7[%dma_wait3A_250, %dma_wait3A_251] : memref<10000x128xf32, #tpu.memory_space<vmem_shared>> -> memref<10000x128xf32, #tpu.memory_space<vmem_shared>>
      tpu.wait_indirect_dma semaphore(%arg16 : memref<!tpu.dma_semaphore, #tpu.memory_space<semaphore_mem>>) src(%dma_wait3A_248 : memref<80x128xf32, #tpu.memory_space<vmem>>) dst(%dma_wait3A_252 : memref<10000x128xf32, #tpu.memory_space<vmem_shared>>)
      %add3A_253 = arith.constant 2 : i32
      %add3A_254 = arith.addi %add3A_241, %add3A_253 : i32
      %mul3A_255 = arith.constant 80 : i32
      %mul3A_256 = arith.muli %add3A_254, %mul3A_255 : i32
      %multiple_of3A_257 = tpu.assume_multiple %mul3A_256, 8 : i32
      %dma_start3A_258 = arith.constant 2 : i32
      %dma_start3A_259 = arith.constant 0 : i32
      %dma_start3A_260 = arith.constant 0 : i32
      %dma_start3A_261 = tpu.memref_slice %arg10[%dma_start3A_258, %dma_start3A_259, %dma_start3A_260] : memref<3x80x128xf32, #tpu.memory_space<vmem>> -> memref<1x80x128xf32, #tpu.memory_space<vmem>>
      %dma_start3A_262 = tpu.memref_squeeze %dma_start3A_261 : memref<1x80x128xf32, #tpu.memory_space<vmem>> -> memref<80x128xf32, #tpu.memory_space<vmem>>
      %dma_start3A_263 = tpu.memref_slice %arg8[%multiple_of3A_257] : memref<10000xi32, #tpu.memory_space<vmem>> -> memref<80xi32, #tpu.memory_space<vmem>>
      %dma_start3A_264 = arith.constant 0 : i32
      %dma_start3A_265 = arith.constant 0 : i32
      %dma_start3A_266 = tpu.memref_slice %arg2[%dma_start3A_264, %dma_start3A_265] : memref<10000x128xf32, #tpu.memory_space<hbm>> -> memref<10000x128xf32, #tpu.memory_space<hbm>>
      tpu.enqueue_indirect_dma source(%dma_start3A_266 : memref<10000x128xf32, #tpu.memory_space<hbm>>) target(%dma_start3A_262 : memref<80x128xf32, #tpu.memory_space<vmem>>) offsets(%dma_start3A_263 : memref<80xi32, #tpu.memory_space<vmem>>) semaphore(%arg13 : memref<!tpu.dma_semaphore, #tpu.memory_space<semaphore_mem>>)
      %multiple_of3A_267 = arith.constant 0 : i32
      %multiple_of3A_268 = tpu.assume_multiple %multiple_of3A_267, 8 : i32
      %dma_wait3A_269 = arith.constant 0 : i32
      %dma_wait3A_270 = arith.constant 0 : i32
      %dma_wait3A_271 = arith.constant 0 : i32
      %dma_wait3A_272 = tpu.memref_slice %arg10[%dma_wait3A_269, %dma_wait3A_270, %dma_wait3A_271] : memref<3x80x128xf32, #tpu.memory_space<vmem>> -> memref<1x80x128xf32, #tpu.memory_space<vmem>>
      %dma_wait3A_273 = tpu.memref_squeeze %dma_wait3A_272 : memref<1x80x128xf32, #tpu.memory_space<vmem>> -> memref<80x128xf32, #tpu.memory_space<vmem>>
      %dma_wait3A_274 = tpu.memref_slice %arg8[%multiple_of3A_268] : memref<10000xi32, #tpu.memory_space<vmem>> -> memref<80xi32, #tpu.memory_space<vmem>>
      %dma_wait3A_275 = arith.constant 0 : i32
      %dma_wait3A_276 = arith.constant 0 : i32
      %dma_wait3A_277 = tpu.memref_slice %arg2[%dma_wait3A_275, %dma_wait3A_276] : memref<10000x128xf32, #tpu.memory_space<hbm>> -> memref<10000x128xf32, #tpu.memory_space<hbm>>
      tpu.wait_indirect_dma semaphore(%arg11 : memref<!tpu.dma_semaphore, #tpu.memory_space<semaphore_mem>>) src(%dma_wait3A_277 : memref<10000x128xf32, #tpu.memory_space<hbm>>) dst(%dma_wait3A_273 : memref<80x128xf32, #tpu.memory_space<vmem>>)
      %mul3A_278 = arith.constant 80 : i32
      %mul3A_279 = arith.muli %add3A_241, %mul3A_278 : i32
      %multiple_of3A_280 = tpu.assume_multiple %mul3A_279, 8 : i32
      %dma_start3A_281 = arith.constant 0 : i32
      %dma_start3A_282 = arith.constant 0 : i32
      %dma_start3A_283 = arith.constant 0 : i32
      %dma_start3A_284 = tpu.memref_slice %arg10[%dma_start3A_281, %dma_start3A_282, %dma_start3A_283] : memref<3x80x128xf32, #tpu.memory_space<vmem>> -> memref<1x80x128xf32, #tpu.memory_space<vmem>>
      %dma_start3A_285 = tpu.memref_squeeze %dma_start3A_284 : memref<1x80x128xf32, #tpu.memory_space<vmem>> -> memref<80x128xf32, #tpu.memory_space<vmem>>
      %dma_start3A_286 = tpu.memref_slice %arg9[%multiple_of3A_280] : memref<10000xi32, #tpu.memory_space<vmem>> -> memref<80xi32, #tpu.memory_space<vmem>>
      %dma_start3A_287 = arith.constant 0 : i32
      %dma_start3A_288 = arith.constant 0 : i32
      %dma_start3A_289 = tpu.memref_slice %arg7[%dma_start3A_287, %dma_start3A_288] : memref<10000x128xf32, #tpu.memory_space<vmem_shared>> -> memref<10000x128xf32, #tpu.memory_space<vmem_shared>>
      tpu.enqueue_indirect_dma source(%dma_start3A_285 : memref<80x128xf32, #tpu.memory_space<vmem>>) target(%dma_start3A_289 : memref<10000x128xf32, #tpu.memory_space<vmem_shared>>) offsets(%dma_start3A_286 : memref<80xi32, #tpu.memory_space<vmem>>) semaphore(%arg14 : memref<!tpu.dma_semaphore, #tpu.memory_space<semaphore_mem>>) {add = true}
      %mul3A_290 = arith.constant 3 : i32
      %mul3A_291 = arith.muli %scan3A_237, %mul3A_290 : i32
      %add3A_292 = arith.constant 1 : i32
      %add3A_293 = arith.addi %mul3A_291, %add3A_292 : i32
      %multiple_of3A_294 = arith.constant 0 : i32
      %multiple_of3A_295 = tpu.assume_multiple %multiple_of3A_294, 8 : i32
      %dma_wait3A_296 = arith.constant 0 : i32
      %dma_wait3A_297 = arith.constant 0 : i32
      %dma_wait3A_298 = arith.constant 0 : i32
      %dma_wait3A_299 = tpu.memref_slice %arg10[%dma_wait3A_296, %dma_wait3A_297, %dma_wait3A_298] : memref<3x80x128xf32, #tpu.memory_space<vmem>> -> memref<1x80x128xf32, #tpu.memory_space<vmem>>
      %dma_wait3A_300 = tpu.memref_squeeze %dma_wait3A_299 : memref<1x80x128xf32, #tpu.memory_space<vmem>> -> memref<80x128xf32, #tpu.memory_space<vmem>>
      %dma_wait3A_301 = tpu.memref_slice %arg9[%multiple_of3A_295] : memref<10000xi32, #tpu.memory_space<vmem>> -> memref<80xi32, #tpu.memory_space<vmem>>
      %dma_wait3A_302 = arith.constant 0 : i32
      %dma_wait3A_303 = arith.constant 0 : i32
      %dma_wait3A_304 = tpu.memref_slice %arg7[%dma_wait3A_302, %dma_wait3A_303] : memref<10000x128xf32, #tpu.memory_space<vmem_shared>> -> memref<10000x128xf32, #tpu.memory_space<vmem_shared>>
      tpu.wait_indirect_dma semaphore(%arg14 : memref<!tpu.dma_semaphore, #tpu.memory_space<semaphore_mem>>) src(%dma_wait3A_300 : memref<80x128xf32, #tpu.memory_space<vmem>>) dst(%dma_wait3A_304 : memref<10000x128xf32, #tpu.memory_space<vmem_shared>>)
      %add3A_305 = arith.constant 2 : i32
      %add3A_306 = arith.addi %add3A_293, %add3A_305 : i32
      %mul3A_307 = arith.constant 80 : i32
      %mul3A_308 = arith.muli %add3A_306, %mul3A_307 : i32
      %multiple_of3A_309 = tpu.assume_multiple %mul3A_308, 8 : i32
      %dma_start3A_310 = arith.constant 0 : i32
      %dma_start3A_311 = arith.constant 0 : i32
      %dma_start3A_312 = arith.constant 0 : i32
      %dma_start3A_313 = tpu.memref_slice %arg10[%dma_start3A_310, %dma_start3A_311, %dma_start3A_312] : memref<3x80x128xf32, #tpu.memory_space<vmem>> -> memref<1x80x128xf32, #tpu.memory_space<vmem>>
      %dma_start3A_314 = tpu.memref_squeeze %dma_start3A_313 : memref<1x80x128xf32, #tpu.memory_space<vmem>> -> memref<80x128xf32, #tpu.memory_space<vmem>>
      %dma_start3A_315 = tpu.memref_slice %arg8[%multiple_of3A_309] : memref<10000xi32, #tpu.memory_space<vmem>> -> memref<80xi32, #tpu.memory_space<vmem>>
      %dma_start3A_316 = arith.constant 0 : i32
      %dma_start3A_317 = arith.constant 0 : i32
      %dma_start3A_318 = tpu.memref_slice %arg2[%dma_start3A_316, %dma_start3A_317] : memref<10000x128xf32, #tpu.memory_space<hbm>> -> memref<10000x128xf32, #tpu.memory_space<hbm>>
      tpu.enqueue_indirect_dma source(%dma_start3A_318 : memref<10000x128xf32, #tpu.memory_space<hbm>>) target(%dma_start3A_314 : memref<80x128xf32, #tpu.memory_space<vmem>>) offsets(%dma_start3A_315 : memref<80xi32, #tpu.memory_space<vmem>>) semaphore(%arg11 : memref<!tpu.dma_semaphore, #tpu.memory_space<semaphore_mem>>)
      %multiple_of3A_319 = arith.constant 0 : i32
      %multiple_of3A_320 = tpu.assume_multiple %multiple_of3A_319, 8 : i32
      %dma_wait3A_321 = arith.constant 1 : i32
      %dma_wait3A_322 = arith.constant 0 : i32
      %dma_wait3A_323 = arith.constant 0 : i32
      %dma_wait3A_324 = tpu.memref_slice %arg10[%dma_wait3A_321, %dma_wait3A_322, %dma_wait3A_323] : memref<3x80x128xf32, #tpu.memory_space<vmem>> -> memref<1x80x128xf32, #tpu.memory_space<vmem>>
      %dma_wait3A_325 = tpu.memref_squeeze %dma_wait3A_324 : memref<1x80x128xf32, #tpu.memory_space<vmem>> -> memref<80x128xf32, #tpu.memory_space<vmem>>
      %dma_wait3A_326 = tpu.memref_slice %arg8[%multiple_of3A_320] : memref<10000xi32, #tpu.memory_space<vmem>> -> memref<80xi32, #tpu.memory_space<vmem>>
      %dma_wait3A_327 = arith.constant 0 : i32
      %dma_wait3A_328 = arith.constant 0 : i32
      %dma_wait3A_329 = tpu.memref_slice %arg2[%dma_wait3A_327, %dma_wait3A_328] : memref<10000x128xf32, #tpu.memory_space<hbm>> -> memref<10000x128xf32, #tpu.memory_space<hbm>>
      tpu.wait_indirect_dma semaphore(%arg12 : memref<!tpu.dma_semaphore, #tpu.memory_space<semaphore_mem>>) src(%dma_wait3A_329 : memref<10000x128xf32, #tpu.memory_space<hbm>>) dst(%dma_wait3A_325 : memref<80x128xf32, #tpu.memory_space<vmem>>)
      %mul3A_330 = arith.constant 80 : i32
      %mul3A_331 = arith.muli %add3A_293, %mul3A_330 : i32
      %multiple_of3A_332 = tpu.assume_multiple %mul3A_331, 8 : i32
      %dma_start3A_333 = arith.constant 1 : i32
      %dma_start3A_334 = arith.constant 0 : i32
      %dma_start3A_335 = arith.constant 0 : i32
      %dma_start3A_336 = tpu.memref_slice %arg10[%dma_start3A_333, %dma_start3A_334, %dma_start3A_335] : memref<3x80x128xf32, #tpu.memory_space<vmem>> -> memref<1x80x128xf32, #tpu.memory_space<vmem>>
      %dma_start3A_337 = tpu.memref_squeeze %dma_start3A_336 : memref<1x80x128xf32, #tpu.memory_space<vmem>> -> memref<80x128xf32, #tpu.memory_space<vmem>>
      %dma_start3A_338 = tpu.memref_slice %arg9[%multiple_of3A_332] : memref<10000xi32, #tpu.memory_space<vmem>> -> memref<80xi32, #tpu.memory_space<vmem>>
      %dma_start3A_339 = arith.constant 0 : i32
      %dma_start3A_340 = arith.constant 0 : i32
      %dma_start3A_341 = tpu.memref_slice %arg7[%dma_start3A_339, %dma_start3A_340] : memref<10000x128xf32, #tpu.memory_space<vmem_shared>> -> memref<10000x128xf32, #tpu.memory_space<vmem_shared>>
      tpu.enqueue_indirect_dma source(%dma_start3A_337 : memref<80x128xf32, #tpu.memory_space<vmem>>) target(%dma_start3A_341 : memref<10000x128xf32, #tpu.memory_space<vmem_shared>>) offsets(%dma_start3A_338 : memref<80xi32, #tpu.memory_space<vmem>>) semaphore(%arg15 : memref<!tpu.dma_semaphore, #tpu.memory_space<semaphore_mem>>) {add = true}
      %mul3A_342 = arith.constant 3 : i32
      %mul3A_343 = arith.muli %scan3A_237, %mul3A_342 : i32
      %add3A_344 = arith.constant 2 : i32
      %add3A_345 = arith.addi %mul3A_343, %add3A_344 : i32
      %multiple_of3A_346 = arith.constant 0 : i32
      %multiple_of3A_347 = tpu.assume_multiple %multiple_of3A_346, 8 : i32
      %dma_wait3A_348 = arith.constant 1 : i32
      %dma_wait3A_349 = arith.constant 0 : i32
      %dma_wait3A_350 = arith.constant 0 : i32
      %dma_wait3A_351 = tpu.memref_slice %arg10[%dma_wait3A_348, %dma_wait3A_349, %dma_wait3A_350] : memref<3x80x128xf32, #tpu.memory_space<vmem>> -> memref<1x80x128xf32, #tpu.memory_space<vmem>>
      %dma_wait3A_352 = tpu.memref_squeeze %dma_wait3A_351 : memref<1x80x128xf32, #tpu.memory_space<vmem>> -> memref<80x128xf32, #tpu.memory_space<vmem>>
      %dma_wait3A_353 = tpu.memref_slice %arg9[%multiple_of3A_347] : memref<10000xi32, #tpu.memory_space<vmem>> -> memref<80xi32, #tpu.memory_space<vmem>>
      %dma_wait3A_354 = arith.constant 0 : i32
      %dma_wait3A_355 = arith.constant 0 : i32
      %dma_wait3A_356 = tpu.memref_slice %arg7[%dma_wait3A_354, %dma_wait3A_355] : memref<10000x128xf32, #tpu.memory_space<vmem_shared>> -> memref<10000x128xf32, #tpu.memory_space<vmem_shared>>
      tpu.wait_indirect_dma semaphore(%arg15 : memref<!tpu.dma_semaphore, #tpu.memory_space<semaphore_mem>>) src(%dma_wait3A_352 : memref<80x128xf32, #tpu.memory_space<vmem>>) dst(%dma_wait3A_356 : memref<10000x128xf32, #tpu.memory_space<vmem_shared>>)
      %add3A_357 = arith.constant 2 : i32
      %add3A_358 = arith.addi %add3A_345, %add3A_357 : i32
      %mul3A_359 = arith.constant 80 : i32
      %mul3A_360 = arith.muli %add3A_358, %mul3A_359 : i32
      %multiple_of3A_361 = tpu.assume_multiple %mul3A_360, 8 : i32
      %dma_start3A_362 = arith.constant 1 : i32
      %dma_start3A_363 = arith.constant 0 : i32
      %dma_start3A_364 = arith.constant 0 : i32
      %dma_start3A_365 = tpu.memref_slice %arg10[%dma_start3A_362, %dma_start3A_363, %dma_start3A_364] : memref<3x80x128xf32, #tpu.memory_space<vmem>> -> memref<1x80x128xf32, #tpu.memory_space<vmem>>
      %dma_start3A_366 = tpu.memref_squeeze %dma_start3A_365 : memref<1x80x128xf32, #tpu.memory_space<vmem>> -> memref<80x128xf32, #tpu.memory_space<vmem>>
      %dma_start3A_367 = tpu.memref_slice %arg8[%multiple_of3A_361] : memref<10000xi32, #tpu.memory_space<vmem>> -> memref<80xi32, #tpu.memory_space<vmem>>
      %dma_start3A_368 = arith.constant 0 : i32
      %dma_start3A_369 = arith.constant 0 : i32
      %dma_start3A_370 = tpu.memref_slice %arg2[%dma_start3A_368, %dma_start3A_369] : memref<10000x128xf32, #tpu.memory_space<hbm>> -> memref<10000x128xf32, #tpu.memory_space<hbm>>
      tpu.enqueue_indirect_dma source(%dma_start3A_370 : memref<10000x128xf32, #tpu.memory_space<hbm>>) target(%dma_start3A_366 : memref<80x128xf32, #tpu.memory_space<vmem>>) offsets(%dma_start3A_367 : memref<80xi32, #tpu.memory_space<vmem>>) semaphore(%arg12 : memref<!tpu.dma_semaphore, #tpu.memory_space<semaphore_mem>>)
      %multiple_of3A_371 = arith.constant 0 : i32
      %multiple_of3A_372 = tpu.assume_multiple %multiple_of3A_371, 8 : i32
      %dma_wait3A_373 = arith.constant 2 : i32
      %dma_wait3A_374 = arith.constant 0 : i32
      %dma_wait3A_375 = arith.constant 0 : i32
      %dma_wait3A_376 = tpu.memref_slice %arg10[%dma_wait3A_373, %dma_wait3A_374, %dma_wait3A_375] : memref<3x80x128xf32, #tpu.memory_space<vmem>> -> memref<1x80x128xf32, #tpu.memory_space<vmem>>
      %dma_wait3A_377 = tpu.memref_squeeze %dma_wait3A_376 : memref<1x80x128xf32, #tpu.memory_space<vmem>> -> memref<80x128xf32, #tpu.memory_space<vmem>>
      %dma_wait3A_378 = tpu.memref_slice %arg8[%multiple_of3A_372] : memref<10000xi32, #tpu.memory_space<vmem>> -> memref<80xi32, #tpu.memory_space<vmem>>
      %dma_wait3A_379 = arith.constant 0 : i32
      %dma_wait3A_380 = arith.constant 0 : i32
      %dma_wait3A_381 = tpu.memref_slice %arg2[%dma_wait3A_379, %dma_wait3A_380] : memref<10000x128xf32, #tpu.memory_space<hbm>> -> memref<10000x128xf32, #tpu.memory_space<hbm>>
      tpu.wait_indirect_dma semaphore(%arg13 : memref<!tpu.dma_semaphore, #tpu.memory_space<semaphore_mem>>) src(%dma_wait3A_381 : memref<10000x128xf32, #tpu.memory_space<hbm>>) dst(%dma_wait3A_377 : memref<80x128xf32, #tpu.memory_space<vmem>>)
      %mul3A_382 = arith.constant 80 : i32
      %mul3A_383 = arith.muli %add3A_345, %mul3A_382 : i32
      %multiple_of3A_384 = tpu.assume_multiple %mul3A_383, 8 : i32
      %dma_start3A_385 = arith.constant 2 : i32
      %dma_start3A_386 = arith.constant 0 : i32
      %dma_start3A_387 = arith.constant 0 : i32
      %dma_start3A_388 = tpu.memref_slice %arg10[%dma_start3A_385, %dma_start3A_386, %dma_start3A_387] : memref<3x80x128xf32, #tpu.memory_space<vmem>> -> memref<1x80x128xf32, #tpu.memory_space<vmem>>
      %dma_start3A_389 = tpu.memref_squeeze %dma_start3A_388 : memref<1x80x128xf32, #tpu.memory_space<vmem>> -> memref<80x128xf32, #tpu.memory_space<vmem>>
      %dma_start3A_390 = tpu.memref_slice %arg9[%multiple_of3A_384] : memref<10000xi32, #tpu.memory_space<vmem>> -> memref<80xi32, #tpu.memory_space<vmem>>
      %dma_start3A_391 = arith.constant 0 : i32
      %dma_start3A_392 = arith.constant 0 : i32
      %dma_start3A_393 = tpu.memref_slice %arg7[%dma_start3A_391, %dma_start3A_392] : memref<10000x128xf32, #tpu.memory_space<vmem_shared>> -> memref<10000x128xf32, #tpu.memory_space<vmem_shared>>
      tpu.enqueue_indirect_dma source(%dma_start3A_389 : memref<80x128xf32, #tpu.memory_space<vmem>>) target(%dma_start3A_393 : memref<10000x128xf32, #tpu.memory_space<vmem_shared>>) offsets(%dma_start3A_390 : memref<80xi32, #tpu.memory_space<vmem>>) semaphore(%arg16 : memref<!tpu.dma_semaphore, #tpu.memory_space<semaphore_mem>>) {add = true}
    }
    %scan3A_153 = arith.constant 40 : i32
    %multiple_of3A_154 = arith.constant 0 : i32
    %multiple_of3A_155 = tpu.assume_multiple %multiple_of3A_154, 8 : i32
    %dma_wait3A_156 = arith.constant 0 : i32
    %dma_wait3A_157 = arith.constant 0 : i32
    %dma_wait3A_158 = arith.constant 0 : i32
    %dma_wait3A_159 = tpu.memref_slice %arg10[%dma_wait3A_156, %dma_wait3A_157, %dma_wait3A_158] : memref<3x80x128xf32, #tpu.memory_space<vmem>> -> memref<1x80x128xf32, #tpu.memory_space<vmem>>
    %dma_wait3A_160 = tpu.memref_squeeze %dma_wait3A_159 : memref<1x80x128xf32, #tpu.memory_space<vmem>> -> memref<80x128xf32, #tpu.memory_space<vmem>>
    %dma_wait3A_161 = tpu.memref_slice %arg8[%multiple_of3A_155] : memref<10000xi32, #tpu.memory_space<vmem>> -> memref<80xi32, #tpu.memory_space<vmem>>
    %dma_wait3A_162 = arith.constant 0 : i32
    %dma_wait3A_163 = arith.constant 0 : i32
    %dma_wait3A_164 = tpu.memref_slice %arg2[%dma_wait3A_162, %dma_wait3A_163] : memref<10000x128xf32, #tpu.memory_space<hbm>> -> memref<10000x128xf32, #tpu.memory_space<hbm>>
    tpu.wait_indirect_dma semaphore(%arg11 : memref<!tpu.dma_semaphore, #tpu.memory_space<semaphore_mem>>) src(%dma_wait3A_164 : memref<10000x128xf32, #tpu.memory_space<hbm>>) dst(%dma_wait3A_160 : memref<80x128xf32, #tpu.memory_space<vmem>>)
    %multiple_of3A_165 = arith.constant 9840 : i32
    %multiple_of3A_166 = tpu.assume_multiple %multiple_of3A_165, 8 : i32
    %dma_start3A_167 = arith.constant 0 : i32
    %dma_start3A_168 = arith.constant 0 : i32
    %dma_start3A_169 = arith.constant 0 : i32
    %dma_start3A_170 = tpu.memref_slice %arg10[%dma_start3A_167, %dma_start3A_168, %dma_start3A_169] : memref<3x80x128xf32, #tpu.memory_space<vmem>> -> memref<1x80x128xf32, #tpu.memory_space<vmem>>
    %dma_start3A_171 = tpu.memref_squeeze %dma_start3A_170 : memref<1x80x128xf32, #tpu.memory_space<vmem>> -> memref<80x128xf32, #tpu.memory_space<vmem>>
    %dma_start3A_172 = tpu.memref_slice %arg9[%multiple_of3A_166] : memref<10000xi32, #tpu.memory_space<vmem>> -> memref<80xi32, #tpu.memory_space<vmem>>
    %dma_start3A_173 = arith.constant 0 : i32
    %dma_start3A_174 = arith.constant 0 : i32
    %dma_start3A_175 = tpu.memref_slice %arg7[%dma_start3A_173, %dma_start3A_174] : memref<10000x128xf32, #tpu.memory_space<vmem_shared>> -> memref<10000x128xf32, #tpu.memory_space<vmem_shared>>
    tpu.enqueue_indirect_dma source(%dma_start3A_171 : memref<80x128xf32, #tpu.memory_space<vmem>>) target(%dma_start3A_175 : memref<10000x128xf32, #tpu.memory_space<vmem_shared>>) offsets(%dma_start3A_172 : memref<80xi32, #tpu.memory_space<vmem>>) semaphore(%arg14 : memref<!tpu.dma_semaphore, #tpu.memory_space<semaphore_mem>>) {add = true}
    %multiple_of3A_176 = arith.constant 0 : i32
    %multiple_of3A_177 = tpu.assume_multiple %multiple_of3A_176, 8 : i32
    %dma_wait3A_178 = arith.constant 1 : i32
    %dma_wait3A_179 = arith.constant 0 : i32
    %dma_wait3A_180 = arith.constant 0 : i32
    %dma_wait3A_181 = tpu.memref_slice %arg10[%dma_wait3A_178, %dma_wait3A_179, %dma_wait3A_180] : memref<3x80x128xf32, #tpu.memory_space<vmem>> -> memref<1x80x128xf32, #tpu.memory_space<vmem>>
    %dma_wait3A_182 = tpu.memref_squeeze %dma_wait3A_181 : memref<1x80x128xf32, #tpu.memory_space<vmem>> -> memref<80x128xf32, #tpu.memory_space<vmem>>
    %dma_wait3A_183 = tpu.memref_slice %arg8[%multiple_of3A_177] : memref<10000xi32, #tpu.memory_space<vmem>> -> memref<80xi32, #tpu.memory_space<vmem>>
    %dma_wait3A_184 = arith.constant 0 : i32
    %dma_wait3A_185 = arith.constant 0 : i32
    %dma_wait3A_186 = tpu.memref_slice %arg2[%dma_wait3A_184, %dma_wait3A_185] : memref<10000x128xf32, #tpu.memory_space<hbm>> -> memref<10000x128xf32, #tpu.memory_space<hbm>>
    tpu.wait_indirect_dma semaphore(%arg12 : memref<!tpu.dma_semaphore, #tpu.memory_space<semaphore_mem>>) src(%dma_wait3A_186 : memref<10000x128xf32, #tpu.memory_space<hbm>>) dst(%dma_wait3A_182 : memref<80x128xf32, #tpu.memory_space<vmem>>)
    %multiple_of3A_187 = arith.constant 9920 : i32
    %multiple_of3A_188 = tpu.assume_multiple %multiple_of3A_187, 8 : i32
    %dma_start3A_189 = arith.constant 1 : i32
    %dma_start3A_190 = arith.constant 0 : i32
    %dma_start3A_191 = arith.constant 0 : i32
    %dma_start3A_192 = tpu.memref_slice %arg10[%dma_start3A_189, %dma_start3A_190, %dma_start3A_191] : memref<3x80x128xf32, #tpu.memory_space<vmem>> -> memref<1x80x128xf32, #tpu.memory_space<vmem>>
    %dma_start3A_193 = tpu.memref_squeeze %dma_start3A_192 : memref<1x80x128xf32, #tpu.memory_space<vmem>> -> memref<80x128xf32, #tpu.memory_space<vmem>>
    %dma_start3A_194 = tpu.memref_slice %arg9[%multiple_of3A_188] : memref<10000xi32, #tpu.memory_space<vmem>> -> memref<80xi32, #tpu.memory_space<vmem>>
    %dma_start3A_195 = arith.constant 0 : i32
    %dma_start3A_196 = arith.constant 0 : i32
    %dma_start3A_197 = tpu.memref_slice %arg7[%dma_start3A_195, %dma_start3A_196] : memref<10000x128xf32, #tpu.memory_space<vmem_shared>> -> memref<10000x128xf32, #tpu.memory_space<vmem_shared>>
    tpu.enqueue_indirect_dma source(%dma_start3A_193 : memref<80x128xf32, #tpu.memory_space<vmem>>) target(%dma_start3A_197 : memref<10000x128xf32, #tpu.memory_space<vmem_shared>>) offsets(%dma_start3A_194 : memref<80xi32, #tpu.memory_space<vmem>>) semaphore(%arg15 : memref<!tpu.dma_semaphore, #tpu.memory_space<semaphore_mem>>) {add = true}
    %multiple_of3A_198 = arith.constant 0 : i32
    %multiple_of3A_199 = tpu.assume_multiple %multiple_of3A_198, 8 : i32
    %dma_wait3A_200 = arith.constant 0 : i32
    %dma_wait3A_201 = arith.constant 0 : i32
    %dma_wait3A_202 = arith.constant 0 : i32
    %dma_wait3A_203 = tpu.memref_slice %arg10[%dma_wait3A_200, %dma_wait3A_201, %dma_wait3A_202] : memref<3x80x128xf32, #tpu.memory_space<vmem>> -> memref<1x80x128xf32, #tpu.memory_space<vmem>>
    %dma_wait3A_204 = tpu.memref_squeeze %dma_wait3A_203 : memref<1x80x128xf32, #tpu.memory_space<vmem>> -> memref<80x128xf32, #tpu.memory_space<vmem>>
    %dma_wait3A_205 = tpu.memref_slice %arg9[%multiple_of3A_199] : memref<10000xi32, #tpu.memory_space<vmem>> -> memref<80xi32, #tpu.memory_space<vmem>>
    %dma_wait3A_206 = arith.constant 0 : i32
    %dma_wait3A_207 = arith.constant 0 : i32
    %dma_wait3A_208 = tpu.memref_slice %arg7[%dma_wait3A_206, %dma_wait3A_207] : memref<10000x128xf32, #tpu.memory_space<vmem_shared>> -> memref<10000x128xf32, #tpu.memory_space<vmem_shared>>
    tpu.wait_indirect_dma semaphore(%arg14 : memref<!tpu.dma_semaphore, #tpu.memory_space<semaphore_mem>>) src(%dma_wait3A_204 : memref<80x128xf32, #tpu.memory_space<vmem>>) dst(%dma_wait3A_208 : memref<10000x128xf32, #tpu.memory_space<vmem_shared>>)
    %multiple_of3A_209 = arith.constant 0 : i32
    %multiple_of3A_210 = tpu.assume_multiple %multiple_of3A_209, 8 : i32
    %dma_wait3A_211 = arith.constant 1 : i32
    %dma_wait3A_212 = arith.constant 0 : i32
    %dma_wait3A_213 = arith.constant 0 : i32
    %dma_wait3A_214 = tpu.memref_slice %arg10[%dma_wait3A_211, %dma_wait3A_212, %dma_wait3A_213] : memref<3x80x128xf32, #tpu.memory_space<vmem>> -> memref<1x80x128xf32, #tpu.memory_space<vmem>>
    %dma_wait3A_215 = tpu.memref_squeeze %dma_wait3A_214 : memref<1x80x128xf32, #tpu.memory_space<vmem>> -> memref<80x128xf32, #tpu.memory_space<vmem>>
    %dma_wait3A_216 = tpu.memref_slice %arg9[%multiple_of3A_210] : memref<10000xi32, #tpu.memory_space<vmem>> -> memref<80xi32, #tpu.memory_space<vmem>>
    %dma_wait3A_217 = arith.constant 0 : i32
    %dma_wait3A_218 = arith.constant 0 : i32
    %dma_wait3A_219 = tpu.memref_slice %arg7[%dma_wait3A_217, %dma_wait3A_218] : memref<10000x128xf32, #tpu.memory_space<vmem_shared>> -> memref<10000x128xf32, #tpu.memory_space<vmem_shared>>
    tpu.wait_indirect_dma semaphore(%arg15 : memref<!tpu.dma_semaphore, #tpu.memory_space<semaphore_mem>>) src(%dma_wait3A_215 : memref<80x128xf32, #tpu.memory_space<vmem>>) dst(%dma_wait3A_219 : memref<10000x128xf32, #tpu.memory_space<vmem_shared>>)
    %multiple_of3A_220 = arith.constant 0 : i32
    %multiple_of3A_221 = tpu.assume_multiple %multiple_of3A_220, 8 : i32
    %dma_wait3A_222 = arith.constant 2 : i32
    %dma_wait3A_223 = arith.constant 0 : i32
    %dma_wait3A_224 = arith.constant 0 : i32
    %dma_wait3A_225 = tpu.memref_slice %arg10[%dma_wait3A_222, %dma_wait3A_223, %dma_wait3A_224] : memref<3x80x128xf32, #tpu.memory_space<vmem>> -> memref<1x80x128xf32, #tpu.memory_space<vmem>>
    %dma_wait3A_226 = tpu.memref_squeeze %dma_wait3A_225 : memref<1x80x128xf32, #tpu.memory_space<vmem>> -> memref<80x128xf32, #tpu.memory_space<vmem>>
    %dma_wait3A_227 = tpu.memref_slice %arg9[%multiple_of3A_221] : memref<10000xi32, #tpu.memory_space<vmem>> -> memref<80xi32, #tpu.memory_space<vmem>>
    %dma_wait3A_228 = arith.constant 0 : i32
    %dma_wait3A_229 = arith.constant 0 : i32
    %dma_wait3A_230 = tpu.memref_slice %arg7[%dma_wait3A_228, %dma_wait3A_229] : memref<10000x128xf32, #tpu.memory_space<vmem_shared>> -> memref<10000x128xf32, #tpu.memory_space<vmem_shared>>
    tpu.wait_indirect_dma semaphore(%arg16 : memref<!tpu.dma_semaphore, #tpu.memory_space<semaphore_mem>>) src(%dma_wait3A_226 : memref<80x128xf32, #tpu.memory_space<vmem>>) dst(%dma_wait3A_230 : memref<10000x128xf32, #tpu.memory_space<vmem_shared>>)
    %barrier3A_231 = arith.constant 0 : index
    tpu.barrier barrier_id(%barrier3A_231)
    "tpu.region"() ({
      %run_scoped3A = tpu.sem_alloc : memref<!tpu.dma_semaphore, #tpu.memory_space<semaphore_mem>>
      %dma_start3A_237 = arith.constant 0 : i32
      %dma_start3A_238 = tpu.memref_slice %arg6[%arg0, %multiple_of3A_5, %dma_start3A_237] : memref<2x10000x128xf32, #tpu.memory_space<hbm>> -> memref<1x624x128xf32, #tpu.memory_space<hbm>>
      %dma_start3A_239 = tpu.memref_squeeze %dma_start3A_238 : memref<1x624x128xf32, #tpu.memory_space<hbm>> -> memref<624x128xf32, #tpu.memory_space<hbm>>
      %dma_start3A_240 = arith.constant 0 : i32
      %dma_start3A_241 = tpu.memref_slice %arg7[%multiple_of3A_5, %dma_start3A_240] : memref<10000x128xf32, #tpu.memory_space<vmem_shared>> -> memref<624x128xf32, #tpu.memory_space<vmem_shared>>
      tpu.enqueue_dma source(%dma_start3A_241 : memref<624x128xf32, #tpu.memory_space<vmem_shared>>) target(%dma_start3A_239 : memref<624x128xf32, #tpu.memory_space<hbm>>) target_semaphore(%run_scoped3A : memref<!tpu.dma_semaphore, #tpu.memory_space<semaphore_mem>>)
      %dma_wait3A_242 = arith.constant 0 : i32
      %dma_wait3A_243 = tpu.memref_slice %arg6[%arg0, %multiple_of3A_5, %dma_wait3A_242] : memref<2x10000x128xf32, #tpu.memory_space<hbm>> -> memref<1x624x128xf32, #tpu.memory_space<hbm>>
      %dma_wait3A_244 = tpu.memref_squeeze %dma_wait3A_243 : memref<1x624x128xf32, #tpu.memory_space<hbm>> -> memref<624x128xf32, #tpu.memory_space<hbm>>
      %dma_wait3A_245 = arith.constant 0 : i32
      %dma_wait3A_246 = tpu.memref_slice %arg7[%multiple_of3A_5, %dma_wait3A_245] : memref<10000x128xf32, #tpu.memory_space<vmem_shared>> -> memref<624x128xf32, #tpu.memory_space<vmem_shared>>
      tpu.wait_dma2 semaphore(%run_scoped3A : memref<!tpu.dma_semaphore, #tpu.memory_space<semaphore_mem>>) src(%dma_wait3A_246 : memref<624x128xf32, #tpu.memory_space<vmem_shared>>) dst(%dma_wait3A_244 : memref<624x128xf32, #tpu.memory_space<hbm>>)
      tpu.yield
    }) : () -> ()
    %eq3A_232 = arith.constant 0 : i32
    %eq3A_233 = arith.cmpi eq, %arg1, %eq3A_232 : i32
    %convert_element_type3A_234 = arith.extui %eq3A_233 : i1 to i32
    %cond3A_235 = arith.constant 0 : i32
    %cond3A_236 = arith.cmpi ne, %convert_element_type3A_234, %cond3A_235 : i32
    scf.if %cond3A_236 {
      "tpu.region"() ({
        %run_scoped3A = tpu.sem_alloc : memref<!tpu.dma_semaphore, #tpu.memory_space<semaphore_mem>>
        %dma_start3A_237 = arith.constant 9984 : i32
        %dma_start3A_238 = arith.constant 0 : i32
        %dma_start3A_239 = tpu.memref_slice %arg6[%arg0, %dma_start3A_237, %dma_start3A_238] : memref<2x10000x128xf32, #tpu.memory_space<hbm>> -> memref<1x16x128xf32, #tpu.memory_space<hbm>>
        %dma_start3A_240 = tpu.memref_squeeze %dma_start3A_239 : memref<1x16x128xf32, #tpu.memory_space<hbm>> -> memref<16x128xf32, #tpu.memory_space<hbm>>
        %dma_start3A_241 = arith.constant 9984 : i32
        %dma_start3A_242 = arith.constant 0 : i32
        %dma_start3A_243 = tpu.memref_slice %arg7[%dma_start3A_241, %dma_start3A_242] : memref<10000x128xf32, #tpu.memory_space<vmem_shared>> -> memref<16x128xf32, #tpu.memory_space<vmem_shared>>
        tpu.enqueue_dma source(%dma_start3A_243 : memref<16x128xf32, #tpu.memory_space<vmem_shared>>) target(%dma_start3A_240 : memref<16x128xf32, #tpu.memory_space<hbm>>) target_semaphore(%run_scoped3A : memref<!tpu.dma_semaphore, #tpu.memory_space<semaphore_mem>>)
        %dma_wait3A_244 = arith.constant 9984 : i32
        %dma_wait3A_245 = arith.constant 0 : i32
        %dma_wait3A_246 = tpu.memref_slice %arg6[%arg0, %dma_wait3A_244, %dma_wait3A_245] : memref<2x10000x128xf32, #tpu.memory_space<hbm>> -> memref<1x16x128xf32, #tpu.memory_space<hbm>>
        %dma_wait3A_247 = tpu.memref_squeeze %dma_wait3A_246 : memref<1x16x128xf32, #tpu.memory_space<hbm>> -> memref<16x128xf32, #tpu.memory_space<hbm>>
        %dma_wait3A_248 = arith.constant 9984 : i32
        %dma_wait3A_249 = arith.constant 0 : i32
        %dma_wait3A_250 = tpu.memref_slice %arg7[%dma_wait3A_248, %dma_wait3A_249] : memref<10000x128xf32, #tpu.memory_space<vmem_shared>> -> memref<16x128xf32, #tpu.memory_space<vmem_shared>>
        tpu.wait_dma2 semaphore(%run_scoped3A : memref<!tpu.dma_semaphore, #tpu.memory_space<semaphore_mem>>) src(%dma_wait3A_250 : memref<16x128xf32, #tpu.memory_space<vmem_shared>>) dst(%dma_wait3A_247 : memref<16x128xf32, #tpu.memory_space<hbm>>)
        tpu.yield
      }) : () -> ()
    } else {
    }
    return
  }
}

#map = affine_map<(d0, d1) -> (0, 0)>
#map1 = affine_map<(d0, d1) -> (0)>
#map2 = affine_map<(d0, d1) -> (0, 0, 0)>
module attributes {stable_mosaic.version = 14 : i64} {
  func.func @_sc_agg_body(%arg0: i32, %arg1: i32, %arg2: memref<10000x128xf32, #tpu.memory_space<hbm>>, %arg3: memref<320000xi32, #tpu.memory_space<hbm>>, %arg4: memref<320000xi32, #tpu.memory_space<hbm>>, %arg5: memref<10000x128xf32, #tpu.memory_space<hbm>>, %arg6: memref<2x10000x128xf32, #tpu.memory_space<hbm>>, %arg7: memref<10000x128xf32, #tpu.memory_space<vmem_shared>>, %arg8: memref<10000xi32, #tpu.memory_space<vmem>>, %arg9: memref<10000xi32, #tpu.memory_space<vmem>>, %arg10: memref<3x80x128xf32, #tpu.memory_space<vmem>>, %arg11: memref<!tpu.dma_semaphore, #tpu.memory_space<semaphore_mem>>, %arg12: memref<!tpu.dma_semaphore, #tpu.memory_space<semaphore_mem>>, %arg13: memref<!tpu.dma_semaphore, #tpu.memory_space<semaphore_mem>>, %arg14: memref<!tpu.dma_semaphore, #tpu.memory_space<semaphore_mem>>, %arg15: memref<!tpu.dma_semaphore, #tpu.memory_space<semaphore_mem>>, %arg16: memref<!tpu.dma_semaphore, #tpu.memory_space<semaphore_mem>>) attributes {dimension_semantics = [#tpu.dimension_semantics<core_parallel>, #tpu.dimension_semantics<subcore_parallel>], iteration_bounds = array<i64: 2, 16>, scalar_prefetch = 0 : i64, scratch_operands = 10 : i64, tpu.core_type = #tpu.core_type<sc_vector_subcore>, window_params = [{transform_indices = #map}, {transform_indices = #map1}, {transform_indices = #map1}, {transform_indices = #map}, {transform_indices = #map2}]} {
    %mul3A = arith.constant 2 : i32
    %mul3A_0 = arith.muli %arg1, %mul3A : i32
    %add3A = arith.addi %mul3A_0, %arg0 : i32
    %mul3A_1 = arith.constant 10000 : i32
    %mul3A_2 = arith.muli %add3A, %mul3A_1 : i32
    %multiple_of3A = tpu.assume_multiple %mul3A_2, 8 : i32
    "tpu.region"() ({
      %run_scoped3A = tpu.sem_alloc : memref<!tpu.dma_semaphore, #tpu.memory_space<semaphore_mem>>
      %dma_start3A_237 = tpu.memref_slice %arg3[%multiple_of3A] : memref<320000xi32, #tpu.memory_space<hbm>> -> memref<10000xi32, #tpu.memory_space<hbm>>
      %dma_start3A_238 = tpu.memref_slice %arg3[%multiple_of3A] : memref<320000xi32, #tpu.memory_space<hbm>> -> memref<10000xi32, #tpu.memory_space<hbm>>
      tpu.enqueue_dma source(%dma_start3A_238 : memref<10000xi32, #tpu.memory_space<hbm>>) target(%arg8 : memref<10000xi32, #tpu.memory_space<vmem>>) target_semaphore(%run_scoped3A : memref<!tpu.dma_semaphore, #tpu.memory_space<semaphore_mem>>)
      %dma_wait3A_239 = tpu.memref_slice %arg3[%multiple_of3A] : memref<320000xi32, #tpu.memory_space<hbm>> -> memref<10000xi32, #tpu.memory_space<hbm>>
      %dma_wait3A_240 = tpu.memref_slice %arg3[%multiple_of3A] : memref<320000xi32, #tpu.memory_space<hbm>> -> memref<10000xi32, #tpu.memory_space<hbm>>
      tpu.wait_dma2 semaphore(%run_scoped3A : memref<!tpu.dma_semaphore, #tpu.memory_space<semaphore_mem>>) src(%dma_wait3A_240 : memref<10000xi32, #tpu.memory_space<hbm>>) dst(%arg8 : memref<10000xi32, #tpu.memory_space<vmem>>)
      tpu.yield
    }) : () -> ()
    "tpu.region"() ({
      %run_scoped3A = tpu.sem_alloc : memref<!tpu.dma_semaphore, #tpu.memory_space<semaphore_mem>>
      %dma_start3A_237 = tpu.memref_slice %arg4[%multiple_of3A] : memref<320000xi32, #tpu.memory_space<hbm>> -> memref<10000xi32, #tpu.memory_space<hbm>>
      %dma_start3A_238 = tpu.memref_slice %arg4[%multiple_of3A] : memref<320000xi32, #tpu.memory_space<hbm>> -> memref<10000xi32, #tpu.memory_space<hbm>>
      tpu.enqueue_dma source(%dma_start3A_238 : memref<10000xi32, #tpu.memory_space<hbm>>) target(%arg9 : memref<10000xi32, #tpu.memory_space<vmem>>) target_semaphore(%run_scoped3A : memref<!tpu.dma_semaphore, #tpu.memory_space<semaphore_mem>>)
      %dma_wait3A_239 = tpu.memref_slice %arg4[%multiple_of3A] : memref<320000xi32, #tpu.memory_space<hbm>> -> memref<10000xi32, #tpu.memory_space<hbm>>
      %dma_wait3A_240 = tpu.memref_slice %arg4[%multiple_of3A] : memref<320000xi32, #tpu.memory_space<hbm>> -> memref<10000xi32, #tpu.memory_space<hbm>>
      tpu.wait_dma2 semaphore(%run_scoped3A : memref<!tpu.dma_semaphore, #tpu.memory_space<semaphore_mem>>) src(%dma_wait3A_240 : memref<10000xi32, #tpu.memory_space<hbm>>) dst(%arg9 : memref<10000xi32, #tpu.memory_space<vmem>>)
      tpu.yield
    }) : () -> ()
    %mul3A_3 = arith.constant 624 : i32
    %mul3A_4 = arith.muli %arg1, %mul3A_3 : i32
    %multiple_of3A_5 = tpu.assume_multiple %mul3A_4, 8 : i32
    "tpu.region"() ({
      %run_scoped3A = tpu.sem_alloc : memref<!tpu.dma_semaphore, #tpu.memory_space<semaphore_mem>>
      %dma_start3A_237 = arith.constant 0 : i32
      %dma_start3A_238 = tpu.memref_slice %arg7[%multiple_of3A_5, %dma_start3A_237] : memref<10000x128xf32, #tpu.memory_space<vmem_shared>> -> memref<624x128xf32, #tpu.memory_space<vmem_shared>>
      %dma_start3A_239 = arith.constant 0 : i32
      %dma_start3A_240 = tpu.memref_slice %arg5[%multiple_of3A_5, %dma_start3A_239] : memref<10000x128xf32, #tpu.memory_space<hbm>> -> memref<624x128xf32, #tpu.memory_space<hbm>>
      tpu.enqueue_dma source(%dma_start3A_240 : memref<624x128xf32, #tpu.memory_space<hbm>>) target(%dma_start3A_238 : memref<624x128xf32, #tpu.memory_space<vmem_shared>>) target_semaphore(%run_scoped3A : memref<!tpu.dma_semaphore, #tpu.memory_space<semaphore_mem>>)
      %dma_wait3A_241 = arith.constant 0 : i32
      %dma_wait3A_242 = tpu.memref_slice %arg7[%multiple_of3A_5, %dma_wait3A_241] : memref<10000x128xf32, #tpu.memory_space<vmem_shared>> -> memref<624x128xf32, #tpu.memory_space<vmem_shared>>
      %dma_wait3A_243 = arith.constant 0 : i32
      %dma_wait3A_244 = tpu.memref_slice %arg5[%multiple_of3A_5, %dma_wait3A_243] : memref<10000x128xf32, #tpu.memory_space<hbm>> -> memref<624x128xf32, #tpu.memory_space<hbm>>
      tpu.wait_dma2 semaphore(%run_scoped3A : memref<!tpu.dma_semaphore, #tpu.memory_space<semaphore_mem>>) src(%dma_wait3A_244 : memref<624x128xf32, #tpu.memory_space<hbm>>) dst(%dma_wait3A_242 : memref<624x128xf32, #tpu.memory_space<vmem_shared>>)
      tpu.yield
    }) : () -> ()
    %eq3A = arith.constant 0 : i32
    %eq3A_6 = arith.cmpi eq, %arg1, %eq3A : i32
    %convert_element_type3A = arith.extui %eq3A_6 : i1 to i32
    %cond3A = arith.constant 0 : i32
    %cond3A_7 = arith.cmpi ne, %convert_element_type3A, %cond3A : i32
    scf.if %cond3A_7 {
      "tpu.region"() ({
        %run_scoped3A = tpu.sem_alloc : memref<!tpu.dma_semaphore, #tpu.memory_space<semaphore_mem>>
        %dma_start3A_237 = arith.constant 9984 : i32
        %dma_start3A_238 = arith.constant 0 : i32
        %dma_start3A_239 = tpu.memref_slice %arg7[%dma_start3A_237, %dma_start3A_238] : memref<10000x128xf32, #tpu.memory_space<vmem_shared>> -> memref<16x128xf32, #tpu.memory_space<vmem_shared>>
        %dma_start3A_240 = arith.constant 9984 : i32
        %dma_start3A_241 = arith.constant 0 : i32
        %dma_start3A_242 = tpu.memref_slice %arg5[%dma_start3A_240, %dma_start3A_241] : memref<10000x128xf32, #tpu.memory_space<hbm>> -> memref<16x128xf32, #tpu.memory_space<hbm>>
        tpu.enqueue_dma source(%dma_start3A_242 : memref<16x128xf32, #tpu.memory_space<hbm>>) target(%dma_start3A_239 : memref<16x128xf32, #tpu.memory_space<vmem_shared>>) target_semaphore(%run_scoped3A : memref<!tpu.dma_semaphore, #tpu.memory_space<semaphore_mem>>)
        %dma_wait3A_243 = arith.constant 9984 : i32
        %dma_wait3A_244 = arith.constant 0 : i32
        %dma_wait3A_245 = tpu.memref_slice %arg7[%dma_wait3A_243, %dma_wait3A_244] : memref<10000x128xf32, #tpu.memory_space<vmem_shared>> -> memref<16x128xf32, #tpu.memory_space<vmem_shared>>
        %dma_wait3A_246 = arith.constant 9984 : i32
        %dma_wait3A_247 = arith.constant 0 : i32
        %dma_wait3A_248 = tpu.memref_slice %arg5[%dma_wait3A_246, %dma_wait3A_247] : memref<10000x128xf32, #tpu.memory_space<hbm>> -> memref<16x128xf32, #tpu.memory_space<hbm>>
        tpu.wait_dma2 semaphore(%run_scoped3A : memref<!tpu.dma_semaphore, #tpu.memory_space<semaphore_mem>>) src(%dma_wait3A_248 : memref<16x128xf32, #tpu.memory_space<hbm>>) dst(%dma_wait3A_245 : memref<16x128xf32, #tpu.memory_space<vmem_shared>>)
        tpu.yield
      }) : () -> ()
    } else {
    }
    %barrier3A = arith.constant 0 : index
    tpu.barrier barrier_id(%barrier3A)
    %multiple_of3A_8 = arith.constant 0 : i32
    %multiple_of3A_9 = tpu.assume_multiple %multiple_of3A_8, 8 : i32
    %dma_start3A = arith.constant 0 : i32
    %dma_start3A_10 = arith.constant 0 : i32
    %dma_start3A_11 = arith.constant 0 : i32
    %dma_start3A_12 = tpu.memref_slice %arg10[%dma_start3A, %dma_start3A_10, %dma_start3A_11] : memref<3x80x128xf32, #tpu.memory_space<vmem>> -> memref<1x80x128xf32, #tpu.memory_space<vmem>>
    %dma_start3A_13 = tpu.memref_squeeze %dma_start3A_12 : memref<1x80x128xf32, #tpu.memory_space<vmem>> -> memref<80x128xf32, #tpu.memory_space<vmem>>
    %dma_start3A_14 = tpu.memref_slice %arg8[%multiple_of3A_9] : memref<10000xi32, #tpu.memory_space<vmem>> -> memref<80xi32, #tpu.memory_space<vmem>>
    %dma_start3A_15 = arith.constant 0 : i32
    %dma_start3A_16 = arith.constant 0 : i32
    %dma_start3A_17 = tpu.memref_slice %arg2[%dma_start3A_15, %dma_start3A_16] : memref<10000x128xf32, #tpu.memory_space<hbm>> -> memref<10000x128xf32, #tpu.memory_space<hbm>>
    tpu.enqueue_indirect_dma source(%dma_start3A_17 : memref<10000x128xf32, #tpu.memory_space<hbm>>) target(%dma_start3A_13 : memref<80x128xf32, #tpu.memory_space<vmem>>) offsets(%dma_start3A_14 : memref<80xi32, #tpu.memory_space<vmem>>) semaphore(%arg11 : memref<!tpu.dma_semaphore, #tpu.memory_space<semaphore_mem>>)
    %multiple_of3A_18 = arith.constant 80 : i32
    %multiple_of3A_19 = tpu.assume_multiple %multiple_of3A_18, 8 : i32
    %dma_start3A_20 = arith.constant 1 : i32
    %dma_start3A_21 = arith.constant 0 : i32
    %dma_start3A_22 = arith.constant 0 : i32
    %dma_start3A_23 = tpu.memref_slice %arg10[%dma_start3A_20, %dma_start3A_21, %dma_start3A_22] : memref<3x80x128xf32, #tpu.memory_space<vmem>> -> memref<1x80x128xf32, #tpu.memory_space<vmem>>
    %dma_start3A_24 = tpu.memref_squeeze %dma_start3A_23 : memref<1x80x128xf32, #tpu.memory_space<vmem>> -> memref<80x128xf32, #tpu.memory_space<vmem>>
    %dma_start3A_25 = tpu.memref_slice %arg8[%multiple_of3A_19] : memref<10000xi32, #tpu.memory_space<vmem>> -> memref<80xi32, #tpu.memory_space<vmem>>
    %dma_start3A_26 = arith.constant 0 : i32
    %dma_start3A_27 = arith.constant 0 : i32
    %dma_start3A_28 = tpu.memref_slice %arg2[%dma_start3A_26, %dma_start3A_27] : memref<10000x128xf32, #tpu.memory_space<hbm>> -> memref<10000x128xf32, #tpu.memory_space<hbm>>
    tpu.enqueue_indirect_dma source(%dma_start3A_28 : memref<10000x128xf32, #tpu.memory_space<hbm>>) target(%dma_start3A_24 : memref<80x128xf32, #tpu.memory_space<vmem>>) offsets(%dma_start3A_25 : memref<80xi32, #tpu.memory_space<vmem>>) semaphore(%arg12 : memref<!tpu.dma_semaphore, #tpu.memory_space<semaphore_mem>>)
    %multiple_of3A_29 = arith.constant 160 : i32
    %multiple_of3A_30 = tpu.assume_multiple %multiple_of3A_29, 8 : i32
    %dma_start3A_31 = arith.constant 2 : i32
    %dma_start3A_32 = arith.constant 0 : i32
    %dma_start3A_33 = arith.constant 0 : i32
    %dma_start3A_34 = tpu.memref_slice %arg10[%dma_start3A_31, %dma_start3A_32, %dma_start3A_33] : memref<3x80x128xf32, #tpu.memory_space<vmem>> -> memref<1x80x128xf32, #tpu.memory_space<vmem>>
    %dma_start3A_35 = tpu.memref_squeeze %dma_start3A_34 : memref<1x80x128xf32, #tpu.memory_space<vmem>> -> memref<80x128xf32, #tpu.memory_space<vmem>>
    %dma_start3A_36 = tpu.memref_slice %arg8[%multiple_of3A_30] : memref<10000xi32, #tpu.memory_space<vmem>> -> memref<80xi32, #tpu.memory_space<vmem>>
    %dma_start3A_37 = arith.constant 0 : i32
    %dma_start3A_38 = arith.constant 0 : i32
    %dma_start3A_39 = tpu.memref_slice %arg2[%dma_start3A_37, %dma_start3A_38] : memref<10000x128xf32, #tpu.memory_space<hbm>> -> memref<10000x128xf32, #tpu.memory_space<hbm>>
    tpu.enqueue_indirect_dma source(%dma_start3A_39 : memref<10000x128xf32, #tpu.memory_space<hbm>>) target(%dma_start3A_35 : memref<80x128xf32, #tpu.memory_space<vmem>>) offsets(%dma_start3A_36 : memref<80xi32, #tpu.memory_space<vmem>>) semaphore(%arg13 : memref<!tpu.dma_semaphore, #tpu.memory_space<semaphore_mem>>)
    %multiple_of3A_40 = arith.constant 0 : i32
    %multiple_of3A_41 = tpu.assume_multiple %multiple_of3A_40, 8 : i32
    %dma_wait3A = arith.constant 0 : i32
    %dma_wait3A_42 = arith.constant 0 : i32
    %dma_wait3A_43 = arith.constant 0 : i32
    %dma_wait3A_44 = tpu.memref_slice %arg10[%dma_wait3A, %dma_wait3A_42, %dma_wait3A_43] : memref<3x80x128xf32, #tpu.memory_space<vmem>> -> memref<1x80x128xf32, #tpu.memory_space<vmem>>
    %dma_wait3A_45 = tpu.memref_squeeze %dma_wait3A_44 : memref<1x80x128xf32, #tpu.memory_space<vmem>> -> memref<80x128xf32, #tpu.memory_space<vmem>>
    %dma_wait3A_46 = tpu.memref_slice %arg8[%multiple_of3A_41] : memref<10000xi32, #tpu.memory_space<vmem>> -> memref<80xi32, #tpu.memory_space<vmem>>
    %dma_wait3A_47 = arith.constant 0 : i32
    %dma_wait3A_48 = arith.constant 0 : i32
    %dma_wait3A_49 = tpu.memref_slice %arg2[%dma_wait3A_47, %dma_wait3A_48] : memref<10000x128xf32, #tpu.memory_space<hbm>> -> memref<10000x128xf32, #tpu.memory_space<hbm>>
    tpu.wait_indirect_dma semaphore(%arg11 : memref<!tpu.dma_semaphore, #tpu.memory_space<semaphore_mem>>) src(%dma_wait3A_49 : memref<10000x128xf32, #tpu.memory_space<hbm>>) dst(%dma_wait3A_45 : memref<80x128xf32, #tpu.memory_space<vmem>>)
    %multiple_of3A_50 = arith.constant 0 : i32
    %multiple_of3A_51 = tpu.assume_multiple %multiple_of3A_50, 8 : i32
    %dma_start3A_52 = arith.constant 0 : i32
    %dma_start3A_53 = arith.constant 0 : i32
    %dma_start3A_54 = arith.constant 0 : i32
    %dma_start3A_55 = tpu.memref_slice %arg10[%dma_start3A_52, %dma_start3A_53, %dma_start3A_54] : memref<3x80x128xf32, #tpu.memory_space<vmem>> -> memref<1x80x128xf32, #tpu.memory_space<vmem>>
    %dma_start3A_56 = tpu.memref_squeeze %dma_start3A_55 : memref<1x80x128xf32, #tpu.memory_space<vmem>> -> memref<80x128xf32, #tpu.memory_space<vmem>>
    %dma_start3A_57 = tpu.memref_slice %arg9[%multiple_of3A_51] : memref<10000xi32, #tpu.memory_space<vmem>> -> memref<80xi32, #tpu.memory_space<vmem>>
    %dma_start3A_58 = arith.constant 0 : i32
    %dma_start3A_59 = arith.constant 0 : i32
    %dma_start3A_60 = tpu.memref_slice %arg7[%dma_start3A_58, %dma_start3A_59] : memref<10000x128xf32, #tpu.memory_space<vmem_shared>> -> memref<10000x128xf32, #tpu.memory_space<vmem_shared>>
    tpu.enqueue_indirect_dma source(%dma_start3A_56 : memref<80x128xf32, #tpu.memory_space<vmem>>) target(%dma_start3A_60 : memref<10000x128xf32, #tpu.memory_space<vmem_shared>>) offsets(%dma_start3A_57 : memref<80xi32, #tpu.memory_space<vmem>>) semaphore(%arg14 : memref<!tpu.dma_semaphore, #tpu.memory_space<semaphore_mem>>) {add = true}
    %multiple_of3A_61 = arith.constant 0 : i32
    %multiple_of3A_62 = tpu.assume_multiple %multiple_of3A_61, 8 : i32
    %dma_wait3A_63 = arith.constant 0 : i32
    %dma_wait3A_64 = arith.constant 0 : i32
    %dma_wait3A_65 = arith.constant 0 : i32
    %dma_wait3A_66 = tpu.memref_slice %arg10[%dma_wait3A_63, %dma_wait3A_64, %dma_wait3A_65] : memref<3x80x128xf32, #tpu.memory_space<vmem>> -> memref<1x80x128xf32, #tpu.memory_space<vmem>>
    %dma_wait3A_67 = tpu.memref_squeeze %dma_wait3A_66 : memref<1x80x128xf32, #tpu.memory_space<vmem>> -> memref<80x128xf32, #tpu.memory_space<vmem>>
    %dma_wait3A_68 = tpu.memref_slice %arg9[%multiple_of3A_62] : memref<10000xi32, #tpu.memory_space<vmem>> -> memref<80xi32, #tpu.memory_space<vmem>>
    %dma_wait3A_69 = arith.constant 0 : i32
    %dma_wait3A_70 = arith.constant 0 : i32
    %dma_wait3A_71 = tpu.memref_slice %arg7[%dma_wait3A_69, %dma_wait3A_70] : memref<10000x128xf32, #tpu.memory_space<vmem_shared>> -> memref<10000x128xf32, #tpu.memory_space<vmem_shared>>
    tpu.wait_indirect_dma semaphore(%arg14 : memref<!tpu.dma_semaphore, #tpu.memory_space<semaphore_mem>>) src(%dma_wait3A_67 : memref<80x128xf32, #tpu.memory_space<vmem>>) dst(%dma_wait3A_71 : memref<10000x128xf32, #tpu.memory_space<vmem_shared>>)
    %multiple_of3A_72 = arith.constant 240 : i32
    %multiple_of3A_73 = tpu.assume_multiple %multiple_of3A_72, 8 : i32
    %dma_start3A_74 = arith.constant 0 : i32
    %dma_start3A_75 = arith.constant 0 : i32
    %dma_start3A_76 = arith.constant 0 : i32
    %dma_start3A_77 = tpu.memref_slice %arg10[%dma_start3A_74, %dma_start3A_75, %dma_start3A_76] : memref<3x80x128xf32, #tpu.memory_space<vmem>> -> memref<1x80x128xf32, #tpu.memory_space<vmem>>
    %dma_start3A_78 = tpu.memref_squeeze %dma_start3A_77 : memref<1x80x128xf32, #tpu.memory_space<vmem>> -> memref<80x128xf32, #tpu.memory_space<vmem>>
    %dma_start3A_79 = tpu.memref_slice %arg8[%multiple_of3A_73] : memref<10000xi32, #tpu.memory_space<vmem>> -> memref<80xi32, #tpu.memory_space<vmem>>
    %dma_start3A_80 = arith.constant 0 : i32
    %dma_start3A_81 = arith.constant 0 : i32
    %dma_start3A_82 = tpu.memref_slice %arg2[%dma_start3A_80, %dma_start3A_81] : memref<10000x128xf32, #tpu.memory_space<hbm>> -> memref<10000x128xf32, #tpu.memory_space<hbm>>
    tpu.enqueue_indirect_dma source(%dma_start3A_82 : memref<10000x128xf32, #tpu.memory_space<hbm>>) target(%dma_start3A_78 : memref<80x128xf32, #tpu.memory_space<vmem>>) offsets(%dma_start3A_79 : memref<80xi32, #tpu.memory_space<vmem>>) semaphore(%arg11 : memref<!tpu.dma_semaphore, #tpu.memory_space<semaphore_mem>>)
    %multiple_of3A_83 = arith.constant 0 : i32
    %multiple_of3A_84 = tpu.assume_multiple %multiple_of3A_83, 8 : i32
    %dma_wait3A_85 = arith.constant 1 : i32
    %dma_wait3A_86 = arith.constant 0 : i32
    %dma_wait3A_87 = arith.constant 0 : i32
    %dma_wait3A_88 = tpu.memref_slice %arg10[%dma_wait3A_85, %dma_wait3A_86, %dma_wait3A_87] : memref<3x80x128xf32, #tpu.memory_space<vmem>> -> memref<1x80x128xf32, #tpu.memory_space<vmem>>
    %dma_wait3A_89 = tpu.memref_squeeze %dma_wait3A_88 : memref<1x80x128xf32, #tpu.memory_space<vmem>> -> memref<80x128xf32, #tpu.memory_space<vmem>>
    %dma_wait3A_90 = tpu.memref_slice %arg8[%multiple_of3A_84] : memref<10000xi32, #tpu.memory_space<vmem>> -> memref<80xi32, #tpu.memory_space<vmem>>
    %dma_wait3A_91 = arith.constant 0 : i32
    %dma_wait3A_92 = arith.constant 0 : i32
    %dma_wait3A_93 = tpu.memref_slice %arg2[%dma_wait3A_91, %dma_wait3A_92] : memref<10000x128xf32, #tpu.memory_space<hbm>> -> memref<10000x128xf32, #tpu.memory_space<hbm>>
    tpu.wait_indirect_dma semaphore(%arg12 : memref<!tpu.dma_semaphore, #tpu.memory_space<semaphore_mem>>) src(%dma_wait3A_93 : memref<10000x128xf32, #tpu.memory_space<hbm>>) dst(%dma_wait3A_89 : memref<80x128xf32, #tpu.memory_space<vmem>>)
    %multiple_of3A_94 = arith.constant 80 : i32
    %multiple_of3A_95 = tpu.assume_multiple %multiple_of3A_94, 8 : i32
    %dma_start3A_96 = arith.constant 1 : i32
    %dma_start3A_97 = arith.constant 0 : i32
    %dma_start3A_98 = arith.constant 0 : i32
    %dma_start3A_99 = tpu.memref_slice %arg10[%dma_start3A_96, %dma_start3A_97, %dma_start3A_98] : memref<3x80x128xf32, #tpu.memory_space<vmem>> -> memref<1x80x128xf32, #tpu.memory_space<vmem>>
    %dma_start3A_100 = tpu.memref_squeeze %dma_start3A_99 : memref<1x80x128xf32, #tpu.memory_space<vmem>> -> memref<80x128xf32, #tpu.memory_space<vmem>>
    %dma_start3A_101 = tpu.memref_slice %arg9[%multiple_of3A_95] : memref<10000xi32, #tpu.memory_space<vmem>> -> memref<80xi32, #tpu.memory_space<vmem>>
    %dma_start3A_102 = arith.constant 0 : i32
    %dma_start3A_103 = arith.constant 0 : i32
    %dma_start3A_104 = tpu.memref_slice %arg7[%dma_start3A_102, %dma_start3A_103] : memref<10000x128xf32, #tpu.memory_space<vmem_shared>> -> memref<10000x128xf32, #tpu.memory_space<vmem_shared>>
    tpu.enqueue_indirect_dma source(%dma_start3A_100 : memref<80x128xf32, #tpu.memory_space<vmem>>) target(%dma_start3A_104 : memref<10000x128xf32, #tpu.memory_space<vmem_shared>>) offsets(%dma_start3A_101 : memref<80xi32, #tpu.memory_space<vmem>>) semaphore(%arg15 : memref<!tpu.dma_semaphore, #tpu.memory_space<semaphore_mem>>) {add = true}
    %multiple_of3A_105 = arith.constant 0 : i32
    %multiple_of3A_106 = tpu.assume_multiple %multiple_of3A_105, 8 : i32
    %dma_wait3A_107 = arith.constant 1 : i32
    %dma_wait3A_108 = arith.constant 0 : i32
    %dma_wait3A_109 = arith.constant 0 : i32
    %dma_wait3A_110 = tpu.memref_slice %arg10[%dma_wait3A_107, %dma_wait3A_108, %dma_wait3A_109] : memref<3x80x128xf32, #tpu.memory_space<vmem>> -> memref<1x80x128xf32, #tpu.memory_space<vmem>>
    %dma_wait3A_111 = tpu.memref_squeeze %dma_wait3A_110 : memref<1x80x128xf32, #tpu.memory_space<vmem>> -> memref<80x128xf32, #tpu.memory_space<vmem>>
    %dma_wait3A_112 = tpu.memref_slice %arg9[%multiple_of3A_106] : memref<10000xi32, #tpu.memory_space<vmem>> -> memref<80xi32, #tpu.memory_space<vmem>>
    %dma_wait3A_113 = arith.constant 0 : i32
    %dma_wait3A_114 = arith.constant 0 : i32
    %dma_wait3A_115 = tpu.memref_slice %arg7[%dma_wait3A_113, %dma_wait3A_114] : memref<10000x128xf32, #tpu.memory_space<vmem_shared>> -> memref<10000x128xf32, #tpu.memory_space<vmem_shared>>
    tpu.wait_indirect_dma semaphore(%arg15 : memref<!tpu.dma_semaphore, #tpu.memory_space<semaphore_mem>>) src(%dma_wait3A_111 : memref<80x128xf32, #tpu.memory_space<vmem>>) dst(%dma_wait3A_115 : memref<10000x128xf32, #tpu.memory_space<vmem_shared>>)
    %multiple_of3A_116 = arith.constant 320 : i32
    %multiple_of3A_117 = tpu.assume_multiple %multiple_of3A_116, 8 : i32
    %dma_start3A_118 = arith.constant 1 : i32
    %dma_start3A_119 = arith.constant 0 : i32
    %dma_start3A_120 = arith.constant 0 : i32
    %dma_start3A_121 = tpu.memref_slice %arg10[%dma_start3A_118, %dma_start3A_119, %dma_start3A_120] : memref<3x80x128xf32, #tpu.memory_space<vmem>> -> memref<1x80x128xf32, #tpu.memory_space<vmem>>
    %dma_start3A_122 = tpu.memref_squeeze %dma_start3A_121 : memref<1x80x128xf32, #tpu.memory_space<vmem>> -> memref<80x128xf32, #tpu.memory_space<vmem>>
    %dma_start3A_123 = tpu.memref_slice %arg8[%multiple_of3A_117] : memref<10000xi32, #tpu.memory_space<vmem>> -> memref<80xi32, #tpu.memory_space<vmem>>
    %dma_start3A_124 = arith.constant 0 : i32
    %dma_start3A_125 = arith.constant 0 : i32
    %dma_start3A_126 = tpu.memref_slice %arg2[%dma_start3A_124, %dma_start3A_125] : memref<10000x128xf32, #tpu.memory_space<hbm>> -> memref<10000x128xf32, #tpu.memory_space<hbm>>
    tpu.enqueue_indirect_dma source(%dma_start3A_126 : memref<10000x128xf32, #tpu.memory_space<hbm>>) target(%dma_start3A_122 : memref<80x128xf32, #tpu.memory_space<vmem>>) offsets(%dma_start3A_123 : memref<80xi32, #tpu.memory_space<vmem>>) semaphore(%arg12 : memref<!tpu.dma_semaphore, #tpu.memory_space<semaphore_mem>>)
    %multiple_of3A_127 = arith.constant 0 : i32
    %multiple_of3A_128 = tpu.assume_multiple %multiple_of3A_127, 8 : i32
    %dma_wait3A_129 = arith.constant 2 : i32
    %dma_wait3A_130 = arith.constant 0 : i32
    %dma_wait3A_131 = arith.constant 0 : i32
    %dma_wait3A_132 = tpu.memref_slice %arg10[%dma_wait3A_129, %dma_wait3A_130, %dma_wait3A_131] : memref<3x80x128xf32, #tpu.memory_space<vmem>> -> memref<1x80x128xf32, #tpu.memory_space<vmem>>
    %dma_wait3A_133 = tpu.memref_squeeze %dma_wait3A_132 : memref<1x80x128xf32, #tpu.memory_space<vmem>> -> memref<80x128xf32, #tpu.memory_space<vmem>>
    %dma_wait3A_134 = tpu.memref_slice %arg8[%multiple_of3A_128] : memref<10000xi32, #tpu.memory_space<vmem>> -> memref<80xi32, #tpu.memory_space<vmem>>
    %dma_wait3A_135 = arith.constant 0 : i32
    %dma_wait3A_136 = arith.constant 0 : i32
    %dma_wait3A_137 = tpu.memref_slice %arg2[%dma_wait3A_135, %dma_wait3A_136] : memref<10000x128xf32, #tpu.memory_space<hbm>> -> memref<10000x128xf32, #tpu.memory_space<hbm>>
    tpu.wait_indirect_dma semaphore(%arg13 : memref<!tpu.dma_semaphore, #tpu.memory_space<semaphore_mem>>) src(%dma_wait3A_137 : memref<10000x128xf32, #tpu.memory_space<hbm>>) dst(%dma_wait3A_133 : memref<80x128xf32, #tpu.memory_space<vmem>>)
    %multiple_of3A_138 = arith.constant 160 : i32
    %multiple_of3A_139 = tpu.assume_multiple %multiple_of3A_138, 8 : i32
    %dma_start3A_140 = arith.constant 2 : i32
    %dma_start3A_141 = arith.constant 0 : i32
    %dma_start3A_142 = arith.constant 0 : i32
    %dma_start3A_143 = tpu.memref_slice %arg10[%dma_start3A_140, %dma_start3A_141, %dma_start3A_142] : memref<3x80x128xf32, #tpu.memory_space<vmem>> -> memref<1x80x128xf32, #tpu.memory_space<vmem>>
    %dma_start3A_144 = tpu.memref_squeeze %dma_start3A_143 : memref<1x80x128xf32, #tpu.memory_space<vmem>> -> memref<80x128xf32, #tpu.memory_space<vmem>>
    %dma_start3A_145 = tpu.memref_slice %arg9[%multiple_of3A_139] : memref<10000xi32, #tpu.memory_space<vmem>> -> memref<80xi32, #tpu.memory_space<vmem>>
    %dma_start3A_146 = arith.constant 0 : i32
    %dma_start3A_147 = arith.constant 0 : i32
    %dma_start3A_148 = tpu.memref_slice %arg7[%dma_start3A_146, %dma_start3A_147] : memref<10000x128xf32, #tpu.memory_space<vmem_shared>> -> memref<10000x128xf32, #tpu.memory_space<vmem_shared>>
    tpu.enqueue_indirect_dma source(%dma_start3A_144 : memref<80x128xf32, #tpu.memory_space<vmem>>) target(%dma_start3A_148 : memref<10000x128xf32, #tpu.memory_space<vmem_shared>>) offsets(%dma_start3A_145 : memref<80xi32, #tpu.memory_space<vmem>>) semaphore(%arg16 : memref<!tpu.dma_semaphore, #tpu.memory_space<semaphore_mem>>) {add = true}
    %scan3A = arith.constant 0 : i32
    %scan3A_149 = arith.constant 1 : i32
    %scan3A_150 = arith.constant 40 : i32
    %scan3A_151 = arith.addi %scan3A_149, %scan3A_150 : i32
    %scan3A_152 = arith.constant 1 : i32
    scf.for %scan3A_237 = %scan3A_149 to %scan3A_151 step %scan3A_152  : i32 {
      %mul3A_238 = arith.constant 3 : i32
      %mul3A_239 = arith.muli %scan3A_237, %mul3A_238 : i32
      %add3A_240 = arith.constant 0 : i32
      %add3A_241 = arith.addi %mul3A_239, %add3A_240 : i32
      %multiple_of3A_242 = arith.constant 0 : i32
      %multiple_of3A_243 = tpu.assume_multiple %multiple_of3A_242, 8 : i32
      %dma_wait3A_244 = arith.constant 2 : i32
      %dma_wait3A_245 = arith.constant 0 : i32
      %dma_wait3A_246 = arith.constant 0 : i32
      %dma_wait3A_247 = tpu.memref_slice %arg10[%dma_wait3A_244, %dma_wait3A_245, %dma_wait3A_246] : memref<3x80x128xf32, #tpu.memory_space<vmem>> -> memref<1x80x128xf32, #tpu.memory_space<vmem>>
      %dma_wait3A_248 = tpu.memref_squeeze %dma_wait3A_247 : memref<1x80x128xf32, #tpu.memory_space<vmem>> -> memref<80x128xf32, #tpu.memory_space<vmem>>
      %dma_wait3A_249 = tpu.memref_slice %arg9[%multiple_of3A_243] : memref<10000xi32, #tpu.memory_space<vmem>> -> memref<80xi32, #tpu.memory_space<vmem>>
      %dma_wait3A_250 = arith.constant 0 : i32
      %dma_wait3A_251 = arith.constant 0 : i32
      %dma_wait3A_252 = tpu.memref_slice %arg7[%dma_wait3A_250, %dma_wait3A_251] : memref<10000x128xf32, #tpu.memory_space<vmem_shared>> -> memref<10000x128xf32, #tpu.memory_space<vmem_shared>>
      tpu.wait_indirect_dma semaphore(%arg16 : memref<!tpu.dma_semaphore, #tpu.memory_space<semaphore_mem>>) src(%dma_wait3A_248 : memref<80x128xf32, #tpu.memory_space<vmem>>) dst(%dma_wait3A_252 : memref<10000x128xf32, #tpu.memory_space<vmem_shared>>)
      %add3A_253 = arith.constant 2 : i32
      %add3A_254 = arith.addi %add3A_241, %add3A_253 : i32
      %mul3A_255 = arith.constant 80 : i32
      %mul3A_256 = arith.muli %add3A_254, %mul3A_255 : i32
      %multiple_of3A_257 = tpu.assume_multiple %mul3A_256, 8 : i32
      %dma_start3A_258 = arith.constant 2 : i32
      %dma_start3A_259 = arith.constant 0 : i32
      %dma_start3A_260 = arith.constant 0 : i32
      %dma_start3A_261 = tpu.memref_slice %arg10[%dma_start3A_258, %dma_start3A_259, %dma_start3A_260] : memref<3x80x128xf32, #tpu.memory_space<vmem>> -> memref<1x80x128xf32, #tpu.memory_space<vmem>>
      %dma_start3A_262 = tpu.memref_squeeze %dma_start3A_261 : memref<1x80x128xf32, #tpu.memory_space<vmem>> -> memref<80x128xf32, #tpu.memory_space<vmem>>
      %dma_start3A_263 = tpu.memref_slice %arg8[%multiple_of3A_257] : memref<10000xi32, #tpu.memory_space<vmem>> -> memref<80xi32, #tpu.memory_space<vmem>>
      %dma_start3A_264 = arith.constant 0 : i32
      %dma_start3A_265 = arith.constant 0 : i32
      %dma_start3A_266 = tpu.memref_slice %arg2[%dma_start3A_264, %dma_start3A_265] : memref<10000x128xf32, #tpu.memory_space<hbm>> -> memref<10000x128xf32, #tpu.memory_space<hbm>>
      tpu.enqueue_indirect_dma source(%dma_start3A_266 : memref<10000x128xf32, #tpu.memory_space<hbm>>) target(%dma_start3A_262 : memref<80x128xf32, #tpu.memory_space<vmem>>) offsets(%dma_start3A_263 : memref<80xi32, #tpu.memory_space<vmem>>) semaphore(%arg13 : memref<!tpu.dma_semaphore, #tpu.memory_space<semaphore_mem>>)
      %multiple_of3A_267 = arith.constant 0 : i32
      %multiple_of3A_268 = tpu.assume_multiple %multiple_of3A_267, 8 : i32
      %dma_wait3A_269 = arith.constant 0 : i32
      %dma_wait3A_270 = arith.constant 0 : i32
      %dma_wait3A_271 = arith.constant 0 : i32
      %dma_wait3A_272 = tpu.memref_slice %arg10[%dma_wait3A_269, %dma_wait3A_270, %dma_wait3A_271] : memref<3x80x128xf32, #tpu.memory_space<vmem>> -> memref<1x80x128xf32, #tpu.memory_space<vmem>>
      %dma_wait3A_273 = tpu.memref_squeeze %dma_wait3A_272 : memref<1x80x128xf32, #tpu.memory_space<vmem>> -> memref<80x128xf32, #tpu.memory_space<vmem>>
      %dma_wait3A_274 = tpu.memref_slice %arg8[%multiple_of3A_268] : memref<10000xi32, #tpu.memory_space<vmem>> -> memref<80xi32, #tpu.memory_space<vmem>>
      %dma_wait3A_275 = arith.constant 0 : i32
      %dma_wait3A_276 = arith.constant 0 : i32
      %dma_wait3A_277 = tpu.memref_slice %arg2[%dma_wait3A_275, %dma_wait3A_276] : memref<10000x128xf32, #tpu.memory_space<hbm>> -> memref<10000x128xf32, #tpu.memory_space<hbm>>
      tpu.wait_indirect_dma semaphore(%arg11 : memref<!tpu.dma_semaphore, #tpu.memory_space<semaphore_mem>>) src(%dma_wait3A_277 : memref<10000x128xf32, #tpu.memory_space<hbm>>) dst(%dma_wait3A_273 : memref<80x128xf32, #tpu.memory_space<vmem>>)
      %mul3A_278 = arith.constant 80 : i32
      %mul3A_279 = arith.muli %add3A_241, %mul3A_278 : i32
      %multiple_of3A_280 = tpu.assume_multiple %mul3A_279, 8 : i32
      %dma_start3A_281 = arith.constant 0 : i32
      %dma_start3A_282 = arith.constant 0 : i32
      %dma_start3A_283 = arith.constant 0 : i32
      %dma_start3A_284 = tpu.memref_slice %arg10[%dma_start3A_281, %dma_start3A_282, %dma_start3A_283] : memref<3x80x128xf32, #tpu.memory_space<vmem>> -> memref<1x80x128xf32, #tpu.memory_space<vmem>>
      %dma_start3A_285 = tpu.memref_squeeze %dma_start3A_284 : memref<1x80x128xf32, #tpu.memory_space<vmem>> -> memref<80x128xf32, #tpu.memory_space<vmem>>
      %dma_start3A_286 = tpu.memref_slice %arg9[%multiple_of3A_280] : memref<10000xi32, #tpu.memory_space<vmem>> -> memref<80xi32, #tpu.memory_space<vmem>>
      %dma_start3A_287 = arith.constant 0 : i32
      %dma_start3A_288 = arith.constant 0 : i32
      %dma_start3A_289 = tpu.memref_slice %arg7[%dma_start3A_287, %dma_start3A_288] : memref<10000x128xf32, #tpu.memory_space<vmem_shared>> -> memref<10000x128xf32, #tpu.memory_space<vmem_shared>>
      tpu.enqueue_indirect_dma source(%dma_start3A_285 : memref<80x128xf32, #tpu.memory_space<vmem>>) target(%dma_start3A_289 : memref<10000x128xf32, #tpu.memory_space<vmem_shared>>) offsets(%dma_start3A_286 : memref<80xi32, #tpu.memory_space<vmem>>) semaphore(%arg14 : memref<!tpu.dma_semaphore, #tpu.memory_space<semaphore_mem>>) {add = true}
      %mul3A_290 = arith.constant 3 : i32
      %mul3A_291 = arith.muli %scan3A_237, %mul3A_290 : i32
      %add3A_292 = arith.constant 1 : i32
      %add3A_293 = arith.addi %mul3A_291, %add3A_292 : i32
      %multiple_of3A_294 = arith.constant 0 : i32
      %multiple_of3A_295 = tpu.assume_multiple %multiple_of3A_294, 8 : i32
      %dma_wait3A_296 = arith.constant 0 : i32
      %dma_wait3A_297 = arith.constant 0 : i32
      %dma_wait3A_298 = arith.constant 0 : i32
      %dma_wait3A_299 = tpu.memref_slice %arg10[%dma_wait3A_296, %dma_wait3A_297, %dma_wait3A_298] : memref<3x80x128xf32, #tpu.memory_space<vmem>> -> memref<1x80x128xf32, #tpu.memory_space<vmem>>
      %dma_wait3A_300 = tpu.memref_squeeze %dma_wait3A_299 : memref<1x80x128xf32, #tpu.memory_space<vmem>> -> memref<80x128xf32, #tpu.memory_space<vmem>>
      %dma_wait3A_301 = tpu.memref_slice %arg9[%multiple_of3A_295] : memref<10000xi32, #tpu.memory_space<vmem>> -> memref<80xi32, #tpu.memory_space<vmem>>
      %dma_wait3A_302 = arith.constant 0 : i32
      %dma_wait3A_303 = arith.constant 0 : i32
      %dma_wait3A_304 = tpu.memref_slice %arg7[%dma_wait3A_302, %dma_wait3A_303] : memref<10000x128xf32, #tpu.memory_space<vmem_shared>> -> memref<10000x128xf32, #tpu.memory_space<vmem_shared>>
      tpu.wait_indirect_dma semaphore(%arg14 : memref<!tpu.dma_semaphore, #tpu.memory_space<semaphore_mem>>) src(%dma_wait3A_300 : memref<80x128xf32, #tpu.memory_space<vmem>>) dst(%dma_wait3A_304 : memref<10000x128xf32, #tpu.memory_space<vmem_shared>>)
      %add3A_305 = arith.constant 2 : i32
      %add3A_306 = arith.addi %add3A_293, %add3A_305 : i32
      %mul3A_307 = arith.constant 80 : i32
      %mul3A_308 = arith.muli %add3A_306, %mul3A_307 : i32
      %multiple_of3A_309 = tpu.assume_multiple %mul3A_308, 8 : i32
      %dma_start3A_310 = arith.constant 0 : i32
      %dma_start3A_311 = arith.constant 0 : i32
      %dma_start3A_312 = arith.constant 0 : i32
      %dma_start3A_313 = tpu.memref_slice %arg10[%dma_start3A_310, %dma_start3A_311, %dma_start3A_312] : memref<3x80x128xf32, #tpu.memory_space<vmem>> -> memref<1x80x128xf32, #tpu.memory_space<vmem>>
      %dma_start3A_314 = tpu.memref_squeeze %dma_start3A_313 : memref<1x80x128xf32, #tpu.memory_space<vmem>> -> memref<80x128xf32, #tpu.memory_space<vmem>>
      %dma_start3A_315 = tpu.memref_slice %arg8[%multiple_of3A_309] : memref<10000xi32, #tpu.memory_space<vmem>> -> memref<80xi32, #tpu.memory_space<vmem>>
      %dma_start3A_316 = arith.constant 0 : i32
      %dma_start3A_317 = arith.constant 0 : i32
      %dma_start3A_318 = tpu.memref_slice %arg2[%dma_start3A_316, %dma_start3A_317] : memref<10000x128xf32, #tpu.memory_space<hbm>> -> memref<10000x128xf32, #tpu.memory_space<hbm>>
      tpu.enqueue_indirect_dma source(%dma_start3A_318 : memref<10000x128xf32, #tpu.memory_space<hbm>>) target(%dma_start3A_314 : memref<80x128xf32, #tpu.memory_space<vmem>>) offsets(%dma_start3A_315 : memref<80xi32, #tpu.memory_space<vmem>>) semaphore(%arg11 : memref<!tpu.dma_semaphore, #tpu.memory_space<semaphore_mem>>)
      %multiple_of3A_319 = arith.constant 0 : i32
      %multiple_of3A_320 = tpu.assume_multiple %multiple_of3A_319, 8 : i32
      %dma_wait3A_321 = arith.constant 1 : i32
      %dma_wait3A_322 = arith.constant 0 : i32
      %dma_wait3A_323 = arith.constant 0 : i32
      %dma_wait3A_324 = tpu.memref_slice %arg10[%dma_wait3A_321, %dma_wait3A_322, %dma_wait3A_323] : memref<3x80x128xf32, #tpu.memory_space<vmem>> -> memref<1x80x128xf32, #tpu.memory_space<vmem>>
      %dma_wait3A_325 = tpu.memref_squeeze %dma_wait3A_324 : memref<1x80x128xf32, #tpu.memory_space<vmem>> -> memref<80x128xf32, #tpu.memory_space<vmem>>
      %dma_wait3A_326 = tpu.memref_slice %arg8[%multiple_of3A_320] : memref<10000xi32, #tpu.memory_space<vmem>> -> memref<80xi32, #tpu.memory_space<vmem>>
      %dma_wait3A_327 = arith.constant 0 : i32
      %dma_wait3A_328 = arith.constant 0 : i32
      %dma_wait3A_329 = tpu.memref_slice %arg2[%dma_wait3A_327, %dma_wait3A_328] : memref<10000x128xf32, #tpu.memory_space<hbm>> -> memref<10000x128xf32, #tpu.memory_space<hbm>>
      tpu.wait_indirect_dma semaphore(%arg12 : memref<!tpu.dma_semaphore, #tpu.memory_space<semaphore_mem>>) src(%dma_wait3A_329 : memref<10000x128xf32, #tpu.memory_space<hbm>>) dst(%dma_wait3A_325 : memref<80x128xf32, #tpu.memory_space<vmem>>)
      %mul3A_330 = arith.constant 80 : i32
      %mul3A_331 = arith.muli %add3A_293, %mul3A_330 : i32
      %multiple_of3A_332 = tpu.assume_multiple %mul3A_331, 8 : i32
      %dma_start3A_333 = arith.constant 1 : i32
      %dma_start3A_334 = arith.constant 0 : i32
      %dma_start3A_335 = arith.constant 0 : i32
      %dma_start3A_336 = tpu.memref_slice %arg10[%dma_start3A_333, %dma_start3A_334, %dma_start3A_335] : memref<3x80x128xf32, #tpu.memory_space<vmem>> -> memref<1x80x128xf32, #tpu.memory_space<vmem>>
      %dma_start3A_337 = tpu.memref_squeeze %dma_start3A_336 : memref<1x80x128xf32, #tpu.memory_space<vmem>> -> memref<80x128xf32, #tpu.memory_space<vmem>>
      %dma_start3A_338 = tpu.memref_slice %arg9[%multiple_of3A_332] : memref<10000xi32, #tpu.memory_space<vmem>> -> memref<80xi32, #tpu.memory_space<vmem>>
      %dma_start3A_339 = arith.constant 0 : i32
      %dma_start3A_340 = arith.constant 0 : i32
      %dma_start3A_341 = tpu.memref_slice %arg7[%dma_start3A_339, %dma_start3A_340] : memref<10000x128xf32, #tpu.memory_space<vmem_shared>> -> memref<10000x128xf32, #tpu.memory_space<vmem_shared>>
      tpu.enqueue_indirect_dma source(%dma_start3A_337 : memref<80x128xf32, #tpu.memory_space<vmem>>) target(%dma_start3A_341 : memref<10000x128xf32, #tpu.memory_space<vmem_shared>>) offsets(%dma_start3A_338 : memref<80xi32, #tpu.memory_space<vmem>>) semaphore(%arg15 : memref<!tpu.dma_semaphore, #tpu.memory_space<semaphore_mem>>) {add = true}
      %mul3A_342 = arith.constant 3 : i32
      %mul3A_343 = arith.muli %scan3A_237, %mul3A_342 : i32
      %add3A_344 = arith.constant 2 : i32
      %add3A_345 = arith.addi %mul3A_343, %add3A_344 : i32
      %multiple_of3A_346 = arith.constant 0 : i32
      %multiple_of3A_347 = tpu.assume_multiple %multiple_of3A_346, 8 : i32
      %dma_wait3A_348 = arith.constant 1 : i32
      %dma_wait3A_349 = arith.constant 0 : i32
      %dma_wait3A_350 = arith.constant 0 : i32
      %dma_wait3A_351 = tpu.memref_slice %arg10[%dma_wait3A_348, %dma_wait3A_349, %dma_wait3A_350] : memref<3x80x128xf32, #tpu.memory_space<vmem>> -> memref<1x80x128xf32, #tpu.memory_space<vmem>>
      %dma_wait3A_352 = tpu.memref_squeeze %dma_wait3A_351 : memref<1x80x128xf32, #tpu.memory_space<vmem>> -> memref<80x128xf32, #tpu.memory_space<vmem>>
      %dma_wait3A_353 = tpu.memref_slice %arg9[%multiple_of3A_347] : memref<10000xi32, #tpu.memory_space<vmem>> -> memref<80xi32, #tpu.memory_space<vmem>>
      %dma_wait3A_354 = arith.constant 0 : i32
      %dma_wait3A_355 = arith.constant 0 : i32
      %dma_wait3A_356 = tpu.memref_slice %arg7[%dma_wait3A_354, %dma_wait3A_355] : memref<10000x128xf32, #tpu.memory_space<vmem_shared>> -> memref<10000x128xf32, #tpu.memory_space<vmem_shared>>
      tpu.wait_indirect_dma semaphore(%arg15 : memref<!tpu.dma_semaphore, #tpu.memory_space<semaphore_mem>>) src(%dma_wait3A_352 : memref<80x128xf32, #tpu.memory_space<vmem>>) dst(%dma_wait3A_356 : memref<10000x128xf32, #tpu.memory_space<vmem_shared>>)
      %add3A_357 = arith.constant 2 : i32
      %add3A_358 = arith.addi %add3A_345, %add3A_357 : i32
      %mul3A_359 = arith.constant 80 : i32
      %mul3A_360 = arith.muli %add3A_358, %mul3A_359 : i32
      %multiple_of3A_361 = tpu.assume_multiple %mul3A_360, 8 : i32
      %dma_start3A_362 = arith.constant 1 : i32
      %dma_start3A_363 = arith.constant 0 : i32
      %dma_start3A_364 = arith.constant 0 : i32
      %dma_start3A_365 = tpu.memref_slice %arg10[%dma_start3A_362, %dma_start3A_363, %dma_start3A_364] : memref<3x80x128xf32, #tpu.memory_space<vmem>> -> memref<1x80x128xf32, #tpu.memory_space<vmem>>
      %dma_start3A_366 = tpu.memref_squeeze %dma_start3A_365 : memref<1x80x128xf32, #tpu.memory_space<vmem>> -> memref<80x128xf32, #tpu.memory_space<vmem>>
      %dma_start3A_367 = tpu.memref_slice %arg8[%multiple_of3A_361] : memref<10000xi32, #tpu.memory_space<vmem>> -> memref<80xi32, #tpu.memory_space<vmem>>
      %dma_start3A_368 = arith.constant 0 : i32
      %dma_start3A_369 = arith.constant 0 : i32
      %dma_start3A_370 = tpu.memref_slice %arg2[%dma_start3A_368, %dma_start3A_369] : memref<10000x128xf32, #tpu.memory_space<hbm>> -> memref<10000x128xf32, #tpu.memory_space<hbm>>
      tpu.enqueue_indirect_dma source(%dma_start3A_370 : memref<10000x128xf32, #tpu.memory_space<hbm>>) target(%dma_start3A_366 : memref<80x128xf32, #tpu.memory_space<vmem>>) offsets(%dma_start3A_367 : memref<80xi32, #tpu.memory_space<vmem>>) semaphore(%arg12 : memref<!tpu.dma_semaphore, #tpu.memory_space<semaphore_mem>>)
      %multiple_of3A_371 = arith.constant 0 : i32
      %multiple_of3A_372 = tpu.assume_multiple %multiple_of3A_371, 8 : i32
      %dma_wait3A_373 = arith.constant 2 : i32
      %dma_wait3A_374 = arith.constant 0 : i32
      %dma_wait3A_375 = arith.constant 0 : i32
      %dma_wait3A_376 = tpu.memref_slice %arg10[%dma_wait3A_373, %dma_wait3A_374, %dma_wait3A_375] : memref<3x80x128xf32, #tpu.memory_space<vmem>> -> memref<1x80x128xf32, #tpu.memory_space<vmem>>
      %dma_wait3A_377 = tpu.memref_squeeze %dma_wait3A_376 : memref<1x80x128xf32, #tpu.memory_space<vmem>> -> memref<80x128xf32, #tpu.memory_space<vmem>>
      %dma_wait3A_378 = tpu.memref_slice %arg8[%multiple_of3A_372] : memref<10000xi32, #tpu.memory_space<vmem>> -> memref<80xi32, #tpu.memory_space<vmem>>
      %dma_wait3A_379 = arith.constant 0 : i32
      %dma_wait3A_380 = arith.constant 0 : i32
      %dma_wait3A_381 = tpu.memref_slice %arg2[%dma_wait3A_379, %dma_wait3A_380] : memref<10000x128xf32, #tpu.memory_space<hbm>> -> memref<10000x128xf32, #tpu.memory_space<hbm>>
      tpu.wait_indirect_dma semaphore(%arg13 : memref<!tpu.dma_semaphore, #tpu.memory_space<semaphore_mem>>) src(%dma_wait3A_381 : memref<10000x128xf32, #tpu.memory_space<hbm>>) dst(%dma_wait3A_377 : memref<80x128xf32, #tpu.memory_space<vmem>>)
      %mul3A_382 = arith.constant 80 : i32
      %mul3A_383 = arith.muli %add3A_345, %mul3A_382 : i32
      %multiple_of3A_384 = tpu.assume_multiple %mul3A_383, 8 : i32
      %dma_start3A_385 = arith.constant 2 : i32
      %dma_start3A_386 = arith.constant 0 : i32
      %dma_start3A_387 = arith.constant 0 : i32
      %dma_start3A_388 = tpu.memref_slice %arg10[%dma_start3A_385, %dma_start3A_386, %dma_start3A_387] : memref<3x80x128xf32, #tpu.memory_space<vmem>> -> memref<1x80x128xf32, #tpu.memory_space<vmem>>
      %dma_start3A_389 = tpu.memref_squeeze %dma_start3A_388 : memref<1x80x128xf32, #tpu.memory_space<vmem>> -> memref<80x128xf32, #tpu.memory_space<vmem>>
      %dma_start3A_390 = tpu.memref_slice %arg9[%multiple_of3A_384] : memref<10000xi32, #tpu.memory_space<vmem>> -> memref<80xi32, #tpu.memory_space<vmem>>
      %dma_start3A_391 = arith.constant 0 : i32
      %dma_start3A_392 = arith.constant 0 : i32
      %dma_start3A_393 = tpu.memref_slice %arg7[%dma_start3A_391, %dma_start3A_392] : memref<10000x128xf32, #tpu.memory_space<vmem_shared>> -> memref<10000x128xf32, #tpu.memory_space<vmem_shared>>
      tpu.enqueue_indirect_dma source(%dma_start3A_389 : memref<80x128xf32, #tpu.memory_space<vmem>>) target(%dma_start3A_393 : memref<10000x128xf32, #tpu.memory_space<vmem_shared>>) offsets(%dma_start3A_390 : memref<80xi32, #tpu.memory_space<vmem>>) semaphore(%arg16 : memref<!tpu.dma_semaphore, #tpu.memory_space<semaphore_mem>>) {add = true}
    }
    %scan3A_153 = arith.constant 40 : i32
    %multiple_of3A_154 = arith.constant 0 : i32
    %multiple_of3A_155 = tpu.assume_multiple %multiple_of3A_154, 8 : i32
    %dma_wait3A_156 = arith.constant 0 : i32
    %dma_wait3A_157 = arith.constant 0 : i32
    %dma_wait3A_158 = arith.constant 0 : i32
    %dma_wait3A_159 = tpu.memref_slice %arg10[%dma_wait3A_156, %dma_wait3A_157, %dma_wait3A_158] : memref<3x80x128xf32, #tpu.memory_space<vmem>> -> memref<1x80x128xf32, #tpu.memory_space<vmem>>
    %dma_wait3A_160 = tpu.memref_squeeze %dma_wait3A_159 : memref<1x80x128xf32, #tpu.memory_space<vmem>> -> memref<80x128xf32, #tpu.memory_space<vmem>>
    %dma_wait3A_161 = tpu.memref_slice %arg8[%multiple_of3A_155] : memref<10000xi32, #tpu.memory_space<vmem>> -> memref<80xi32, #tpu.memory_space<vmem>>
    %dma_wait3A_162 = arith.constant 0 : i32
    %dma_wait3A_163 = arith.constant 0 : i32
    %dma_wait3A_164 = tpu.memref_slice %arg2[%dma_wait3A_162, %dma_wait3A_163] : memref<10000x128xf32, #tpu.memory_space<hbm>> -> memref<10000x128xf32, #tpu.memory_space<hbm>>
    tpu.wait_indirect_dma semaphore(%arg11 : memref<!tpu.dma_semaphore, #tpu.memory_space<semaphore_mem>>) src(%dma_wait3A_164 : memref<10000x128xf32, #tpu.memory_space<hbm>>) dst(%dma_wait3A_160 : memref<80x128xf32, #tpu.memory_space<vmem>>)
    %multiple_of3A_165 = arith.constant 9840 : i32
    %multiple_of3A_166 = tpu.assume_multiple %multiple_of3A_165, 8 : i32
    %dma_start3A_167 = arith.constant 0 : i32
    %dma_start3A_168 = arith.constant 0 : i32
    %dma_start3A_169 = arith.constant 0 : i32
    %dma_start3A_170 = tpu.memref_slice %arg10[%dma_start3A_167, %dma_start3A_168, %dma_start3A_169] : memref<3x80x128xf32, #tpu.memory_space<vmem>> -> memref<1x80x128xf32, #tpu.memory_space<vmem>>
    %dma_start3A_171 = tpu.memref_squeeze %dma_start3A_170 : memref<1x80x128xf32, #tpu.memory_space<vmem>> -> memref<80x128xf32, #tpu.memory_space<vmem>>
    %dma_start3A_172 = tpu.memref_slice %arg9[%multiple_of3A_166] : memref<10000xi32, #tpu.memory_space<vmem>> -> memref<80xi32, #tpu.memory_space<vmem>>
    %dma_start3A_173 = arith.constant 0 : i32
    %dma_start3A_174 = arith.constant 0 : i32
    %dma_start3A_175 = tpu.memref_slice %arg7[%dma_start3A_173, %dma_start3A_174] : memref<10000x128xf32, #tpu.memory_space<vmem_shared>> -> memref<10000x128xf32, #tpu.memory_space<vmem_shared>>
    tpu.enqueue_indirect_dma source(%dma_start3A_171 : memref<80x128xf32, #tpu.memory_space<vmem>>) target(%dma_start3A_175 : memref<10000x128xf32, #tpu.memory_space<vmem_shared>>) offsets(%dma_start3A_172 : memref<80xi32, #tpu.memory_space<vmem>>) semaphore(%arg14 : memref<!tpu.dma_semaphore, #tpu.memory_space<semaphore_mem>>) {add = true}
    %multiple_of3A_176 = arith.constant 0 : i32
    %multiple_of3A_177 = tpu.assume_multiple %multiple_of3A_176, 8 : i32
    %dma_wait3A_178 = arith.constant 1 : i32
    %dma_wait3A_179 = arith.constant 0 : i32
    %dma_wait3A_180 = arith.constant 0 : i32
    %dma_wait3A_181 = tpu.memref_slice %arg10[%dma_wait3A_178, %dma_wait3A_179, %dma_wait3A_180] : memref<3x80x128xf32, #tpu.memory_space<vmem>> -> memref<1x80x128xf32, #tpu.memory_space<vmem>>
    %dma_wait3A_182 = tpu.memref_squeeze %dma_wait3A_181 : memref<1x80x128xf32, #tpu.memory_space<vmem>> -> memref<80x128xf32, #tpu.memory_space<vmem>>
    %dma_wait3A_183 = tpu.memref_slice %arg8[%multiple_of3A_177] : memref<10000xi32, #tpu.memory_space<vmem>> -> memref<80xi32, #tpu.memory_space<vmem>>
    %dma_wait3A_184 = arith.constant 0 : i32
    %dma_wait3A_185 = arith.constant 0 : i32
    %dma_wait3A_186 = tpu.memref_slice %arg2[%dma_wait3A_184, %dma_wait3A_185] : memref<10000x128xf32, #tpu.memory_space<hbm>> -> memref<10000x128xf32, #tpu.memory_space<hbm>>
    tpu.wait_indirect_dma semaphore(%arg12 : memref<!tpu.dma_semaphore, #tpu.memory_space<semaphore_mem>>) src(%dma_wait3A_186 : memref<10000x128xf32, #tpu.memory_space<hbm>>) dst(%dma_wait3A_182 : memref<80x128xf32, #tpu.memory_space<vmem>>)
    %multiple_of3A_187 = arith.constant 9920 : i32
    %multiple_of3A_188 = tpu.assume_multiple %multiple_of3A_187, 8 : i32
    %dma_start3A_189 = arith.constant 1 : i32
    %dma_start3A_190 = arith.constant 0 : i32
    %dma_start3A_191 = arith.constant 0 : i32
    %dma_start3A_192 = tpu.memref_slice %arg10[%dma_start3A_189, %dma_start3A_190, %dma_start3A_191] : memref<3x80x128xf32, #tpu.memory_space<vmem>> -> memref<1x80x128xf32, #tpu.memory_space<vmem>>
    %dma_start3A_193 = tpu.memref_squeeze %dma_start3A_192 : memref<1x80x128xf32, #tpu.memory_space<vmem>> -> memref<80x128xf32, #tpu.memory_space<vmem>>
    %dma_start3A_194 = tpu.memref_slice %arg9[%multiple_of3A_188] : memref<10000xi32, #tpu.memory_space<vmem>> -> memref<80xi32, #tpu.memory_space<vmem>>
    %dma_start3A_195 = arith.constant 0 : i32
    %dma_start3A_196 = arith.constant 0 : i32
    %dma_start3A_197 = tpu.memref_slice %arg7[%dma_start3A_195, %dma_start3A_196] : memref<10000x128xf32, #tpu.memory_space<vmem_shared>> -> memref<10000x128xf32, #tpu.memory_space<vmem_shared>>
    tpu.enqueue_indirect_dma source(%dma_start3A_193 : memref<80x128xf32, #tpu.memory_space<vmem>>) target(%dma_start3A_197 : memref<10000x128xf32, #tpu.memory_space<vmem_shared>>) offsets(%dma_start3A_194 : memref<80xi32, #tpu.memory_space<vmem>>) semaphore(%arg15 : memref<!tpu.dma_semaphore, #tpu.memory_space<semaphore_mem>>) {add = true}
    %multiple_of3A_198 = arith.constant 0 : i32
    %multiple_of3A_199 = tpu.assume_multiple %multiple_of3A_198, 8 : i32
    %dma_wait3A_200 = arith.constant 0 : i32
    %dma_wait3A_201 = arith.constant 0 : i32
    %dma_wait3A_202 = arith.constant 0 : i32
    %dma_wait3A_203 = tpu.memref_slice %arg10[%dma_wait3A_200, %dma_wait3A_201, %dma_wait3A_202] : memref<3x80x128xf32, #tpu.memory_space<vmem>> -> memref<1x80x128xf32, #tpu.memory_space<vmem>>
    %dma_wait3A_204 = tpu.memref_squeeze %dma_wait3A_203 : memref<1x80x128xf32, #tpu.memory_space<vmem>> -> memref<80x128xf32, #tpu.memory_space<vmem>>
    %dma_wait3A_205 = tpu.memref_slice %arg9[%multiple_of3A_199] : memref<10000xi32, #tpu.memory_space<vmem>> -> memref<80xi32, #tpu.memory_space<vmem>>
    %dma_wait3A_206 = arith.constant 0 : i32
    %dma_wait3A_207 = arith.constant 0 : i32
    %dma_wait3A_208 = tpu.memref_slice %arg7[%dma_wait3A_206, %dma_wait3A_207] : memref<10000x128xf32, #tpu.memory_space<vmem_shared>> -> memref<10000x128xf32, #tpu.memory_space<vmem_shared>>
    tpu.wait_indirect_dma semaphore(%arg14 : memref<!tpu.dma_semaphore, #tpu.memory_space<semaphore_mem>>) src(%dma_wait3A_204 : memref<80x128xf32, #tpu.memory_space<vmem>>) dst(%dma_wait3A_208 : memref<10000x128xf32, #tpu.memory_space<vmem_shared>>)
    %multiple_of3A_209 = arith.constant 0 : i32
    %multiple_of3A_210 = tpu.assume_multiple %multiple_of3A_209, 8 : i32
    %dma_wait3A_211 = arith.constant 1 : i32
    %dma_wait3A_212 = arith.constant 0 : i32
    %dma_wait3A_213 = arith.constant 0 : i32
    %dma_wait3A_214 = tpu.memref_slice %arg10[%dma_wait3A_211, %dma_wait3A_212, %dma_wait3A_213] : memref<3x80x128xf32, #tpu.memory_space<vmem>> -> memref<1x80x128xf32, #tpu.memory_space<vmem>>
    %dma_wait3A_215 = tpu.memref_squeeze %dma_wait3A_214 : memref<1x80x128xf32, #tpu.memory_space<vmem>> -> memref<80x128xf32, #tpu.memory_space<vmem>>
    %dma_wait3A_216 = tpu.memref_slice %arg9[%multiple_of3A_210] : memref<10000xi32, #tpu.memory_space<vmem>> -> memref<80xi32, #tpu.memory_space<vmem>>
    %dma_wait3A_217 = arith.constant 0 : i32
    %dma_wait3A_218 = arith.constant 0 : i32
    %dma_wait3A_219 = tpu.memref_slice %arg7[%dma_wait3A_217, %dma_wait3A_218] : memref<10000x128xf32, #tpu.memory_space<vmem_shared>> -> memref<10000x128xf32, #tpu.memory_space<vmem_shared>>
    tpu.wait_indirect_dma semaphore(%arg15 : memref<!tpu.dma_semaphore, #tpu.memory_space<semaphore_mem>>) src(%dma_wait3A_215 : memref<80x128xf32, #tpu.memory_space<vmem>>) dst(%dma_wait3A_219 : memref<10000x128xf32, #tpu.memory_space<vmem_shared>>)
    %multiple_of3A_220 = arith.constant 0 : i32
    %multiple_of3A_221 = tpu.assume_multiple %multiple_of3A_220, 8 : i32
    %dma_wait3A_222 = arith.constant 2 : i32
    %dma_wait3A_223 = arith.constant 0 : i32
    %dma_wait3A_224 = arith.constant 0 : i32
    %dma_wait3A_225 = tpu.memref_slice %arg10[%dma_wait3A_222, %dma_wait3A_223, %dma_wait3A_224] : memref<3x80x128xf32, #tpu.memory_space<vmem>> -> memref<1x80x128xf32, #tpu.memory_space<vmem>>
    %dma_wait3A_226 = tpu.memref_squeeze %dma_wait3A_225 : memref<1x80x128xf32, #tpu.memory_space<vmem>> -> memref<80x128xf32, #tpu.memory_space<vmem>>
    %dma_wait3A_227 = tpu.memref_slice %arg9[%multiple_of3A_221] : memref<10000xi32, #tpu.memory_space<vmem>> -> memref<80xi32, #tpu.memory_space<vmem>>
    %dma_wait3A_228 = arith.constant 0 : i32
    %dma_wait3A_229 = arith.constant 0 : i32
    %dma_wait3A_230 = tpu.memref_slice %arg7[%dma_wait3A_228, %dma_wait3A_229] : memref<10000x128xf32, #tpu.memory_space<vmem_shared>> -> memref<10000x128xf32, #tpu.memory_space<vmem_shared>>
    tpu.wait_indirect_dma semaphore(%arg16 : memref<!tpu.dma_semaphore, #tpu.memory_space<semaphore_mem>>) src(%dma_wait3A_226 : memref<80x128xf32, #tpu.memory_space<vmem>>) dst(%dma_wait3A_230 : memref<10000x128xf32, #tpu.memory_space<vmem_shared>>)
    %barrier3A_231 = arith.constant 0 : index
    tpu.barrier barrier_id(%barrier3A_231)
    "tpu.region"() ({
      %run_scoped3A = tpu.sem_alloc : memref<!tpu.dma_semaphore, #tpu.memory_space<semaphore_mem>>
      %dma_start3A_237 = arith.constant 0 : i32
      %dma_start3A_238 = tpu.memref_slice %arg6[%arg0, %multiple_of3A_5, %dma_start3A_237] : memref<2x10000x128xf32, #tpu.memory_space<hbm>> -> memref<1x624x128xf32, #tpu.memory_space<hbm>>
      %dma_start3A_239 = tpu.memref_squeeze %dma_start3A_238 : memref<1x624x128xf32, #tpu.memory_space<hbm>> -> memref<624x128xf32, #tpu.memory_space<hbm>>
      %dma_start3A_240 = arith.constant 0 : i32
      %dma_start3A_241 = tpu.memref_slice %arg7[%multiple_of3A_5, %dma_start3A_240] : memref<10000x128xf32, #tpu.memory_space<vmem_shared>> -> memref<624x128xf32, #tpu.memory_space<vmem_shared>>
      tpu.enqueue_dma source(%dma_start3A_241 : memref<624x128xf32, #tpu.memory_space<vmem_shared>>) target(%dma_start3A_239 : memref<624x128xf32, #tpu.memory_space<hbm>>) target_semaphore(%run_scoped3A : memref<!tpu.dma_semaphore, #tpu.memory_space<semaphore_mem>>)
      %dma_wait3A_242 = arith.constant 0 : i32
      %dma_wait3A_243 = tpu.memref_slice %arg6[%arg0, %multiple_of3A_5, %dma_wait3A_242] : memref<2x10000x128xf32, #tpu.memory_space<hbm>> -> memref<1x624x128xf32, #tpu.memory_space<hbm>>
      %dma_wait3A_244 = tpu.memref_squeeze %dma_wait3A_243 : memref<1x624x128xf32, #tpu.memory_space<hbm>> -> memref<624x128xf32, #tpu.memory_space<hbm>>
      %dma_wait3A_245 = arith.constant 0 : i32
      %dma_wait3A_246 = tpu.memref_slice %arg7[%multiple_of3A_5, %dma_wait3A_245] : memref<10000x128xf32, #tpu.memory_space<vmem_shared>> -> memref<624x128xf32, #tpu.memory_space<vmem_shared>>
      tpu.wait_dma2 semaphore(%run_scoped3A : memref<!tpu.dma_semaphore, #tpu.memory_space<semaphore_mem>>) src(%dma_wait3A_246 : memref<624x128xf32, #tpu.memory_space<vmem_shared>>) dst(%dma_wait3A_244 : memref<624x128xf32, #tpu.memory_space<hbm>>)
      tpu.yield
    }) : () -> ()
    %eq3A_232 = arith.constant 0 : i32
    %eq3A_233 = arith.cmpi eq, %arg1, %eq3A_232 : i32
    %convert_element_type3A_234 = arith.extui %eq3A_233 : i1 to i32
    %cond3A_235 = arith.constant 0 : i32
    %cond3A_236 = arith.cmpi ne, %convert_element_type3A_234, %cond3A_235 : i32
    scf.if %cond3A_236 {
      "tpu.region"() ({
        %run_scoped3A = tpu.sem_alloc : memref<!tpu.dma_semaphore, #tpu.memory_space<semaphore_mem>>
        %dma_start3A_237 = arith.constant 9984 : i32
        %dma_start3A_238 = arith.constant 0 : i32
        %dma_start3A_239 = tpu.memref_slice %arg6[%arg0, %dma_start3A_237, %dma_start3A_238] : memref<2x10000x128xf32, #tpu.memory_space<hbm>> -> memref<1x16x128xf32, #tpu.memory_space<hbm>>
        %dma_start3A_240 = tpu.memref_squeeze %dma_start3A_239 : memref<1x16x128xf32, #tpu.memory_space<hbm>> -> memref<16x128xf32, #tpu.memory_space<hbm>>
        %dma_start3A_241 = arith.constant 9984 : i32
        %dma_start3A_242 = arith.constant 0 : i32
        %dma_start3A_243 = tpu.memref_slice %arg7[%dma_start3A_241, %dma_start3A_242] : memref<10000x128xf32, #tpu.memory_space<vmem_shared>> -> memref<16x128xf32, #tpu.memory_space<vmem_shared>>
        tpu.enqueue_dma source(%dma_start3A_243 : memref<16x128xf32, #tpu.memory_space<vmem_shared>>) target(%dma_start3A_240 : memref<16x128xf32, #tpu.memory_space<hbm>>) target_semaphore(%run_scoped3A : memref<!tpu.dma_semaphore, #tpu.memory_space<semaphore_mem>>)
        %dma_wait3A_244 = arith.constant 9984 : i32
        %dma_wait3A_245 = arith.constant 0 : i32
        %dma_wait3A_246 = tpu.memref_slice %arg6[%arg0, %dma_wait3A_244, %dma_wait3A_245] : memref<2x10000x128xf32, #tpu.memory_space<hbm>> -> memref<1x16x128xf32, #tpu.memory_space<hbm>>
        %dma_wait3A_247 = tpu.memref_squeeze %dma_wait3A_246 : memref<1x16x128xf32, #tpu.memory_space<hbm>> -> memref<16x128xf32, #tpu.memory_space<hbm>>
        %dma_wait3A_248 = arith.constant 9984 : i32
        %dma_wait3A_249 = arith.constant 0 : i32
        %dma_wait3A_250 = tpu.memref_slice %arg7[%dma_wait3A_248, %dma_wait3A_249] : memref<10000x128xf32, #tpu.memory_space<vmem_shared>> -> memref<16x128xf32, #tpu.memory_space<vmem_shared>>
        tpu.wait_dma2 semaphore(%run_scoped3A : memref<!tpu.dma_semaphore, #tpu.memory_space<semaphore_mem>>) src(%dma_wait3A_250 : memref<16x128xf32, #tpu.memory_space<vmem_shared>>) dst(%dma_wait3A_247 : memref<16x128xf32, #tpu.memory_space<hbm>>)
        tpu.yield
      }) : () -> ()
    } else {
    }
    return
  }
}

module attributes {stable_mosaic.version = 14 : i64} {
  func.func @_embed_body(%arg0: i32, %arg1: memref<2000x104xf32, #tpu.memory_space<vmem>>, %arg2: memref<2000x12xf32, #tpu.memory_space<vmem>>, %arg3: memref<1x1x2000xi32, #tpu.memory_space<vmem>>, %arg4: memref<256x12xf32, #tpu.memory_space<vmem>>, %arg5: memref<2000x128xf32, #tpu.memory_space<vmem>>) attributes {dimension_semantics = [#tpu.dimension_semantics<arbitrary>], iteration_bounds = array<i64: 5>, scalar_prefetch = 0 : i64, scratch_operands = 0 : i64, tpu.core_type = #tpu.core_type<tc>, window_params = [{transform_indices = @transform_0, window_bounds = array<i64: 2000, 104>}, {transform_indices = @transform_1, window_bounds = array<i64: 2000, 12>}, {transform_indices = @transform_2, window_bounds = array<i64: 1, 1, 2000>}, {pipeline_mode = #tpu.pipeline_mode<synchronous>, transform_indices = @transform_3, window_bounds = array<i64: 256, 12>}, {transform_indices = @transform_4, window_bounds = array<i64: 2000, 128>}]} {
    %get3A = arith.constant 0 : index
    %get3A_0 = arith.constant 0 : index
    %get3A_1 = arith.constant 0 : index
    %get3A_2 = vector.load %arg3[%get3A, %get3A_0, %get3A_1] : memref<1x1x2000xi32, #tpu.memory_space<vmem>>, vector<1x1x2000xi32>
    %get3A_3 = vector.shape_cast %get3A_2 : vector<1x1x2000xi32> to vector<2000xi32>
    %broadcast_in_dim3A = vector.shape_cast %get3A_3 : vector<2000xi32> to vector<2000x1xi32>
    %iota3A = tpu.iota {dimensions = array<i32: 1>} : vector<2000x256xi32>
    %eq3A = vector.broadcast %broadcast_in_dim3A : vector<2000x1xi32> to vector<2000x256xi32>
    %eq3A_4 = arith.cmpi eq, %eq3A, %iota3A : vector<2000x256xi32>
    %convert_element_type3A = arith.extui %eq3A_4 : vector<2000x256xi1> to vector<2000x256xi32>
    %convert_element_type3A_5 = arith.sitofp %convert_element_type3A : vector<2000x256xi32> to vector<2000x256xf32>
    %get3A_6 = arith.constant 0 : index
    %get3A_7 = arith.constant 0 : index
    %get3A_8 = vector.load %arg4[%get3A_6, %get3A_7] : memref<256x12xf32, #tpu.memory_space<vmem>>, vector<256x12xf32>
    %dot_general3A = arith.constant dense<0.000000e+00> : vector<2000x12xf32>
    %dot_general3A_9 = tpu.matmul %convert_element_type3A_5, %get3A_8, %dot_general3A {dimension_numbers = #tpu.dot_dimension_numbers<[1], [0], [0], [1], [0, 0, 1, 1], [], []>, transpose_lhs_hint = false} : vector<2000x256xf32>, vector<256x12xf32>, vector<2000x12xf32> -> vector<2000x12xf32>
    %get3A_10 = arith.constant 0 : index
    %get3A_11 = arith.constant 0 : index
    %get3A_12 = vector.load %arg1[%get3A_10, %get3A_11] : memref<2000x104xf32, #tpu.memory_space<vmem>>, vector<2000x104xf32>
    %get3A_13 = arith.constant 0 : index
    %get3A_14 = arith.constant 0 : index
    %get3A_15 = vector.load %arg2[%get3A_13, %get3A_14] : memref<2000x12xf32, #tpu.memory_space<vmem>>, vector<2000x12xf32>
    %concatenate3A = tpu.concatenate %get3A_12, %get3A_15, %dot_general3A_9 in 1 : vector<2000x104xf32>, vector<2000x12xf32>, vector<2000x12xf32> -> vector<2000x128xf32>
    %swap3A = arith.constant 0 : index
    %swap3A_16 = arith.constant 0 : index
    %swap3A_17 = vector.load %arg5[%swap3A, %swap3A_16] : memref<2000x128xf32, #tpu.memory_space<vmem>>, vector<2000x128xf32>
    tpu.vector_store %arg5[%swap3A, %swap3A_16], %concatenate3A {strides = array<i32>} : memref<2000x128xf32, #tpu.memory_space<vmem>>, vector<2000x128xf32>,
    return
  }
  func.func @transform_0(%arg0: i32) -> (i32, i32) {
    %c0_i32 = arith.constant 0 : i32
    %c0_i32_0 = arith.constant 0 : i32
    return %arg0, %c0_i32 : i32, i32
  }
  func.func @transform_1(%arg0: i32) -> (i32, i32) {
    %c0_i32 = arith.constant 0 : i32
    %c0_i32_0 = arith.constant 0 : i32
    return %arg0, %c0_i32 : i32, i32
  }
  func.func @transform_2(%arg0: i32) -> (i32, i32, i32) {
    %c0_i32 = arith.constant 0 : i32
    %c0_i32_0 = arith.constant 0 : i32
    %c0_i32_1 = arith.constant 0 : i32
    return %arg0, %c0_i32, %c0_i32_0 : i32, i32, i32
  }
  func.func @transform_3(%arg0: i32) -> (i32, i32) {
    %c0_i32 = arith.constant 0 : i32
    %c0_i32_0 = arith.constant 0 : i32
    %c0_i32_1 = arith.constant 0 : i32
    return %c0_i32, %c0_i32_0 : i32, i32
  }
  func.func @transform_4(%arg0: i32) -> (i32, i32) {
    %c0_i32 = arith.constant 0 : i32
    %c0_i32_0 = arith.constant 0 : i32
    return %arg0, %c0_i32 : i32, i32
  }
}

module attributes {stable_mosaic.version = 14 : i64} {
  func.func @_layer_body(%arg0: i32, %arg1: memref<2x2000x128xf32, #tpu.memory_space<vmem>>, %arg2: memref<2x2000x8xf32, #tpu.memory_space<vmem>>, %arg3: memref<2000x128xf32, #tpu.memory_space<vmem>>, %arg4: memref<128x128xf32, #tpu.memory_space<vmem>>, %arg5: memref<128x128xf32, #tpu.memory_space<vmem>>, %arg6: memref<128xf32, #tpu.memory_space<vmem>>, %arg7: memref<128xf32, #tpu.memory_space<vmem>>, %arg8: memref<128xf32, #tpu.memory_space<vmem>>, %arg9: memref<2000x128xf32, #tpu.memory_space<vmem>>) attributes {dimension_semantics = [#tpu.dimension_semantics<arbitrary>], iteration_bounds = array<i64: 5>, scalar_prefetch = 0 : i64, scratch_operands = 0 : i64, tpu.core_type = #tpu.core_type<tc>, window_params = [{transform_indices = @transform_0, window_bounds = array<i64: 2, 2000, 128>}, {transform_indices = @transform_1, window_bounds = array<i64: 2, 2000, 8>}, {transform_indices = @transform_2, window_bounds = array<i64: 2000, 128>}, {pipeline_mode = #tpu.pipeline_mode<synchronous>, transform_indices = @transform_3, window_bounds = array<i64: 128, 128>}, {pipeline_mode = #tpu.pipeline_mode<synchronous>, transform_indices = @transform_4, window_bounds = array<i64: 128, 128>}, {pipeline_mode = #tpu.pipeline_mode<synchronous>, transform_indices = @transform_5, window_bounds = array<i64: 128>}, {pipeline_mode = #tpu.pipeline_mode<synchronous>, transform_indices = @transform_6, window_bounds = array<i64: 128>}, {pipeline_mode = #tpu.pipeline_mode<synchronous>, transform_indices = @transform_7, window_bounds = array<i64: 128>}, {transform_indices = @transform_8, window_bounds = array<i64: 2000, 128>}]} {
    %get3A = arith.constant 0 : index
    %get3A_0 = arith.constant 0 : index
    %get3A_1 = arith.constant 0 : index
    %get3A_2 = vector.load %arg2[%get3A, %get3A_0, %get3A_1] : memref<2x2000x8xf32, #tpu.memory_space<vmem>>, vector<1x2000x1xf32>
    %get3A_3 = vector.shape_cast %get3A_2 : vector<1x2000x1xf32> to vector<2000x1xf32>
    %get3A_4 = arith.constant 1 : index
    %get3A_5 = arith.constant 0 : index
    %get3A_6 = arith.constant 0 : index
    %get3A_7 = vector.load %arg2[%get3A_4, %get3A_5, %get3A_6] : memref<2x2000x8xf32, #tpu.memory_space<vmem>>, vector<1x2000x1xf32>
    %get3A_8 = vector.shape_cast %get3A_7 : vector<1x2000x1xf32> to vector<2000x1xf32>
    %add3A = arith.addf %get3A_3, %get3A_8 : vector<2000x1xf32>
    %max3A = arith.constant 1.000000e+00 : f32
    %max3A_9 = vector.broadcast %max3A : f32 to vector<2000x1xf32>
    %max3A_10 = arith.maximumf %add3A, %max3A_9 : vector<2000x1xf32>
    %div3A = arith.constant 1.000000e+00 : f32
    %div3A_11 = vector.broadcast %div3A : f32 to vector<2000x1xf32>
    %div3A_12 = arith.divf %div3A_11, %max3A_10 : vector<2000x1xf32>
    %get3A_13 = arith.constant 0 : index
    %get3A_14 = arith.constant 0 : index
    %get3A_15 = arith.constant 0 : index
    %get3A_16 = vector.load %arg1[%get3A_13, %get3A_14, %get3A_15] : memref<2x2000x128xf32, #tpu.memory_space<vmem>>, vector<1x2000x128xf32>
    %get3A_17 = vector.shape_cast %get3A_16 : vector<1x2000x128xf32> to vector<2000x128xf32>
    %get3A_18 = arith.constant 1 : index
    %get3A_19 = arith.constant 0 : index
    %get3A_20 = arith.constant 0 : index
    %get3A_21 = vector.load %arg1[%get3A_18, %get3A_19, %get3A_20] : memref<2x2000x128xf32, #tpu.memory_space<vmem>>, vector<1x2000x128xf32>
    %get3A_22 = vector.shape_cast %get3A_21 : vector<1x2000x128xf32> to vector<2000x128xf32>
    %add3A_23 = arith.addf %get3A_17, %get3A_22 : vector<2000x128xf32>
    %mul3A = vector.broadcast %div3A_12 : vector<2000x1xf32> to vector<2000x128xf32>
    %mul3A_24 = arith.mulf %add3A_23, %mul3A : vector<2000x128xf32>
    %get3A_25 = arith.constant 0 : index
    %get3A_26 = arith.constant 0 : index
    %get3A_27 = vector.load %arg4[%get3A_25, %get3A_26] : memref<128x128xf32, #tpu.memory_space<vmem>>, vector<128x128xf32>
    %dot_general3A = arith.constant dense<0.000000e+00> : vector<2000x128xf32>
    %dot_general3A_28 = tpu.matmul %mul3A_24, %get3A_27, %dot_general3A {dimension_numbers = #tpu.dot_dimension_numbers<[1], [0], [0], [1], [0, 0, 1, 1], [], []>, transpose_lhs_hint = false} : vector<2000x128xf32>, vector<128x128xf32>, vector<2000x128xf32> -> vector<2000x128xf32>
    %get3A_29 = arith.constant 0 : index
    %get3A_30 = arith.constant 0 : index
    %get3A_31 = vector.load %arg3[%get3A_29, %get3A_30] : memref<2000x128xf32, #tpu.memory_space<vmem>>, vector<2000x128xf32>
    %get3A_32 = arith.constant 0 : index
    %get3A_33 = arith.constant 0 : index
    %get3A_34 = vector.load %arg5[%get3A_32, %get3A_33] : memref<128x128xf32, #tpu.memory_space<vmem>>, vector<128x128xf32>
    %dot_general3A_35 = arith.constant dense<0.000000e+00> : vector<2000x128xf32>
    %dot_general3A_36 = tpu.matmul %get3A_31, %get3A_34, %dot_general3A_35 {dimension_numbers = #tpu.dot_dimension_numbers<[1], [0], [0], [1], [0, 0, 1, 1], [], []>, transpose_lhs_hint = false} : vector<2000x128xf32>, vector<128x128xf32>, vector<2000x128xf32> -> vector<2000x128xf32>
    %add3A_37 = arith.addf %dot_general3A_28, %dot_general3A_36 : vector<2000x128xf32>
    %get3A_38 = arith.constant 0 : index
    %get3A_39 = vector.load %arg6[%get3A_38] : memref<128xf32, #tpu.memory_space<vmem>>, vector<128xf32>
    %broadcast_in_dim3A = vector.shape_cast %get3A_39 : vector<128xf32> to vector<1x128xf32>
    %add3A_40 = vector.broadcast %broadcast_in_dim3A : vector<1x128xf32> to vector<2000x128xf32>
    %add3A_41 = arith.addf %add3A_37, %add3A_40 : vector<2000x128xf32>
    %reduce_sum3A = arith.constant dense<0.000000e+00> : vector<2000xf32>
    %reduce_sum3A_42 = vector.multi_reduction <add>, %add3A_41, %reduce_sum3A [1] : vector<2000x128xf32> to vector<2000xf32>
    %broadcast_in_dim3A_43 = vector.shape_cast %reduce_sum3A_42 : vector<2000xf32> to vector<2000x1xf32>
    %div3A_44 = arith.constant 1.280000e+02 : f32
    %div3A_45 = vector.broadcast %div3A_44 : f32 to vector<2000x1xf32>
    %div3A_46 = arith.divf %broadcast_in_dim3A_43, %div3A_45 : vector<2000x1xf32>
    %sub3A = vector.broadcast %div3A_46 : vector<2000x1xf32> to vector<2000x128xf32>
    %sub3A_47 = arith.subf %add3A_41, %sub3A : vector<2000x128xf32>
    %mul3A_48 = arith.mulf %sub3A_47, %sub3A_47 : vector<2000x128xf32>
    %reduce_sum3A_49 = arith.constant dense<0.000000e+00> : vector<2000xf32>
    %reduce_sum3A_50 = vector.multi_reduction <add>, %mul3A_48, %reduce_sum3A_49 [1] : vector<2000x128xf32> to vector<2000xf32>
    %broadcast_in_dim3A_51 = vector.shape_cast %reduce_sum3A_50 : vector<2000xf32> to vector<2000x1xf32>
    %div3A_52 = arith.constant 1.280000e+02 : f32
    %div3A_53 = vector.broadcast %div3A_52 : f32 to vector<2000x1xf32>
    %div3A_54 = arith.divf %broadcast_in_dim3A_51, %div3A_53 : vector<2000x1xf32>
    %add3A_55 = arith.constant 9.99999974E-6 : f32
    %add3A_56 = vector.broadcast %add3A_55 : f32 to vector<2000x1xf32>
    %add3A_57 = arith.addf %div3A_54, %add3A_56 : vector<2000x1xf32>
    %rsqrt3A = math.rsqrt %add3A_57 : vector<2000x1xf32>
    %mul3A_58 = vector.broadcast %rsqrt3A : vector<2000x1xf32> to vector<2000x128xf32>
    %mul3A_59 = arith.mulf %sub3A_47, %mul3A_58 : vector<2000x128xf32>
    %get3A_60 = arith.constant 0 : index
    %get3A_61 = vector.load %arg7[%get3A_60] : memref<128xf32, #tpu.memory_space<vmem>>, vector<128xf32>
    %broadcast_in_dim3A_62 = vector.shape_cast %get3A_61 : vector<128xf32> to vector<1x128xf32>
    %mul3A_63 = vector.broadcast %broadcast_in_dim3A_62 : vector<1x128xf32> to vector<2000x128xf32>
    %mul3A_64 = arith.mulf %mul3A_59, %mul3A_63 : vector<2000x128xf32>
    %get3A_65 = arith.constant 0 : index
    %get3A_66 = vector.load %arg8[%get3A_65] : memref<128xf32, #tpu.memory_space<vmem>>, vector<128xf32>
    %broadcast_in_dim3A_67 = vector.shape_cast %get3A_66 : vector<128xf32> to vector<1x128xf32>
    %add3A_68 = vector.broadcast %broadcast_in_dim3A_67 : vector<1x128xf32> to vector<2000x128xf32>
    %add3A_69 = arith.addf %mul3A_64, %add3A_68 : vector<2000x128xf32>
    %max3A_70 = arith.constant 0.000000e+00 : f32
    %max3A_71 = vector.broadcast %max3A_70 : f32 to vector<2000x128xf32>
    %max3A_72 = arith.maximumf %add3A_69, %max3A_71 : vector<2000x128xf32>
    %swap3A = arith.constant 0 : index
    %swap3A_73 = arith.constant 0 : index
    %swap3A_74 = vector.load %arg9[%swap3A, %swap3A_73] : memref<2000x128xf32, #tpu.memory_space<vmem>>, vector<2000x128xf32>
    tpu.vector_store %arg9[%swap3A, %swap3A_73], %max3A_72 {strides = array<i32>} : memref<2000x128xf32, #tpu.memory_space<vmem>>, vector<2000x128xf32>,
    return
  }
  func.func @transform_0(%arg0: i32) -> (i32, i32, i32) {
    %c0_i32 = arith.constant 0 : i32
    %c0_i32_0 = arith.constant 0 : i32
    %c0_i32_1 = arith.constant 0 : i32
    return %c0_i32, %arg0, %c0_i32_0 : i32, i32, i32
  }
  func.func @transform_1(%arg0: i32) -> (i32, i32, i32) {
    %c0_i32 = arith.constant 0 : i32
    %c0_i32_0 = arith.constant 0 : i32
    %c0_i32_1 = arith.constant 0 : i32
    return %c0_i32, %arg0, %c0_i32_0 : i32, i32, i32
  }
  func.func @transform_2(%arg0: i32) -> (i32, i32) {
    %c0_i32 = arith.constant 0 : i32
    %c0_i32_0 = arith.constant 0 : i32
    return %arg0, %c0_i32 : i32, i32
  }
  func.func @transform_3(%arg0: i32) -> (i32, i32) {
    %c0_i32 = arith.constant 0 : i32
    %c0_i32_0 = arith.constant 0 : i32
    %c0_i32_1 = arith.constant 0 : i32
    return %c0_i32, %c0_i32_0 : i32, i32
  }
  func.func @transform_4(%arg0: i32) -> (i32, i32) {
    %c0_i32 = arith.constant 0 : i32
    %c0_i32_0 = arith.constant 0 : i32
    %c0_i32_1 = arith.constant 0 : i32
    return %c0_i32, %c0_i32_0 : i32, i32
  }
  func.func @transform_5(%arg0: i32) -> i32 {
    %c0_i32 = arith.constant 0 : i32
    %c0_i32_0 = arith.constant 0 : i32
    return %c0_i32 : i32
  }
  func.func @transform_6(%arg0: i32) -> i32 {
    %c0_i32 = arith.constant 0 : i32
    %c0_i32_0 = arith.constant 0 : i32
    return %c0_i32 : i32
  }
  func.func @transform_7(%arg0: i32) -> i32 {
    %c0_i32 = arith.constant 0 : i32
    %c0_i32_0 = arith.constant 0 : i32
    return %c0_i32 : i32
  }
  func.func @transform_8(%arg0: i32) -> (i32, i32) {
    %c0_i32 = arith.constant 0 : i32
    %c0_i32_0 = arith.constant 0 : i32
    return %arg0, %c0_i32 : i32, i32
  }
}

module attributes {stable_mosaic.version = 14 : i64} {
  func.func @_layer_pool_body(%arg0: i32, %arg1: memref<2x2000x128xf32, #tpu.memory_space<vmem>>, %arg2: memref<2x2000x8xf32, #tpu.memory_space<vmem>>, %arg3: memref<2000x128xf32, #tpu.memory_space<vmem>>, %arg4: memref<128x128xf32, #tpu.memory_space<vmem>>, %arg5: memref<128x128xf32, #tpu.memory_space<vmem>>, %arg6: memref<128xf32, #tpu.memory_space<vmem>>, %arg7: memref<128xf32, #tpu.memory_space<vmem>>, %arg8: memref<128xf32, #tpu.memory_space<vmem>>, %arg9: memref<1x1x2000xi32, #tpu.memory_space<vmem>>, %arg10: memref<2000x1xi32, #tpu.memory_space<vmem>>, %arg11: memref<64x128xf32, #tpu.memory_space<vmem>>, %arg12: memref<64x128xf32, #tpu.memory_space<vmem>>, %arg13: memref<64x128xf32, #tpu.memory_space<vmem>>) attributes {dimension_semantics = [#tpu.dimension_semantics<arbitrary>], iteration_bounds = array<i64: 5>, scalar_prefetch = 0 : i64, scratch_operands = 0 : i64, tpu.core_type = #tpu.core_type<tc>, window_params = [{transform_indices = @transform_0, window_bounds = array<i64: 2, 2000, 128>}, {transform_indices = @transform_1, window_bounds = array<i64: 2, 2000, 8>}, {transform_indices = @transform_2, window_bounds = array<i64: 2000, 128>}, {pipeline_mode = #tpu.pipeline_mode<synchronous>, transform_indices = @transform_3, window_bounds = array<i64: 128, 128>}, {pipeline_mode = #tpu.pipeline_mode<synchronous>, transform_indices = @transform_4, window_bounds = array<i64: 128, 128>}, {pipeline_mode = #tpu.pipeline_mode<synchronous>, transform_indices = @transform_5, window_bounds = array<i64: 128>}, {pipeline_mode = #tpu.pipeline_mode<synchronous>, transform_indices = @transform_6, window_bounds = array<i64: 128>}, {pipeline_mode = #tpu.pipeline_mode<synchronous>, transform_indices = @transform_7, window_bounds = array<i64: 128>}, {transform_indices = @transform_8, window_bounds = array<i64: 1, 1, 2000>}, {transform_indices = @transform_9, window_bounds = array<i64: 2000, 1>}, {pipeline_mode = #tpu.pipeline_mode<synchronous>, transform_indices = @transform_10, window_bounds = array<i64: 64, 128>}, {pipeline_mode = #tpu.pipeline_mode<synchronous>, transform_indices = @transform_11, window_bounds = array<i64: 64, 128>}, {pipeline_mode = #tpu.pipeline_mode<synchronous>, transform_indices = @transform_12, window_bounds = array<i64: 64, 128>}]} {
    %get3A = arith.constant 0 : index
    %get3A_0 = arith.constant 0 : index
    %get3A_1 = arith.constant 0 : index
    %get3A_2 = vector.load %arg2[%get3A, %get3A_0, %get3A_1] : memref<2x2000x8xf32, #tpu.memory_space<vmem>>, vector<1x2000x1xf32>
    %get3A_3 = vector.shape_cast %get3A_2 : vector<1x2000x1xf32> to vector<2000x1xf32>
    %get3A_4 = arith.constant 1 : index
    %get3A_5 = arith.constant 0 : index
    %get3A_6 = arith.constant 0 : index
    %get3A_7 = vector.load %arg2[%get3A_4, %get3A_5, %get3A_6] : memref<2x2000x8xf32, #tpu.memory_space<vmem>>, vector<1x2000x1xf32>
    %get3A_8 = vector.shape_cast %get3A_7 : vector<1x2000x1xf32> to vector<2000x1xf32>
    %add3A = arith.addf %get3A_3, %get3A_8 : vector<2000x1xf32>
    %max3A = arith.constant 1.000000e+00 : f32
    %max3A_9 = vector.broadcast %max3A : f32 to vector<2000x1xf32>
    %max3A_10 = arith.maximumf %add3A, %max3A_9 : vector<2000x1xf32>
    %div3A = arith.constant 1.000000e+00 : f32
    %div3A_11 = vector.broadcast %div3A : f32 to vector<2000x1xf32>
    %div3A_12 = arith.divf %div3A_11, %max3A_10 : vector<2000x1xf32>
    %get3A_13 = arith.constant 0 : index
    %get3A_14 = arith.constant 0 : index
    %get3A_15 = arith.constant 0 : index
    %get3A_16 = vector.load %arg1[%get3A_13, %get3A_14, %get3A_15] : memref<2x2000x128xf32, #tpu.memory_space<vmem>>, vector<1x2000x128xf32>
    %get3A_17 = vector.shape_cast %get3A_16 : vector<1x2000x128xf32> to vector<2000x128xf32>
    %get3A_18 = arith.constant 1 : index
    %get3A_19 = arith.constant 0 : index
    %get3A_20 = arith.constant 0 : index
    %get3A_21 = vector.load %arg1[%get3A_18, %get3A_19, %get3A_20] : memref<2x2000x128xf32, #tpu.memory_space<vmem>>, vector<1x2000x128xf32>
    %get3A_22 = vector.shape_cast %get3A_21 : vector<1x2000x128xf32> to vector<2000x128xf32>
    %add3A_23 = arith.addf %get3A_17, %get3A_22 : vector<2000x128xf32>
    %mul3A = vector.broadcast %div3A_12 : vector<2000x1xf32> to vector<2000x128xf32>
    %mul3A_24 = arith.mulf %add3A_23, %mul3A : vector<2000x128xf32>
    %get3A_25 = arith.constant 0 : index
    %get3A_26 = arith.constant 0 : index
    %get3A_27 = vector.load %arg4[%get3A_25, %get3A_26] : memref<128x128xf32, #tpu.memory_space<vmem>>, vector<128x128xf32>
    %dot_general3A = arith.constant dense<0.000000e+00> : vector<2000x128xf32>
    %dot_general3A_28 = tpu.matmul %mul3A_24, %get3A_27, %dot_general3A {dimension_numbers = #tpu.dot_dimension_numbers<[1], [0], [0], [1], [0, 0, 1, 1], [], []>, transpose_lhs_hint = false} : vector<2000x128xf32>, vector<128x128xf32>, vector<2000x128xf32> -> vector<2000x128xf32>
    %get3A_29 = arith.constant 0 : index
    %get3A_30 = arith.constant 0 : index
    %get3A_31 = vector.load %arg3[%get3A_29, %get3A_30] : memref<2000x128xf32, #tpu.memory_space<vmem>>, vector<2000x128xf32>
    %get3A_32 = arith.constant 0 : index
    %get3A_33 = arith.constant 0 : index
    %get3A_34 = vector.load %arg5[%get3A_32, %get3A_33] : memref<128x128xf32, #tpu.memory_space<vmem>>, vector<128x128xf32>
    %dot_general3A_35 = arith.constant dense<0.000000e+00> : vector<2000x128xf32>
    %dot_general3A_36 = tpu.matmul %get3A_31, %get3A_34, %dot_general3A_35 {dimension_numbers = #tpu.dot_dimension_numbers<[1], [0], [0], [1], [0, 0, 1, 1], [], []>, transpose_lhs_hint = false} : vector<2000x128xf32>, vector<128x128xf32>, vector<2000x128xf32> -> vector<2000x128xf32>
    %add3A_37 = arith.addf %dot_general3A_28, %dot_general3A_36 : vector<2000x128xf32>
    %get3A_38 = arith.constant 0 : index
    %get3A_39 = vector.load %arg6[%get3A_38] : memref<128xf32, #tpu.memory_space<vmem>>, vector<128xf32>
    %broadcast_in_dim3A = vector.shape_cast %get3A_39 : vector<128xf32> to vector<1x128xf32>
    %add3A_40 = vector.broadcast %broadcast_in_dim3A : vector<1x128xf32> to vector<2000x128xf32>
    %add3A_41 = arith.addf %add3A_37, %add3A_40 : vector<2000x128xf32>
    %reduce_sum3A = arith.constant dense<0.000000e+00> : vector<2000xf32>
    %reduce_sum3A_42 = vector.multi_reduction <add>, %add3A_41, %reduce_sum3A [1] : vector<2000x128xf32> to vector<2000xf32>
    %broadcast_in_dim3A_43 = vector.shape_cast %reduce_sum3A_42 : vector<2000xf32> to vector<2000x1xf32>
    %div3A_44 = arith.constant 1.280000e+02 : f32
    %div3A_45 = vector.broadcast %div3A_44 : f32 to vector<2000x1xf32>
    %div3A_46 = arith.divf %broadcast_in_dim3A_43, %div3A_45 : vector<2000x1xf32>
    %sub3A = vector.broadcast %div3A_46 : vector<2000x1xf32> to vector<2000x128xf32>
    %sub3A_47 = arith.subf %add3A_41, %sub3A : vector<2000x128xf32>
    %mul3A_48 = arith.mulf %sub3A_47, %sub3A_47 : vector<2000x128xf32>
    %reduce_sum3A_49 = arith.constant dense<0.000000e+00> : vector<2000xf32>
    %reduce_sum3A_50 = vector.multi_reduction <add>, %mul3A_48, %reduce_sum3A_49 [1] : vector<2000x128xf32> to vector<2000xf32>
    %broadcast_in_dim3A_51 = vector.shape_cast %reduce_sum3A_50 : vector<2000xf32> to vector<2000x1xf32>
    %div3A_52 = arith.constant 1.280000e+02 : f32
    %div3A_53 = vector.broadcast %div3A_52 : f32 to vector<2000x1xf32>
    %div3A_54 = arith.divf %broadcast_in_dim3A_51, %div3A_53 : vector<2000x1xf32>
    %add3A_55 = arith.constant 9.99999974E-6 : f32
    %add3A_56 = vector.broadcast %add3A_55 : f32 to vector<2000x1xf32>
    %add3A_57 = arith.addf %div3A_54, %add3A_56 : vector<2000x1xf32>
    %rsqrt3A = math.rsqrt %add3A_57 : vector<2000x1xf32>
    %mul3A_58 = vector.broadcast %rsqrt3A : vector<2000x1xf32> to vector<2000x128xf32>
    %mul3A_59 = arith.mulf %sub3A_47, %mul3A_58 : vector<2000x128xf32>
    %get3A_60 = arith.constant 0 : index
    %get3A_61 = vector.load %arg7[%get3A_60] : memref<128xf32, #tpu.memory_space<vmem>>, vector<128xf32>
    %broadcast_in_dim3A_62 = vector.shape_cast %get3A_61 : vector<128xf32> to vector<1x128xf32>
    %mul3A_63 = vector.broadcast %broadcast_in_dim3A_62 : vector<1x128xf32> to vector<2000x128xf32>
    %mul3A_64 = arith.mulf %mul3A_59, %mul3A_63 : vector<2000x128xf32>
    %get3A_65 = arith.constant 0 : index
    %get3A_66 = vector.load %arg8[%get3A_65] : memref<128xf32, #tpu.memory_space<vmem>>, vector<128xf32>
    %broadcast_in_dim3A_67 = vector.shape_cast %get3A_66 : vector<128xf32> to vector<1x128xf32>
    %add3A_68 = vector.broadcast %broadcast_in_dim3A_67 : vector<1x128xf32> to vector<2000x128xf32>
    %add3A_69 = arith.addf %mul3A_64, %add3A_68 : vector<2000x128xf32>
    %max3A_70 = arith.constant 0.000000e+00 : f32
    %max3A_71 = vector.broadcast %max3A_70 : f32 to vector<2000x128xf32>
    %max3A_72 = arith.maximumf %add3A_69, %max3A_71 : vector<2000x128xf32>
    %get3A_73 = arith.constant 0 : index
    %get3A_74 = arith.constant 0 : index
    %get3A_75 = arith.constant 0 : index
    %get3A_76 = vector.load %arg9[%get3A_73, %get3A_74, %get3A_75] : memref<1x1x2000xi32, #tpu.memory_space<vmem>>, vector<1x1x2000xi32>
    %get3A_77 = vector.shape_cast %get3A_76 : vector<1x1x2000xi32> to vector<2000xi32>
    %broadcast_in_dim3A_78 = vector.shape_cast %get3A_77 : vector<2000xi32> to vector<2000x1xi32>
    %iota3A = tpu.iota {dimensions = array<i32: 1>} : vector<2000x64xi32>
    %eq3A = vector.broadcast %broadcast_in_dim3A_78 : vector<2000x1xi32> to vector<2000x64xi32>
    %eq3A_79 = arith.cmpi eq, %eq3A, %iota3A : vector<2000x64xi32>
    %convert_element_type3A = arith.extui %eq3A_79 : vector<2000x64xi1> to vector<2000x64xi32>
    %convert_element_type3A_80 = arith.sitofp %convert_element_type3A : vector<2000x64xi32> to vector<2000x64xf32>
    %dot_general3A_81 = arith.constant dense<0.000000e+00> : vector<64x128xf32>
    %dot_general3A_82 = tpu.matmul %convert_element_type3A_80, %max3A_72, %dot_general3A_81 {dimension_numbers = #tpu.dot_dimension_numbers<[0], [0], [1], [1], [0, 1, 1, 1], [], []>, transpose_lhs_hint = false} : vector<2000x64xf32>, vector<2000x128xf32>, vector<64x128xf32> -> vector<64x128xf32>
    %broadcast_in_dim3A_83 = arith.constant 1.000000e+00 : f32
    %broadcast_in_dim3A_84 = vector.broadcast %broadcast_in_dim3A_83 : f32 to vector<2000x128xf32>
    %dot_general3A_85 = arith.constant dense<0.000000e+00> : vector<64x128xf32>
    %dot_general3A_86 = tpu.matmul %convert_element_type3A_80, %broadcast_in_dim3A_84, %dot_general3A_85 {dimension_numbers = #tpu.dot_dimension_numbers<[0], [0], [1], [1], [0, 1, 1, 1], [], []>, transpose_lhs_hint = false} : vector<2000x64xf32>, vector<2000x128xf32>, vector<64x128xf32> -> vector<64x128xf32>
    %eq3A_87 = arith.constant 0 : i32
    %eq3A_88 = arith.cmpi eq, %arg0, %eq3A_87 : i32
    %convert_element_type3A_89 = arith.extui %eq3A_88 : i1 to i32
    %cond3A = arith.constant 0xFF800000 : f32
    %cond3A_90 = arith.constant 0 : i32
    %cond3A_91 = arith.cmpi ne, %convert_element_type3A_89, %cond3A_90 : i32
    scf.if %cond3A_91 {
      %broadcast_in_dim3A_124 = arith.constant 0.000000e+00 : f32
      %broadcast_in_dim3A_125 = vector.broadcast %broadcast_in_dim3A_124 : f32 to vector<64x128xf32>
      %swap3A_126 = arith.constant 0 : index
      %swap3A_127 = arith.constant 0 : index
      %swap3A_128 = vector.load %arg11[%swap3A_126, %swap3A_127] : memref<64x128xf32, #tpu.memory_space<vmem>>, vector<64x128xf32>
      tpu.vector_store %arg11[%swap3A_126, %swap3A_127], %broadcast_in_dim3A_125 {strides = array<i32>} : memref<64x128xf32, #tpu.memory_space<vmem>>, vector<64x128xf32>,
      %broadcast_in_dim3A_129 = arith.constant 0.000000e+00 : f32
      %broadcast_in_dim3A_130 = vector.broadcast %broadcast_in_dim3A_129 : f32 to vector<64x128xf32>
      %swap3A_131 = arith.constant 0 : index
      %swap3A_132 = arith.constant 0 : index
      %swap3A_133 = vector.load %arg13[%swap3A_131, %swap3A_132] : memref<64x128xf32, #tpu.memory_space<vmem>>, vector<64x128xf32>
      tpu.vector_store %arg13[%swap3A_131, %swap3A_132], %broadcast_in_dim3A_130 {strides = array<i32>} : memref<64x128xf32, #tpu.memory_space<vmem>>, vector<64x128xf32>,
      %broadcast_in_dim3A_134 = vector.broadcast %cond3A : f32 to vector<64x128xf32>
      %swap3A_135 = arith.constant 0 : index
      %swap3A_136 = arith.constant 0 : index
      %swap3A_137 = vector.load %arg12[%swap3A_135, %swap3A_136] : memref<64x128xf32, #tpu.memory_space<vmem>>, vector<64x128xf32>
      tpu.vector_store %arg12[%swap3A_135, %swap3A_136], %broadcast_in_dim3A_134 {strides = array<i32>} : memref<64x128xf32, #tpu.memory_space<vmem>>, vector<64x128xf32>,
    } else {
    }
    %get3A_92 = arith.constant 0 : index
    %get3A_93 = arith.constant 0 : index
    %get3A_94 = vector.load %arg11[%get3A_92, %get3A_93] : memref<64x128xf32, #tpu.memory_space<vmem>>, vector<64x128xf32>
    %add3A_95 = arith.addf %get3A_94, %dot_general3A_82 : vector<64x128xf32>
    %swap3A = arith.constant 0 : index
    %swap3A_96 = arith.constant 0 : index
    %swap3A_97 = vector.load %arg11[%swap3A, %swap3A_96] : memref<64x128xf32, #tpu.memory_space<vmem>>, vector<64x128xf32>
    tpu.vector_store %arg11[%swap3A, %swap3A_96], %add3A_95 {strides = array<i32>} : memref<64x128xf32, #tpu.memory_space<vmem>>, vector<64x128xf32>,
    %get3A_98 = arith.constant 0 : index
    %get3A_99 = arith.constant 0 : index
    %get3A_100 = vector.load %arg13[%get3A_98, %get3A_99] : memref<64x128xf32, #tpu.memory_space<vmem>>, vector<64x128xf32>
    %add3A_101 = arith.addf %get3A_100, %dot_general3A_86 : vector<64x128xf32>
    %swap3A_102 = arith.constant 0 : index
    %swap3A_103 = arith.constant 0 : index
    %swap3A_104 = vector.load %arg13[%swap3A_102, %swap3A_103] : memref<64x128xf32, #tpu.memory_space<vmem>>, vector<64x128xf32>
    tpu.vector_store %arg13[%swap3A_102, %swap3A_103], %add3A_101 {strides = array<i32>} : memref<64x128xf32, #tpu.memory_space<vmem>>, vector<64x128xf32>,
    %reduce_min3A = vector.shape_cast %get3A_77 : vector<2000xi32> to vector<1x2000xi32>
    %reduce_min3A_105 = arith.constant dense<2147483647> : vector<1xi32>
    %reduce_min3A_106 = vector.multi_reduction <minsi>, %reduce_min3A, %reduce_min3A_105 [1] : vector<1x2000xi32> to vector<1xi32>
    %reduce_min3A_107 = vector.shape_cast %reduce_min3A_106 : vector<1xi32> to vector<1x1xi32>
    %reduce_min3A_108 = vector.extract %reduce_min3A_107[0, 0] : i32 from vector<1x1xi32>
    %reduce_max3A = vector.shape_cast %get3A_77 : vector<2000xi32> to vector<1x2000xi32>
    %reduce_max3A_109 = arith.constant dense<-2147483648> : vector<1xi32>
    %reduce_max3A_110 = vector.multi_reduction <maxsi>, %reduce_max3A, %reduce_max3A_109 [1] : vector<1x2000xi32> to vector<1xi32>
    %reduce_max3A_111 = vector.shape_cast %reduce_max3A_110 : vector<1xi32> to vector<1x1xi32>
    %reduce_max3A_112 = vector.extract %reduce_max3A_111[0, 0] : i32 from vector<1x1xi32>
    %sub3A_113 = arith.subi %reduce_max3A_112, %reduce_min3A_108 : i32
    %lt3A = arith.constant 24 : i32
    %lt3A_114 = arith.cmpi slt, %sub3A_113, %lt3A : i32
    %convert_element_type3A_115 = arith.extui %lt3A_114 : i1 to i32
    %cond3A_116 = arith.constant 0xFF800000 : f32
    %cond3A_117 = arith.constant 0 : i32
    %cond3A_118 = arith.cmpi ne, %convert_element_type3A_115, %cond3A_117 : i32
    scf.if %cond3A_118 {
      %add3A_124 = arith.constant 0 : i32
      %add3A_125 = arith.addi %reduce_min3A_108, %add3A_124 : i32
      %le3A = arith.cmpi sle, %add3A_125, %reduce_max3A_112 : i32
      %convert_element_type3A_126 = arith.extui %le3A : i1 to i32
      %cond3A_127 = arith.constant 0 : i32
      %cond3A_128 = arith.cmpi ne, %convert_element_type3A_126, %cond3A_127 : i32
      scf.if %cond3A_128 {
        %get3A_267 = arith.constant 0 : index
        %get3A_268 = arith.constant 0 : index
        %get3A_269 = vector.load %arg10[%get3A_267, %get3A_268] : memref<2000x1xi32, #tpu.memory_space<vmem>>, vector<2000x1xi32>
        %eq3A_270 = vector.broadcast %add3A_125 : i32 to vector<2000x1xi32>
        %eq3A_271 = arith.cmpi eq, %get3A_269, %eq3A_270 : vector<2000x1xi32>
        %broadcast_in_dim3A_272 = vector.shape_cast %eq3A_271 : vector<2000x1xi1> to vector<2000x1xi1>
        %broadcast_in_dim3A_273 = vector.broadcast %broadcast_in_dim3A_272 : vector<2000x1xi1> to vector<2000x128xi1>
        %broadcast_in_dim3A_274 = vector.broadcast %cond3A_116 : f32 to vector<2000x128xf32>
        %select_n3A = arith.select %broadcast_in_dim3A_273, %max3A_72, %broadcast_in_dim3A_274 : vector<2000x128xi1>, vector<2000x128xf32>
        %reduce_max3A_275 = arith.constant dense<0xFF800000> : vector<128xf32>
        %reduce_max3A_276 = vector.multi_reduction <maximumf>, %select_n3A, %reduce_max3A_275 [0] : vector<2000x128xf32> to vector<128xf32>
        %broadcast_in_dim3A_277 = vector.shape_cast %reduce_max3A_276 : vector<128xf32> to vector<1x128xf32>
        %get3A_278 = arith.index_cast %add3A_125 : i32 to index
        %get3A_279 = arith.constant 0 : index
        %get3A_280 = vector.load %arg12[%get3A_278, %get3A_279] : memref<64x128xf32, #tpu.memory_space<vmem>>, vector<1x128xf32>
        %max3A_281 = arith.maximumf %get3A_280, %broadcast_in_dim3A_277 : vector<1x128xf32>
        %swap3A_282 = arith.index_cast %add3A_125 : i32 to index
        %swap3A_283 = arith.constant 0 : index
        %swap3A_284 = vector.load %arg12[%swap3A_282, %swap3A_283] : memref<64x128xf32, #tpu.memory_space<vmem>>, vector<1x128xf32>
        tpu.vector_store %arg12[%swap3A_282, %swap3A_283], %max3A_281 {strides = array<i32>} : memref<64x128xf32, #tpu.memory_space<vmem>>, vector<1x128xf32>,
      } else {
      }
      %add3A_129 = arith.constant 1 : i32
      %add3A_130 = arith.addi %reduce_min3A_108, %add3A_129 : i32
      %le3A_131 = arith.cmpi sle, %add3A_130, %reduce_max3A_112 : i32
      %convert_element_type3A_132 = arith.extui %le3A_131 : i1 to i32
      %cond3A_133 = arith.constant 0 : i32
      %cond3A_134 = arith.cmpi ne, %convert_element_type3A_132, %cond3A_133 : i32
      scf.if %cond3A_134 {
        %get3A_267 = arith.constant 0 : index
        %get3A_268 = arith.constant 0 : index
        %get3A_269 = vector.load %arg10[%get3A_267, %get3A_268] : memref<2000x1xi32, #tpu.memory_space<vmem>>, vector<2000x1xi32>
        %eq3A_270 = vector.broadcast %add3A_130 : i32 to vector<2000x1xi32>
        %eq3A_271 = arith.cmpi eq, %get3A_269, %eq3A_270 : vector<2000x1xi32>
        %broadcast_in_dim3A_272 = vector.shape_cast %eq3A_271 : vector<2000x1xi1> to vector<2000x1xi1>
        %broadcast_in_dim3A_273 = vector.broadcast %broadcast_in_dim3A_272 : vector<2000x1xi1> to vector<2000x128xi1>
        %broadcast_in_dim3A_274 = vector.broadcast %cond3A_116 : f32 to vector<2000x128xf32>
        %select_n3A = arith.select %broadcast_in_dim3A_273, %max3A_72, %broadcast_in_dim3A_274 : vector<2000x128xi1>, vector<2000x128xf32>
        %reduce_max3A_275 = arith.constant dense<0xFF800000> : vector<128xf32>
        %reduce_max3A_276 = vector.multi_reduction <maximumf>, %select_n3A, %reduce_max3A_275 [0] : vector<2000x128xf32> to vector<128xf32>
        %broadcast_in_dim3A_277 = vector.shape_cast %reduce_max3A_276 : vector<128xf32> to vector<1x128xf32>
        %get3A_278 = arith.index_cast %add3A_130 : i32 to index
        %get3A_279 = arith.constant 0 : index
        %get3A_280 = vector.load %arg12[%get3A_278, %get3A_279] : memref<64x128xf32, #tpu.memory_space<vmem>>, vector<1x128xf32>
        %max3A_281 = arith.maximumf %get3A_280, %broadcast_in_dim3A_277 : vector<1x128xf32>
        %swap3A_282 = arith.index_cast %add3A_130 : i32 to index
        %swap3A_283 = arith.constant 0 : index
        %swap3A_284 = vector.load %arg12[%swap3A_282, %swap3A_283] : memref<64x128xf32, #tpu.memory_space<vmem>>, vector<1x128xf32>
        tpu.vector_store %arg12[%swap3A_282, %swap3A_283], %max3A_281 {strides = array<i32>} : memref<64x128xf32, #tpu.memory_space<vmem>>, vector<1x128xf32>,
      } else {
      }
      %add3A_135 = arith.constant 2 : i32
      %add3A_136 = arith.addi %reduce_min3A_108, %add3A_135 : i32
      %le3A_137 = arith.cmpi sle, %add3A_136, %reduce_max3A_112 : i32
      %convert_element_type3A_138 = arith.extui %le3A_137 : i1 to i32
      %cond3A_139 = arith.constant 0 : i32
      %cond3A_140 = arith.cmpi ne, %convert_element_type3A_138, %cond3A_139 : i32
      scf.if %cond3A_140 {
        %get3A_267 = arith.constant 0 : index
        %get3A_268 = arith.constant 0 : index
        %get3A_269 = vector.load %arg10[%get3A_267, %get3A_268] : memref<2000x1xi32, #tpu.memory_space<vmem>>, vector<2000x1xi32>
        %eq3A_270 = vector.broadcast %add3A_136 : i32 to vector<2000x1xi32>
        %eq3A_271 = arith.cmpi eq, %get3A_269, %eq3A_270 : vector<2000x1xi32>
        %broadcast_in_dim3A_272 = vector.shape_cast %eq3A_271 : vector<2000x1xi1> to vector<2000x1xi1>
        %broadcast_in_dim3A_273 = vector.broadcast %broadcast_in_dim3A_272 : vector<2000x1xi1> to vector<2000x128xi1>
        %broadcast_in_dim3A_274 = vector.broadcast %cond3A_116 : f32 to vector<2000x128xf32>
        %select_n3A = arith.select %broadcast_in_dim3A_273, %max3A_72, %broadcast_in_dim3A_274 : vector<2000x128xi1>, vector<2000x128xf32>
        %reduce_max3A_275 = arith.constant dense<0xFF800000> : vector<128xf32>
        %reduce_max3A_276 = vector.multi_reduction <maximumf>, %select_n3A, %reduce_max3A_275 [0] : vector<2000x128xf32> to vector<128xf32>
        %broadcast_in_dim3A_277 = vector.shape_cast %reduce_max3A_276 : vector<128xf32> to vector<1x128xf32>
        %get3A_278 = arith.index_cast %add3A_136 : i32 to index
        %get3A_279 = arith.constant 0 : index
        %get3A_280 = vector.load %arg12[%get3A_278, %get3A_279] : memref<64x128xf32, #tpu.memory_space<vmem>>, vector<1x128xf32>
        %max3A_281 = arith.maximumf %get3A_280, %broadcast_in_dim3A_277 : vector<1x128xf32>
        %swap3A_282 = arith.index_cast %add3A_136 : i32 to index
        %swap3A_283 = arith.constant 0 : index
        %swap3A_284 = vector.load %arg12[%swap3A_282, %swap3A_283] : memref<64x128xf32, #tpu.memory_space<vmem>>, vector<1x128xf32>
        tpu.vector_store %arg12[%swap3A_282, %swap3A_283], %max3A_281 {strides = array<i32>} : memref<64x128xf32, #tpu.memory_space<vmem>>, vector<1x128xf32>,
      } else {
      }
      %add3A_141 = arith.constant 3 : i32
      %add3A_142 = arith.addi %reduce_min3A_108, %add3A_141 : i32
      %le3A_143 = arith.cmpi sle, %add3A_142, %reduce_max3A_112 : i32
      %convert_element_type3A_144 = arith.extui %le3A_143 : i1 to i32
      %cond3A_145 = arith.constant 0 : i32
      %cond3A_146 = arith.cmpi ne, %convert_element_type3A_144, %cond3A_145 : i32
      scf.if %cond3A_146 {
        %get3A_267 = arith.constant 0 : index
        %get3A_268 = arith.constant 0 : index
        %get3A_269 = vector.load %arg10[%get3A_267, %get3A_268] : memref<2000x1xi32, #tpu.memory_space<vmem>>, vector<2000x1xi32>
        %eq3A_270 = vector.broadcast %add3A_142 : i32 to vector<2000x1xi32>
        %eq3A_271 = arith.cmpi eq, %get3A_269, %eq3A_270 : vector<2000x1xi32>
        %broadcast_in_dim3A_272 = vector.shape_cast %eq3A_271 : vector<2000x1xi1> to vector<2000x1xi1>
        %broadcast_in_dim3A_273 = vector.broadcast %broadcast_in_dim3A_272 : vector<2000x1xi1> to vector<2000x128xi1>
        %broadcast_in_dim3A_274 = vector.broadcast %cond3A_116 : f32 to vector<2000x128xf32>
        %select_n3A = arith.select %broadcast_in_dim3A_273, %max3A_72, %broadcast_in_dim3A_274 : vector<2000x128xi1>, vector<2000x128xf32>
        %reduce_max3A_275 = arith.constant dense<0xFF800000> : vector<128xf32>
        %reduce_max3A_276 = vector.multi_reduction <maximumf>, %select_n3A, %reduce_max3A_275 [0] : vector<2000x128xf32> to vector<128xf32>
        %broadcast_in_dim3A_277 = vector.shape_cast %reduce_max3A_276 : vector<128xf32> to vector<1x128xf32>
        %get3A_278 = arith.index_cast %add3A_142 : i32 to index
        %get3A_279 = arith.constant 0 : index
        %get3A_280 = vector.load %arg12[%get3A_278, %get3A_279] : memref<64x128xf32, #tpu.memory_space<vmem>>, vector<1x128xf32>
        %max3A_281 = arith.maximumf %get3A_280, %broadcast_in_dim3A_277 : vector<1x128xf32>
        %swap3A_282 = arith.index_cast %add3A_142 : i32 to index
        %swap3A_283 = arith.constant 0 : index
        %swap3A_284 = vector.load %arg12[%swap3A_282, %swap3A_283] : memref<64x128xf32, #tpu.memory_space<vmem>>, vector<1x128xf32>
        tpu.vector_store %arg12[%swap3A_282, %swap3A_283], %max3A_281 {strides = array<i32>} : memref<64x128xf32, #tpu.memory_space<vmem>>, vector<1x128xf32>,
      } else {
      }
      %add3A_147 = arith.constant 4 : i32
      %add3A_148 = arith.addi %reduce_min3A_108, %add3A_147 : i32
      %le3A_149 = arith.cmpi sle, %add3A_148, %reduce_max3A_112 : i32
      %convert_element_type3A_150 = arith.extui %le3A_149 : i1 to i32
      %cond3A_151 = arith.constant 0 : i32
      %cond3A_152 = arith.cmpi ne, %convert_element_type3A_150, %cond3A_151 : i32
      scf.if %cond3A_152 {
        %get3A_267 = arith.constant 0 : index
        %get3A_268 = arith.constant 0 : index
        %get3A_269 = vector.load %arg10[%get3A_267, %get3A_268] : memref<2000x1xi32, #tpu.memory_space<vmem>>, vector<2000x1xi32>
        %eq3A_270 = vector.broadcast %add3A_148 : i32 to vector<2000x1xi32>
        %eq3A_271 = arith.cmpi eq, %get3A_269, %eq3A_270 : vector<2000x1xi32>
        %broadcast_in_dim3A_272 = vector.shape_cast %eq3A_271 : vector<2000x1xi1> to vector<2000x1xi1>
        %broadcast_in_dim3A_273 = vector.broadcast %broadcast_in_dim3A_272 : vector<2000x1xi1> to vector<2000x128xi1>
        %broadcast_in_dim3A_274 = vector.broadcast %cond3A_116 : f32 to vector<2000x128xf32>
        %select_n3A = arith.select %broadcast_in_dim3A_273, %max3A_72, %broadcast_in_dim3A_274 : vector<2000x128xi1>, vector<2000x128xf32>
        %reduce_max3A_275 = arith.constant dense<0xFF800000> : vector<128xf32>
        %reduce_max3A_276 = vector.multi_reduction <maximumf>, %select_n3A, %reduce_max3A_275 [0] : vector<2000x128xf32> to vector<128xf32>
        %broadcast_in_dim3A_277 = vector.shape_cast %reduce_max3A_276 : vector<128xf32> to vector<1x128xf32>
        %get3A_278 = arith.index_cast %add3A_148 : i32 to index
        %get3A_279 = arith.constant 0 : index
        %get3A_280 = vector.load %arg12[%get3A_278, %get3A_279] : memref<64x128xf32, #tpu.memory_space<vmem>>, vector<1x128xf32>
        %max3A_281 = arith.maximumf %get3A_280, %broadcast_in_dim3A_277 : vector<1x128xf32>
        %swap3A_282 = arith.index_cast %add3A_148 : i32 to index
        %swap3A_283 = arith.constant 0 : index
        %swap3A_284 = vector.load %arg12[%swap3A_282, %swap3A_283] : memref<64x128xf32, #tpu.memory_space<vmem>>, vector<1x128xf32>
        tpu.vector_store %arg12[%swap3A_282, %swap3A_283], %max3A_281 {strides = array<i32>} : memref<64x128xf32, #tpu.memory_space<vmem>>, vector<1x128xf32>,
      } else {
      }
      %add3A_153 = arith.constant 5 : i32
      %add3A_154 = arith.addi %reduce_min3A_108, %add3A_153 : i32
      %le3A_155 = arith.cmpi sle, %add3A_154, %reduce_max3A_112 : i32
      %convert_element_type3A_156 = arith.extui %le3A_155 : i1 to i32
      %cond3A_157 = arith.constant 0 : i32
      %cond3A_158 = arith.cmpi ne, %convert_element_type3A_156, %cond3A_157 : i32
      scf.if %cond3A_158 {
        %get3A_267 = arith.constant 0 : index
        %get3A_268 = arith.constant 0 : index
        %get3A_269 = vector.load %arg10[%get3A_267, %get3A_268] : memref<2000x1xi32, #tpu.memory_space<vmem>>, vector<2000x1xi32>
        %eq3A_270 = vector.broadcast %add3A_154 : i32 to vector<2000x1xi32>
        %eq3A_271 = arith.cmpi eq, %get3A_269, %eq3A_270 : vector<2000x1xi32>
        %broadcast_in_dim3A_272 = vector.shape_cast %eq3A_271 : vector<2000x1xi1> to vector<2000x1xi1>
        %broadcast_in_dim3A_273 = vector.broadcast %broadcast_in_dim3A_272 : vector<2000x1xi1> to vector<2000x128xi1>
        %broadcast_in_dim3A_274 = vector.broadcast %cond3A_116 : f32 to vector<2000x128xf32>
        %select_n3A = arith.select %broadcast_in_dim3A_273, %max3A_72, %broadcast_in_dim3A_274 : vector<2000x128xi1>, vector<2000x128xf32>
        %reduce_max3A_275 = arith.constant dense<0xFF800000> : vector<128xf32>
        %reduce_max3A_276 = vector.multi_reduction <maximumf>, %select_n3A, %reduce_max3A_275 [0] : vector<2000x128xf32> to vector<128xf32>
        %broadcast_in_dim3A_277 = vector.shape_cast %reduce_max3A_276 : vector<128xf32> to vector<1x128xf32>
        %get3A_278 = arith.index_cast %add3A_154 : i32 to index
        %get3A_279 = arith.constant 0 : index
        %get3A_280 = vector.load %arg12[%get3A_278, %get3A_279] : memref<64x128xf32, #tpu.memory_space<vmem>>, vector<1x128xf32>
        %max3A_281 = arith.maximumf %get3A_280, %broadcast_in_dim3A_277 : vector<1x128xf32>
        %swap3A_282 = arith.index_cast %add3A_154 : i32 to index
        %swap3A_283 = arith.constant 0 : index
        %swap3A_284 = vector.load %arg12[%swap3A_282, %swap3A_283] : memref<64x128xf32, #tpu.memory_space<vmem>>, vector<1x128xf32>
        tpu.vector_store %arg12[%swap3A_282, %swap3A_283], %max3A_281 {strides = array<i32>} : memref<64x128xf32, #tpu.memory_space<vmem>>, vector<1x128xf32>,
      } else {
      }
      %add3A_159 = arith.constant 6 : i32
      %add3A_160 = arith.addi %reduce_min3A_108, %add3A_159 : i32
      %le3A_161 = arith.cmpi sle, %add3A_160, %reduce_max3A_112 : i32
      %convert_element_type3A_162 = arith.extui %le3A_161 : i1 to i32
      %cond3A_163 = arith.constant 0 : i32
      %cond3A_164 = arith.cmpi ne, %convert_element_type3A_162, %cond3A_163 : i32
      scf.if %cond3A_164 {
        %get3A_267 = arith.constant 0 : index
        %get3A_268 = arith.constant 0 : index
        %get3A_269 = vector.load %arg10[%get3A_267, %get3A_268] : memref<2000x1xi32, #tpu.memory_space<vmem>>, vector<2000x1xi32>
        %eq3A_270 = vector.broadcast %add3A_160 : i32 to vector<2000x1xi32>
        %eq3A_271 = arith.cmpi eq, %get3A_269, %eq3A_270 : vector<2000x1xi32>
        %broadcast_in_dim3A_272 = vector.shape_cast %eq3A_271 : vector<2000x1xi1> to vector<2000x1xi1>
        %broadcast_in_dim3A_273 = vector.broadcast %broadcast_in_dim3A_272 : vector<2000x1xi1> to vector<2000x128xi1>
        %broadcast_in_dim3A_274 = vector.broadcast %cond3A_116 : f32 to vector<2000x128xf32>
        %select_n3A = arith.select %broadcast_in_dim3A_273, %max3A_72, %broadcast_in_dim3A_274 : vector<2000x128xi1>, vector<2000x128xf32>
        %reduce_max3A_275 = arith.constant dense<0xFF800000> : vector<128xf32>
        %reduce_max3A_276 = vector.multi_reduction <maximumf>, %select_n3A, %reduce_max3A_275 [0] : vector<2000x128xf32> to vector<128xf32>
        %broadcast_in_dim3A_277 = vector.shape_cast %reduce_max3A_276 : vector<128xf32> to vector<1x128xf32>
        %get3A_278 = arith.index_cast %add3A_160 : i32 to index
        %get3A_279 = arith.constant 0 : index
        %get3A_280 = vector.load %arg12[%get3A_278, %get3A_279] : memref<64x128xf32, #tpu.memory_space<vmem>>, vector<1x128xf32>
        %max3A_281 = arith.maximumf %get3A_280, %broadcast_in_dim3A_277 : vector<1x128xf32>
        %swap3A_282 = arith.index_cast %add3A_160 : i32 to index
        %swap3A_283 = arith.constant 0 : index
        %swap3A_284 = vector.load %arg12[%swap3A_282, %swap3A_283] : memref<64x128xf32, #tpu.memory_space<vmem>>, vector<1x128xf32>
        tpu.vector_store %arg12[%swap3A_282, %swap3A_283], %max3A_281 {strides = array<i32>} : memref<64x128xf32, #tpu.memory_space<vmem>>, vector<1x128xf32>,
      } else {
      }
      %add3A_165 = arith.constant 7 : i32
      %add3A_166 = arith.addi %reduce_min3A_108, %add3A_165 : i32
      %le3A_167 = arith.cmpi sle, %add3A_166, %reduce_max3A_112 : i32
      %convert_element_type3A_168 = arith.extui %le3A_167 : i1 to i32
      %cond3A_169 = arith.constant 0 : i32
      %cond3A_170 = arith.cmpi ne, %convert_element_type3A_168, %cond3A_169 : i32
      scf.if %cond3A_170 {
        %get3A_267 = arith.constant 0 : index
        %get3A_268 = arith.constant 0 : index
        %get3A_269 = vector.load %arg10[%get3A_267, %get3A_268] : memref<2000x1xi32, #tpu.memory_space<vmem>>, vector<2000x1xi32>
        %eq3A_270 = vector.broadcast %add3A_166 : i32 to vector<2000x1xi32>
        %eq3A_271 = arith.cmpi eq, %get3A_269, %eq3A_270 : vector<2000x1xi32>
        %broadcast_in_dim3A_272 = vector.shape_cast %eq3A_271 : vector<2000x1xi1> to vector<2000x1xi1>
        %broadcast_in_dim3A_273 = vector.broadcast %broadcast_in_dim3A_272 : vector<2000x1xi1> to vector<2000x128xi1>
        %broadcast_in_dim3A_274 = vector.broadcast %cond3A_116 : f32 to vector<2000x128xf32>
        %select_n3A = arith.select %broadcast_in_dim3A_273, %max3A_72, %broadcast_in_dim3A_274 : vector<2000x128xi1>, vector<2000x128xf32>
        %reduce_max3A_275 = arith.constant dense<0xFF800000> : vector<128xf32>
        %reduce_max3A_276 = vector.multi_reduction <maximumf>, %select_n3A, %reduce_max3A_275 [0] : vector<2000x128xf32> to vector<128xf32>
        %broadcast_in_dim3A_277 = vector.shape_cast %reduce_max3A_276 : vector<128xf32> to vector<1x128xf32>
        %get3A_278 = arith.index_cast %add3A_166 : i32 to index
        %get3A_279 = arith.constant 0 : index
        %get3A_280 = vector.load %arg12[%get3A_278, %get3A_279] : memref<64x128xf32, #tpu.memory_space<vmem>>, vector<1x128xf32>
        %max3A_281 = arith.maximumf %get3A_280, %broadcast_in_dim3A_277 : vector<1x128xf32>
        %swap3A_282 = arith.index_cast %add3A_166 : i32 to index
        %swap3A_283 = arith.constant 0 : index
        %swap3A_284 = vector.load %arg12[%swap3A_282, %swap3A_283] : memref<64x128xf32, #tpu.memory_space<vmem>>, vector<1x128xf32>
        tpu.vector_store %arg12[%swap3A_282, %swap3A_283], %max3A_281 {strides = array<i32>} : memref<64x128xf32, #tpu.memory_space<vmem>>, vector<1x128xf32>,
      } else {
      }
      %add3A_171 = arith.constant 8 : i32
      %add3A_172 = arith.addi %reduce_min3A_108, %add3A_171 : i32
      %le3A_173 = arith.cmpi sle, %add3A_172, %reduce_max3A_112 : i32
      %convert_element_type3A_174 = arith.extui %le3A_173 : i1 to i32
      %cond3A_175 = arith.constant 0 : i32
      %cond3A_176 = arith.cmpi ne, %convert_element_type3A_174, %cond3A_175 : i32
      scf.if %cond3A_176 {
        %get3A_267 = arith.constant 0 : index
        %get3A_268 = arith.constant 0 : index
        %get3A_269 = vector.load %arg10[%get3A_267, %get3A_268] : memref<2000x1xi32, #tpu.memory_space<vmem>>, vector<2000x1xi32>
        %eq3A_270 = vector.broadcast %add3A_172 : i32 to vector<2000x1xi32>
        %eq3A_271 = arith.cmpi eq, %get3A_269, %eq3A_270 : vector<2000x1xi32>
        %broadcast_in_dim3A_272 = vector.shape_cast %eq3A_271 : vector<2000x1xi1> to vector<2000x1xi1>
        %broadcast_in_dim3A_273 = vector.broadcast %broadcast_in_dim3A_272 : vector<2000x1xi1> to vector<2000x128xi1>
        %broadcast_in_dim3A_274 = vector.broadcast %cond3A_116 : f32 to vector<2000x128xf32>
        %select_n3A = arith.select %broadcast_in_dim3A_273, %max3A_72, %broadcast_in_dim3A_274 : vector<2000x128xi1>, vector<2000x128xf32>
        %reduce_max3A_275 = arith.constant dense<0xFF800000> : vector<128xf32>
        %reduce_max3A_276 = vector.multi_reduction <maximumf>, %select_n3A, %reduce_max3A_275 [0] : vector<2000x128xf32> to vector<128xf32>
        %broadcast_in_dim3A_277 = vector.shape_cast %reduce_max3A_276 : vector<128xf32> to vector<1x128xf32>
        %get3A_278 = arith.index_cast %add3A_172 : i32 to index
        %get3A_279 = arith.constant 0 : index
        %get3A_280 = vector.load %arg12[%get3A_278, %get3A_279] : memref<64x128xf32, #tpu.memory_space<vmem>>, vector<1x128xf32>
        %max3A_281 = arith.maximumf %get3A_280, %broadcast_in_dim3A_277 : vector<1x128xf32>
        %swap3A_282 = arith.index_cast %add3A_172 : i32 to index
        %swap3A_283 = arith.constant 0 : index
        %swap3A_284 = vector.load %arg12[%swap3A_282, %swap3A_283] : memref<64x128xf32, #tpu.memory_space<vmem>>, vector<1x128xf32>
        tpu.vector_store %arg12[%swap3A_282, %swap3A_283], %max3A_281 {strides = array<i32>} : memref<64x128xf32, #tpu.memory_space<vmem>>, vector<1x128xf32>,
      } else {
      }
      %add3A_177 = arith.constant 9 : i32
      %add3A_178 = arith.addi %reduce_min3A_108, %add3A_177 : i32
      %le3A_179 = arith.cmpi sle, %add3A_178, %reduce_max3A_112 : i32
      %convert_element_type3A_180 = arith.extui %le3A_179 : i1 to i32
      %cond3A_181 = arith.constant 0 : i32
      %cond3A_182 = arith.cmpi ne, %convert_element_type3A_180, %cond3A_181 : i32
      scf.if %cond3A_182 {
        %get3A_267 = arith.constant 0 : index
        %get3A_268 = arith.constant 0 : index
        %get3A_269 = vector.load %arg10[%get3A_267, %get3A_268] : memref<2000x1xi32, #tpu.memory_space<vmem>>, vector<2000x1xi32>
        %eq3A_270 = vector.broadcast %add3A_178 : i32 to vector<2000x1xi32>
        %eq3A_271 = arith.cmpi eq, %get3A_269, %eq3A_270 : vector<2000x1xi32>
        %broadcast_in_dim3A_272 = vector.shape_cast %eq3A_271 : vector<2000x1xi1> to vector<2000x1xi1>
        %broadcast_in_dim3A_273 = vector.broadcast %broadcast_in_dim3A_272 : vector<2000x1xi1> to vector<2000x128xi1>
        %broadcast_in_dim3A_274 = vector.broadcast %cond3A_116 : f32 to vector<2000x128xf32>
        %select_n3A = arith.select %broadcast_in_dim3A_273, %max3A_72, %broadcast_in_dim3A_274 : vector<2000x128xi1>, vector<2000x128xf32>
        %reduce_max3A_275 = arith.constant dense<0xFF800000> : vector<128xf32>
        %reduce_max3A_276 = vector.multi_reduction <maximumf>, %select_n3A, %reduce_max3A_275 [0] : vector<2000x128xf32> to vector<128xf32>
        %broadcast_in_dim3A_277 = vector.shape_cast %reduce_max3A_276 : vector<128xf32> to vector<1x128xf32>
        %get3A_278 = arith.index_cast %add3A_178 : i32 to index
        %get3A_279 = arith.constant 0 : index
        %get3A_280 = vector.load %arg12[%get3A_278, %get3A_279] : memref<64x128xf32, #tpu.memory_space<vmem>>, vector<1x128xf32>
        %max3A_281 = arith.maximumf %get3A_280, %broadcast_in_dim3A_277 : vector<1x128xf32>
        %swap3A_282 = arith.index_cast %add3A_178 : i32 to index
        %swap3A_283 = arith.constant 0 : index
        %swap3A_284 = vector.load %arg12[%swap3A_282, %swap3A_283] : memref<64x128xf32, #tpu.memory_space<vmem>>, vector<1x128xf32>
        tpu.vector_store %arg12[%swap3A_282, %swap3A_283], %max3A_281 {strides = array<i32>} : memref<64x128xf32, #tpu.memory_space<vmem>>, vector<1x128xf32>,
      } else {
      }
      %add3A_183 = arith.constant 10 : i32
      %add3A_184 = arith.addi %reduce_min3A_108, %add3A_183 : i32
      %le3A_185 = arith.cmpi sle, %add3A_184, %reduce_max3A_112 : i32
      %convert_element_type3A_186 = arith.extui %le3A_185 : i1 to i32
      %cond3A_187 = arith.constant 0 : i32
      %cond3A_188 = arith.cmpi ne, %convert_element_type3A_186, %cond3A_187 : i32
      scf.if %cond3A_188 {
        %get3A_267 = arith.constant 0 : index
        %get3A_268 = arith.constant 0 : index
        %get3A_269 = vector.load %arg10[%get3A_267, %get3A_268] : memref<2000x1xi32, #tpu.memory_space<vmem>>, vector<2000x1xi32>
        %eq3A_270 = vector.broadcast %add3A_184 : i32 to vector<2000x1xi32>
        %eq3A_271 = arith.cmpi eq, %get3A_269, %eq3A_270 : vector<2000x1xi32>
        %broadcast_in_dim3A_272 = vector.shape_cast %eq3A_271 : vector<2000x1xi1> to vector<2000x1xi1>
        %broadcast_in_dim3A_273 = vector.broadcast %broadcast_in_dim3A_272 : vector<2000x1xi1> to vector<2000x128xi1>
        %broadcast_in_dim3A_274 = vector.broadcast %cond3A_116 : f32 to vector<2000x128xf32>
        %select_n3A = arith.select %broadcast_in_dim3A_273, %max3A_72, %broadcast_in_dim3A_274 : vector<2000x128xi1>, vector<2000x128xf32>
        %reduce_max3A_275 = arith.constant dense<0xFF800000> : vector<128xf32>
        %reduce_max3A_276 = vector.multi_reduction <maximumf>, %select_n3A, %reduce_max3A_275 [0] : vector<2000x128xf32> to vector<128xf32>
        %broadcast_in_dim3A_277 = vector.shape_cast %reduce_max3A_276 : vector<128xf32> to vector<1x128xf32>
        %get3A_278 = arith.index_cast %add3A_184 : i32 to index
        %get3A_279 = arith.constant 0 : index
        %get3A_280 = vector.load %arg12[%get3A_278, %get3A_279] : memref<64x128xf32, #tpu.memory_space<vmem>>, vector<1x128xf32>
        %max3A_281 = arith.maximumf %get3A_280, %broadcast_in_dim3A_277 : vector<1x128xf32>
        %swap3A_282 = arith.index_cast %add3A_184 : i32 to index
        %swap3A_283 = arith.constant 0 : index
        %swap3A_284 = vector.load %arg12[%swap3A_282, %swap3A_283] : memref<64x128xf32, #tpu.memory_space<vmem>>, vector<1x128xf32>
        tpu.vector_store %arg12[%swap3A_282, %swap3A_283], %max3A_281 {strides = array<i32>} : memref<64x128xf32, #tpu.memory_space<vmem>>, vector<1x128xf32>,
      } else {
      }
      %add3A_189 = arith.constant 11 : i32
      %add3A_190 = arith.addi %reduce_min3A_108, %add3A_189 : i32
      %le3A_191 = arith.cmpi sle, %add3A_190, %reduce_max3A_112 : i32
      %convert_element_type3A_192 = arith.extui %le3A_191 : i1 to i32
      %cond3A_193 = arith.constant 0 : i32
      %cond3A_194 = arith.cmpi ne, %convert_element_type3A_192, %cond3A_193 : i32
      scf.if %cond3A_194 {
        %get3A_267 = arith.constant 0 : index
        %get3A_268 = arith.constant 0 : index
        %get3A_269 = vector.load %arg10[%get3A_267, %get3A_268] : memref<2000x1xi32, #tpu.memory_space<vmem>>, vector<2000x1xi32>
        %eq3A_270 = vector.broadcast %add3A_190 : i32 to vector<2000x1xi32>
        %eq3A_271 = arith.cmpi eq, %get3A_269, %eq3A_270 : vector<2000x1xi32>
        %broadcast_in_dim3A_272 = vector.shape_cast %eq3A_271 : vector<2000x1xi1> to vector<2000x1xi1>
        %broadcast_in_dim3A_273 = vector.broadcast %broadcast_in_dim3A_272 : vector<2000x1xi1> to vector<2000x128xi1>
        %broadcast_in_dim3A_274 = vector.broadcast %cond3A_116 : f32 to vector<2000x128xf32>
        %select_n3A = arith.select %broadcast_in_dim3A_273, %max3A_72, %broadcast_in_dim3A_274 : vector<2000x128xi1>, vector<2000x128xf32>
        %reduce_max3A_275 = arith.constant dense<0xFF800000> : vector<128xf32>
        %reduce_max3A_276 = vector.multi_reduction <maximumf>, %select_n3A, %reduce_max3A_275 [0] : vector<2000x128xf32> to vector<128xf32>
        %broadcast_in_dim3A_277 = vector.shape_cast %reduce_max3A_276 : vector<128xf32> to vector<1x128xf32>
        %get3A_278 = arith.index_cast %add3A_190 : i32 to index
        %get3A_279 = arith.constant 0 : index
        %get3A_280 = vector.load %arg12[%get3A_278, %get3A_279] : memref<64x128xf32, #tpu.memory_space<vmem>>, vector<1x128xf32>
        %max3A_281 = arith.maximumf %get3A_280, %broadcast_in_dim3A_277 : vector<1x128xf32>
        %swap3A_282 = arith.index_cast %add3A_190 : i32 to index
        %swap3A_283 = arith.constant 0 : index
        %swap3A_284 = vector.load %arg12[%swap3A_282, %swap3A_283] : memref<64x128xf32, #tpu.memory_space<vmem>>, vector<1x128xf32>
        tpu.vector_store %arg12[%swap3A_282, %swap3A_283], %max3A_281 {strides = array<i32>} : memref<64x128xf32, #tpu.memory_space<vmem>>, vector<1x128xf32>,
      } else {
      }
      %add3A_195 = arith.constant 12 : i32
      %add3A_196 = arith.addi %reduce_min3A_108, %add3A_195 : i32
      %le3A_197 = arith.cmpi sle, %add3A_196, %reduce_max3A_112 : i32
      %convert_element_type3A_198 = arith.extui %le3A_197 : i1 to i32
      %cond3A_199 = arith.constant 0 : i32
      %cond3A_200 = arith.cmpi ne, %convert_element_type3A_198, %cond3A_199 : i32
      scf.if %cond3A_200 {
        %get3A_267 = arith.constant 0 : index
        %get3A_268 = arith.constant 0 : index
        %get3A_269 = vector.load %arg10[%get3A_267, %get3A_268] : memref<2000x1xi32, #tpu.memory_space<vmem>>, vector<2000x1xi32>
        %eq3A_270 = vector.broadcast %add3A_196 : i32 to vector<2000x1xi32>
        %eq3A_271 = arith.cmpi eq, %get3A_269, %eq3A_270 : vector<2000x1xi32>
        %broadcast_in_dim3A_272 = vector.shape_cast %eq3A_271 : vector<2000x1xi1> to vector<2000x1xi1>
        %broadcast_in_dim3A_273 = vector.broadcast %broadcast_in_dim3A_272 : vector<2000x1xi1> to vector<2000x128xi1>
        %broadcast_in_dim3A_274 = vector.broadcast %cond3A_116 : f32 to vector<2000x128xf32>
        %select_n3A = arith.select %broadcast_in_dim3A_273, %max3A_72, %broadcast_in_dim3A_274 : vector<2000x128xi1>, vector<2000x128xf32>
        %reduce_max3A_275 = arith.constant dense<0xFF800000> : vector<128xf32>
        %reduce_max3A_276 = vector.multi_reduction <maximumf>, %select_n3A, %reduce_max3A_275 [0] : vector<2000x128xf32> to vector<128xf32>
        %broadcast_in_dim3A_277 = vector.shape_cast %reduce_max3A_276 : vector<128xf32> to vector<1x128xf32>
        %get3A_278 = arith.index_cast %add3A_196 : i32 to index
        %get3A_279 = arith.constant 0 : index
        %get3A_280 = vector.load %arg12[%get3A_278, %get3A_279] : memref<64x128xf32, #tpu.memory_space<vmem>>, vector<1x128xf32>
        %max3A_281 = arith.maximumf %get3A_280, %broadcast_in_dim3A_277 : vector<1x128xf32>
        %swap3A_282 = arith.index_cast %add3A_196 : i32 to index
        %swap3A_283 = arith.constant 0 : index
        %swap3A_284 = vector.load %arg12[%swap3A_282, %swap3A_283] : memref<64x128xf32, #tpu.memory_space<vmem>>, vector<1x128xf32>
        tpu.vector_store %arg12[%swap3A_282, %swap3A_283], %max3A_281 {strides = array<i32>} : memref<64x128xf32, #tpu.memory_space<vmem>>, vector<1x128xf32>,
      } else {
      }
      %add3A_201 = arith.constant 13 : i32
      %add3A_202 = arith.addi %reduce_min3A_108, %add3A_201 : i32
      %le3A_203 = arith.cmpi sle, %add3A_202, %reduce_max3A_112 : i32
      %convert_element_type3A_204 = arith.extui %le3A_203 : i1 to i32
      %cond3A_205 = arith.constant 0 : i32
      %cond3A_206 = arith.cmpi ne, %convert_element_type3A_204, %cond3A_205 : i32
      scf.if %cond3A_206 {
        %get3A_267 = arith.constant 0 : index
        %get3A_268 = arith.constant 0 : index
        %get3A_269 = vector.load %arg10[%get3A_267, %get3A_268] : memref<2000x1xi32, #tpu.memory_space<vmem>>, vector<2000x1xi32>
        %eq3A_270 = vector.broadcast %add3A_202 : i32 to vector<2000x1xi32>
        %eq3A_271 = arith.cmpi eq, %get3A_269, %eq3A_270 : vector<2000x1xi32>
        %broadcast_in_dim3A_272 = vector.shape_cast %eq3A_271 : vector<2000x1xi1> to vector<2000x1xi1>
        %broadcast_in_dim3A_273 = vector.broadcast %broadcast_in_dim3A_272 : vector<2000x1xi1> to vector<2000x128xi1>
        %broadcast_in_dim3A_274 = vector.broadcast %cond3A_116 : f32 to vector<2000x128xf32>
        %select_n3A = arith.select %broadcast_in_dim3A_273, %max3A_72, %broadcast_in_dim3A_274 : vector<2000x128xi1>, vector<2000x128xf32>
        %reduce_max3A_275 = arith.constant dense<0xFF800000> : vector<128xf32>
        %reduce_max3A_276 = vector.multi_reduction <maximumf>, %select_n3A, %reduce_max3A_275 [0] : vector<2000x128xf32> to vector<128xf32>
        %broadcast_in_dim3A_277 = vector.shape_cast %reduce_max3A_276 : vector<128xf32> to vector<1x128xf32>
        %get3A_278 = arith.index_cast %add3A_202 : i32 to index
        %get3A_279 = arith.constant 0 : index
        %get3A_280 = vector.load %arg12[%get3A_278, %get3A_279] : memref<64x128xf32, #tpu.memory_space<vmem>>, vector<1x128xf32>
        %max3A_281 = arith.maximumf %get3A_280, %broadcast_in_dim3A_277 : vector<1x128xf32>
        %swap3A_282 = arith.index_cast %add3A_202 : i32 to index
        %swap3A_283 = arith.constant 0 : index
        %swap3A_284 = vector.load %arg12[%swap3A_282, %swap3A_283] : memref<64x128xf32, #tpu.memory_space<vmem>>, vector<1x128xf32>
        tpu.vector_store %arg12[%swap3A_282, %swap3A_283], %max3A_281 {strides = array<i32>} : memref<64x128xf32, #tpu.memory_space<vmem>>, vector<1x128xf32>,
      } else {
      }
      %add3A_207 = arith.constant 14 : i32
      %add3A_208 = arith.addi %reduce_min3A_108, %add3A_207 : i32
      %le3A_209 = arith.cmpi sle, %add3A_208, %reduce_max3A_112 : i32
      %convert_element_type3A_210 = arith.extui %le3A_209 : i1 to i32
      %cond3A_211 = arith.constant 0 : i32
      %cond3A_212 = arith.cmpi ne, %convert_element_type3A_210, %cond3A_211 : i32
      scf.if %cond3A_212 {
        %get3A_267 = arith.constant 0 : index
        %get3A_268 = arith.constant 0 : index
        %get3A_269 = vector.load %arg10[%get3A_267, %get3A_268] : memref<2000x1xi32, #tpu.memory_space<vmem>>, vector<2000x1xi32>
        %eq3A_270 = vector.broadcast %add3A_208 : i32 to vector<2000x1xi32>
        %eq3A_271 = arith.cmpi eq, %get3A_269, %eq3A_270 : vector<2000x1xi32>
        %broadcast_in_dim3A_272 = vector.shape_cast %eq3A_271 : vector<2000x1xi1> to vector<2000x1xi1>
        %broadcast_in_dim3A_273 = vector.broadcast %broadcast_in_dim3A_272 : vector<2000x1xi1> to vector<2000x128xi1>
        %broadcast_in_dim3A_274 = vector.broadcast %cond3A_116 : f32 to vector<2000x128xf32>
        %select_n3A = arith.select %broadcast_in_dim3A_273, %max3A_72, %broadcast_in_dim3A_274 : vector<2000x128xi1>, vector<2000x128xf32>
        %reduce_max3A_275 = arith.constant dense<0xFF800000> : vector<128xf32>
        %reduce_max3A_276 = vector.multi_reduction <maximumf>, %select_n3A, %reduce_max3A_275 [0] : vector<2000x128xf32> to vector<128xf32>
        %broadcast_in_dim3A_277 = vector.shape_cast %reduce_max3A_276 : vector<128xf32> to vector<1x128xf32>
        %get3A_278 = arith.index_cast %add3A_208 : i32 to index
        %get3A_279 = arith.constant 0 : index
        %get3A_280 = vector.load %arg12[%get3A_278, %get3A_279] : memref<64x128xf32, #tpu.memory_space<vmem>>, vector<1x128xf32>
        %max3A_281 = arith.maximumf %get3A_280, %broadcast_in_dim3A_277 : vector<1x128xf32>
        %swap3A_282 = arith.index_cast %add3A_208 : i32 to index
        %swap3A_283 = arith.constant 0 : index
        %swap3A_284 = vector.load %arg12[%swap3A_282, %swap3A_283] : memref<64x128xf32, #tpu.memory_space<vmem>>, vector<1x128xf32>
        tpu.vector_store %arg12[%swap3A_282, %swap3A_283], %max3A_281 {strides = array<i32>} : memref<64x128xf32, #tpu.memory_space<vmem>>, vector<1x128xf32>,
      } else {
      }
      %add3A_213 = arith.constant 15 : i32
      %add3A_214 = arith.addi %reduce_min3A_108, %add3A_213 : i32
      %le3A_215 = arith.cmpi sle, %add3A_214, %reduce_max3A_112 : i32
      %convert_element_type3A_216 = arith.extui %le3A_215 : i1 to i32
      %cond3A_217 = arith.constant 0 : i32
      %cond3A_218 = arith.cmpi ne, %convert_element_type3A_216, %cond3A_217 : i32
      scf.if %cond3A_218 {
        %get3A_267 = arith.constant 0 : index
        %get3A_268 = arith.constant 0 : index
        %get3A_269 = vector.load %arg10[%get3A_267, %get3A_268] : memref<2000x1xi32, #tpu.memory_space<vmem>>, vector<2000x1xi32>
        %eq3A_270 = vector.broadcast %add3A_214 : i32 to vector<2000x1xi32>
        %eq3A_271 = arith.cmpi eq, %get3A_269, %eq3A_270 : vector<2000x1xi32>
        %broadcast_in_dim3A_272 = vector.shape_cast %eq3A_271 : vector<2000x1xi1> to vector<2000x1xi1>
        %broadcast_in_dim3A_273 = vector.broadcast %broadcast_in_dim3A_272 : vector<2000x1xi1> to vector<2000x128xi1>
        %broadcast_in_dim3A_274 = vector.broadcast %cond3A_116 : f32 to vector<2000x128xf32>
        %select_n3A = arith.select %broadcast_in_dim3A_273, %max3A_72, %broadcast_in_dim3A_274 : vector<2000x128xi1>, vector<2000x128xf32>
        %reduce_max3A_275 = arith.constant dense<0xFF800000> : vector<128xf32>
        %reduce_max3A_276 = vector.multi_reduction <maximumf>, %select_n3A, %reduce_max3A_275 [0] : vector<2000x128xf32> to vector<128xf32>
        %broadcast_in_dim3A_277 = vector.shape_cast %reduce_max3A_276 : vector<128xf32> to vector<1x128xf32>
        %get3A_278 = arith.index_cast %add3A_214 : i32 to index
        %get3A_279 = arith.constant 0 : index
        %get3A_280 = vector.load %arg12[%get3A_278, %get3A_279] : memref<64x128xf32, #tpu.memory_space<vmem>>, vector<1x128xf32>
        %max3A_281 = arith.maximumf %get3A_280, %broadcast_in_dim3A_277 : vector<1x128xf32>
        %swap3A_282 = arith.index_cast %add3A_214 : i32 to index
        %swap3A_283 = arith.constant 0 : index
        %swap3A_284 = vector.load %arg12[%swap3A_282, %swap3A_283] : memref<64x128xf32, #tpu.memory_space<vmem>>, vector<1x128xf32>
        tpu.vector_store %arg12[%swap3A_282, %swap3A_283], %max3A_281 {strides = array<i32>} : memref<64x128xf32, #tpu.memory_space<vmem>>, vector<1x128xf32>,
      } else {
      }
      %add3A_219 = arith.constant 16 : i32
      %add3A_220 = arith.addi %reduce_min3A_108, %add3A_219 : i32
      %le3A_221 = arith.cmpi sle, %add3A_220, %reduce_max3A_112 : i32
      %convert_element_type3A_222 = arith.extui %le3A_221 : i1 to i32
      %cond3A_223 = arith.constant 0 : i32
      %cond3A_224 = arith.cmpi ne, %convert_element_type3A_222, %cond3A_223 : i32
      scf.if %cond3A_224 {
        %get3A_267 = arith.constant 0 : index
        %get3A_268 = arith.constant 0 : index
        %get3A_269 = vector.load %arg10[%get3A_267, %get3A_268] : memref<2000x1xi32, #tpu.memory_space<vmem>>, vector<2000x1xi32>
        %eq3A_270 = vector.broadcast %add3A_220 : i32 to vector<2000x1xi32>
        %eq3A_271 = arith.cmpi eq, %get3A_269, %eq3A_270 : vector<2000x1xi32>
        %broadcast_in_dim3A_272 = vector.shape_cast %eq3A_271 : vector<2000x1xi1> to vector<2000x1xi1>
        %broadcast_in_dim3A_273 = vector.broadcast %broadcast_in_dim3A_272 : vector<2000x1xi1> to vector<2000x128xi1>
        %broadcast_in_dim3A_274 = vector.broadcast %cond3A_116 : f32 to vector<2000x128xf32>
        %select_n3A = arith.select %broadcast_in_dim3A_273, %max3A_72, %broadcast_in_dim3A_274 : vector<2000x128xi1>, vector<2000x128xf32>
        %reduce_max3A_275 = arith.constant dense<0xFF800000> : vector<128xf32>
        %reduce_max3A_276 = vector.multi_reduction <maximumf>, %select_n3A, %reduce_max3A_275 [0] : vector<2000x128xf32> to vector<128xf32>
        %broadcast_in_dim3A_277 = vector.shape_cast %reduce_max3A_276 : vector<128xf32> to vector<1x128xf32>
        %get3A_278 = arith.index_cast %add3A_220 : i32 to index
        %get3A_279 = arith.constant 0 : index
        %get3A_280 = vector.load %arg12[%get3A_278, %get3A_279] : memref<64x128xf32, #tpu.memory_space<vmem>>, vector<1x128xf32>
        %max3A_281 = arith.maximumf %get3A_280, %broadcast_in_dim3A_277 : vector<1x128xf32>
        %swap3A_282 = arith.index_cast %add3A_220 : i32 to index
        %swap3A_283 = arith.constant 0 : index
        %swap3A_284 = vector.load %arg12[%swap3A_282, %swap3A_283] : memref<64x128xf32, #tpu.memory_space<vmem>>, vector<1x128xf32>
        tpu.vector_store %arg12[%swap3A_282, %swap3A_283], %max3A_281 {strides = array<i32>} : memref<64x128xf32, #tpu.memory_space<vmem>>, vector<1x128xf32>,
      } else {
      }
      %add3A_225 = arith.constant 17 : i32
      %add3A_226 = arith.addi %reduce_min3A_108, %add3A_225 : i32
      %le3A_227 = arith.cmpi sle, %add3A_226, %reduce_max3A_112 : i32
      %convert_element_type3A_228 = arith.extui %le3A_227 : i1 to i32
      %cond3A_229 = arith.constant 0 : i32
      %cond3A_230 = arith.cmpi ne, %convert_element_type3A_228, %cond3A_229 : i32
      scf.if %cond3A_230 {
        %get3A_267 = arith.constant 0 : index
        %get3A_268 = arith.constant 0 : index
        %get3A_269 = vector.load %arg10[%get3A_267, %get3A_268] : memref<2000x1xi32, #tpu.memory_space<vmem>>, vector<2000x1xi32>
        %eq3A_270 = vector.broadcast %add3A_226 : i32 to vector<2000x1xi32>
        %eq3A_271 = arith.cmpi eq, %get3A_269, %eq3A_270 : vector<2000x1xi32>
        %broadcast_in_dim3A_272 = vector.shape_cast %eq3A_271 : vector<2000x1xi1> to vector<2000x1xi1>
        %broadcast_in_dim3A_273 = vector.broadcast %broadcast_in_dim3A_272 : vector<2000x1xi1> to vector<2000x128xi1>
        %broadcast_in_dim3A_274 = vector.broadcast %cond3A_116 : f32 to vector<2000x128xf32>
        %select_n3A = arith.select %broadcast_in_dim3A_273, %max3A_72, %broadcast_in_dim3A_274 : vector<2000x128xi1>, vector<2000x128xf32>
        %reduce_max3A_275 = arith.constant dense<0xFF800000> : vector<128xf32>
        %reduce_max3A_276 = vector.multi_reduction <maximumf>, %select_n3A, %reduce_max3A_275 [0] : vector<2000x128xf32> to vector<128xf32>
        %broadcast_in_dim3A_277 = vector.shape_cast %reduce_max3A_276 : vector<128xf32> to vector<1x128xf32>
        %get3A_278 = arith.index_cast %add3A_226 : i32 to index
        %get3A_279 = arith.constant 0 : index
        %get3A_280 = vector.load %arg12[%get3A_278, %get3A_279] : memref<64x128xf32, #tpu.memory_space<vmem>>, vector<1x128xf32>
        %max3A_281 = arith.maximumf %get3A_280, %broadcast_in_dim3A_277 : vector<1x128xf32>
        %swap3A_282 = arith.index_cast %add3A_226 : i32 to index
        %swap3A_283 = arith.constant 0 : index
        %swap3A_284 = vector.load %arg12[%swap3A_282, %swap3A_283] : memref<64x128xf32, #tpu.memory_space<vmem>>, vector<1x128xf32>
        tpu.vector_store %arg12[%swap3A_282, %swap3A_283], %max3A_281 {strides = array<i32>} : memref<64x128xf32, #tpu.memory_space<vmem>>, vector<1x128xf32>,
      } else {
      }
      %add3A_231 = arith.constant 18 : i32
      %add3A_232 = arith.addi %reduce_min3A_108, %add3A_231 : i32
      %le3A_233 = arith.cmpi sle, %add3A_232, %reduce_max3A_112 : i32
      %convert_element_type3A_234 = arith.extui %le3A_233 : i1 to i32
      %cond3A_235 = arith.constant 0 : i32
      %cond3A_236 = arith.cmpi ne, %convert_element_type3A_234, %cond3A_235 : i32
      scf.if %cond3A_236 {
        %get3A_267 = arith.constant 0 : index
        %get3A_268 = arith.constant 0 : index
        %get3A_269 = vector.load %arg10[%get3A_267, %get3A_268] : memref<2000x1xi32, #tpu.memory_space<vmem>>, vector<2000x1xi32>
        %eq3A_270 = vector.broadcast %add3A_232 : i32 to vector<2000x1xi32>
        %eq3A_271 = arith.cmpi eq, %get3A_269, %eq3A_270 : vector<2000x1xi32>
        %broadcast_in_dim3A_272 = vector.shape_cast %eq3A_271 : vector<2000x1xi1> to vector<2000x1xi1>
        %broadcast_in_dim3A_273 = vector.broadcast %broadcast_in_dim3A_272 : vector<2000x1xi1> to vector<2000x128xi1>
        %broadcast_in_dim3A_274 = vector.broadcast %cond3A_116 : f32 to vector<2000x128xf32>
        %select_n3A = arith.select %broadcast_in_dim3A_273, %max3A_72, %broadcast_in_dim3A_274 : vector<2000x128xi1>, vector<2000x128xf32>
        %reduce_max3A_275 = arith.constant dense<0xFF800000> : vector<128xf32>
        %reduce_max3A_276 = vector.multi_reduction <maximumf>, %select_n3A, %reduce_max3A_275 [0] : vector<2000x128xf32> to vector<128xf32>
        %broadcast_in_dim3A_277 = vector.shape_cast %reduce_max3A_276 : vector<128xf32> to vector<1x128xf32>
        %get3A_278 = arith.index_cast %add3A_232 : i32 to index
        %get3A_279 = arith.constant 0 : index
        %get3A_280 = vector.load %arg12[%get3A_278, %get3A_279] : memref<64x128xf32, #tpu.memory_space<vmem>>, vector<1x128xf32>
        %max3A_281 = arith.maximumf %get3A_280, %broadcast_in_dim3A_277 : vector<1x128xf32>
        %swap3A_282 = arith.index_cast %add3A_232 : i32 to index
        %swap3A_283 = arith.constant 0 : index
        %swap3A_284 = vector.load %arg12[%swap3A_282, %swap3A_283] : memref<64x128xf32, #tpu.memory_space<vmem>>, vector<1x128xf32>
        tpu.vector_store %arg12[%swap3A_282, %swap3A_283], %max3A_281 {strides = array<i32>} : memref<64x128xf32, #tpu.memory_space<vmem>>, vector<1x128xf32>,
      } else {
      }
      %add3A_237 = arith.constant 19 : i32
      %add3A_238 = arith.addi %reduce_min3A_108, %add3A_237 : i32
      %le3A_239 = arith.cmpi sle, %add3A_238, %reduce_max3A_112 : i32
      %convert_element_type3A_240 = arith.extui %le3A_239 : i1 to i32
      %cond3A_241 = arith.constant 0 : i32
      %cond3A_242 = arith.cmpi ne, %convert_element_type3A_240, %cond3A_241 : i32
      scf.if %cond3A_242 {
        %get3A_267 = arith.constant 0 : index
        %get3A_268 = arith.constant 0 : index
        %get3A_269 = vector.load %arg10[%get3A_267, %get3A_268] : memref<2000x1xi32, #tpu.memory_space<vmem>>, vector<2000x1xi32>
        %eq3A_270 = vector.broadcast %add3A_238 : i32 to vector<2000x1xi32>
        %eq3A_271 = arith.cmpi eq, %get3A_269, %eq3A_270 : vector<2000x1xi32>
        %broadcast_in_dim3A_272 = vector.shape_cast %eq3A_271 : vector<2000x1xi1> to vector<2000x1xi1>
        %broadcast_in_dim3A_273 = vector.broadcast %broadcast_in_dim3A_272 : vector<2000x1xi1> to vector<2000x128xi1>
        %broadcast_in_dim3A_274 = vector.broadcast %cond3A_116 : f32 to vector<2000x128xf32>
        %select_n3A = arith.select %broadcast_in_dim3A_273, %max3A_72, %broadcast_in_dim3A_274 : vector<2000x128xi1>, vector<2000x128xf32>
        %reduce_max3A_275 = arith.constant dense<0xFF800000> : vector<128xf32>
        %reduce_max3A_276 = vector.multi_reduction <maximumf>, %select_n3A, %reduce_max3A_275 [0] : vector<2000x128xf32> to vector<128xf32>
        %broadcast_in_dim3A_277 = vector.shape_cast %reduce_max3A_276 : vector<128xf32> to vector<1x128xf32>
        %get3A_278 = arith.index_cast %add3A_238 : i32 to index
        %get3A_279 = arith.constant 0 : index
        %get3A_280 = vector.load %arg12[%get3A_278, %get3A_279] : memref<64x128xf32, #tpu.memory_space<vmem>>, vector<1x128xf32>
        %max3A_281 = arith.maximumf %get3A_280, %broadcast_in_dim3A_277 : vector<1x128xf32>
        %swap3A_282 = arith.index_cast %add3A_238 : i32 to index
        %swap3A_283 = arith.constant 0 : index
        %swap3A_284 = vector.load %arg12[%swap3A_282, %swap3A_283] : memref<64x128xf32, #tpu.memory_space<vmem>>, vector<1x128xf32>
        tpu.vector_store %arg12[%swap3A_282, %swap3A_283], %max3A_281 {strides = array<i32>} : memref<64x128xf32, #tpu.memory_space<vmem>>, vector<1x128xf32>,
      } else {
      }
      %add3A_243 = arith.constant 20 : i32
      %add3A_244 = arith.addi %reduce_min3A_108, %add3A_243 : i32
      %le3A_245 = arith.cmpi sle, %add3A_244, %reduce_max3A_112 : i32
      %convert_element_type3A_246 = arith.extui %le3A_245 : i1 to i32
      %cond3A_247 = arith.constant 0 : i32
      %cond3A_248 = arith.cmpi ne, %convert_element_type3A_246, %cond3A_247 : i32
      scf.if %cond3A_248 {
        %get3A_267 = arith.constant 0 : index
        %get3A_268 = arith.constant 0 : index
        %get3A_269 = vector.load %arg10[%get3A_267, %get3A_268] : memref<2000x1xi32, #tpu.memory_space<vmem>>, vector<2000x1xi32>
        %eq3A_270 = vector.broadcast %add3A_244 : i32 to vector<2000x1xi32>
        %eq3A_271 = arith.cmpi eq, %get3A_269, %eq3A_270 : vector<2000x1xi32>
        %broadcast_in_dim3A_272 = vector.shape_cast %eq3A_271 : vector<2000x1xi1> to vector<2000x1xi1>
        %broadcast_in_dim3A_273 = vector.broadcast %broadcast_in_dim3A_272 : vector<2000x1xi1> to vector<2000x128xi1>
        %broadcast_in_dim3A_274 = vector.broadcast %cond3A_116 : f32 to vector<2000x128xf32>
        %select_n3A = arith.select %broadcast_in_dim3A_273, %max3A_72, %broadcast_in_dim3A_274 : vector<2000x128xi1>, vector<2000x128xf32>
        %reduce_max3A_275 = arith.constant dense<0xFF800000> : vector<128xf32>
        %reduce_max3A_276 = vector.multi_reduction <maximumf>, %select_n3A, %reduce_max3A_275 [0] : vector<2000x128xf32> to vector<128xf32>
        %broadcast_in_dim3A_277 = vector.shape_cast %reduce_max3A_276 : vector<128xf32> to vector<1x128xf32>
        %get3A_278 = arith.index_cast %add3A_244 : i32 to index
        %get3A_279 = arith.constant 0 : index
        %get3A_280 = vector.load %arg12[%get3A_278, %get3A_279] : memref<64x128xf32, #tpu.memory_space<vmem>>, vector<1x128xf32>
        %max3A_281 = arith.maximumf %get3A_280, %broadcast_in_dim3A_277 : vector<1x128xf32>
        %swap3A_282 = arith.index_cast %add3A_244 : i32 to index
        %swap3A_283 = arith.constant 0 : index
        %swap3A_284 = vector.load %arg12[%swap3A_282, %swap3A_283] : memref<64x128xf32, #tpu.memory_space<vmem>>, vector<1x128xf32>
        tpu.vector_store %arg12[%swap3A_282, %swap3A_283], %max3A_281 {strides = array<i32>} : memref<64x128xf32, #tpu.memory_space<vmem>>, vector<1x128xf32>,
      } else {
      }
      %add3A_249 = arith.constant 21 : i32
      %add3A_250 = arith.addi %reduce_min3A_108, %add3A_249 : i32
      %le3A_251 = arith.cmpi sle, %add3A_250, %reduce_max3A_112 : i32
      %convert_element_type3A_252 = arith.extui %le3A_251 : i1 to i32
      %cond3A_253 = arith.constant 0 : i32
      %cond3A_254 = arith.cmpi ne, %convert_element_type3A_252, %cond3A_253 : i32
      scf.if %cond3A_254 {
        %get3A_267 = arith.constant 0 : index
        %get3A_268 = arith.constant 0 : index
        %get3A_269 = vector.load %arg10[%get3A_267, %get3A_268] : memref<2000x1xi32, #tpu.memory_space<vmem>>, vector<2000x1xi32>
        %eq3A_270 = vector.broadcast %add3A_250 : i32 to vector<2000x1xi32>
        %eq3A_271 = arith.cmpi eq, %get3A_269, %eq3A_270 : vector<2000x1xi32>
        %broadcast_in_dim3A_272 = vector.shape_cast %eq3A_271 : vector<2000x1xi1> to vector<2000x1xi1>
        %broadcast_in_dim3A_273 = vector.broadcast %broadcast_in_dim3A_272 : vector<2000x1xi1> to vector<2000x128xi1>
        %broadcast_in_dim3A_274 = vector.broadcast %cond3A_116 : f32 to vector<2000x128xf32>
        %select_n3A = arith.select %broadcast_in_dim3A_273, %max3A_72, %broadcast_in_dim3A_274 : vector<2000x128xi1>, vector<2000x128xf32>
        %reduce_max3A_275 = arith.constant dense<0xFF800000> : vector<128xf32>
        %reduce_max3A_276 = vector.multi_reduction <maximumf>, %select_n3A, %reduce_max3A_275 [0] : vector<2000x128xf32> to vector<128xf32>
        %broadcast_in_dim3A_277 = vector.shape_cast %reduce_max3A_276 : vector<128xf32> to vector<1x128xf32>
        %get3A_278 = arith.index_cast %add3A_250 : i32 to index
        %get3A_279 = arith.constant 0 : index
        %get3A_280 = vector.load %arg12[%get3A_278, %get3A_279] : memref<64x128xf32, #tpu.memory_space<vmem>>, vector<1x128xf32>
        %max3A_281 = arith.maximumf %get3A_280, %broadcast_in_dim3A_277 : vector<1x128xf32>
        %swap3A_282 = arith.index_cast %add3A_250 : i32 to index
        %swap3A_283 = arith.constant 0 : index
        %swap3A_284 = vector.load %arg12[%swap3A_282, %swap3A_283] : memref<64x128xf32, #tpu.memory_space<vmem>>, vector<1x128xf32>
        tpu.vector_store %arg12[%swap3A_282, %swap3A_283], %max3A_281 {strides = array<i32>} : memref<64x128xf32, #tpu.memory_space<vmem>>, vector<1x128xf32>,
      } else {
      }
      %add3A_255 = arith.constant 22 : i32
      %add3A_256 = arith.addi %reduce_min3A_108, %add3A_255 : i32
      %le3A_257 = arith.cmpi sle, %add3A_256, %reduce_max3A_112 : i32
      %convert_element_type3A_258 = arith.extui %le3A_257 : i1 to i32
      %cond3A_259 = arith.constant 0 : i32
      %cond3A_260 = arith.cmpi ne, %convert_element_type3A_258, %cond3A_259 : i32
      scf.if %cond3A_260 {
        %get3A_267 = arith.constant 0 : index
        %get3A_268 = arith.constant 0 : index
        %get3A_269 = vector.load %arg10[%get3A_267, %get3A_268] : memref<2000x1xi32, #tpu.memory_space<vmem>>, vector<2000x1xi32>
        %eq3A_270 = vector.broadcast %add3A_256 : i32 to vector<2000x1xi32>
        %eq3A_271 = arith.cmpi eq, %get3A_269, %eq3A_270 : vector<2000x1xi32>
        %broadcast_in_dim3A_272 = vector.shape_cast %eq3A_271 : vector<2000x1xi1> to vector<2000x1xi1>
        %broadcast_in_dim3A_273 = vector.broadcast %broadcast_in_dim3A_272 : vector<2000x1xi1> to vector<2000x128xi1>
        %broadcast_in_dim3A_274 = vector.broadcast %cond3A_116 : f32 to vector<2000x128xf32>
        %select_n3A = arith.select %broadcast_in_dim3A_273, %max3A_72, %broadcast_in_dim3A_274 : vector<2000x128xi1>, vector<2000x128xf32>
        %reduce_max3A_275 = arith.constant dense<0xFF800000> : vector<128xf32>
        %reduce_max3A_276 = vector.multi_reduction <maximumf>, %select_n3A, %reduce_max3A_275 [0] : vector<2000x128xf32> to vector<128xf32>
        %broadcast_in_dim3A_277 = vector.shape_cast %reduce_max3A_276 : vector<128xf32> to vector<1x128xf32>
        %get3A_278 = arith.index_cast %add3A_256 : i32 to index
        %get3A_279 = arith.constant 0 : index
        %get3A_280 = vector.load %arg12[%get3A_278, %get3A_279] : memref<64x128xf32, #tpu.memory_space<vmem>>, vector<1x128xf32>
        %max3A_281 = arith.maximumf %get3A_280, %broadcast_in_dim3A_277 : vector<1x128xf32>
        %swap3A_282 = arith.index_cast %add3A_256 : i32 to index
        %swap3A_283 = arith.constant 0 : index
        %swap3A_284 = vector.load %arg12[%swap3A_282, %swap3A_283] : memref<64x128xf32, #tpu.memory_space<vmem>>, vector<1x128xf32>
        tpu.vector_store %arg12[%swap3A_282, %swap3A_283], %max3A_281 {strides = array<i32>} : memref<64x128xf32, #tpu.memory_space<vmem>>, vector<1x128xf32>,
      } else {
      }
      %add3A_261 = arith.constant 23 : i32
      %add3A_262 = arith.addi %reduce_min3A_108, %add3A_261 : i32
      %le3A_263 = arith.cmpi sle, %add3A_262, %reduce_max3A_112 : i32
      %convert_element_type3A_264 = arith.extui %le3A_263 : i1 to i32
      %cond3A_265 = arith.constant 0 : i32
      %cond3A_266 = arith.cmpi ne, %convert_element_type3A_264, %cond3A_265 : i32
      scf.if %cond3A_266 {
        %get3A_267 = arith.constant 0 : index
        %get3A_268 = arith.constant 0 : index
        %get3A_269 = vector.load %arg10[%get3A_267, %get3A_268] : memref<2000x1xi32, #tpu.memory_space<vmem>>, vector<2000x1xi32>
        %eq3A_270 = vector.broadcast %add3A_262 : i32 to vector<2000x1xi32>
        %eq3A_271 = arith.cmpi eq, %get3A_269, %eq3A_270 : vector<2000x1xi32>
        %broadcast_in_dim3A_272 = vector.shape_cast %eq3A_271 : vector<2000x1xi1> to vector<2000x1xi1>
        %broadcast_in_dim3A_273 = vector.broadcast %broadcast_in_dim3A_272 : vector<2000x1xi1> to vector<2000x128xi1>
        %broadcast_in_dim3A_274 = vector.broadcast %cond3A_116 : f32 to vector<2000x128xf32>
        %select_n3A = arith.select %broadcast_in_dim3A_273, %max3A_72, %broadcast_in_dim3A_274 : vector<2000x128xi1>, vector<2000x128xf32>
        %reduce_max3A_275 = arith.constant dense<0xFF800000> : vector<128xf32>
        %reduce_max3A_276 = vector.multi_reduction <maximumf>, %select_n3A, %reduce_max3A_275 [0] : vector<2000x128xf32> to vector<128xf32>
        %broadcast_in_dim3A_277 = vector.shape_cast %reduce_max3A_276 : vector<128xf32> to vector<1x128xf32>
        %get3A_278 = arith.index_cast %add3A_262 : i32 to index
        %get3A_279 = arith.constant 0 : index
        %get3A_280 = vector.load %arg12[%get3A_278, %get3A_279] : memref<64x128xf32, #tpu.memory_space<vmem>>, vector<1x128xf32>
        %max3A_281 = arith.maximumf %get3A_280, %broadcast_in_dim3A_277 : vector<1x128xf32>
        %swap3A_282 = arith.index_cast %add3A_262 : i32 to index
        %swap3A_283 = arith.constant 0 : index
        %swap3A_284 = vector.load %arg12[%swap3A_282, %swap3A_283] : memref<64x128xf32, #tpu.memory_space<vmem>>, vector<1x128xf32>
        tpu.vector_store %arg12[%swap3A_282, %swap3A_283], %max3A_281 {strides = array<i32>} : memref<64x128xf32, #tpu.memory_space<vmem>>, vector<1x128xf32>,
      } else {
      }
    } else {
    }
    %ge3A = arith.constant 24 : i32
    %ge3A_119 = arith.cmpi sge, %sub3A_113, %ge3A : i32
    %convert_element_type3A_120 = arith.extui %ge3A_119 : i1 to i32
    %cond3A_121 = arith.constant 0xFF800000 : f32
    %cond3A_122 = arith.constant 0 : i32
    %cond3A_123 = arith.cmpi ne, %convert_element_type3A_120, %cond3A_122 : i32
    scf.if %cond3A_123 {
      %le3A = arith.constant 0 : i32
      %le3A_124 = arith.cmpi sle, %reduce_min3A_108, %le3A : i32
      %ge3A_125 = arith.constant 0 : i32
      %ge3A_126 = arith.cmpi sge, %reduce_max3A_112, %ge3A_125 : i32
      %and3A = arith.andi %le3A_124, %ge3A_126 : i1
      %convert_element_type3A_127 = arith.extui %and3A : i1 to i32
      %cond3A_128 = arith.constant 0 : i32
      %cond3A_129 = arith.cmpi ne, %convert_element_type3A_127, %cond3A_128 : i32
      scf.if %cond3A_129 {
        %slice3A = vector.extract_strided_slice %eq3A_79 {offsets = [0, 0], sizes = [2000, 1], strides = [1, 1]} : vector<2000x64xi1> to vector<2000x1xi1>
        %broadcast_in_dim3A_634 = vector.shape_cast %slice3A : vector<2000x1xi1> to vector<2000x1xi1>
        %broadcast_in_dim3A_635 = vector.broadcast %broadcast_in_dim3A_634 : vector<2000x1xi1> to vector<2000x128xi1>
        %broadcast_in_dim3A_636 = vector.broadcast %cond3A_121 : f32 to vector<2000x128xf32>
        %select_n3A = arith.select %broadcast_in_dim3A_635, %max3A_72, %broadcast_in_dim3A_636 : vector<2000x128xi1>, vector<2000x128xf32>
        %reduce_max3A_637 = arith.constant dense<0xFF800000> : vector<128xf32>
        %reduce_max3A_638 = vector.multi_reduction <maximumf>, %select_n3A, %reduce_max3A_637 [0] : vector<2000x128xf32> to vector<128xf32>
        %broadcast_in_dim3A_639 = vector.shape_cast %reduce_max3A_638 : vector<128xf32> to vector<1x128xf32>
        %get3A_640 = arith.constant 0 : index
        %get3A_641 = arith.constant 0 : index
        %get3A_642 = vector.load %arg12[%get3A_640, %get3A_641] : memref<64x128xf32, #tpu.memory_space<vmem>>, vector<1x128xf32>
        %max3A_643 = arith.maximumf %get3A_642, %broadcast_in_dim3A_639 : vector<1x128xf32>
        %swap3A_644 = arith.constant 0 : index
        %swap3A_645 = arith.constant 0 : index
        %swap3A_646 = vector.load %arg12[%swap3A_644, %swap3A_645] : memref<64x128xf32, #tpu.memory_space<vmem>>, vector<1x128xf32>
        tpu.vector_store %arg12[%swap3A_644, %swap3A_645], %max3A_643 {strides = array<i32>} : memref<64x128xf32, #tpu.memory_space<vmem>>, vector<1x128xf32>,
      } else {
      }
      %le3A_130 = arith.constant 1 : i32
      %le3A_131 = arith.cmpi sle, %reduce_min3A_108, %le3A_130 : i32
      %ge3A_132 = arith.constant 1 : i32
      %ge3A_133 = arith.cmpi sge, %reduce_max3A_112, %ge3A_132 : i32
      %and3A_134 = arith.andi %le3A_131, %ge3A_133 : i1
      %convert_element_type3A_135 = arith.extui %and3A_134 : i1 to i32
      %cond3A_136 = arith.constant 0 : i32
      %cond3A_137 = arith.cmpi ne, %convert_element_type3A_135, %cond3A_136 : i32
      scf.if %cond3A_137 {
        %slice3A = vector.extract_strided_slice %eq3A_79 {offsets = [0, 1], sizes = [2000, 1], strides = [1, 1]} : vector<2000x64xi1> to vector<2000x1xi1>
        %broadcast_in_dim3A_634 = vector.shape_cast %slice3A : vector<2000x1xi1> to vector<2000x1xi1>
        %broadcast_in_dim3A_635 = vector.broadcast %broadcast_in_dim3A_634 : vector<2000x1xi1> to vector<2000x128xi1>
        %broadcast_in_dim3A_636 = vector.broadcast %cond3A_121 : f32 to vector<2000x128xf32>
        %select_n3A = arith.select %broadcast_in_dim3A_635, %max3A_72, %broadcast_in_dim3A_636 : vector<2000x128xi1>, vector<2000x128xf32>
        %reduce_max3A_637 = arith.constant dense<0xFF800000> : vector<128xf32>
        %reduce_max3A_638 = vector.multi_reduction <maximumf>, %select_n3A, %reduce_max3A_637 [0] : vector<2000x128xf32> to vector<128xf32>
        %broadcast_in_dim3A_639 = vector.shape_cast %reduce_max3A_638 : vector<128xf32> to vector<1x128xf32>
        %get3A_640 = arith.constant 1 : index
        %get3A_641 = arith.constant 0 : index
        %get3A_642 = vector.load %arg12[%get3A_640, %get3A_641] : memref<64x128xf32, #tpu.memory_space<vmem>>, vector<1x128xf32>
        %max3A_643 = arith.maximumf %get3A_642, %broadcast_in_dim3A_639 : vector<1x128xf32>
        %swap3A_644 = arith.constant 1 : index
        %swap3A_645 = arith.constant 0 : index
        %swap3A_646 = vector.load %arg12[%swap3A_644, %swap3A_645] : memref<64x128xf32, #tpu.memory_space<vmem>>, vector<1x128xf32>
        tpu.vector_store %arg12[%swap3A_644, %swap3A_645], %max3A_643 {strides = array<i32>} : memref<64x128xf32, #tpu.memory_space<vmem>>, vector<1x128xf32>,
      } else {
      }
      %le3A_138 = arith.constant 2 : i32
      %le3A_139 = arith.cmpi sle, %reduce_min3A_108, %le3A_138 : i32
      %ge3A_140 = arith.constant 2 : i32
      %ge3A_141 = arith.cmpi sge, %reduce_max3A_112, %ge3A_140 : i32
      %and3A_142 = arith.andi %le3A_139, %ge3A_141 : i1
      %convert_element_type3A_143 = arith.extui %and3A_142 : i1 to i32
      %cond3A_144 = arith.constant 0 : i32
      %cond3A_145 = arith.cmpi ne, %convert_element_type3A_143, %cond3A_144 : i32
      scf.if %cond3A_145 {
        %slice3A = vector.extract_strided_slice %eq3A_79 {offsets = [0, 2], sizes = [2000, 1], strides = [1, 1]} : vector<2000x64xi1> to vector<2000x1xi1>
        %broadcast_in_dim3A_634 = vector.shape_cast %slice3A : vector<2000x1xi1> to vector<2000x1xi1>
        %broadcast_in_dim3A_635 = vector.broadcast %broadcast_in_dim3A_634 : vector<2000x1xi1> to vector<2000x128xi1>
        %broadcast_in_dim3A_636 = vector.broadcast %cond3A_121 : f32 to vector<2000x128xf32>
        %select_n3A = arith.select %broadcast_in_dim3A_635, %max3A_72, %broadcast_in_dim3A_636 : vector<2000x128xi1>, vector<2000x128xf32>
        %reduce_max3A_637 = arith.constant dense<0xFF800000> : vector<128xf32>
        %reduce_max3A_638 = vector.multi_reduction <maximumf>, %select_n3A, %reduce_max3A_637 [0] : vector<2000x128xf32> to vector<128xf32>
        %broadcast_in_dim3A_639 = vector.shape_cast %reduce_max3A_638 : vector<128xf32> to vector<1x128xf32>
        %get3A_640 = arith.constant 2 : index
        %get3A_641 = arith.constant 0 : index
        %get3A_642 = vector.load %arg12[%get3A_640, %get3A_641] : memref<64x128xf32, #tpu.memory_space<vmem>>, vector<1x128xf32>
        %max3A_643 = arith.maximumf %get3A_642, %broadcast_in_dim3A_639 : vector<1x128xf32>
        %swap3A_644 = arith.constant 2 : index
        %swap3A_645 = arith.constant 0 : index
        %swap3A_646 = vector.load %arg12[%swap3A_644, %swap3A_645] : memref<64x128xf32, #tpu.memory_space<vmem>>, vector<1x128xf32>
        tpu.vector_store %arg12[%swap3A_644, %swap3A_645], %max3A_643 {strides = array<i32>} : memref<64x128xf32, #tpu.memory_space<vmem>>, vector<1x128xf32>,
      } else {
      }
      %le3A_146 = arith.constant 3 : i32
      %le3A_147 = arith.cmpi sle, %reduce_min3A_108, %le3A_146 : i32
      %ge3A_148 = arith.constant 3 : i32
      %ge3A_149 = arith.cmpi sge, %reduce_max3A_112, %ge3A_148 : i32
      %and3A_150 = arith.andi %le3A_147, %ge3A_149 : i1
      %convert_element_type3A_151 = arith.extui %and3A_150 : i1 to i32
      %cond3A_152 = arith.constant 0 : i32
      %cond3A_153 = arith.cmpi ne, %convert_element_type3A_151, %cond3A_152 : i32
      scf.if %cond3A_153 {
        %slice3A = vector.extract_strided_slice %eq3A_79 {offsets = [0, 3], sizes = [2000, 1], strides = [1, 1]} : vector<2000x64xi1> to vector<2000x1xi1>
        %broadcast_in_dim3A_634 = vector.shape_cast %slice3A : vector<2000x1xi1> to vector<2000x1xi1>
        %broadcast_in_dim3A_635 = vector.broadcast %broadcast_in_dim3A_634 : vector<2000x1xi1> to vector<2000x128xi1>
        %broadcast_in_dim3A_636 = vector.broadcast %cond3A_121 : f32 to vector<2000x128xf32>
        %select_n3A = arith.select %broadcast_in_dim3A_635, %max3A_72, %broadcast_in_dim3A_636 : vector<2000x128xi1>, vector<2000x128xf32>
        %reduce_max3A_637 = arith.constant dense<0xFF800000> : vector<128xf32>
        %reduce_max3A_638 = vector.multi_reduction <maximumf>, %select_n3A, %reduce_max3A_637 [0] : vector<2000x128xf32> to vector<128xf32>
        %broadcast_in_dim3A_639 = vector.shape_cast %reduce_max3A_638 : vector<128xf32> to vector<1x128xf32>
        %get3A_640 = arith.constant 3 : index
        %get3A_641 = arith.constant 0 : index
        %get3A_642 = vector.load %arg12[%get3A_640, %get3A_641] : memref<64x128xf32, #tpu.memory_space<vmem>>, vector<1x128xf32>
        %max3A_643 = arith.maximumf %get3A_642, %broadcast_in_dim3A_639 : vector<1x128xf32>
        %swap3A_644 = arith.constant 3 : index
        %swap3A_645 = arith.constant 0 : index
        %swap3A_646 = vector.load %arg12[%swap3A_644, %swap3A_645] : memref<64x128xf32, #tpu.memory_space<vmem>>, vector<1x128xf32>
        tpu.vector_store %arg12[%swap3A_644, %swap3A_645], %max3A_643 {strides = array<i32>} : memref<64x128xf32, #tpu.memory_space<vmem>>, vector<1x128xf32>,
      } else {
      }
      %le3A_154 = arith.constant 4 : i32
      %le3A_155 = arith.cmpi sle, %reduce_min3A_108, %le3A_154 : i32
      %ge3A_156 = arith.constant 4 : i32
      %ge3A_157 = arith.cmpi sge, %reduce_max3A_112, %ge3A_156 : i32
      %and3A_158 = arith.andi %le3A_155, %ge3A_157 : i1
      %convert_element_type3A_159 = arith.extui %and3A_158 : i1 to i32
      %cond3A_160 = arith.constant 0 : i32
      %cond3A_161 = arith.cmpi ne, %convert_element_type3A_159, %cond3A_160 : i32
      scf.if %cond3A_161 {
        %slice3A = vector.extract_strided_slice %eq3A_79 {offsets = [0, 4], sizes = [2000, 1], strides = [1, 1]} : vector<2000x64xi1> to vector<2000x1xi1>
        %broadcast_in_dim3A_634 = vector.shape_cast %slice3A : vector<2000x1xi1> to vector<2000x1xi1>
        %broadcast_in_dim3A_635 = vector.broadcast %broadcast_in_dim3A_634 : vector<2000x1xi1> to vector<2000x128xi1>
        %broadcast_in_dim3A_636 = vector.broadcast %cond3A_121 : f32 to vector<2000x128xf32>
        %select_n3A = arith.select %broadcast_in_dim3A_635, %max3A_72, %broadcast_in_dim3A_636 : vector<2000x128xi1>, vector<2000x128xf32>
        %reduce_max3A_637 = arith.constant dense<0xFF800000> : vector<128xf32>
        %reduce_max3A_638 = vector.multi_reduction <maximumf>, %select_n3A, %reduce_max3A_637 [0] : vector<2000x128xf32> to vector<128xf32>
        %broadcast_in_dim3A_639 = vector.shape_cast %reduce_max3A_638 : vector<128xf32> to vector<1x128xf32>
        %get3A_640 = arith.constant 4 : index
        %get3A_641 = arith.constant 0 : index
        %get3A_642 = vector.load %arg12[%get3A_640, %get3A_641] : memref<64x128xf32, #tpu.memory_space<vmem>>, vector<1x128xf32>
        %max3A_643 = arith.maximumf %get3A_642, %broadcast_in_dim3A_639 : vector<1x128xf32>
        %swap3A_644 = arith.constant 4 : index
        %swap3A_645 = arith.constant 0 : index
        %swap3A_646 = vector.load %arg12[%swap3A_644, %swap3A_645] : memref<64x128xf32, #tpu.memory_space<vmem>>, vector<1x128xf32>
        tpu.vector_store %arg12[%swap3A_644, %swap3A_645], %max3A_643 {strides = array<i32>} : memref<64x128xf32, #tpu.memory_space<vmem>>, vector<1x128xf32>,
      } else {
      }
      %le3A_162 = arith.constant 5 : i32
      %le3A_163 = arith.cmpi sle, %reduce_min3A_108, %le3A_162 : i32
      %ge3A_164 = arith.constant 5 : i32
      %ge3A_165 = arith.cmpi sge, %reduce_max3A_112, %ge3A_164 : i32
      %and3A_166 = arith.andi %le3A_163, %ge3A_165 : i1
      %convert_element_type3A_167 = arith.extui %and3A_166 : i1 to i32
      %cond3A_168 = arith.constant 0 : i32
      %cond3A_169 = arith.cmpi ne, %convert_element_type3A_167, %cond3A_168 : i32
      scf.if %cond3A_169 {
        %slice3A = vector.extract_strided_slice %eq3A_79 {offsets = [0, 5], sizes = [2000, 1], strides = [1, 1]} : vector<2000x64xi1> to vector<2000x1xi1>
        %broadcast_in_dim3A_634 = vector.shape_cast %slice3A : vector<2000x1xi1> to vector<2000x1xi1>
        %broadcast_in_dim3A_635 = vector.broadcast %broadcast_in_dim3A_634 : vector<2000x1xi1> to vector<2000x128xi1>
        %broadcast_in_dim3A_636 = vector.broadcast %cond3A_121 : f32 to vector<2000x128xf32>
        %select_n3A = arith.select %broadcast_in_dim3A_635, %max3A_72, %broadcast_in_dim3A_636 : vector<2000x128xi1>, vector<2000x128xf32>
        %reduce_max3A_637 = arith.constant dense<0xFF800000> : vector<128xf32>
        %reduce_max3A_638 = vector.multi_reduction <maximumf>, %select_n3A, %reduce_max3A_637 [0] : vector<2000x128xf32> to vector<128xf32>
        %broadcast_in_dim3A_639 = vector.shape_cast %reduce_max3A_638 : vector<128xf32> to vector<1x128xf32>
        %get3A_640 = arith.constant 5 : index
        %get3A_641 = arith.constant 0 : index
        %get3A_642 = vector.load %arg12[%get3A_640, %get3A_641] : memref<64x128xf32, #tpu.memory_space<vmem>>, vector<1x128xf32>
        %max3A_643 = arith.maximumf %get3A_642, %broadcast_in_dim3A_639 : vector<1x128xf32>
        %swap3A_644 = arith.constant 5 : index
        %swap3A_645 = arith.constant 0 : index
        %swap3A_646 = vector.load %arg12[%swap3A_644, %swap3A_645] : memref<64x128xf32, #tpu.memory_space<vmem>>, vector<1x128xf32>
        tpu.vector_store %arg12[%swap3A_644, %swap3A_645], %max3A_643 {strides = array<i32>} : memref<64x128xf32, #tpu.memory_space<vmem>>, vector<1x128xf32>,
      } else {
      }
      %le3A_170 = arith.constant 6 : i32
      %le3A_171 = arith.cmpi sle, %reduce_min3A_108, %le3A_170 : i32
      %ge3A_172 = arith.constant 6 : i32
      %ge3A_173 = arith.cmpi sge, %reduce_max3A_112, %ge3A_172 : i32
      %and3A_174 = arith.andi %le3A_171, %ge3A_173 : i1
      %convert_element_type3A_175 = arith.extui %and3A_174 : i1 to i32
      %cond3A_176 = arith.constant 0 : i32
      %cond3A_177 = arith.cmpi ne, %convert_element_type3A_175, %cond3A_176 : i32
      scf.if %cond3A_177 {
        %slice3A = vector.extract_strided_slice %eq3A_79 {offsets = [0, 6], sizes = [2000, 1], strides = [1, 1]} : vector<2000x64xi1> to vector<2000x1xi1>
        %broadcast_in_dim3A_634 = vector.shape_cast %slice3A : vector<2000x1xi1> to vector<2000x1xi1>
        %broadcast_in_dim3A_635 = vector.broadcast %broadcast_in_dim3A_634 : vector<2000x1xi1> to vector<2000x128xi1>
        %broadcast_in_dim3A_636 = vector.broadcast %cond3A_121 : f32 to vector<2000x128xf32>
        %select_n3A = arith.select %broadcast_in_dim3A_635, %max3A_72, %broadcast_in_dim3A_636 : vector<2000x128xi1>, vector<2000x128xf32>
        %reduce_max3A_637 = arith.constant dense<0xFF800000> : vector<128xf32>
        %reduce_max3A_638 = vector.multi_reduction <maximumf>, %select_n3A, %reduce_max3A_637 [0] : vector<2000x128xf32> to vector<128xf32>
        %broadcast_in_dim3A_639 = vector.shape_cast %reduce_max3A_638 : vector<128xf32> to vector<1x128xf32>
        %get3A_640 = arith.constant 6 : index
        %get3A_641 = arith.constant 0 : index
        %get3A_642 = vector.load %arg12[%get3A_640, %get3A_641] : memref<64x128xf32, #tpu.memory_space<vmem>>, vector<1x128xf32>
        %max3A_643 = arith.maximumf %get3A_642, %broadcast_in_dim3A_639 : vector<1x128xf32>
        %swap3A_644 = arith.constant 6 : index
        %swap3A_645 = arith.constant 0 : index
        %swap3A_646 = vector.load %arg12[%swap3A_644, %swap3A_645] : memref<64x128xf32, #tpu.memory_space<vmem>>, vector<1x128xf32>
        tpu.vector_store %arg12[%swap3A_644, %swap3A_645], %max3A_643 {strides = array<i32>} : memref<64x128xf32, #tpu.memory_space<vmem>>, vector<1x128xf32>,
      } else {
      }
      %le3A_178 = arith.constant 7 : i32
      %le3A_179 = arith.cmpi sle, %reduce_min3A_108, %le3A_178 : i32
      %ge3A_180 = arith.constant 7 : i32
      %ge3A_181 = arith.cmpi sge, %reduce_max3A_112, %ge3A_180 : i32
      %and3A_182 = arith.andi %le3A_179, %ge3A_181 : i1
      %convert_element_type3A_183 = arith.extui %and3A_182 : i1 to i32
      %cond3A_184 = arith.constant 0 : i32
      %cond3A_185 = arith.cmpi ne, %convert_element_type3A_183, %cond3A_184 : i32
      scf.if %cond3A_185 {
        %slice3A = vector.extract_strided_slice %eq3A_79 {offsets = [0, 7], sizes = [2000, 1], strides = [1, 1]} : vector<2000x64xi1> to vector<2000x1xi1>
        %broadcast_in_dim3A_634 = vector.shape_cast %slice3A : vector<2000x1xi1> to vector<2000x1xi1>
        %broadcast_in_dim3A_635 = vector.broadcast %broadcast_in_dim3A_634 : vector<2000x1xi1> to vector<2000x128xi1>
        %broadcast_in_dim3A_636 = vector.broadcast %cond3A_121 : f32 to vector<2000x128xf32>
        %select_n3A = arith.select %broadcast_in_dim3A_635, %max3A_72, %broadcast_in_dim3A_636 : vector<2000x128xi1>, vector<2000x128xf32>
        %reduce_max3A_637 = arith.constant dense<0xFF800000> : vector<128xf32>
        %reduce_max3A_638 = vector.multi_reduction <maximumf>, %select_n3A, %reduce_max3A_637 [0] : vector<2000x128xf32> to vector<128xf32>
        %broadcast_in_dim3A_639 = vector.shape_cast %reduce_max3A_638 : vector<128xf32> to vector<1x128xf32>
        %get3A_640 = arith.constant 7 : index
        %get3A_641 = arith.constant 0 : index
        %get3A_642 = vector.load %arg12[%get3A_640, %get3A_641] : memref<64x128xf32, #tpu.memory_space<vmem>>, vector<1x128xf32>
        %max3A_643 = arith.maximumf %get3A_642, %broadcast_in_dim3A_639 : vector<1x128xf32>
        %swap3A_644 = arith.constant 7 : index
        %swap3A_645 = arith.constant 0 : index
        %swap3A_646 = vector.load %arg12[%swap3A_644, %swap3A_645] : memref<64x128xf32, #tpu.memory_space<vmem>>, vector<1x128xf32>
        tpu.vector_store %arg12[%swap3A_644, %swap3A_645], %max3A_643 {strides = array<i32>} : memref<64x128xf32, #tpu.memory_space<vmem>>, vector<1x128xf32>,
      } else {
      }
      %le3A_186 = arith.constant 8 : i32
      %le3A_187 = arith.cmpi sle, %reduce_min3A_108, %le3A_186 : i32
      %ge3A_188 = arith.constant 8 : i32
      %ge3A_189 = arith.cmpi sge, %reduce_max3A_112, %ge3A_188 : i32
      %and3A_190 = arith.andi %le3A_187, %ge3A_189 : i1
      %convert_element_type3A_191 = arith.extui %and3A_190 : i1 to i32
      %cond3A_192 = arith.constant 0 : i32
      %cond3A_193 = arith.cmpi ne, %convert_element_type3A_191, %cond3A_192 : i32
      scf.if %cond3A_193 {
        %slice3A = vector.extract_strided_slice %eq3A_79 {offsets = [0, 8], sizes = [2000, 1], strides = [1, 1]} : vector<2000x64xi1> to vector<2000x1xi1>
        %broadcast_in_dim3A_634 = vector.shape_cast %slice3A : vector<2000x1xi1> to vector<2000x1xi1>
        %broadcast_in_dim3A_635 = vector.broadcast %broadcast_in_dim3A_634 : vector<2000x1xi1> to vector<2000x128xi1>
        %broadcast_in_dim3A_636 = vector.broadcast %cond3A_121 : f32 to vector<2000x128xf32>
        %select_n3A = arith.select %broadcast_in_dim3A_635, %max3A_72, %broadcast_in_dim3A_636 : vector<2000x128xi1>, vector<2000x128xf32>
        %reduce_max3A_637 = arith.constant dense<0xFF800000> : vector<128xf32>
        %reduce_max3A_638 = vector.multi_reduction <maximumf>, %select_n3A, %reduce_max3A_637 [0] : vector<2000x128xf32> to vector<128xf32>
        %broadcast_in_dim3A_639 = vector.shape_cast %reduce_max3A_638 : vector<128xf32> to vector<1x128xf32>
        %get3A_640 = arith.constant 8 : index
        %get3A_641 = arith.constant 0 : index
        %get3A_642 = vector.load %arg12[%get3A_640, %get3A_641] : memref<64x128xf32, #tpu.memory_space<vmem>>, vector<1x128xf32>
        %max3A_643 = arith.maximumf %get3A_642, %broadcast_in_dim3A_639 : vector<1x128xf32>
        %swap3A_644 = arith.constant 8 : index
        %swap3A_645 = arith.constant 0 : index
        %swap3A_646 = vector.load %arg12[%swap3A_644, %swap3A_645] : memref<64x128xf32, #tpu.memory_space<vmem>>, vector<1x128xf32>
        tpu.vector_store %arg12[%swap3A_644, %swap3A_645], %max3A_643 {strides = array<i32>} : memref<64x128xf32, #tpu.memory_space<vmem>>, vector<1x128xf32>,
      } else {
      }
      %le3A_194 = arith.constant 9 : i32
      %le3A_195 = arith.cmpi sle, %reduce_min3A_108, %le3A_194 : i32
      %ge3A_196 = arith.constant 9 : i32
      %ge3A_197 = arith.cmpi sge, %reduce_max3A_112, %ge3A_196 : i32
      %and3A_198 = arith.andi %le3A_195, %ge3A_197 : i1
      %convert_element_type3A_199 = arith.extui %and3A_198 : i1 to i32
      %cond3A_200 = arith.constant 0 : i32
      %cond3A_201 = arith.cmpi ne, %convert_element_type3A_199, %cond3A_200 : i32
      scf.if %cond3A_201 {
        %slice3A = vector.extract_strided_slice %eq3A_79 {offsets = [0, 9], sizes = [2000, 1], strides = [1, 1]} : vector<2000x64xi1> to vector<2000x1xi1>
        %broadcast_in_dim3A_634 = vector.shape_cast %slice3A : vector<2000x1xi1> to vector<2000x1xi1>
        %broadcast_in_dim3A_635 = vector.broadcast %broadcast_in_dim3A_634 : vector<2000x1xi1> to vector<2000x128xi1>
        %broadcast_in_dim3A_636 = vector.broadcast %cond3A_121 : f32 to vector<2000x128xf32>
        %select_n3A = arith.select %broadcast_in_dim3A_635, %max3A_72, %broadcast_in_dim3A_636 : vector<2000x128xi1>, vector<2000x128xf32>
        %reduce_max3A_637 = arith.constant dense<0xFF800000> : vector<128xf32>
        %reduce_max3A_638 = vector.multi_reduction <maximumf>, %select_n3A, %reduce_max3A_637 [0] : vector<2000x128xf32> to vector<128xf32>
        %broadcast_in_dim3A_639 = vector.shape_cast %reduce_max3A_638 : vector<128xf32> to vector<1x128xf32>
        %get3A_640 = arith.constant 9 : index
        %get3A_641 = arith.constant 0 : index
        %get3A_642 = vector.load %arg12[%get3A_640, %get3A_641] : memref<64x128xf32, #tpu.memory_space<vmem>>, vector<1x128xf32>
        %max3A_643 = arith.maximumf %get3A_642, %broadcast_in_dim3A_639 : vector<1x128xf32>
        %swap3A_644 = arith.constant 9 : index
        %swap3A_645 = arith.constant 0 : index
        %swap3A_646 = vector.load %arg12[%swap3A_644, %swap3A_645] : memref<64x128xf32, #tpu.memory_space<vmem>>, vector<1x128xf32>
        tpu.vector_store %arg12[%swap3A_644, %swap3A_645], %max3A_643 {strides = array<i32>} : memref<64x128xf32, #tpu.memory_space<vmem>>, vector<1x128xf32>,
      } else {
      }
      %le3A_202 = arith.constant 10 : i32
      %le3A_203 = arith.cmpi sle, %reduce_min3A_108, %le3A_202 : i32
      %ge3A_204 = arith.constant 10 : i32
      %ge3A_205 = arith.cmpi sge, %reduce_max3A_112, %ge3A_204 : i32
      %and3A_206 = arith.andi %le3A_203, %ge3A_205 : i1
      %convert_element_type3A_207 = arith.extui %and3A_206 : i1 to i32
      %cond3A_208 = arith.constant 0 : i32
      %cond3A_209 = arith.cmpi ne, %convert_element_type3A_207, %cond3A_208 : i32
      scf.if %cond3A_209 {
        %slice3A = vector.extract_strided_slice %eq3A_79 {offsets = [0, 10], sizes = [2000, 1], strides = [1, 1]} : vector<2000x64xi1> to vector<2000x1xi1>
        %broadcast_in_dim3A_634 = vector.shape_cast %slice3A : vector<2000x1xi1> to vector<2000x1xi1>
        %broadcast_in_dim3A_635 = vector.broadcast %broadcast_in_dim3A_634 : vector<2000x1xi1> to vector<2000x128xi1>
        %broadcast_in_dim3A_636 = vector.broadcast %cond3A_121 : f32 to vector<2000x128xf32>
        %select_n3A = arith.select %broadcast_in_dim3A_635, %max3A_72, %broadcast_in_dim3A_636 : vector<2000x128xi1>, vector<2000x128xf32>
        %reduce_max3A_637 = arith.constant dense<0xFF800000> : vector<128xf32>
        %reduce_max3A_638 = vector.multi_reduction <maximumf>, %select_n3A, %reduce_max3A_637 [0] : vector<2000x128xf32> to vector<128xf32>
        %broadcast_in_dim3A_639 = vector.shape_cast %reduce_max3A_638 : vector<128xf32> to vector<1x128xf32>
        %get3A_640 = arith.constant 10 : index
        %get3A_641 = arith.constant 0 : index
        %get3A_642 = vector.load %arg12[%get3A_640, %get3A_641] : memref<64x128xf32, #tpu.memory_space<vmem>>, vector<1x128xf32>
        %max3A_643 = arith.maximumf %get3A_642, %broadcast_in_dim3A_639 : vector<1x128xf32>
        %swap3A_644 = arith.constant 10 : index
        %swap3A_645 = arith.constant 0 : index
        %swap3A_646 = vector.load %arg12[%swap3A_644, %swap3A_645] : memref<64x128xf32, #tpu.memory_space<vmem>>, vector<1x128xf32>
        tpu.vector_store %arg12[%swap3A_644, %swap3A_645], %max3A_643 {strides = array<i32>} : memref<64x128xf32, #tpu.memory_space<vmem>>, vector<1x128xf32>,
      } else {
      }
      %le3A_210 = arith.constant 11 : i32
      %le3A_211 = arith.cmpi sle, %reduce_min3A_108, %le3A_210 : i32
      %ge3A_212 = arith.constant 11 : i32
      %ge3A_213 = arith.cmpi sge, %reduce_max3A_112, %ge3A_212 : i32
      %and3A_214 = arith.andi %le3A_211, %ge3A_213 : i1
      %convert_element_type3A_215 = arith.extui %and3A_214 : i1 to i32
      %cond3A_216 = arith.constant 0 : i32
      %cond3A_217 = arith.cmpi ne, %convert_element_type3A_215, %cond3A_216 : i32
      scf.if %cond3A_217 {
        %slice3A = vector.extract_strided_slice %eq3A_79 {offsets = [0, 11], sizes = [2000, 1], strides = [1, 1]} : vector<2000x64xi1> to vector<2000x1xi1>
        %broadcast_in_dim3A_634 = vector.shape_cast %slice3A : vector<2000x1xi1> to vector<2000x1xi1>
        %broadcast_in_dim3A_635 = vector.broadcast %broadcast_in_dim3A_634 : vector<2000x1xi1> to vector<2000x128xi1>
        %broadcast_in_dim3A_636 = vector.broadcast %cond3A_121 : f32 to vector<2000x128xf32>
        %select_n3A = arith.select %broadcast_in_dim3A_635, %max3A_72, %broadcast_in_dim3A_636 : vector<2000x128xi1>, vector<2000x128xf32>
        %reduce_max3A_637 = arith.constant dense<0xFF800000> : vector<128xf32>
        %reduce_max3A_638 = vector.multi_reduction <maximumf>, %select_n3A, %reduce_max3A_637 [0] : vector<2000x128xf32> to vector<128xf32>
        %broadcast_in_dim3A_639 = vector.shape_cast %reduce_max3A_638 : vector<128xf32> to vector<1x128xf32>
        %get3A_640 = arith.constant 11 : index
        %get3A_641 = arith.constant 0 : index
        %get3A_642 = vector.load %arg12[%get3A_640, %get3A_641] : memref<64x128xf32, #tpu.memory_space<vmem>>, vector<1x128xf32>
        %max3A_643 = arith.maximumf %get3A_642, %broadcast_in_dim3A_639 : vector<1x128xf32>
        %swap3A_644 = arith.constant 11 : index
        %swap3A_645 = arith.constant 0 : index
        %swap3A_646 = vector.load %arg12[%swap3A_644, %swap3A_645] : memref<64x128xf32, #tpu.memory_space<vmem>>, vector<1x128xf32>
        tpu.vector_store %arg12[%swap3A_644, %swap3A_645], %max3A_643 {strides = array<i32>} : memref<64x128xf32, #tpu.memory_space<vmem>>, vector<1x128xf32>,
      } else {
      }
      %le3A_218 = arith.constant 12 : i32
      %le3A_219 = arith.cmpi sle, %reduce_min3A_108, %le3A_218 : i32
      %ge3A_220 = arith.constant 12 : i32
      %ge3A_221 = arith.cmpi sge, %reduce_max3A_112, %ge3A_220 : i32
      %and3A_222 = arith.andi %le3A_219, %ge3A_221 : i1
      %convert_element_type3A_223 = arith.extui %and3A_222 : i1 to i32
      %cond3A_224 = arith.constant 0 : i32
      %cond3A_225 = arith.cmpi ne, %convert_element_type3A_223, %cond3A_224 : i32
      scf.if %cond3A_225 {
        %slice3A = vector.extract_strided_slice %eq3A_79 {offsets = [0, 12], sizes = [2000, 1], strides = [1, 1]} : vector<2000x64xi1> to vector<2000x1xi1>
        %broadcast_in_dim3A_634 = vector.shape_cast %slice3A : vector<2000x1xi1> to vector<2000x1xi1>
        %broadcast_in_dim3A_635 = vector.broadcast %broadcast_in_dim3A_634 : vector<2000x1xi1> to vector<2000x128xi1>
        %broadcast_in_dim3A_636 = vector.broadcast %cond3A_121 : f32 to vector<2000x128xf32>
        %select_n3A = arith.select %broadcast_in_dim3A_635, %max3A_72, %broadcast_in_dim3A_636 : vector<2000x128xi1>, vector<2000x128xf32>
        %reduce_max3A_637 = arith.constant dense<0xFF800000> : vector<128xf32>
        %reduce_max3A_638 = vector.multi_reduction <maximumf>, %select_n3A, %reduce_max3A_637 [0] : vector<2000x128xf32> to vector<128xf32>
        %broadcast_in_dim3A_639 = vector.shape_cast %reduce_max3A_638 : vector<128xf32> to vector<1x128xf32>
        %get3A_640 = arith.constant 12 : index
        %get3A_641 = arith.constant 0 : index
        %get3A_642 = vector.load %arg12[%get3A_640, %get3A_641] : memref<64x128xf32, #tpu.memory_space<vmem>>, vector<1x128xf32>
        %max3A_643 = arith.maximumf %get3A_642, %broadcast_in_dim3A_639 : vector<1x128xf32>
        %swap3A_644 = arith.constant 12 : index
        %swap3A_645 = arith.constant 0 : index
        %swap3A_646 = vector.load %arg12[%swap3A_644, %swap3A_645] : memref<64x128xf32, #tpu.memory_space<vmem>>, vector<1x128xf32>
        tpu.vector_store %arg12[%swap3A_644, %swap3A_645], %max3A_643 {strides = array<i32>} : memref<64x128xf32, #tpu.memory_space<vmem>>, vector<1x128xf32>,
      } else {
      }
      %le3A_226 = arith.constant 13 : i32
      %le3A_227 = arith.cmpi sle, %reduce_min3A_108, %le3A_226 : i32
      %ge3A_228 = arith.constant 13 : i32
      %ge3A_229 = arith.cmpi sge, %reduce_max3A_112, %ge3A_228 : i32
      %and3A_230 = arith.andi %le3A_227, %ge3A_229 : i1
      %convert_element_type3A_231 = arith.extui %and3A_230 : i1 to i32
      %cond3A_232 = arith.constant 0 : i32
      %cond3A_233 = arith.cmpi ne, %convert_element_type3A_231, %cond3A_232 : i32
      scf.if %cond3A_233 {
        %slice3A = vector.extract_strided_slice %eq3A_79 {offsets = [0, 13], sizes = [2000, 1], strides = [1, 1]} : vector<2000x64xi1> to vector<2000x1xi1>
        %broadcast_in_dim3A_634 = vector.shape_cast %slice3A : vector<2000x1xi1> to vector<2000x1xi1>
        %broadcast_in_dim3A_635 = vector.broadcast %broadcast_in_dim3A_634 : vector<2000x1xi1> to vector<2000x128xi1>
        %broadcast_in_dim3A_636 = vector.broadcast %cond3A_121 : f32 to vector<2000x128xf32>
        %select_n3A = arith.select %broadcast_in_dim3A_635, %max3A_72, %broadcast_in_dim3A_636 : vector<2000x128xi1>, vector<2000x128xf32>
        %reduce_max3A_637 = arith.constant dense<0xFF800000> : vector<128xf32>
        %reduce_max3A_638 = vector.multi_reduction <maximumf>, %select_n3A, %reduce_max3A_637 [0] : vector<2000x128xf32> to vector<128xf32>
        %broadcast_in_dim3A_639 = vector.shape_cast %reduce_max3A_638 : vector<128xf32> to vector<1x128xf32>
        %get3A_640 = arith.constant 13 : index
        %get3A_641 = arith.constant 0 : index
        %get3A_642 = vector.load %arg12[%get3A_640, %get3A_641] : memref<64x128xf32, #tpu.memory_space<vmem>>, vector<1x128xf32>
        %max3A_643 = arith.maximumf %get3A_642, %broadcast_in_dim3A_639 : vector<1x128xf32>
        %swap3A_644 = arith.constant 13 : index
        %swap3A_645 = arith.constant 0 : index
        %swap3A_646 = vector.load %arg12[%swap3A_644, %swap3A_645] : memref<64x128xf32, #tpu.memory_space<vmem>>, vector<1x128xf32>
        tpu.vector_store %arg12[%swap3A_644, %swap3A_645], %max3A_643 {strides = array<i32>} : memref<64x128xf32, #tpu.memory_space<vmem>>, vector<1x128xf32>,
      } else {
      }
      %le3A_234 = arith.constant 14 : i32
      %le3A_235 = arith.cmpi sle, %reduce_min3A_108, %le3A_234 : i32
      %ge3A_236 = arith.constant 14 : i32
      %ge3A_237 = arith.cmpi sge, %reduce_max3A_112, %ge3A_236 : i32
      %and3A_238 = arith.andi %le3A_235, %ge3A_237 : i1
      %convert_element_type3A_239 = arith.extui %and3A_238 : i1 to i32
      %cond3A_240 = arith.constant 0 : i32
      %cond3A_241 = arith.cmpi ne, %convert_element_type3A_239, %cond3A_240 : i32
      scf.if %cond3A_241 {
        %slice3A = vector.extract_strided_slice %eq3A_79 {offsets = [0, 14], sizes = [2000, 1], strides = [1, 1]} : vector<2000x64xi1> to vector<2000x1xi1>
        %broadcast_in_dim3A_634 = vector.shape_cast %slice3A : vector<2000x1xi1> to vector<2000x1xi1>
        %broadcast_in_dim3A_635 = vector.broadcast %broadcast_in_dim3A_634 : vector<2000x1xi1> to vector<2000x128xi1>
        %broadcast_in_dim3A_636 = vector.broadcast %cond3A_121 : f32 to vector<2000x128xf32>
        %select_n3A = arith.select %broadcast_in_dim3A_635, %max3A_72, %broadcast_in_dim3A_636 : vector<2000x128xi1>, vector<2000x128xf32>
        %reduce_max3A_637 = arith.constant dense<0xFF800000> : vector<128xf32>
        %reduce_max3A_638 = vector.multi_reduction <maximumf>, %select_n3A, %reduce_max3A_637 [0] : vector<2000x128xf32> to vector<128xf32>
        %broadcast_in_dim3A_639 = vector.shape_cast %reduce_max3A_638 : vector<128xf32> to vector<1x128xf32>
        %get3A_640 = arith.constant 14 : index
        %get3A_641 = arith.constant 0 : index
        %get3A_642 = vector.load %arg12[%get3A_640, %get3A_641] : memref<64x128xf32, #tpu.memory_space<vmem>>, vector<1x128xf32>
        %max3A_643 = arith.maximumf %get3A_642, %broadcast_in_dim3A_639 : vector<1x128xf32>
        %swap3A_644 = arith.constant 14 : index
        %swap3A_645 = arith.constant 0 : index
        %swap3A_646 = vector.load %arg12[%swap3A_644, %swap3A_645] : memref<64x128xf32, #tpu.memory_space<vmem>>, vector<1x128xf32>
        tpu.vector_store %arg12[%swap3A_644, %swap3A_645], %max3A_643 {strides = array<i32>} : memref<64x128xf32, #tpu.memory_space<vmem>>, vector<1x128xf32>,
      } else {
      }
      %le3A_242 = arith.constant 15 : i32
      %le3A_243 = arith.cmpi sle, %reduce_min3A_108, %le3A_242 : i32
      %ge3A_244 = arith.constant 15 : i32
      %ge3A_245 = arith.cmpi sge, %reduce_max3A_112, %ge3A_244 : i32
      %and3A_246 = arith.andi %le3A_243, %ge3A_245 : i1
      %convert_element_type3A_247 = arith.extui %and3A_246 : i1 to i32
      %cond3A_248 = arith.constant 0 : i32
      %cond3A_249 = arith.cmpi ne, %convert_element_type3A_247, %cond3A_248 : i32
      scf.if %cond3A_249 {
        %slice3A = vector.extract_strided_slice %eq3A_79 {offsets = [0, 15], sizes = [2000, 1], strides = [1, 1]} : vector<2000x64xi1> to vector<2000x1xi1>
        %broadcast_in_dim3A_634 = vector.shape_cast %slice3A : vector<2000x1xi1> to vector<2000x1xi1>
        %broadcast_in_dim3A_635 = vector.broadcast %broadcast_in_dim3A_634 : vector<2000x1xi1> to vector<2000x128xi1>
        %broadcast_in_dim3A_636 = vector.broadcast %cond3A_121 : f32 to vector<2000x128xf32>
        %select_n3A = arith.select %broadcast_in_dim3A_635, %max3A_72, %broadcast_in_dim3A_636 : vector<2000x128xi1>, vector<2000x128xf32>
        %reduce_max3A_637 = arith.constant dense<0xFF800000> : vector<128xf32>
        %reduce_max3A_638 = vector.multi_reduction <maximumf>, %select_n3A, %reduce_max3A_637 [0] : vector<2000x128xf32> to vector<128xf32>
        %broadcast_in_dim3A_639 = vector.shape_cast %reduce_max3A_638 : vector<128xf32> to vector<1x128xf32>
        %get3A_640 = arith.constant 15 : index
        %get3A_641 = arith.constant 0 : index
        %get3A_642 = vector.load %arg12[%get3A_640, %get3A_641] : memref<64x128xf32, #tpu.memory_space<vmem>>, vector<1x128xf32>
        %max3A_643 = arith.maximumf %get3A_642, %broadcast_in_dim3A_639 : vector<1x128xf32>
        %swap3A_644 = arith.constant 15 : index
        %swap3A_645 = arith.constant 0 : index
        %swap3A_646 = vector.load %arg12[%swap3A_644, %swap3A_645] : memref<64x128xf32, #tpu.memory_space<vmem>>, vector<1x128xf32>
        tpu.vector_store %arg12[%swap3A_644, %swap3A_645], %max3A_643 {strides = array<i32>} : memref<64x128xf32, #tpu.memory_space<vmem>>, vector<1x128xf32>,
      } else {
      }
      %le3A_250 = arith.constant 16 : i32
      %le3A_251 = arith.cmpi sle, %reduce_min3A_108, %le3A_250 : i32
      %ge3A_252 = arith.constant 16 : i32
      %ge3A_253 = arith.cmpi sge, %reduce_max3A_112, %ge3A_252 : i32
      %and3A_254 = arith.andi %le3A_251, %ge3A_253 : i1
      %convert_element_type3A_255 = arith.extui %and3A_254 : i1 to i32
      %cond3A_256 = arith.constant 0 : i32
      %cond3A_257 = arith.cmpi ne, %convert_element_type3A_255, %cond3A_256 : i32
      scf.if %cond3A_257 {
        %slice3A = vector.extract_strided_slice %eq3A_79 {offsets = [0, 16], sizes = [2000, 1], strides = [1, 1]} : vector<2000x64xi1> to vector<2000x1xi1>
        %broadcast_in_dim3A_634 = vector.shape_cast %slice3A : vector<2000x1xi1> to vector<2000x1xi1>
        %broadcast_in_dim3A_635 = vector.broadcast %broadcast_in_dim3A_634 : vector<2000x1xi1> to vector<2000x128xi1>
        %broadcast_in_dim3A_636 = vector.broadcast %cond3A_121 : f32 to vector<2000x128xf32>
        %select_n3A = arith.select %broadcast_in_dim3A_635, %max3A_72, %broadcast_in_dim3A_636 : vector<2000x128xi1>, vector<2000x128xf32>
        %reduce_max3A_637 = arith.constant dense<0xFF800000> : vector<128xf32>
        %reduce_max3A_638 = vector.multi_reduction <maximumf>, %select_n3A, %reduce_max3A_637 [0] : vector<2000x128xf32> to vector<128xf32>
        %broadcast_in_dim3A_639 = vector.shape_cast %reduce_max3A_638 : vector<128xf32> to vector<1x128xf32>
        %get3A_640 = arith.constant 16 : index
        %get3A_641 = arith.constant 0 : index
        %get3A_642 = vector.load %arg12[%get3A_640, %get3A_641] : memref<64x128xf32, #tpu.memory_space<vmem>>, vector<1x128xf32>
        %max3A_643 = arith.maximumf %get3A_642, %broadcast_in_dim3A_639 : vector<1x128xf32>
        %swap3A_644 = arith.constant 16 : index
        %swap3A_645 = arith.constant 0 : index
        %swap3A_646 = vector.load %arg12[%swap3A_644, %swap3A_645] : memref<64x128xf32, #tpu.memory_space<vmem>>, vector<1x128xf32>
        tpu.vector_store %arg12[%swap3A_644, %swap3A_645], %max3A_643 {strides = array<i32>} : memref<64x128xf32, #tpu.memory_space<vmem>>, vector<1x128xf32>,
      } else {
      }
      %le3A_258 = arith.constant 17 : i32
      %le3A_259 = arith.cmpi sle, %reduce_min3A_108, %le3A_258 : i32
      %ge3A_260 = arith.constant 17 : i32
      %ge3A_261 = arith.cmpi sge, %reduce_max3A_112, %ge3A_260 : i32
      %and3A_262 = arith.andi %le3A_259, %ge3A_261 : i1
      %convert_element_type3A_263 = arith.extui %and3A_262 : i1 to i32
      %cond3A_264 = arith.constant 0 : i32
      %cond3A_265 = arith.cmpi ne, %convert_element_type3A_263, %cond3A_264 : i32
      scf.if %cond3A_265 {
        %slice3A = vector.extract_strided_slice %eq3A_79 {offsets = [0, 17], sizes = [2000, 1], strides = [1, 1]} : vector<2000x64xi1> to vector<2000x1xi1>
        %broadcast_in_dim3A_634 = vector.shape_cast %slice3A : vector<2000x1xi1> to vector<2000x1xi1>
        %broadcast_in_dim3A_635 = vector.broadcast %broadcast_in_dim3A_634 : vector<2000x1xi1> to vector<2000x128xi1>
        %broadcast_in_dim3A_636 = vector.broadcast %cond3A_121 : f32 to vector<2000x128xf32>
        %select_n3A = arith.select %broadcast_in_dim3A_635, %max3A_72, %broadcast_in_dim3A_636 : vector<2000x128xi1>, vector<2000x128xf32>
        %reduce_max3A_637 = arith.constant dense<0xFF800000> : vector<128xf32>
        %reduce_max3A_638 = vector.multi_reduction <maximumf>, %select_n3A, %reduce_max3A_637 [0] : vector<2000x128xf32> to vector<128xf32>
        %broadcast_in_dim3A_639 = vector.shape_cast %reduce_max3A_638 : vector<128xf32> to vector<1x128xf32>
        %get3A_640 = arith.constant 17 : index
        %get3A_641 = arith.constant 0 : index
        %get3A_642 = vector.load %arg12[%get3A_640, %get3A_641] : memref<64x128xf32, #tpu.memory_space<vmem>>, vector<1x128xf32>
        %max3A_643 = arith.maximumf %get3A_642, %broadcast_in_dim3A_639 : vector<1x128xf32>
        %swap3A_644 = arith.constant 17 : index
        %swap3A_645 = arith.constant 0 : index
        %swap3A_646 = vector.load %arg12[%swap3A_644, %swap3A_645] : memref<64x128xf32, #tpu.memory_space<vmem>>, vector<1x128xf32>
        tpu.vector_store %arg12[%swap3A_644, %swap3A_645], %max3A_643 {strides = array<i32>} : memref<64x128xf32, #tpu.memory_space<vmem>>, vector<1x128xf32>,
      } else {
      }
      %le3A_266 = arith.constant 18 : i32
      %le3A_267 = arith.cmpi sle, %reduce_min3A_108, %le3A_266 : i32
      %ge3A_268 = arith.constant 18 : i32
      %ge3A_269 = arith.cmpi sge, %reduce_max3A_112, %ge3A_268 : i32
      %and3A_270 = arith.andi %le3A_267, %ge3A_269 : i1
      %convert_element_type3A_271 = arith.extui %and3A_270 : i1 to i32
      %cond3A_272 = arith.constant 0 : i32
      %cond3A_273 = arith.cmpi ne, %convert_element_type3A_271, %cond3A_272 : i32
      scf.if %cond3A_273 {
        %slice3A = vector.extract_strided_slice %eq3A_79 {offsets = [0, 18], sizes = [2000, 1], strides = [1, 1]} : vector<2000x64xi1> to vector<2000x1xi1>
        %broadcast_in_dim3A_634 = vector.shape_cast %slice3A : vector<2000x1xi1> to vector<2000x1xi1>
        %broadcast_in_dim3A_635 = vector.broadcast %broadcast_in_dim3A_634 : vector<2000x1xi1> to vector<2000x128xi1>
        %broadcast_in_dim3A_636 = vector.broadcast %cond3A_121 : f32 to vector<2000x128xf32>
        %select_n3A = arith.select %broadcast_in_dim3A_635, %max3A_72, %broadcast_in_dim3A_636 : vector<2000x128xi1>, vector<2000x128xf32>
        %reduce_max3A_637 = arith.constant dense<0xFF800000> : vector<128xf32>
        %reduce_max3A_638 = vector.multi_reduction <maximumf>, %select_n3A, %reduce_max3A_637 [0] : vector<2000x128xf32> to vector<128xf32>
        %broadcast_in_dim3A_639 = vector.shape_cast %reduce_max3A_638 : vector<128xf32> to vector<1x128xf32>
        %get3A_640 = arith.constant 18 : index
        %get3A_641 = arith.constant 0 : index
        %get3A_642 = vector.load %arg12[%get3A_640, %get3A_641] : memref<64x128xf32, #tpu.memory_space<vmem>>, vector<1x128xf32>
        %max3A_643 = arith.maximumf %get3A_642, %broadcast_in_dim3A_639 : vector<1x128xf32>
        %swap3A_644 = arith.constant 18 : index
        %swap3A_645 = arith.constant 0 : index
        %swap3A_646 = vector.load %arg12[%swap3A_644, %swap3A_645] : memref<64x128xf32, #tpu.memory_space<vmem>>, vector<1x128xf32>
        tpu.vector_store %arg12[%swap3A_644, %swap3A_645], %max3A_643 {strides = array<i32>} : memref<64x128xf32, #tpu.memory_space<vmem>>, vector<1x128xf32>,
      } else {
      }
      %le3A_274 = arith.constant 19 : i32
      %le3A_275 = arith.cmpi sle, %reduce_min3A_108, %le3A_274 : i32
      %ge3A_276 = arith.constant 19 : i32
      %ge3A_277 = arith.cmpi sge, %reduce_max3A_112, %ge3A_276 : i32
      %and3A_278 = arith.andi %le3A_275, %ge3A_277 : i1
      %convert_element_type3A_279 = arith.extui %and3A_278 : i1 to i32
      %cond3A_280 = arith.constant 0 : i32
      %cond3A_281 = arith.cmpi ne, %convert_element_type3A_279, %cond3A_280 : i32
      scf.if %cond3A_281 {
        %slice3A = vector.extract_strided_slice %eq3A_79 {offsets = [0, 19], sizes = [2000, 1], strides = [1, 1]} : vector<2000x64xi1> to vector<2000x1xi1>
        %broadcast_in_dim3A_634 = vector.shape_cast %slice3A : vector<2000x1xi1> to vector<2000x1xi1>
        %broadcast_in_dim3A_635 = vector.broadcast %broadcast_in_dim3A_634 : vector<2000x1xi1> to vector<2000x128xi1>
        %broadcast_in_dim3A_636 = vector.broadcast %cond3A_121 : f32 to vector<2000x128xf32>
        %select_n3A = arith.select %broadcast_in_dim3A_635, %max3A_72, %broadcast_in_dim3A_636 : vector<2000x128xi1>, vector<2000x128xf32>
        %reduce_max3A_637 = arith.constant dense<0xFF800000> : vector<128xf32>
        %reduce_max3A_638 = vector.multi_reduction <maximumf>, %select_n3A, %reduce_max3A_637 [0] : vector<2000x128xf32> to vector<128xf32>
        %broadcast_in_dim3A_639 = vector.shape_cast %reduce_max3A_638 : vector<128xf32> to vector<1x128xf32>
        %get3A_640 = arith.constant 19 : index
        %get3A_641 = arith.constant 0 : index
        %get3A_642 = vector.load %arg12[%get3A_640, %get3A_641] : memref<64x128xf32, #tpu.memory_space<vmem>>, vector<1x128xf32>
        %max3A_643 = arith.maximumf %get3A_642, %broadcast_in_dim3A_639 : vector<1x128xf32>
        %swap3A_644 = arith.constant 19 : index
        %swap3A_645 = arith.constant 0 : index
        %swap3A_646 = vector.load %arg12[%swap3A_644, %swap3A_645] : memref<64x128xf32, #tpu.memory_space<vmem>>, vector<1x128xf32>
        tpu.vector_store %arg12[%swap3A_644, %swap3A_645], %max3A_643 {strides = array<i32>} : memref<64x128xf32, #tpu.memory_space<vmem>>, vector<1x128xf32>,
      } else {
      }
      %le3A_282 = arith.constant 20 : i32
      %le3A_283 = arith.cmpi sle, %reduce_min3A_108, %le3A_282 : i32
      %ge3A_284 = arith.constant 20 : i32
      %ge3A_285 = arith.cmpi sge, %reduce_max3A_112, %ge3A_284 : i32
      %and3A_286 = arith.andi %le3A_283, %ge3A_285 : i1
      %convert_element_type3A_287 = arith.extui %and3A_286 : i1 to i32
      %cond3A_288 = arith.constant 0 : i32
      %cond3A_289 = arith.cmpi ne, %convert_element_type3A_287, %cond3A_288 : i32
      scf.if %cond3A_289 {
        %slice3A = vector.extract_strided_slice %eq3A_79 {offsets = [0, 20], sizes = [2000, 1], strides = [1, 1]} : vector<2000x64xi1> to vector<2000x1xi1>
        %broadcast_in_dim3A_634 = vector.shape_cast %slice3A : vector<2000x1xi1> to vector<2000x1xi1>
        %broadcast_in_dim3A_635 = vector.broadcast %broadcast_in_dim3A_634 : vector<2000x1xi1> to vector<2000x128xi1>
        %broadcast_in_dim3A_636 = vector.broadcast %cond3A_121 : f32 to vector<2000x128xf32>
        %select_n3A = arith.select %broadcast_in_dim3A_635, %max3A_72, %broadcast_in_dim3A_636 : vector<2000x128xi1>, vector<2000x128xf32>
        %reduce_max3A_637 = arith.constant dense<0xFF800000> : vector<128xf32>
        %reduce_max3A_638 = vector.multi_reduction <maximumf>, %select_n3A, %reduce_max3A_637 [0] : vector<2000x128xf32> to vector<128xf32>
        %broadcast_in_dim3A_639 = vector.shape_cast %reduce_max3A_638 : vector<128xf32> to vector<1x128xf32>
        %get3A_640 = arith.constant 20 : index
        %get3A_641 = arith.constant 0 : index
        %get3A_642 = vector.load %arg12[%get3A_640, %get3A_641] : memref<64x128xf32, #tpu.memory_space<vmem>>, vector<1x128xf32>
        %max3A_643 = arith.maximumf %get3A_642, %broadcast_in_dim3A_639 : vector<1x128xf32>
        %swap3A_644 = arith.constant 20 : index
        %swap3A_645 = arith.constant 0 : index
        %swap3A_646 = vector.load %arg12[%swap3A_644, %swap3A_645] : memref<64x128xf32, #tpu.memory_space<vmem>>, vector<1x128xf32>
        tpu.vector_store %arg12[%swap3A_644, %swap3A_645], %max3A_643 {strides = array<i32>} : memref<64x128xf32, #tpu.memory_space<vmem>>, vector<1x128xf32>,
      } else {
      }
      %le3A_290 = arith.constant 21 : i32
      %le3A_291 = arith.cmpi sle, %reduce_min3A_108, %le3A_290 : i32
      %ge3A_292 = arith.constant 21 : i32
      %ge3A_293 = arith.cmpi sge, %reduce_max3A_112, %ge3A_292 : i32
      %and3A_294 = arith.andi %le3A_291, %ge3A_293 : i1
      %convert_element_type3A_295 = arith.extui %and3A_294 : i1 to i32
      %cond3A_296 = arith.constant 0 : i32
      %cond3A_297 = arith.cmpi ne, %convert_element_type3A_295, %cond3A_296 : i32
      scf.if %cond3A_297 {
        %slice3A = vector.extract_strided_slice %eq3A_79 {offsets = [0, 21], sizes = [2000, 1], strides = [1, 1]} : vector<2000x64xi1> to vector<2000x1xi1>
        %broadcast_in_dim3A_634 = vector.shape_cast %slice3A : vector<2000x1xi1> to vector<2000x1xi1>
        %broadcast_in_dim3A_635 = vector.broadcast %broadcast_in_dim3A_634 : vector<2000x1xi1> to vector<2000x128xi1>
        %broadcast_in_dim3A_636 = vector.broadcast %cond3A_121 : f32 to vector<2000x128xf32>
        %select_n3A = arith.select %broadcast_in_dim3A_635, %max3A_72, %broadcast_in_dim3A_636 : vector<2000x128xi1>, vector<2000x128xf32>
        %reduce_max3A_637 = arith.constant dense<0xFF800000> : vector<128xf32>
        %reduce_max3A_638 = vector.multi_reduction <maximumf>, %select_n3A, %reduce_max3A_637 [0] : vector<2000x128xf32> to vector<128xf32>
        %broadcast_in_dim3A_639 = vector.shape_cast %reduce_max3A_638 : vector<128xf32> to vector<1x128xf32>
        %get3A_640 = arith.constant 21 : index
        %get3A_641 = arith.constant 0 : index
        %get3A_642 = vector.load %arg12[%get3A_640, %get3A_641] : memref<64x128xf32, #tpu.memory_space<vmem>>, vector<1x128xf32>
        %max3A_643 = arith.maximumf %get3A_642, %broadcast_in_dim3A_639 : vector<1x128xf32>
        %swap3A_644 = arith.constant 21 : index
        %swap3A_645 = arith.constant 0 : index
        %swap3A_646 = vector.load %arg12[%swap3A_644, %swap3A_645] : memref<64x128xf32, #tpu.memory_space<vmem>>, vector<1x128xf32>
        tpu.vector_store %arg12[%swap3A_644, %swap3A_645], %max3A_643 {strides = array<i32>} : memref<64x128xf32, #tpu.memory_space<vmem>>, vector<1x128xf32>,
      } else {
      }
      %le3A_298 = arith.constant 22 : i32
      %le3A_299 = arith.cmpi sle, %reduce_min3A_108, %le3A_298 : i32
      %ge3A_300 = arith.constant 22 : i32
      %ge3A_301 = arith.cmpi sge, %reduce_max3A_112, %ge3A_300 : i32
      %and3A_302 = arith.andi %le3A_299, %ge3A_301 : i1
      %convert_element_type3A_303 = arith.extui %and3A_302 : i1 to i32
      %cond3A_304 = arith.constant 0 : i32
      %cond3A_305 = arith.cmpi ne, %convert_element_type3A_303, %cond3A_304 : i32
      scf.if %cond3A_305 {
        %slice3A = vector.extract_strided_slice %eq3A_79 {offsets = [0, 22], sizes = [2000, 1], strides = [1, 1]} : vector<2000x64xi1> to vector<2000x1xi1>
        %broadcast_in_dim3A_634 = vector.shape_cast %slice3A : vector<2000x1xi1> to vector<2000x1xi1>
        %broadcast_in_dim3A_635 = vector.broadcast %broadcast_in_dim3A_634 : vector<2000x1xi1> to vector<2000x128xi1>
        %broadcast_in_dim3A_636 = vector.broadcast %cond3A_121 : f32 to vector<2000x128xf32>
        %select_n3A = arith.select %broadcast_in_dim3A_635, %max3A_72, %broadcast_in_dim3A_636 : vector<2000x128xi1>, vector<2000x128xf32>
        %reduce_max3A_637 = arith.constant dense<0xFF800000> : vector<128xf32>
        %reduce_max3A_638 = vector.multi_reduction <maximumf>, %select_n3A, %reduce_max3A_637 [0] : vector<2000x128xf32> to vector<128xf32>
        %broadcast_in_dim3A_639 = vector.shape_cast %reduce_max3A_638 : vector<128xf32> to vector<1x128xf32>
        %get3A_640 = arith.constant 22 : index
        %get3A_641 = arith.constant 0 : index
        %get3A_642 = vector.load %arg12[%get3A_640, %get3A_641] : memref<64x128xf32, #tpu.memory_space<vmem>>, vector<1x128xf32>
        %max3A_643 = arith.maximumf %get3A_642, %broadcast_in_dim3A_639 : vector<1x128xf32>
        %swap3A_644 = arith.constant 22 : index
        %swap3A_645 = arith.constant 0 : index
        %swap3A_646 = vector.load %arg12[%swap3A_644, %swap3A_645] : memref<64x128xf32, #tpu.memory_space<vmem>>, vector<1x128xf32>
        tpu.vector_store %arg12[%swap3A_644, %swap3A_645], %max3A_643 {strides = array<i32>} : memref<64x128xf32, #tpu.memory_space<vmem>>, vector<1x128xf32>,
      } else {
      }
      %le3A_306 = arith.constant 23 : i32
      %le3A_307 = arith.cmpi sle, %reduce_min3A_108, %le3A_306 : i32
      %ge3A_308 = arith.constant 23 : i32
      %ge3A_309 = arith.cmpi sge, %reduce_max3A_112, %ge3A_308 : i32
      %and3A_310 = arith.andi %le3A_307, %ge3A_309 : i1
      %convert_element_type3A_311 = arith.extui %and3A_310 : i1 to i32
      %cond3A_312 = arith.constant 0 : i32
      %cond3A_313 = arith.cmpi ne, %convert_element_type3A_311, %cond3A_312 : i32
      scf.if %cond3A_313 {
        %slice3A = vector.extract_strided_slice %eq3A_79 {offsets = [0, 23], sizes = [2000, 1], strides = [1, 1]} : vector<2000x64xi1> to vector<2000x1xi1>
        %broadcast_in_dim3A_634 = vector.shape_cast %slice3A : vector<2000x1xi1> to vector<2000x1xi1>
        %broadcast_in_dim3A_635 = vector.broadcast %broadcast_in_dim3A_634 : vector<2000x1xi1> to vector<2000x128xi1>
        %broadcast_in_dim3A_636 = vector.broadcast %cond3A_121 : f32 to vector<2000x128xf32>
        %select_n3A = arith.select %broadcast_in_dim3A_635, %max3A_72, %broadcast_in_dim3A_636 : vector<2000x128xi1>, vector<2000x128xf32>
        %reduce_max3A_637 = arith.constant dense<0xFF800000> : vector<128xf32>
        %reduce_max3A_638 = vector.multi_reduction <maximumf>, %select_n3A, %reduce_max3A_637 [0] : vector<2000x128xf32> to vector<128xf32>
        %broadcast_in_dim3A_639 = vector.shape_cast %reduce_max3A_638 : vector<128xf32> to vector<1x128xf32>
        %get3A_640 = arith.constant 23 : index
        %get3A_641 = arith.constant 0 : index
        %get3A_642 = vector.load %arg12[%get3A_640, %get3A_641] : memref<64x128xf32, #tpu.memory_space<vmem>>, vector<1x128xf32>
        %max3A_643 = arith.maximumf %get3A_642, %broadcast_in_dim3A_639 : vector<1x128xf32>
        %swap3A_644 = arith.constant 23 : index
        %swap3A_645 = arith.constant 0 : index
        %swap3A_646 = vector.load %arg12[%swap3A_644, %swap3A_645] : memref<64x128xf32, #tpu.memory_space<vmem>>, vector<1x128xf32>
        tpu.vector_store %arg12[%swap3A_644, %swap3A_645], %max3A_643 {strides = array<i32>} : memref<64x128xf32, #tpu.memory_space<vmem>>, vector<1x128xf32>,
      } else {
      }
      %le3A_314 = arith.constant 24 : i32
      %le3A_315 = arith.cmpi sle, %reduce_min3A_108, %le3A_314 : i32
      %ge3A_316 = arith.constant 24 : i32
      %ge3A_317 = arith.cmpi sge, %reduce_max3A_112, %ge3A_316 : i32
      %and3A_318 = arith.andi %le3A_315, %ge3A_317 : i1
      %convert_element_type3A_319 = arith.extui %and3A_318 : i1 to i32
      %cond3A_320 = arith.constant 0 : i32
      %cond3A_321 = arith.cmpi ne, %convert_element_type3A_319, %cond3A_320 : i32
      scf.if %cond3A_321 {
        %slice3A = vector.extract_strided_slice %eq3A_79 {offsets = [0, 24], sizes = [2000, 1], strides = [1, 1]} : vector<2000x64xi1> to vector<2000x1xi1>
        %broadcast_in_dim3A_634 = vector.shape_cast %slice3A : vector<2000x1xi1> to vector<2000x1xi1>
        %broadcast_in_dim3A_635 = vector.broadcast %broadcast_in_dim3A_634 : vector<2000x1xi1> to vector<2000x128xi1>
        %broadcast_in_dim3A_636 = vector.broadcast %cond3A_121 : f32 to vector<2000x128xf32>
        %select_n3A = arith.select %broadcast_in_dim3A_635, %max3A_72, %broadcast_in_dim3A_636 : vector<2000x128xi1>, vector<2000x128xf32>
        %reduce_max3A_637 = arith.constant dense<0xFF800000> : vector<128xf32>
        %reduce_max3A_638 = vector.multi_reduction <maximumf>, %select_n3A, %reduce_max3A_637 [0] : vector<2000x128xf32> to vector<128xf32>
        %broadcast_in_dim3A_639 = vector.shape_cast %reduce_max3A_638 : vector<128xf32> to vector<1x128xf32>
        %get3A_640 = arith.constant 24 : index
        %get3A_641 = arith.constant 0 : index
        %get3A_642 = vector.load %arg12[%get3A_640, %get3A_641] : memref<64x128xf32, #tpu.memory_space<vmem>>, vector<1x128xf32>
        %max3A_643 = arith.maximumf %get3A_642, %broadcast_in_dim3A_639 : vector<1x128xf32>
        %swap3A_644 = arith.constant 24 : index
        %swap3A_645 = arith.constant 0 : index
        %swap3A_646 = vector.load %arg12[%swap3A_644, %swap3A_645] : memref<64x128xf32, #tpu.memory_space<vmem>>, vector<1x128xf32>
        tpu.vector_store %arg12[%swap3A_644, %swap3A_645], %max3A_643 {strides = array<i32>} : memref<64x128xf32, #tpu.memory_space<vmem>>, vector<1x128xf32>,
      } else {
      }
      %le3A_322 = arith.constant 25 : i32
      %le3A_323 = arith.cmpi sle, %reduce_min3A_108, %le3A_322 : i32
      %ge3A_324 = arith.constant 25 : i32
      %ge3A_325 = arith.cmpi sge, %reduce_max3A_112, %ge3A_324 : i32
      %and3A_326 = arith.andi %le3A_323, %ge3A_325 : i1
      %convert_element_type3A_327 = arith.extui %and3A_326 : i1 to i32
      %cond3A_328 = arith.constant 0 : i32
      %cond3A_329 = arith.cmpi ne, %convert_element_type3A_327, %cond3A_328 : i32
      scf.if %cond3A_329 {
        %slice3A = vector.extract_strided_slice %eq3A_79 {offsets = [0, 25], sizes = [2000, 1], strides = [1, 1]} : vector<2000x64xi1> to vector<2000x1xi1>
        %broadcast_in_dim3A_634 = vector.shape_cast %slice3A : vector<2000x1xi1> to vector<2000x1xi1>
        %broadcast_in_dim3A_635 = vector.broadcast %broadcast_in_dim3A_634 : vector<2000x1xi1> to vector<2000x128xi1>
        %broadcast_in_dim3A_636 = vector.broadcast %cond3A_121 : f32 to vector<2000x128xf32>
        %select_n3A = arith.select %broadcast_in_dim3A_635, %max3A_72, %broadcast_in_dim3A_636 : vector<2000x128xi1>, vector<2000x128xf32>
        %reduce_max3A_637 = arith.constant dense<0xFF800000> : vector<128xf32>
        %reduce_max3A_638 = vector.multi_reduction <maximumf>, %select_n3A, %reduce_max3A_637 [0] : vector<2000x128xf32> to vector<128xf32>
        %broadcast_in_dim3A_639 = vector.shape_cast %reduce_max3A_638 : vector<128xf32> to vector<1x128xf32>
        %get3A_640 = arith.constant 25 : index
        %get3A_641 = arith.constant 0 : index
        %get3A_642 = vector.load %arg12[%get3A_640, %get3A_641] : memref<64x128xf32, #tpu.memory_space<vmem>>, vector<1x128xf32>
        %max3A_643 = arith.maximumf %get3A_642, %broadcast_in_dim3A_639 : vector<1x128xf32>
        %swap3A_644 = arith.constant 25 : index
        %swap3A_645 = arith.constant 0 : index
        %swap3A_646 = vector.load %arg12[%swap3A_644, %swap3A_645] : memref<64x128xf32, #tpu.memory_space<vmem>>, vector<1x128xf32>
        tpu.vector_store %arg12[%swap3A_644, %swap3A_645], %max3A_643 {strides = array<i32>} : memref<64x128xf32, #tpu.memory_space<vmem>>, vector<1x128xf32>,
      } else {
      }
      %le3A_330 = arith.constant 26 : i32
      %le3A_331 = arith.cmpi sle, %reduce_min3A_108, %le3A_330 : i32
      %ge3A_332 = arith.constant 26 : i32
      %ge3A_333 = arith.cmpi sge, %reduce_max3A_112, %ge3A_332 : i32
      %and3A_334 = arith.andi %le3A_331, %ge3A_333 : i1
      %convert_element_type3A_335 = arith.extui %and3A_334 : i1 to i32
      %cond3A_336 = arith.constant 0 : i32
      %cond3A_337 = arith.cmpi ne, %convert_element_type3A_335, %cond3A_336 : i32
      scf.if %cond3A_337 {
        %slice3A = vector.extract_strided_slice %eq3A_79 {offsets = [0, 26], sizes = [2000, 1], strides = [1, 1]} : vector<2000x64xi1> to vector<2000x1xi1>
        %broadcast_in_dim3A_634 = vector.shape_cast %slice3A : vector<2000x1xi1> to vector<2000x1xi1>
        %broadcast_in_dim3A_635 = vector.broadcast %broadcast_in_dim3A_634 : vector<2000x1xi1> to vector<2000x128xi1>
        %broadcast_in_dim3A_636 = vector.broadcast %cond3A_121 : f32 to vector<2000x128xf32>
        %select_n3A = arith.select %broadcast_in_dim3A_635, %max3A_72, %broadcast_in_dim3A_636 : vector<2000x128xi1>, vector<2000x128xf32>
        %reduce_max3A_637 = arith.constant dense<0xFF800000> : vector<128xf32>
        %reduce_max3A_638 = vector.multi_reduction <maximumf>, %select_n3A, %reduce_max3A_637 [0] : vector<2000x128xf32> to vector<128xf32>
        %broadcast_in_dim3A_639 = vector.shape_cast %reduce_max3A_638 : vector<128xf32> to vector<1x128xf32>
        %get3A_640 = arith.constant 26 : index
        %get3A_641 = arith.constant 0 : index
        %get3A_642 = vector.load %arg12[%get3A_640, %get3A_641] : memref<64x128xf32, #tpu.memory_space<vmem>>, vector<1x128xf32>
        %max3A_643 = arith.maximumf %get3A_642, %broadcast_in_dim3A_639 : vector<1x128xf32>
        %swap3A_644 = arith.constant 26 : index
        %swap3A_645 = arith.constant 0 : index
        %swap3A_646 = vector.load %arg12[%swap3A_644, %swap3A_645] : memref<64x128xf32, #tpu.memory_space<vmem>>, vector<1x128xf32>
        tpu.vector_store %arg12[%swap3A_644, %swap3A_645], %max3A_643 {strides = array<i32>} : memref<64x128xf32, #tpu.memory_space<vmem>>, vector<1x128xf32>,
      } else {
      }
      %le3A_338 = arith.constant 27 : i32
      %le3A_339 = arith.cmpi sle, %reduce_min3A_108, %le3A_338 : i32
      %ge3A_340 = arith.constant 27 : i32
      %ge3A_341 = arith.cmpi sge, %reduce_max3A_112, %ge3A_340 : i32
      %and3A_342 = arith.andi %le3A_339, %ge3A_341 : i1
      %convert_element_type3A_343 = arith.extui %and3A_342 : i1 to i32
      %cond3A_344 = arith.constant 0 : i32
      %cond3A_345 = arith.cmpi ne, %convert_element_type3A_343, %cond3A_344 : i32
      scf.if %cond3A_345 {
        %slice3A = vector.extract_strided_slice %eq3A_79 {offsets = [0, 27], sizes = [2000, 1], strides = [1, 1]} : vector<2000x64xi1> to vector<2000x1xi1>
        %broadcast_in_dim3A_634 = vector.shape_cast %slice3A : vector<2000x1xi1> to vector<2000x1xi1>
        %broadcast_in_dim3A_635 = vector.broadcast %broadcast_in_dim3A_634 : vector<2000x1xi1> to vector<2000x128xi1>
        %broadcast_in_dim3A_636 = vector.broadcast %cond3A_121 : f32 to vector<2000x128xf32>
        %select_n3A = arith.select %broadcast_in_dim3A_635, %max3A_72, %broadcast_in_dim3A_636 : vector<2000x128xi1>, vector<2000x128xf32>
        %reduce_max3A_637 = arith.constant dense<0xFF800000> : vector<128xf32>
        %reduce_max3A_638 = vector.multi_reduction <maximumf>, %select_n3A, %reduce_max3A_637 [0] : vector<2000x128xf32> to vector<128xf32>
        %broadcast_in_dim3A_639 = vector.shape_cast %reduce_max3A_638 : vector<128xf32> to vector<1x128xf32>
        %get3A_640 = arith.constant 27 : index
        %get3A_641 = arith.constant 0 : index
        %get3A_642 = vector.load %arg12[%get3A_640, %get3A_641] : memref<64x128xf32, #tpu.memory_space<vmem>>, vector<1x128xf32>
        %max3A_643 = arith.maximumf %get3A_642, %broadcast_in_dim3A_639 : vector<1x128xf32>
        %swap3A_644 = arith.constant 27 : index
        %swap3A_645 = arith.constant 0 : index
        %swap3A_646 = vector.load %arg12[%swap3A_644, %swap3A_645] : memref<64x128xf32, #tpu.memory_space<vmem>>, vector<1x128xf32>
        tpu.vector_store %arg12[%swap3A_644, %swap3A_645], %max3A_643 {strides = array<i32>} : memref<64x128xf32, #tpu.memory_space<vmem>>, vector<1x128xf32>,
      } else {
      }
      %le3A_346 = arith.constant 28 : i32
      %le3A_347 = arith.cmpi sle, %reduce_min3A_108, %le3A_346 : i32
      %ge3A_348 = arith.constant 28 : i32
      %ge3A_349 = arith.cmpi sge, %reduce_max3A_112, %ge3A_348 : i32
      %and3A_350 = arith.andi %le3A_347, %ge3A_349 : i1
      %convert_element_type3A_351 = arith.extui %and3A_350 : i1 to i32
      %cond3A_352 = arith.constant 0 : i32
      %cond3A_353 = arith.cmpi ne, %convert_element_type3A_351, %cond3A_352 : i32
      scf.if %cond3A_353 {
        %slice3A = vector.extract_strided_slice %eq3A_79 {offsets = [0, 28], sizes = [2000, 1], strides = [1, 1]} : vector<2000x64xi1> to vector<2000x1xi1>
        %broadcast_in_dim3A_634 = vector.shape_cast %slice3A : vector<2000x1xi1> to vector<2000x1xi1>
        %broadcast_in_dim3A_635 = vector.broadcast %broadcast_in_dim3A_634 : vector<2000x1xi1> to vector<2000x128xi1>
        %broadcast_in_dim3A_636 = vector.broadcast %cond3A_121 : f32 to vector<2000x128xf32>
        %select_n3A = arith.select %broadcast_in_dim3A_635, %max3A_72, %broadcast_in_dim3A_636 : vector<2000x128xi1>, vector<2000x128xf32>
        %reduce_max3A_637 = arith.constant dense<0xFF800000> : vector<128xf32>
        %reduce_max3A_638 = vector.multi_reduction <maximumf>, %select_n3A, %reduce_max3A_637 [0] : vector<2000x128xf32> to vector<128xf32>
        %broadcast_in_dim3A_639 = vector.shape_cast %reduce_max3A_638 : vector<128xf32> to vector<1x128xf32>
        %get3A_640 = arith.constant 28 : index
        %get3A_641 = arith.constant 0 : index
        %get3A_642 = vector.load %arg12[%get3A_640, %get3A_641] : memref<64x128xf32, #tpu.memory_space<vmem>>, vector<1x128xf32>
        %max3A_643 = arith.maximumf %get3A_642, %broadcast_in_dim3A_639 : vector<1x128xf32>
        %swap3A_644 = arith.constant 28 : index
        %swap3A_645 = arith.constant 0 : index
        %swap3A_646 = vector.load %arg12[%swap3A_644, %swap3A_645] : memref<64x128xf32, #tpu.memory_space<vmem>>, vector<1x128xf32>
        tpu.vector_store %arg12[%swap3A_644, %swap3A_645], %max3A_643 {strides = array<i32>} : memref<64x128xf32, #tpu.memory_space<vmem>>, vector<1x128xf32>,
      } else {
      }
      %le3A_354 = arith.constant 29 : i32
      %le3A_355 = arith.cmpi sle, %reduce_min3A_108, %le3A_354 : i32
      %ge3A_356 = arith.constant 29 : i32
      %ge3A_357 = arith.cmpi sge, %reduce_max3A_112, %ge3A_356 : i32
      %and3A_358 = arith.andi %le3A_355, %ge3A_357 : i1
      %convert_element_type3A_359 = arith.extui %and3A_358 : i1 to i32
      %cond3A_360 = arith.constant 0 : i32
      %cond3A_361 = arith.cmpi ne, %convert_element_type3A_359, %cond3A_360 : i32
      scf.if %cond3A_361 {
        %slice3A = vector.extract_strided_slice %eq3A_79 {offsets = [0, 29], sizes = [2000, 1], strides = [1, 1]} : vector<2000x64xi1> to vector<2000x1xi1>
        %broadcast_in_dim3A_634 = vector.shape_cast %slice3A : vector<2000x1xi1> to vector<2000x1xi1>
        %broadcast_in_dim3A_635 = vector.broadcast %broadcast_in_dim3A_634 : vector<2000x1xi1> to vector<2000x128xi1>
        %broadcast_in_dim3A_636 = vector.broadcast %cond3A_121 : f32 to vector<2000x128xf32>
        %select_n3A = arith.select %broadcast_in_dim3A_635, %max3A_72, %broadcast_in_dim3A_636 : vector<2000x128xi1>, vector<2000x128xf32>
        %reduce_max3A_637 = arith.constant dense<0xFF800000> : vector<128xf32>
        %reduce_max3A_638 = vector.multi_reduction <maximumf>, %select_n3A, %reduce_max3A_637 [0] : vector<2000x128xf32> to vector<128xf32>
        %broadcast_in_dim3A_639 = vector.shape_cast %reduce_max3A_638 : vector<128xf32> to vector<1x128xf32>
        %get3A_640 = arith.constant 29 : index
        %get3A_641 = arith.constant 0 : index
        %get3A_642 = vector.load %arg12[%get3A_640, %get3A_641] : memref<64x128xf32, #tpu.memory_space<vmem>>, vector<1x128xf32>
        %max3A_643 = arith.maximumf %get3A_642, %broadcast_in_dim3A_639 : vector<1x128xf32>
        %swap3A_644 = arith.constant 29 : index
        %swap3A_645 = arith.constant 0 : index
        %swap3A_646 = vector.load %arg12[%swap3A_644, %swap3A_645] : memref<64x128xf32, #tpu.memory_space<vmem>>, vector<1x128xf32>
        tpu.vector_store %arg12[%swap3A_644, %swap3A_645], %max3A_643 {strides = array<i32>} : memref<64x128xf32, #tpu.memory_space<vmem>>, vector<1x128xf32>,
      } else {
      }
      %le3A_362 = arith.constant 30 : i32
      %le3A_363 = arith.cmpi sle, %reduce_min3A_108, %le3A_362 : i32
      %ge3A_364 = arith.constant 30 : i32
      %ge3A_365 = arith.cmpi sge, %reduce_max3A_112, %ge3A_364 : i32
      %and3A_366 = arith.andi %le3A_363, %ge3A_365 : i1
      %convert_element_type3A_367 = arith.extui %and3A_366 : i1 to i32
      %cond3A_368 = arith.constant 0 : i32
      %cond3A_369 = arith.cmpi ne, %convert_element_type3A_367, %cond3A_368 : i32
      scf.if %cond3A_369 {
        %slice3A = vector.extract_strided_slice %eq3A_79 {offsets = [0, 30], sizes = [2000, 1], strides = [1, 1]} : vector<2000x64xi1> to vector<2000x1xi1>
        %broadcast_in_dim3A_634 = vector.shape_cast %slice3A : vector<2000x1xi1> to vector<2000x1xi1>
        %broadcast_in_dim3A_635 = vector.broadcast %broadcast_in_dim3A_634 : vector<2000x1xi1> to vector<2000x128xi1>
        %broadcast_in_dim3A_636 = vector.broadcast %cond3A_121 : f32 to vector<2000x128xf32>
        %select_n3A = arith.select %broadcast_in_dim3A_635, %max3A_72, %broadcast_in_dim3A_636 : vector<2000x128xi1>, vector<2000x128xf32>
        %reduce_max3A_637 = arith.constant dense<0xFF800000> : vector<128xf32>
        %reduce_max3A_638 = vector.multi_reduction <maximumf>, %select_n3A, %reduce_max3A_637 [0] : vector<2000x128xf32> to vector<128xf32>
        %broadcast_in_dim3A_639 = vector.shape_cast %reduce_max3A_638 : vector<128xf32> to vector<1x128xf32>
        %get3A_640 = arith.constant 30 : index
        %get3A_641 = arith.constant 0 : index
        %get3A_642 = vector.load %arg12[%get3A_640, %get3A_641] : memref<64x128xf32, #tpu.memory_space<vmem>>, vector<1x128xf32>
        %max3A_643 = arith.maximumf %get3A_642, %broadcast_in_dim3A_639 : vector<1x128xf32>
        %swap3A_644 = arith.constant 30 : index
        %swap3A_645 = arith.constant 0 : index
        %swap3A_646 = vector.load %arg12[%swap3A_644, %swap3A_645] : memref<64x128xf32, #tpu.memory_space<vmem>>, vector<1x128xf32>
        tpu.vector_store %arg12[%swap3A_644, %swap3A_645], %max3A_643 {strides = array<i32>} : memref<64x128xf32, #tpu.memory_space<vmem>>, vector<1x128xf32>,
      } else {
      }
      %le3A_370 = arith.constant 31 : i32
      %le3A_371 = arith.cmpi sle, %reduce_min3A_108, %le3A_370 : i32
      %ge3A_372 = arith.constant 31 : i32
      %ge3A_373 = arith.cmpi sge, %reduce_max3A_112, %ge3A_372 : i32
      %and3A_374 = arith.andi %le3A_371, %ge3A_373 : i1
      %convert_element_type3A_375 = arith.extui %and3A_374 : i1 to i32
      %cond3A_376 = arith.constant 0 : i32
      %cond3A_377 = arith.cmpi ne, %convert_element_type3A_375, %cond3A_376 : i32
      scf.if %cond3A_377 {
        %slice3A = vector.extract_strided_slice %eq3A_79 {offsets = [0, 31], sizes = [2000, 1], strides = [1, 1]} : vector<2000x64xi1> to vector<2000x1xi1>
        %broadcast_in_dim3A_634 = vector.shape_cast %slice3A : vector<2000x1xi1> to vector<2000x1xi1>
        %broadcast_in_dim3A_635 = vector.broadcast %broadcast_in_dim3A_634 : vector<2000x1xi1> to vector<2000x128xi1>
        %broadcast_in_dim3A_636 = vector.broadcast %cond3A_121 : f32 to vector<2000x128xf32>
        %select_n3A = arith.select %broadcast_in_dim3A_635, %max3A_72, %broadcast_in_dim3A_636 : vector<2000x128xi1>, vector<2000x128xf32>
        %reduce_max3A_637 = arith.constant dense<0xFF800000> : vector<128xf32>
        %reduce_max3A_638 = vector.multi_reduction <maximumf>, %select_n3A, %reduce_max3A_637 [0] : vector<2000x128xf32> to vector<128xf32>
        %broadcast_in_dim3A_639 = vector.shape_cast %reduce_max3A_638 : vector<128xf32> to vector<1x128xf32>
        %get3A_640 = arith.constant 31 : index
        %get3A_641 = arith.constant 0 : index
        %get3A_642 = vector.load %arg12[%get3A_640, %get3A_641] : memref<64x128xf32, #tpu.memory_space<vmem>>, vector<1x128xf32>
        %max3A_643 = arith.maximumf %get3A_642, %broadcast_in_dim3A_639 : vector<1x128xf32>
        %swap3A_644 = arith.constant 31 : index
        %swap3A_645 = arith.constant 0 : index
        %swap3A_646 = vector.load %arg12[%swap3A_644, %swap3A_645] : memref<64x128xf32, #tpu.memory_space<vmem>>, vector<1x128xf32>
        tpu.vector_store %arg12[%swap3A_644, %swap3A_645], %max3A_643 {strides = array<i32>} : memref<64x128xf32, #tpu.memory_space<vmem>>, vector<1x128xf32>,
      } else {
      }
      %le3A_378 = arith.constant 32 : i32
      %le3A_379 = arith.cmpi sle, %reduce_min3A_108, %le3A_378 : i32
      %ge3A_380 = arith.constant 32 : i32
      %ge3A_381 = arith.cmpi sge, %reduce_max3A_112, %ge3A_380 : i32
      %and3A_382 = arith.andi %le3A_379, %ge3A_381 : i1
      %convert_element_type3A_383 = arith.extui %and3A_382 : i1 to i32
      %cond3A_384 = arith.constant 0 : i32
      %cond3A_385 = arith.cmpi ne, %convert_element_type3A_383, %cond3A_384 : i32
      scf.if %cond3A_385 {
        %slice3A = vector.extract_strided_slice %eq3A_79 {offsets = [0, 32], sizes = [2000, 1], strides = [1, 1]} : vector<2000x64xi1> to vector<2000x1xi1>
        %broadcast_in_dim3A_634 = vector.shape_cast %slice3A : vector<2000x1xi1> to vector<2000x1xi1>
        %broadcast_in_dim3A_635 = vector.broadcast %broadcast_in_dim3A_634 : vector<2000x1xi1> to vector<2000x128xi1>
        %broadcast_in_dim3A_636 = vector.broadcast %cond3A_121 : f32 to vector<2000x128xf32>
        %select_n3A = arith.select %broadcast_in_dim3A_635, %max3A_72, %broadcast_in_dim3A_636 : vector<2000x128xi1>, vector<2000x128xf32>
        %reduce_max3A_637 = arith.constant dense<0xFF800000> : vector<128xf32>
        %reduce_max3A_638 = vector.multi_reduction <maximumf>, %select_n3A, %reduce_max3A_637 [0] : vector<2000x128xf32> to vector<128xf32>
        %broadcast_in_dim3A_639 = vector.shape_cast %reduce_max3A_638 : vector<128xf32> to vector<1x128xf32>
        %get3A_640 = arith.constant 32 : index
        %get3A_641 = arith.constant 0 : index
        %get3A_642 = vector.load %arg12[%get3A_640, %get3A_641] : memref<64x128xf32, #tpu.memory_space<vmem>>, vector<1x128xf32>
        %max3A_643 = arith.maximumf %get3A_642, %broadcast_in_dim3A_639 : vector<1x128xf32>
        %swap3A_644 = arith.constant 32 : index
        %swap3A_645 = arith.constant 0 : index
        %swap3A_646 = vector.load %arg12[%swap3A_644, %swap3A_645] : memref<64x128xf32, #tpu.memory_space<vmem>>, vector<1x128xf32>
        tpu.vector_store %arg12[%swap3A_644, %swap3A_645], %max3A_643 {strides = array<i32>} : memref<64x128xf32, #tpu.memory_space<vmem>>, vector<1x128xf32>,
      } else {
      }
      %le3A_386 = arith.constant 33 : i32
      %le3A_387 = arith.cmpi sle, %reduce_min3A_108, %le3A_386 : i32
      %ge3A_388 = arith.constant 33 : i32
      %ge3A_389 = arith.cmpi sge, %reduce_max3A_112, %ge3A_388 : i32
      %and3A_390 = arith.andi %le3A_387, %ge3A_389 : i1
      %convert_element_type3A_391 = arith.extui %and3A_390 : i1 to i32
      %cond3A_392 = arith.constant 0 : i32
      %cond3A_393 = arith.cmpi ne, %convert_element_type3A_391, %cond3A_392 : i32
      scf.if %cond3A_393 {
        %slice3A = vector.extract_strided_slice %eq3A_79 {offsets = [0, 33], sizes = [2000, 1], strides = [1, 1]} : vector<2000x64xi1> to vector<2000x1xi1>
        %broadcast_in_dim3A_634 = vector.shape_cast %slice3A : vector<2000x1xi1> to vector<2000x1xi1>
        %broadcast_in_dim3A_635 = vector.broadcast %broadcast_in_dim3A_634 : vector<2000x1xi1> to vector<2000x128xi1>
        %broadcast_in_dim3A_636 = vector.broadcast %cond3A_121 : f32 to vector<2000x128xf32>
        %select_n3A = arith.select %broadcast_in_dim3A_635, %max3A_72, %broadcast_in_dim3A_636 : vector<2000x128xi1>, vector<2000x128xf32>
        %reduce_max3A_637 = arith.constant dense<0xFF800000> : vector<128xf32>
        %reduce_max3A_638 = vector.multi_reduction <maximumf>, %select_n3A, %reduce_max3A_637 [0] : vector<2000x128xf32> to vector<128xf32>
        %broadcast_in_dim3A_639 = vector.shape_cast %reduce_max3A_638 : vector<128xf32> to vector<1x128xf32>
        %get3A_640 = arith.constant 33 : index
        %get3A_641 = arith.constant 0 : index
        %get3A_642 = vector.load %arg12[%get3A_640, %get3A_641] : memref<64x128xf32, #tpu.memory_space<vmem>>, vector<1x128xf32>
        %max3A_643 = arith.maximumf %get3A_642, %broadcast_in_dim3A_639 : vector<1x128xf32>
        %swap3A_644 = arith.constant 33 : index
        %swap3A_645 = arith.constant 0 : index
        %swap3A_646 = vector.load %arg12[%swap3A_644, %swap3A_645] : memref<64x128xf32, #tpu.memory_space<vmem>>, vector<1x128xf32>
        tpu.vector_store %arg12[%swap3A_644, %swap3A_645], %max3A_643 {strides = array<i32>} : memref<64x128xf32, #tpu.memory_space<vmem>>, vector<1x128xf32>,
      } else {
      }
      %le3A_394 = arith.constant 34 : i32
      %le3A_395 = arith.cmpi sle, %reduce_min3A_108, %le3A_394 : i32
      %ge3A_396 = arith.constant 34 : i32
      %ge3A_397 = arith.cmpi sge, %reduce_max3A_112, %ge3A_396 : i32
      %and3A_398 = arith.andi %le3A_395, %ge3A_397 : i1
      %convert_element_type3A_399 = arith.extui %and3A_398 : i1 to i32
      %cond3A_400 = arith.constant 0 : i32
      %cond3A_401 = arith.cmpi ne, %convert_element_type3A_399, %cond3A_400 : i32
      scf.if %cond3A_401 {
        %slice3A = vector.extract_strided_slice %eq3A_79 {offsets = [0, 34], sizes = [2000, 1], strides = [1, 1]} : vector<2000x64xi1> to vector<2000x1xi1>
        %broadcast_in_dim3A_634 = vector.shape_cast %slice3A : vector<2000x1xi1> to vector<2000x1xi1>
        %broadcast_in_dim3A_635 = vector.broadcast %broadcast_in_dim3A_634 : vector<2000x1xi1> to vector<2000x128xi1>
        %broadcast_in_dim3A_636 = vector.broadcast %cond3A_121 : f32 to vector<2000x128xf32>
        %select_n3A = arith.select %broadcast_in_dim3A_635, %max3A_72, %broadcast_in_dim3A_636 : vector<2000x128xi1>, vector<2000x128xf32>
        %reduce_max3A_637 = arith.constant dense<0xFF800000> : vector<128xf32>
        %reduce_max3A_638 = vector.multi_reduction <maximumf>, %select_n3A, %reduce_max3A_637 [0] : vector<2000x128xf32> to vector<128xf32>
        %broadcast_in_dim3A_639 = vector.shape_cast %reduce_max3A_638 : vector<128xf32> to vector<1x128xf32>
        %get3A_640 = arith.constant 34 : index
        %get3A_641 = arith.constant 0 : index
        %get3A_642 = vector.load %arg12[%get3A_640, %get3A_641] : memref<64x128xf32, #tpu.memory_space<vmem>>, vector<1x128xf32>
        %max3A_643 = arith.maximumf %get3A_642, %broadcast_in_dim3A_639 : vector<1x128xf32>
        %swap3A_644 = arith.constant 34 : index
        %swap3A_645 = arith.constant 0 : index
        %swap3A_646 = vector.load %arg12[%swap3A_644, %swap3A_645] : memref<64x128xf32, #tpu.memory_space<vmem>>, vector<1x128xf32>
        tpu.vector_store %arg12[%swap3A_644, %swap3A_645], %max3A_643 {strides = array<i32>} : memref<64x128xf32, #tpu.memory_space<vmem>>, vector<1x128xf32>,
      } else {
      }
      %le3A_402 = arith.constant 35 : i32
      %le3A_403 = arith.cmpi sle, %reduce_min3A_108, %le3A_402 : i32
      %ge3A_404 = arith.constant 35 : i32
      %ge3A_405 = arith.cmpi sge, %reduce_max3A_112, %ge3A_404 : i32
      %and3A_406 = arith.andi %le3A_403, %ge3A_405 : i1
      %convert_element_type3A_407 = arith.extui %and3A_406 : i1 to i32
      %cond3A_408 = arith.constant 0 : i32
      %cond3A_409 = arith.cmpi ne, %convert_element_type3A_407, %cond3A_408 : i32
      scf.if %cond3A_409 {
        %slice3A = vector.extract_strided_slice %eq3A_79 {offsets = [0, 35], sizes = [2000, 1], strides = [1, 1]} : vector<2000x64xi1> to vector<2000x1xi1>
        %broadcast_in_dim3A_634 = vector.shape_cast %slice3A : vector<2000x1xi1> to vector<2000x1xi1>
        %broadcast_in_dim3A_635 = vector.broadcast %broadcast_in_dim3A_634 : vector<2000x1xi1> to vector<2000x128xi1>
        %broadcast_in_dim3A_636 = vector.broadcast %cond3A_121 : f32 to vector<2000x128xf32>
        %select_n3A = arith.select %broadcast_in_dim3A_635, %max3A_72, %broadcast_in_dim3A_636 : vector<2000x128xi1>, vector<2000x128xf32>
        %reduce_max3A_637 = arith.constant dense<0xFF800000> : vector<128xf32>
        %reduce_max3A_638 = vector.multi_reduction <maximumf>, %select_n3A, %reduce_max3A_637 [0] : vector<2000x128xf32> to vector<128xf32>
        %broadcast_in_dim3A_639 = vector.shape_cast %reduce_max3A_638 : vector<128xf32> to vector<1x128xf32>
        %get3A_640 = arith.constant 35 : index
        %get3A_641 = arith.constant 0 : index
        %get3A_642 = vector.load %arg12[%get3A_640, %get3A_641] : memref<64x128xf32, #tpu.memory_space<vmem>>, vector<1x128xf32>
        %max3A_643 = arith.maximumf %get3A_642, %broadcast_in_dim3A_639 : vector<1x128xf32>
        %swap3A_644 = arith.constant 35 : index
        %swap3A_645 = arith.constant 0 : index
        %swap3A_646 = vector.load %arg12[%swap3A_644, %swap3A_645] : memref<64x128xf32, #tpu.memory_space<vmem>>, vector<1x128xf32>
        tpu.vector_store %arg12[%swap3A_644, %swap3A_645], %max3A_643 {strides = array<i32>} : memref<64x128xf32, #tpu.memory_space<vmem>>, vector<1x128xf32>,
      } else {
      }
      %le3A_410 = arith.constant 36 : i32
      %le3A_411 = arith.cmpi sle, %reduce_min3A_108, %le3A_410 : i32
      %ge3A_412 = arith.constant 36 : i32
      %ge3A_413 = arith.cmpi sge, %reduce_max3A_112, %ge3A_412 : i32
      %and3A_414 = arith.andi %le3A_411, %ge3A_413 : i1
      %convert_element_type3A_415 = arith.extui %and3A_414 : i1 to i32
      %cond3A_416 = arith.constant 0 : i32
      %cond3A_417 = arith.cmpi ne, %convert_element_type3A_415, %cond3A_416 : i32
      scf.if %cond3A_417 {
        %slice3A = vector.extract_strided_slice %eq3A_79 {offsets = [0, 36], sizes = [2000, 1], strides = [1, 1]} : vector<2000x64xi1> to vector<2000x1xi1>
        %broadcast_in_dim3A_634 = vector.shape_cast %slice3A : vector<2000x1xi1> to vector<2000x1xi1>
        %broadcast_in_dim3A_635 = vector.broadcast %broadcast_in_dim3A_634 : vector<2000x1xi1> to vector<2000x128xi1>
        %broadcast_in_dim3A_636 = vector.broadcast %cond3A_121 : f32 to vector<2000x128xf32>
        %select_n3A = arith.select %broadcast_in_dim3A_635, %max3A_72, %broadcast_in_dim3A_636 : vector<2000x128xi1>, vector<2000x128xf32>
        %reduce_max3A_637 = arith.constant dense<0xFF800000> : vector<128xf32>
        %reduce_max3A_638 = vector.multi_reduction <maximumf>, %select_n3A, %reduce_max3A_637 [0] : vector<2000x128xf32> to vector<128xf32>
        %broadcast_in_dim3A_639 = vector.shape_cast %reduce_max3A_638 : vector<128xf32> to vector<1x128xf32>
        %get3A_640 = arith.constant 36 : index
        %get3A_641 = arith.constant 0 : index
        %get3A_642 = vector.load %arg12[%get3A_640, %get3A_641] : memref<64x128xf32, #tpu.memory_space<vmem>>, vector<1x128xf32>
        %max3A_643 = arith.maximumf %get3A_642, %broadcast_in_dim3A_639 : vector<1x128xf32>
        %swap3A_644 = arith.constant 36 : index
        %swap3A_645 = arith.constant 0 : index
        %swap3A_646 = vector.load %arg12[%swap3A_644, %swap3A_645] : memref<64x128xf32, #tpu.memory_space<vmem>>, vector<1x128xf32>
        tpu.vector_store %arg12[%swap3A_644, %swap3A_645], %max3A_643 {strides = array<i32>} : memref<64x128xf32, #tpu.memory_space<vmem>>, vector<1x128xf32>,
      } else {
      }
      %le3A_418 = arith.constant 37 : i32
      %le3A_419 = arith.cmpi sle, %reduce_min3A_108, %le3A_418 : i32
      %ge3A_420 = arith.constant 37 : i32
      %ge3A_421 = arith.cmpi sge, %reduce_max3A_112, %ge3A_420 : i32
      %and3A_422 = arith.andi %le3A_419, %ge3A_421 : i1
      %convert_element_type3A_423 = arith.extui %and3A_422 : i1 to i32
      %cond3A_424 = arith.constant 0 : i32
      %cond3A_425 = arith.cmpi ne, %convert_element_type3A_423, %cond3A_424 : i32
      scf.if %cond3A_425 {
        %slice3A = vector.extract_strided_slice %eq3A_79 {offsets = [0, 37], sizes = [2000, 1], strides = [1, 1]} : vector<2000x64xi1> to vector<2000x1xi1>
        %broadcast_in_dim3A_634 = vector.shape_cast %slice3A : vector<2000x1xi1> to vector<2000x1xi1>
        %broadcast_in_dim3A_635 = vector.broadcast %broadcast_in_dim3A_634 : vector<2000x1xi1> to vector<2000x128xi1>
        %broadcast_in_dim3A_636 = vector.broadcast %cond3A_121 : f32 to vector<2000x128xf32>
        %select_n3A = arith.select %broadcast_in_dim3A_635, %max3A_72, %broadcast_in_dim3A_636 : vector<2000x128xi1>, vector<2000x128xf32>
        %reduce_max3A_637 = arith.constant dense<0xFF800000> : vector<128xf32>
        %reduce_max3A_638 = vector.multi_reduction <maximumf>, %select_n3A, %reduce_max3A_637 [0] : vector<2000x128xf32> to vector<128xf32>
        %broadcast_in_dim3A_639 = vector.shape_cast %reduce_max3A_638 : vector<128xf32> to vector<1x128xf32>
        %get3A_640 = arith.constant 37 : index
        %get3A_641 = arith.constant 0 : index
        %get3A_642 = vector.load %arg12[%get3A_640, %get3A_641] : memref<64x128xf32, #tpu.memory_space<vmem>>, vector<1x128xf32>
        %max3A_643 = arith.maximumf %get3A_642, %broadcast_in_dim3A_639 : vector<1x128xf32>
        %swap3A_644 = arith.constant 37 : index
        %swap3A_645 = arith.constant 0 : index
        %swap3A_646 = vector.load %arg12[%swap3A_644, %swap3A_645] : memref<64x128xf32, #tpu.memory_space<vmem>>, vector<1x128xf32>
        tpu.vector_store %arg12[%swap3A_644, %swap3A_645], %max3A_643 {strides = array<i32>} : memref<64x128xf32, #tpu.memory_space<vmem>>, vector<1x128xf32>,
      } else {
      }
      %le3A_426 = arith.constant 38 : i32
      %le3A_427 = arith.cmpi sle, %reduce_min3A_108, %le3A_426 : i32
      %ge3A_428 = arith.constant 38 : i32
      %ge3A_429 = arith.cmpi sge, %reduce_max3A_112, %ge3A_428 : i32
      %and3A_430 = arith.andi %le3A_427, %ge3A_429 : i1
      %convert_element_type3A_431 = arith.extui %and3A_430 : i1 to i32
      %cond3A_432 = arith.constant 0 : i32
      %cond3A_433 = arith.cmpi ne, %convert_element_type3A_431, %cond3A_432 : i32
      scf.if %cond3A_433 {
        %slice3A = vector.extract_strided_slice %eq3A_79 {offsets = [0, 38], sizes = [2000, 1], strides = [1, 1]} : vector<2000x64xi1> to vector<2000x1xi1>
        %broadcast_in_dim3A_634 = vector.shape_cast %slice3A : vector<2000x1xi1> to vector<2000x1xi1>
        %broadcast_in_dim3A_635 = vector.broadcast %broadcast_in_dim3A_634 : vector<2000x1xi1> to vector<2000x128xi1>
        %broadcast_in_dim3A_636 = vector.broadcast %cond3A_121 : f32 to vector<2000x128xf32>
        %select_n3A = arith.select %broadcast_in_dim3A_635, %max3A_72, %broadcast_in_dim3A_636 : vector<2000x128xi1>, vector<2000x128xf32>
        %reduce_max3A_637 = arith.constant dense<0xFF800000> : vector<128xf32>
        %reduce_max3A_638 = vector.multi_reduction <maximumf>, %select_n3A, %reduce_max3A_637 [0] : vector<2000x128xf32> to vector<128xf32>
        %broadcast_in_dim3A_639 = vector.shape_cast %reduce_max3A_638 : vector<128xf32> to vector<1x128xf32>
        %get3A_640 = arith.constant 38 : index
        %get3A_641 = arith.constant 0 : index
        %get3A_642 = vector.load %arg12[%get3A_640, %get3A_641] : memref<64x128xf32, #tpu.memory_space<vmem>>, vector<1x128xf32>
        %max3A_643 = arith.maximumf %get3A_642, %broadcast_in_dim3A_639 : vector<1x128xf32>
        %swap3A_644 = arith.constant 38 : index
        %swap3A_645 = arith.constant 0 : index
        %swap3A_646 = vector.load %arg12[%swap3A_644, %swap3A_645] : memref<64x128xf32, #tpu.memory_space<vmem>>, vector<1x128xf32>
        tpu.vector_store %arg12[%swap3A_644, %swap3A_645], %max3A_643 {strides = array<i32>} : memref<64x128xf32, #tpu.memory_space<vmem>>, vector<1x128xf32>,
      } else {
      }
      %le3A_434 = arith.constant 39 : i32
      %le3A_435 = arith.cmpi sle, %reduce_min3A_108, %le3A_434 : i32
      %ge3A_436 = arith.constant 39 : i32
      %ge3A_437 = arith.cmpi sge, %reduce_max3A_112, %ge3A_436 : i32
      %and3A_438 = arith.andi %le3A_435, %ge3A_437 : i1
      %convert_element_type3A_439 = arith.extui %and3A_438 : i1 to i32
      %cond3A_440 = arith.constant 0 : i32
      %cond3A_441 = arith.cmpi ne, %convert_element_type3A_439, %cond3A_440 : i32
      scf.if %cond3A_441 {
        %slice3A = vector.extract_strided_slice %eq3A_79 {offsets = [0, 39], sizes = [2000, 1], strides = [1, 1]} : vector<2000x64xi1> to vector<2000x1xi1>
        %broadcast_in_dim3A_634 = vector.shape_cast %slice3A : vector<2000x1xi1> to vector<2000x1xi1>
        %broadcast_in_dim3A_635 = vector.broadcast %broadcast_in_dim3A_634 : vector<2000x1xi1> to vector<2000x128xi1>
        %broadcast_in_dim3A_636 = vector.broadcast %cond3A_121 : f32 to vector<2000x128xf32>
        %select_n3A = arith.select %broadcast_in_dim3A_635, %max3A_72, %broadcast_in_dim3A_636 : vector<2000x128xi1>, vector<2000x128xf32>
        %reduce_max3A_637 = arith.constant dense<0xFF800000> : vector<128xf32>
        %reduce_max3A_638 = vector.multi_reduction <maximumf>, %select_n3A, %reduce_max3A_637 [0] : vector<2000x128xf32> to vector<128xf32>
        %broadcast_in_dim3A_639 = vector.shape_cast %reduce_max3A_638 : vector<128xf32> to vector<1x128xf32>
        %get3A_640 = arith.constant 39 : index
        %get3A_641 = arith.constant 0 : index
        %get3A_642 = vector.load %arg12[%get3A_640, %get3A_641] : memref<64x128xf32, #tpu.memory_space<vmem>>, vector<1x128xf32>
        %max3A_643 = arith.maximumf %get3A_642, %broadcast_in_dim3A_639 : vector<1x128xf32>
        %swap3A_644 = arith.constant 39 : index
        %swap3A_645 = arith.constant 0 : index
        %swap3A_646 = vector.load %arg12[%swap3A_644, %swap3A_645] : memref<64x128xf32, #tpu.memory_space<vmem>>, vector<1x128xf32>
        tpu.vector_store %arg12[%swap3A_644, %swap3A_645], %max3A_643 {strides = array<i32>} : memref<64x128xf32, #tpu.memory_space<vmem>>, vector<1x128xf32>,
      } else {
      }
      %le3A_442 = arith.constant 40 : i32
      %le3A_443 = arith.cmpi sle, %reduce_min3A_108, %le3A_442 : i32
      %ge3A_444 = arith.constant 40 : i32
      %ge3A_445 = arith.cmpi sge, %reduce_max3A_112, %ge3A_444 : i32
      %and3A_446 = arith.andi %le3A_443, %ge3A_445 : i1
      %convert_element_type3A_447 = arith.extui %and3A_446 : i1 to i32
      %cond3A_448 = arith.constant 0 : i32
      %cond3A_449 = arith.cmpi ne, %convert_element_type3A_447, %cond3A_448 : i32
      scf.if %cond3A_449 {
        %slice3A = vector.extract_strided_slice %eq3A_79 {offsets = [0, 40], sizes = [2000, 1], strides = [1, 1]} : vector<2000x64xi1> to vector<2000x1xi1>
        %broadcast_in_dim3A_634 = vector.shape_cast %slice3A : vector<2000x1xi1> to vector<2000x1xi1>
        %broadcast_in_dim3A_635 = vector.broadcast %broadcast_in_dim3A_634 : vector<2000x1xi1> to vector<2000x128xi1>
        %broadcast_in_dim3A_636 = vector.broadcast %cond3A_121 : f32 to vector<2000x128xf32>
        %select_n3A = arith.select %broadcast_in_dim3A_635, %max3A_72, %broadcast_in_dim3A_636 : vector<2000x128xi1>, vector<2000x128xf32>
        %reduce_max3A_637 = arith.constant dense<0xFF800000> : vector<128xf32>
        %reduce_max3A_638 = vector.multi_reduction <maximumf>, %select_n3A, %reduce_max3A_637 [0] : vector<2000x128xf32> to vector<128xf32>
        %broadcast_in_dim3A_639 = vector.shape_cast %reduce_max3A_638 : vector<128xf32> to vector<1x128xf32>
        %get3A_640 = arith.constant 40 : index
        %get3A_641 = arith.constant 0 : index
        %get3A_642 = vector.load %arg12[%get3A_640, %get3A_641] : memref<64x128xf32, #tpu.memory_space<vmem>>, vector<1x128xf32>
        %max3A_643 = arith.maximumf %get3A_642, %broadcast_in_dim3A_639 : vector<1x128xf32>
        %swap3A_644 = arith.constant 40 : index
        %swap3A_645 = arith.constant 0 : index
        %swap3A_646 = vector.load %arg12[%swap3A_644, %swap3A_645] : memref<64x128xf32, #tpu.memory_space<vmem>>, vector<1x128xf32>
        tpu.vector_store %arg12[%swap3A_644, %swap3A_645], %max3A_643 {strides = array<i32>} : memref<64x128xf32, #tpu.memory_space<vmem>>, vector<1x128xf32>,
      } else {
      }
      %le3A_450 = arith.constant 41 : i32
      %le3A_451 = arith.cmpi sle, %reduce_min3A_108, %le3A_450 : i32
      %ge3A_452 = arith.constant 41 : i32
      %ge3A_453 = arith.cmpi sge, %reduce_max3A_112, %ge3A_452 : i32
      %and3A_454 = arith.andi %le3A_451, %ge3A_453 : i1
      %convert_element_type3A_455 = arith.extui %and3A_454 : i1 to i32
      %cond3A_456 = arith.constant 0 : i32
      %cond3A_457 = arith.cmpi ne, %convert_element_type3A_455, %cond3A_456 : i32
      scf.if %cond3A_457 {
        %slice3A = vector.extract_strided_slice %eq3A_79 {offsets = [0, 41], sizes = [2000, 1], strides = [1, 1]} : vector<2000x64xi1> to vector<2000x1xi1>
        %broadcast_in_dim3A_634 = vector.shape_cast %slice3A : vector<2000x1xi1> to vector<2000x1xi1>
        %broadcast_in_dim3A_635 = vector.broadcast %broadcast_in_dim3A_634 : vector<2000x1xi1> to vector<2000x128xi1>
        %broadcast_in_dim3A_636 = vector.broadcast %cond3A_121 : f32 to vector<2000x128xf32>
        %select_n3A = arith.select %broadcast_in_dim3A_635, %max3A_72, %broadcast_in_dim3A_636 : vector<2000x128xi1>, vector<2000x128xf32>
        %reduce_max3A_637 = arith.constant dense<0xFF800000> : vector<128xf32>
        %reduce_max3A_638 = vector.multi_reduction <maximumf>, %select_n3A, %reduce_max3A_637 [0] : vector<2000x128xf32> to vector<128xf32>
        %broadcast_in_dim3A_639 = vector.shape_cast %reduce_max3A_638 : vector<128xf32> to vector<1x128xf32>
        %get3A_640 = arith.constant 41 : index
        %get3A_641 = arith.constant 0 : index
        %get3A_642 = vector.load %arg12[%get3A_640, %get3A_641] : memref<64x128xf32, #tpu.memory_space<vmem>>, vector<1x128xf32>
        %max3A_643 = arith.maximumf %get3A_642, %broadcast_in_dim3A_639 : vector<1x128xf32>
        %swap3A_644 = arith.constant 41 : index
        %swap3A_645 = arith.constant 0 : index
        %swap3A_646 = vector.load %arg12[%swap3A_644, %swap3A_645] : memref<64x128xf32, #tpu.memory_space<vmem>>, vector<1x128xf32>
        tpu.vector_store %arg12[%swap3A_644, %swap3A_645], %max3A_643 {strides = array<i32>} : memref<64x128xf32, #tpu.memory_space<vmem>>, vector<1x128xf32>,
      } else {
      }
      %le3A_458 = arith.constant 42 : i32
      %le3A_459 = arith.cmpi sle, %reduce_min3A_108, %le3A_458 : i32
      %ge3A_460 = arith.constant 42 : i32
      %ge3A_461 = arith.cmpi sge, %reduce_max3A_112, %ge3A_460 : i32
      %and3A_462 = arith.andi %le3A_459, %ge3A_461 : i1
      %convert_element_type3A_463 = arith.extui %and3A_462 : i1 to i32
      %cond3A_464 = arith.constant 0 : i32
      %cond3A_465 = arith.cmpi ne, %convert_element_type3A_463, %cond3A_464 : i32
      scf.if %cond3A_465 {
        %slice3A = vector.extract_strided_slice %eq3A_79 {offsets = [0, 42], sizes = [2000, 1], strides = [1, 1]} : vector<2000x64xi1> to vector<2000x1xi1>
        %broadcast_in_dim3A_634 = vector.shape_cast %slice3A : vector<2000x1xi1> to vector<2000x1xi1>
        %broadcast_in_dim3A_635 = vector.broadcast %broadcast_in_dim3A_634 : vector<2000x1xi1> to vector<2000x128xi1>
        %broadcast_in_dim3A_636 = vector.broadcast %cond3A_121 : f32 to vector<2000x128xf32>
        %select_n3A = arith.select %broadcast_in_dim3A_635, %max3A_72, %broadcast_in_dim3A_636 : vector<2000x128xi1>, vector<2000x128xf32>
        %reduce_max3A_637 = arith.constant dense<0xFF800000> : vector<128xf32>
        %reduce_max3A_638 = vector.multi_reduction <maximumf>, %select_n3A, %reduce_max3A_637 [0] : vector<2000x128xf32> to vector<128xf32>
        %broadcast_in_dim3A_639 = vector.shape_cast %reduce_max3A_638 : vector<128xf32> to vector<1x128xf32>
        %get3A_640 = arith.constant 42 : index
        %get3A_641 = arith.constant 0 : index
        %get3A_642 = vector.load %arg12[%get3A_640, %get3A_641] : memref<64x128xf32, #tpu.memory_space<vmem>>, vector<1x128xf32>
        %max3A_643 = arith.maximumf %get3A_642, %broadcast_in_dim3A_639 : vector<1x128xf32>
        %swap3A_644 = arith.constant 42 : index
        %swap3A_645 = arith.constant 0 : index
        %swap3A_646 = vector.load %arg12[%swap3A_644, %swap3A_645] : memref<64x128xf32, #tpu.memory_space<vmem>>, vector<1x128xf32>
        tpu.vector_store %arg12[%swap3A_644, %swap3A_645], %max3A_643 {strides = array<i32>} : memref<64x128xf32, #tpu.memory_space<vmem>>, vector<1x128xf32>,
      } else {
      }
      %le3A_466 = arith.constant 43 : i32
      %le3A_467 = arith.cmpi sle, %reduce_min3A_108, %le3A_466 : i32
      %ge3A_468 = arith.constant 43 : i32
      %ge3A_469 = arith.cmpi sge, %reduce_max3A_112, %ge3A_468 : i32
      %and3A_470 = arith.andi %le3A_467, %ge3A_469 : i1
      %convert_element_type3A_471 = arith.extui %and3A_470 : i1 to i32
      %cond3A_472 = arith.constant 0 : i32
      %cond3A_473 = arith.cmpi ne, %convert_element_type3A_471, %cond3A_472 : i32
      scf.if %cond3A_473 {
        %slice3A = vector.extract_strided_slice %eq3A_79 {offsets = [0, 43], sizes = [2000, 1], strides = [1, 1]} : vector<2000x64xi1> to vector<2000x1xi1>
        %broadcast_in_dim3A_634 = vector.shape_cast %slice3A : vector<2000x1xi1> to vector<2000x1xi1>
        %broadcast_in_dim3A_635 = vector.broadcast %broadcast_in_dim3A_634 : vector<2000x1xi1> to vector<2000x128xi1>
        %broadcast_in_dim3A_636 = vector.broadcast %cond3A_121 : f32 to vector<2000x128xf32>
        %select_n3A = arith.select %broadcast_in_dim3A_635, %max3A_72, %broadcast_in_dim3A_636 : vector<2000x128xi1>, vector<2000x128xf32>
        %reduce_max3A_637 = arith.constant dense<0xFF800000> : vector<128xf32>
        %reduce_max3A_638 = vector.multi_reduction <maximumf>, %select_n3A, %reduce_max3A_637 [0] : vector<2000x128xf32> to vector<128xf32>
        %broadcast_in_dim3A_639 = vector.shape_cast %reduce_max3A_638 : vector<128xf32> to vector<1x128xf32>
        %get3A_640 = arith.constant 43 : index
        %get3A_641 = arith.constant 0 : index
        %get3A_642 = vector.load %arg12[%get3A_640, %get3A_641] : memref<64x128xf32, #tpu.memory_space<vmem>>, vector<1x128xf32>
        %max3A_643 = arith.maximumf %get3A_642, %broadcast_in_dim3A_639 : vector<1x128xf32>
        %swap3A_644 = arith.constant 43 : index
        %swap3A_645 = arith.constant 0 : index
        %swap3A_646 = vector.load %arg12[%swap3A_644, %swap3A_645] : memref<64x128xf32, #tpu.memory_space<vmem>>, vector<1x128xf32>
        tpu.vector_store %arg12[%swap3A_644, %swap3A_645], %max3A_643 {strides = array<i32>} : memref<64x128xf32, #tpu.memory_space<vmem>>, vector<1x128xf32>,
      } else {
      }
      %le3A_474 = arith.constant 44 : i32
      %le3A_475 = arith.cmpi sle, %reduce_min3A_108, %le3A_474 : i32
      %ge3A_476 = arith.constant 44 : i32
      %ge3A_477 = arith.cmpi sge, %reduce_max3A_112, %ge3A_476 : i32
      %and3A_478 = arith.andi %le3A_475, %ge3A_477 : i1
      %convert_element_type3A_479 = arith.extui %and3A_478 : i1 to i32
      %cond3A_480 = arith.constant 0 : i32
      %cond3A_481 = arith.cmpi ne, %convert_element_type3A_479, %cond3A_480 : i32
      scf.if %cond3A_481 {
        %slice3A = vector.extract_strided_slice %eq3A_79 {offsets = [0, 44], sizes = [2000, 1], strides = [1, 1]} : vector<2000x64xi1> to vector<2000x1xi1>
        %broadcast_in_dim3A_634 = vector.shape_cast %slice3A : vector<2000x1xi1> to vector<2000x1xi1>
        %broadcast_in_dim3A_635 = vector.broadcast %broadcast_in_dim3A_634 : vector<2000x1xi1> to vector<2000x128xi1>
        %broadcast_in_dim3A_636 = vector.broadcast %cond3A_121 : f32 to vector<2000x128xf32>
        %select_n3A = arith.select %broadcast_in_dim3A_635, %max3A_72, %broadcast_in_dim3A_636 : vector<2000x128xi1>, vector<2000x128xf32>
        %reduce_max3A_637 = arith.constant dense<0xFF800000> : vector<128xf32>
        %reduce_max3A_638 = vector.multi_reduction <maximumf>, %select_n3A, %reduce_max3A_637 [0] : vector<2000x128xf32> to vector<128xf32>
        %broadcast_in_dim3A_639 = vector.shape_cast %reduce_max3A_638 : vector<128xf32> to vector<1x128xf32>
        %get3A_640 = arith.constant 44 : index
        %get3A_641 = arith.constant 0 : index
        %get3A_642 = vector.load %arg12[%get3A_640, %get3A_641] : memref<64x128xf32, #tpu.memory_space<vmem>>, vector<1x128xf32>
        %max3A_643 = arith.maximumf %get3A_642, %broadcast_in_dim3A_639 : vector<1x128xf32>
        %swap3A_644 = arith.constant 44 : index
        %swap3A_645 = arith.constant 0 : index
        %swap3A_646 = vector.load %arg12[%swap3A_644, %swap3A_645] : memref<64x128xf32, #tpu.memory_space<vmem>>, vector<1x128xf32>
        tpu.vector_store %arg12[%swap3A_644, %swap3A_645], %max3A_643 {strides = array<i32>} : memref<64x128xf32, #tpu.memory_space<vmem>>, vector<1x128xf32>,
      } else {
      }
      %le3A_482 = arith.constant 45 : i32
      %le3A_483 = arith.cmpi sle, %reduce_min3A_108, %le3A_482 : i32
      %ge3A_484 = arith.constant 45 : i32
      %ge3A_485 = arith.cmpi sge, %reduce_max3A_112, %ge3A_484 : i32
      %and3A_486 = arith.andi %le3A_483, %ge3A_485 : i1
      %convert_element_type3A_487 = arith.extui %and3A_486 : i1 to i32
      %cond3A_488 = arith.constant 0 : i32
      %cond3A_489 = arith.cmpi ne, %convert_element_type3A_487, %cond3A_488 : i32
      scf.if %cond3A_489 {
        %slice3A = vector.extract_strided_slice %eq3A_79 {offsets = [0, 45], sizes = [2000, 1], strides = [1, 1]} : vector<2000x64xi1> to vector<2000x1xi1>
        %broadcast_in_dim3A_634 = vector.shape_cast %slice3A : vector<2000x1xi1> to vector<2000x1xi1>
        %broadcast_in_dim3A_635 = vector.broadcast %broadcast_in_dim3A_634 : vector<2000x1xi1> to vector<2000x128xi1>
        %broadcast_in_dim3A_636 = vector.broadcast %cond3A_121 : f32 to vector<2000x128xf32>
        %select_n3A = arith.select %broadcast_in_dim3A_635, %max3A_72, %broadcast_in_dim3A_636 : vector<2000x128xi1>, vector<2000x128xf32>
        %reduce_max3A_637 = arith.constant dense<0xFF800000> : vector<128xf32>
        %reduce_max3A_638 = vector.multi_reduction <maximumf>, %select_n3A, %reduce_max3A_637 [0] : vector<2000x128xf32> to vector<128xf32>
        %broadcast_in_dim3A_639 = vector.shape_cast %reduce_max3A_638 : vector<128xf32> to vector<1x128xf32>
        %get3A_640 = arith.constant 45 : index
        %get3A_641 = arith.constant 0 : index
        %get3A_642 = vector.load %arg12[%get3A_640, %get3A_641] : memref<64x128xf32, #tpu.memory_space<vmem>>, vector<1x128xf32>
        %max3A_643 = arith.maximumf %get3A_642, %broadcast_in_dim3A_639 : vector<1x128xf32>
        %swap3A_644 = arith.constant 45 : index
        %swap3A_645 = arith.constant 0 : index
        %swap3A_646 = vector.load %arg12[%swap3A_644, %swap3A_645] : memref<64x128xf32, #tpu.memory_space<vmem>>, vector<1x128xf32>
        tpu.vector_store %arg12[%swap3A_644, %swap3A_645], %max3A_643 {strides = array<i32>} : memref<64x128xf32, #tpu.memory_space<vmem>>, vector<1x128xf32>,
      } else {
      }
      %le3A_490 = arith.constant 46 : i32
      %le3A_491 = arith.cmpi sle, %reduce_min3A_108, %le3A_490 : i32
      %ge3A_492 = arith.constant 46 : i32
      %ge3A_493 = arith.cmpi sge, %reduce_max3A_112, %ge3A_492 : i32
      %and3A_494 = arith.andi %le3A_491, %ge3A_493 : i1
      %convert_element_type3A_495 = arith.extui %and3A_494 : i1 to i32
      %cond3A_496 = arith.constant 0 : i32
      %cond3A_497 = arith.cmpi ne, %convert_element_type3A_495, %cond3A_496 : i32
      scf.if %cond3A_497 {
        %slice3A = vector.extract_strided_slice %eq3A_79 {offsets = [0, 46], sizes = [2000, 1], strides = [1, 1]} : vector<2000x64xi1> to vector<2000x1xi1>
        %broadcast_in_dim3A_634 = vector.shape_cast %slice3A : vector<2000x1xi1> to vector<2000x1xi1>
        %broadcast_in_dim3A_635 = vector.broadcast %broadcast_in_dim3A_634 : vector<2000x1xi1> to vector<2000x128xi1>
        %broadcast_in_dim3A_636 = vector.broadcast %cond3A_121 : f32 to vector<2000x128xf32>
        %select_n3A = arith.select %broadcast_in_dim3A_635, %max3A_72, %broadcast_in_dim3A_636 : vector<2000x128xi1>, vector<2000x128xf32>
        %reduce_max3A_637 = arith.constant dense<0xFF800000> : vector<128xf32>
        %reduce_max3A_638 = vector.multi_reduction <maximumf>, %select_n3A, %reduce_max3A_637 [0] : vector<2000x128xf32> to vector<128xf32>
        %broadcast_in_dim3A_639 = vector.shape_cast %reduce_max3A_638 : vector<128xf32> to vector<1x128xf32>
        %get3A_640 = arith.constant 46 : index
        %get3A_641 = arith.constant 0 : index
        %get3A_642 = vector.load %arg12[%get3A_640, %get3A_641] : memref<64x128xf32, #tpu.memory_space<vmem>>, vector<1x128xf32>
        %max3A_643 = arith.maximumf %get3A_642, %broadcast_in_dim3A_639 : vector<1x128xf32>
        %swap3A_644 = arith.constant 46 : index
        %swap3A_645 = arith.constant 0 : index
        %swap3A_646 = vector.load %arg12[%swap3A_644, %swap3A_645] : memref<64x128xf32, #tpu.memory_space<vmem>>, vector<1x128xf32>
        tpu.vector_store %arg12[%swap3A_644, %swap3A_645], %max3A_643 {strides = array<i32>} : memref<64x128xf32, #tpu.memory_space<vmem>>, vector<1x128xf32>,
      } else {
      }
      %le3A_498 = arith.constant 47 : i32
      %le3A_499 = arith.cmpi sle, %reduce_min3A_108, %le3A_498 : i32
      %ge3A_500 = arith.constant 47 : i32
      %ge3A_501 = arith.cmpi sge, %reduce_max3A_112, %ge3A_500 : i32
      %and3A_502 = arith.andi %le3A_499, %ge3A_501 : i1
      %convert_element_type3A_503 = arith.extui %and3A_502 : i1 to i32
      %cond3A_504 = arith.constant 0 : i32
      %cond3A_505 = arith.cmpi ne, %convert_element_type3A_503, %cond3A_504 : i32
      scf.if %cond3A_505 {
        %slice3A = vector.extract_strided_slice %eq3A_79 {offsets = [0, 47], sizes = [2000, 1], strides = [1, 1]} : vector<2000x64xi1> to vector<2000x1xi1>
        %broadcast_in_dim3A_634 = vector.shape_cast %slice3A : vector<2000x1xi1> to vector<2000x1xi1>
        %broadcast_in_dim3A_635 = vector.broadcast %broadcast_in_dim3A_634 : vector<2000x1xi1> to vector<2000x128xi1>
        %broadcast_in_dim3A_636 = vector.broadcast %cond3A_121 : f32 to vector<2000x128xf32>
        %select_n3A = arith.select %broadcast_in_dim3A_635, %max3A_72, %broadcast_in_dim3A_636 : vector<2000x128xi1>, vector<2000x128xf32>
        %reduce_max3A_637 = arith.constant dense<0xFF800000> : vector<128xf32>
        %reduce_max3A_638 = vector.multi_reduction <maximumf>, %select_n3A, %reduce_max3A_637 [0] : vector<2000x128xf32> to vector<128xf32>
        %broadcast_in_dim3A_639 = vector.shape_cast %reduce_max3A_638 : vector<128xf32> to vector<1x128xf32>
        %get3A_640 = arith.constant 47 : index
        %get3A_641 = arith.constant 0 : index
        %get3A_642 = vector.load %arg12[%get3A_640, %get3A_641] : memref<64x128xf32, #tpu.memory_space<vmem>>, vector<1x128xf32>
        %max3A_643 = arith.maximumf %get3A_642, %broadcast_in_dim3A_639 : vector<1x128xf32>
        %swap3A_644 = arith.constant 47 : index
        %swap3A_645 = arith.constant 0 : index
        %swap3A_646 = vector.load %arg12[%swap3A_644, %swap3A_645] : memref<64x128xf32, #tpu.memory_space<vmem>>, vector<1x128xf32>
        tpu.vector_store %arg12[%swap3A_644, %swap3A_645], %max3A_643 {strides = array<i32>} : memref<64x128xf32, #tpu.memory_space<vmem>>, vector<1x128xf32>,
      } else {
      }
      %le3A_506 = arith.constant 48 : i32
      %le3A_507 = arith.cmpi sle, %reduce_min3A_108, %le3A_506 : i32
      %ge3A_508 = arith.constant 48 : i32
      %ge3A_509 = arith.cmpi sge, %reduce_max3A_112, %ge3A_508 : i32
      %and3A_510 = arith.andi %le3A_507, %ge3A_509 : i1
      %convert_element_type3A_511 = arith.extui %and3A_510 : i1 to i32
      %cond3A_512 = arith.constant 0 : i32
      %cond3A_513 = arith.cmpi ne, %convert_element_type3A_511, %cond3A_512 : i32
      scf.if %cond3A_513 {
        %slice3A = vector.extract_strided_slice %eq3A_79 {offsets = [0, 48], sizes = [2000, 1], strides = [1, 1]} : vector<2000x64xi1> to vector<2000x1xi1>
        %broadcast_in_dim3A_634 = vector.shape_cast %slice3A : vector<2000x1xi1> to vector<2000x1xi1>
        %broadcast_in_dim3A_635 = vector.broadcast %broadcast_in_dim3A_634 : vector<2000x1xi1> to vector<2000x128xi1>
        %broadcast_in_dim3A_636 = vector.broadcast %cond3A_121 : f32 to vector<2000x128xf32>
        %select_n3A = arith.select %broadcast_in_dim3A_635, %max3A_72, %broadcast_in_dim3A_636 : vector<2000x128xi1>, vector<2000x128xf32>
        %reduce_max3A_637 = arith.constant dense<0xFF800000> : vector<128xf32>
        %reduce_max3A_638 = vector.multi_reduction <maximumf>, %select_n3A, %reduce_max3A_637 [0] : vector<2000x128xf32> to vector<128xf32>
        %broadcast_in_dim3A_639 = vector.shape_cast %reduce_max3A_638 : vector<128xf32> to vector<1x128xf32>
        %get3A_640 = arith.constant 48 : index
        %get3A_641 = arith.constant 0 : index
        %get3A_642 = vector.load %arg12[%get3A_640, %get3A_641] : memref<64x128xf32, #tpu.memory_space<vmem>>, vector<1x128xf32>
        %max3A_643 = arith.maximumf %get3A_642, %broadcast_in_dim3A_639 : vector<1x128xf32>
        %swap3A_644 = arith.constant 48 : index
        %swap3A_645 = arith.constant 0 : index
        %swap3A_646 = vector.load %arg12[%swap3A_644, %swap3A_645] : memref<64x128xf32, #tpu.memory_space<vmem>>, vector<1x128xf32>
        tpu.vector_store %arg12[%swap3A_644, %swap3A_645], %max3A_643 {strides = array<i32>} : memref<64x128xf32, #tpu.memory_space<vmem>>, vector<1x128xf32>,
      } else {
      }
      %le3A_514 = arith.constant 49 : i32
      %le3A_515 = arith.cmpi sle, %reduce_min3A_108, %le3A_514 : i32
      %ge3A_516 = arith.constant 49 : i32
      %ge3A_517 = arith.cmpi sge, %reduce_max3A_112, %ge3A_516 : i32
      %and3A_518 = arith.andi %le3A_515, %ge3A_517 : i1
      %convert_element_type3A_519 = arith.extui %and3A_518 : i1 to i32
      %cond3A_520 = arith.constant 0 : i32
      %cond3A_521 = arith.cmpi ne, %convert_element_type3A_519, %cond3A_520 : i32
      scf.if %cond3A_521 {
        %slice3A = vector.extract_strided_slice %eq3A_79 {offsets = [0, 49], sizes = [2000, 1], strides = [1, 1]} : vector<2000x64xi1> to vector<2000x1xi1>
        %broadcast_in_dim3A_634 = vector.shape_cast %slice3A : vector<2000x1xi1> to vector<2000x1xi1>
        %broadcast_in_dim3A_635 = vector.broadcast %broadcast_in_dim3A_634 : vector<2000x1xi1> to vector<2000x128xi1>
        %broadcast_in_dim3A_636 = vector.broadcast %cond3A_121 : f32 to vector<2000x128xf32>
        %select_n3A = arith.select %broadcast_in_dim3A_635, %max3A_72, %broadcast_in_dim3A_636 : vector<2000x128xi1>, vector<2000x128xf32>
        %reduce_max3A_637 = arith.constant dense<0xFF800000> : vector<128xf32>
        %reduce_max3A_638 = vector.multi_reduction <maximumf>, %select_n3A, %reduce_max3A_637 [0] : vector<2000x128xf32> to vector<128xf32>
        %broadcast_in_dim3A_639 = vector.shape_cast %reduce_max3A_638 : vector<128xf32> to vector<1x128xf32>
        %get3A_640 = arith.constant 49 : index
        %get3A_641 = arith.constant 0 : index
        %get3A_642 = vector.load %arg12[%get3A_640, %get3A_641] : memref<64x128xf32, #tpu.memory_space<vmem>>, vector<1x128xf32>
        %max3A_643 = arith.maximumf %get3A_642, %broadcast_in_dim3A_639 : vector<1x128xf32>
        %swap3A_644 = arith.constant 49 : index
        %swap3A_645 = arith.constant 0 : index
        %swap3A_646 = vector.load %arg12[%swap3A_644, %swap3A_645] : memref<64x128xf32, #tpu.memory_space<vmem>>, vector<1x128xf32>
        tpu.vector_store %arg12[%swap3A_644, %swap3A_645], %max3A_643 {strides = array<i32>} : memref<64x128xf32, #tpu.memory_space<vmem>>, vector<1x128xf32>,
      } else {
      }
      %le3A_522 = arith.constant 50 : i32
      %le3A_523 = arith.cmpi sle, %reduce_min3A_108, %le3A_522 : i32
      %ge3A_524 = arith.constant 50 : i32
      %ge3A_525 = arith.cmpi sge, %reduce_max3A_112, %ge3A_524 : i32
      %and3A_526 = arith.andi %le3A_523, %ge3A_525 : i1
      %convert_element_type3A_527 = arith.extui %and3A_526 : i1 to i32
      %cond3A_528 = arith.constant 0 : i32
      %cond3A_529 = arith.cmpi ne, %convert_element_type3A_527, %cond3A_528 : i32
      scf.if %cond3A_529 {
        %slice3A = vector.extract_strided_slice %eq3A_79 {offsets = [0, 50], sizes = [2000, 1], strides = [1, 1]} : vector<2000x64xi1> to vector<2000x1xi1>
        %broadcast_in_dim3A_634 = vector.shape_cast %slice3A : vector<2000x1xi1> to vector<2000x1xi1>
        %broadcast_in_dim3A_635 = vector.broadcast %broadcast_in_dim3A_634 : vector<2000x1xi1> to vector<2000x128xi1>
        %broadcast_in_dim3A_636 = vector.broadcast %cond3A_121 : f32 to vector<2000x128xf32>
        %select_n3A = arith.select %broadcast_in_dim3A_635, %max3A_72, %broadcast_in_dim3A_636 : vector<2000x128xi1>, vector<2000x128xf32>
        %reduce_max3A_637 = arith.constant dense<0xFF800000> : vector<128xf32>
        %reduce_max3A_638 = vector.multi_reduction <maximumf>, %select_n3A, %reduce_max3A_637 [0] : vector<2000x128xf32> to vector<128xf32>
        %broadcast_in_dim3A_639 = vector.shape_cast %reduce_max3A_638 : vector<128xf32> to vector<1x128xf32>
        %get3A_640 = arith.constant 50 : index
        %get3A_641 = arith.constant 0 : index
        %get3A_642 = vector.load %arg12[%get3A_640, %get3A_641] : memref<64x128xf32, #tpu.memory_space<vmem>>, vector<1x128xf32>
        %max3A_643 = arith.maximumf %get3A_642, %broadcast_in_dim3A_639 : vector<1x128xf32>
        %swap3A_644 = arith.constant 50 : index
        %swap3A_645 = arith.constant 0 : index
        %swap3A_646 = vector.load %arg12[%swap3A_644, %swap3A_645] : memref<64x128xf32, #tpu.memory_space<vmem>>, vector<1x128xf32>
        tpu.vector_store %arg12[%swap3A_644, %swap3A_645], %max3A_643 {strides = array<i32>} : memref<64x128xf32, #tpu.memory_space<vmem>>, vector<1x128xf32>,
      } else {
      }
      %le3A_530 = arith.constant 51 : i32
      %le3A_531 = arith.cmpi sle, %reduce_min3A_108, %le3A_530 : i32
      %ge3A_532 = arith.constant 51 : i32
      %ge3A_533 = arith.cmpi sge, %reduce_max3A_112, %ge3A_532 : i32
      %and3A_534 = arith.andi %le3A_531, %ge3A_533 : i1
      %convert_element_type3A_535 = arith.extui %and3A_534 : i1 to i32
      %cond3A_536 = arith.constant 0 : i32
      %cond3A_537 = arith.cmpi ne, %convert_element_type3A_535, %cond3A_536 : i32
      scf.if %cond3A_537 {
        %slice3A = vector.extract_strided_slice %eq3A_79 {offsets = [0, 51], sizes = [2000, 1], strides = [1, 1]} : vector<2000x64xi1> to vector<2000x1xi1>
        %broadcast_in_dim3A_634 = vector.shape_cast %slice3A : vector<2000x1xi1> to vector<2000x1xi1>
        %broadcast_in_dim3A_635 = vector.broadcast %broadcast_in_dim3A_634 : vector<2000x1xi1> to vector<2000x128xi1>
        %broadcast_in_dim3A_636 = vector.broadcast %cond3A_121 : f32 to vector<2000x128xf32>
        %select_n3A = arith.select %broadcast_in_dim3A_635, %max3A_72, %broadcast_in_dim3A_636 : vector<2000x128xi1>, vector<2000x128xf32>
        %reduce_max3A_637 = arith.constant dense<0xFF800000> : vector<128xf32>
        %reduce_max3A_638 = vector.multi_reduction <maximumf>, %select_n3A, %reduce_max3A_637 [0] : vector<2000x128xf32> to vector<128xf32>
        %broadcast_in_dim3A_639 = vector.shape_cast %reduce_max3A_638 : vector<128xf32> to vector<1x128xf32>
        %get3A_640 = arith.constant 51 : index
        %get3A_641 = arith.constant 0 : index
        %get3A_642 = vector.load %arg12[%get3A_640, %get3A_641] : memref<64x128xf32, #tpu.memory_space<vmem>>, vector<1x128xf32>
        %max3A_643 = arith.maximumf %get3A_642, %broadcast_in_dim3A_639 : vector<1x128xf32>
        %swap3A_644 = arith.constant 51 : index
        %swap3A_645 = arith.constant 0 : index
        %swap3A_646 = vector.load %arg12[%swap3A_644, %swap3A_645] : memref<64x128xf32, #tpu.memory_space<vmem>>, vector<1x128xf32>
        tpu.vector_store %arg12[%swap3A_644, %swap3A_645], %max3A_643 {strides = array<i32>} : memref<64x128xf32, #tpu.memory_space<vmem>>, vector<1x128xf32>,
      } else {
      }
      %le3A_538 = arith.constant 52 : i32
      %le3A_539 = arith.cmpi sle, %reduce_min3A_108, %le3A_538 : i32
      %ge3A_540 = arith.constant 52 : i32
      %ge3A_541 = arith.cmpi sge, %reduce_max3A_112, %ge3A_540 : i32
      %and3A_542 = arith.andi %le3A_539, %ge3A_541 : i1
      %convert_element_type3A_543 = arith.extui %and3A_542 : i1 to i32
      %cond3A_544 = arith.constant 0 : i32
      %cond3A_545 = arith.cmpi ne, %convert_element_type3A_543, %cond3A_544 : i32
      scf.if %cond3A_545 {
        %slice3A = vector.extract_strided_slice %eq3A_79 {offsets = [0, 52], sizes = [2000, 1], strides = [1, 1]} : vector<2000x64xi1> to vector<2000x1xi1>
        %broadcast_in_dim3A_634 = vector.shape_cast %slice3A : vector<2000x1xi1> to vector<2000x1xi1>
        %broadcast_in_dim3A_635 = vector.broadcast %broadcast_in_dim3A_634 : vector<2000x1xi1> to vector<2000x128xi1>
        %broadcast_in_dim3A_636 = vector.broadcast %cond3A_121 : f32 to vector<2000x128xf32>
        %select_n3A = arith.select %broadcast_in_dim3A_635, %max3A_72, %broadcast_in_dim3A_636 : vector<2000x128xi1>, vector<2000x128xf32>
        %reduce_max3A_637 = arith.constant dense<0xFF800000> : vector<128xf32>
        %reduce_max3A_638 = vector.multi_reduction <maximumf>, %select_n3A, %reduce_max3A_637 [0] : vector<2000x128xf32> to vector<128xf32>
        %broadcast_in_dim3A_639 = vector.shape_cast %reduce_max3A_638 : vector<128xf32> to vector<1x128xf32>
        %get3A_640 = arith.constant 52 : index
        %get3A_641 = arith.constant 0 : index
        %get3A_642 = vector.load %arg12[%get3A_640, %get3A_641] : memref<64x128xf32, #tpu.memory_space<vmem>>, vector<1x128xf32>
        %max3A_643 = arith.maximumf %get3A_642, %broadcast_in_dim3A_639 : vector<1x128xf32>
        %swap3A_644 = arith.constant 52 : index
        %swap3A_645 = arith.constant 0 : index
        %swap3A_646 = vector.load %arg12[%swap3A_644, %swap3A_645] : memref<64x128xf32, #tpu.memory_space<vmem>>, vector<1x128xf32>
        tpu.vector_store %arg12[%swap3A_644, %swap3A_645], %max3A_643 {strides = array<i32>} : memref<64x128xf32, #tpu.memory_space<vmem>>, vector<1x128xf32>,
      } else {
      }
      %le3A_546 = arith.constant 53 : i32
      %le3A_547 = arith.cmpi sle, %reduce_min3A_108, %le3A_546 : i32
      %ge3A_548 = arith.constant 53 : i32
      %ge3A_549 = arith.cmpi sge, %reduce_max3A_112, %ge3A_548 : i32
      %and3A_550 = arith.andi %le3A_547, %ge3A_549 : i1
      %convert_element_type3A_551 = arith.extui %and3A_550 : i1 to i32
      %cond3A_552 = arith.constant 0 : i32
      %cond3A_553 = arith.cmpi ne, %convert_element_type3A_551, %cond3A_552 : i32
      scf.if %cond3A_553 {
        %slice3A = vector.extract_strided_slice %eq3A_79 {offsets = [0, 53], sizes = [2000, 1], strides = [1, 1]} : vector<2000x64xi1> to vector<2000x1xi1>
        %broadcast_in_dim3A_634 = vector.shape_cast %slice3A : vector<2000x1xi1> to vector<2000x1xi1>
        %broadcast_in_dim3A_635 = vector.broadcast %broadcast_in_dim3A_634 : vector<2000x1xi1> to vector<2000x128xi1>
        %broadcast_in_dim3A_636 = vector.broadcast %cond3A_121 : f32 to vector<2000x128xf32>
        %select_n3A = arith.select %broadcast_in_dim3A_635, %max3A_72, %broadcast_in_dim3A_636 : vector<2000x128xi1>, vector<2000x128xf32>
        %reduce_max3A_637 = arith.constant dense<0xFF800000> : vector<128xf32>
        %reduce_max3A_638 = vector.multi_reduction <maximumf>, %select_n3A, %reduce_max3A_637 [0] : vector<2000x128xf32> to vector<128xf32>
        %broadcast_in_dim3A_639 = vector.shape_cast %reduce_max3A_638 : vector<128xf32> to vector<1x128xf32>
        %get3A_640 = arith.constant 53 : index
        %get3A_641 = arith.constant 0 : index
        %get3A_642 = vector.load %arg12[%get3A_640, %get3A_641] : memref<64x128xf32, #tpu.memory_space<vmem>>, vector<1x128xf32>
        %max3A_643 = arith.maximumf %get3A_642, %broadcast_in_dim3A_639 : vector<1x128xf32>
        %swap3A_644 = arith.constant 53 : index
        %swap3A_645 = arith.constant 0 : index
        %swap3A_646 = vector.load %arg12[%swap3A_644, %swap3A_645] : memref<64x128xf32, #tpu.memory_space<vmem>>, vector<1x128xf32>
        tpu.vector_store %arg12[%swap3A_644, %swap3A_645], %max3A_643 {strides = array<i32>} : memref<64x128xf32, #tpu.memory_space<vmem>>, vector<1x128xf32>,
      } else {
      }
      %le3A_554 = arith.constant 54 : i32
      %le3A_555 = arith.cmpi sle, %reduce_min3A_108, %le3A_554 : i32
      %ge3A_556 = arith.constant 54 : i32
      %ge3A_557 = arith.cmpi sge, %reduce_max3A_112, %ge3A_556 : i32
      %and3A_558 = arith.andi %le3A_555, %ge3A_557 : i1
      %convert_element_type3A_559 = arith.extui %and3A_558 : i1 to i32
      %cond3A_560 = arith.constant 0 : i32
      %cond3A_561 = arith.cmpi ne, %convert_element_type3A_559, %cond3A_560 : i32
      scf.if %cond3A_561 {
        %slice3A = vector.extract_strided_slice %eq3A_79 {offsets = [0, 54], sizes = [2000, 1], strides = [1, 1]} : vector<2000x64xi1> to vector<2000x1xi1>
        %broadcast_in_dim3A_634 = vector.shape_cast %slice3A : vector<2000x1xi1> to vector<2000x1xi1>
        %broadcast_in_dim3A_635 = vector.broadcast %broadcast_in_dim3A_634 : vector<2000x1xi1> to vector<2000x128xi1>
        %broadcast_in_dim3A_636 = vector.broadcast %cond3A_121 : f32 to vector<2000x128xf32>
        %select_n3A = arith.select %broadcast_in_dim3A_635, %max3A_72, %broadcast_in_dim3A_636 : vector<2000x128xi1>, vector<2000x128xf32>
        %reduce_max3A_637 = arith.constant dense<0xFF800000> : vector<128xf32>
        %reduce_max3A_638 = vector.multi_reduction <maximumf>, %select_n3A, %reduce_max3A_637 [0] : vector<2000x128xf32> to vector<128xf32>
        %broadcast_in_dim3A_639 = vector.shape_cast %reduce_max3A_638 : vector<128xf32> to vector<1x128xf32>
        %get3A_640 = arith.constant 54 : index
        %get3A_641 = arith.constant 0 : index
        %get3A_642 = vector.load %arg12[%get3A_640, %get3A_641] : memref<64x128xf32, #tpu.memory_space<vmem>>, vector<1x128xf32>
        %max3A_643 = arith.maximumf %get3A_642, %broadcast_in_dim3A_639 : vector<1x128xf32>
        %swap3A_644 = arith.constant 54 : index
        %swap3A_645 = arith.constant 0 : index
        %swap3A_646 = vector.load %arg12[%swap3A_644, %swap3A_645] : memref<64x128xf32, #tpu.memory_space<vmem>>, vector<1x128xf32>
        tpu.vector_store %arg12[%swap3A_644, %swap3A_645], %max3A_643 {strides = array<i32>} : memref<64x128xf32, #tpu.memory_space<vmem>>, vector<1x128xf32>,
      } else {
      }
      %le3A_562 = arith.constant 55 : i32
      %le3A_563 = arith.cmpi sle, %reduce_min3A_108, %le3A_562 : i32
      %ge3A_564 = arith.constant 55 : i32
      %ge3A_565 = arith.cmpi sge, %reduce_max3A_112, %ge3A_564 : i32
      %and3A_566 = arith.andi %le3A_563, %ge3A_565 : i1
      %convert_element_type3A_567 = arith.extui %and3A_566 : i1 to i32
      %cond3A_568 = arith.constant 0 : i32
      %cond3A_569 = arith.cmpi ne, %convert_element_type3A_567, %cond3A_568 : i32
      scf.if %cond3A_569 {
        %slice3A = vector.extract_strided_slice %eq3A_79 {offsets = [0, 55], sizes = [2000, 1], strides = [1, 1]} : vector<2000x64xi1> to vector<2000x1xi1>
        %broadcast_in_dim3A_634 = vector.shape_cast %slice3A : vector<2000x1xi1> to vector<2000x1xi1>
        %broadcast_in_dim3A_635 = vector.broadcast %broadcast_in_dim3A_634 : vector<2000x1xi1> to vector<2000x128xi1>
        %broadcast_in_dim3A_636 = vector.broadcast %cond3A_121 : f32 to vector<2000x128xf32>
        %select_n3A = arith.select %broadcast_in_dim3A_635, %max3A_72, %broadcast_in_dim3A_636 : vector<2000x128xi1>, vector<2000x128xf32>
        %reduce_max3A_637 = arith.constant dense<0xFF800000> : vector<128xf32>
        %reduce_max3A_638 = vector.multi_reduction <maximumf>, %select_n3A, %reduce_max3A_637 [0] : vector<2000x128xf32> to vector<128xf32>
        %broadcast_in_dim3A_639 = vector.shape_cast %reduce_max3A_638 : vector<128xf32> to vector<1x128xf32>
        %get3A_640 = arith.constant 55 : index
        %get3A_641 = arith.constant 0 : index
        %get3A_642 = vector.load %arg12[%get3A_640, %get3A_641] : memref<64x128xf32, #tpu.memory_space<vmem>>, vector<1x128xf32>
        %max3A_643 = arith.maximumf %get3A_642, %broadcast_in_dim3A_639 : vector<1x128xf32>
        %swap3A_644 = arith.constant 55 : index
        %swap3A_645 = arith.constant 0 : index
        %swap3A_646 = vector.load %arg12[%swap3A_644, %swap3A_645] : memref<64x128xf32, #tpu.memory_space<vmem>>, vector<1x128xf32>
        tpu.vector_store %arg12[%swap3A_644, %swap3A_645], %max3A_643 {strides = array<i32>} : memref<64x128xf32, #tpu.memory_space<vmem>>, vector<1x128xf32>,
      } else {
      }
      %le3A_570 = arith.constant 56 : i32
      %le3A_571 = arith.cmpi sle, %reduce_min3A_108, %le3A_570 : i32
      %ge3A_572 = arith.constant 56 : i32
      %ge3A_573 = arith.cmpi sge, %reduce_max3A_112, %ge3A_572 : i32
      %and3A_574 = arith.andi %le3A_571, %ge3A_573 : i1
      %convert_element_type3A_575 = arith.extui %and3A_574 : i1 to i32
      %cond3A_576 = arith.constant 0 : i32
      %cond3A_577 = arith.cmpi ne, %convert_element_type3A_575, %cond3A_576 : i32
      scf.if %cond3A_577 {
        %slice3A = vector.extract_strided_slice %eq3A_79 {offsets = [0, 56], sizes = [2000, 1], strides = [1, 1]} : vector<2000x64xi1> to vector<2000x1xi1>
        %broadcast_in_dim3A_634 = vector.shape_cast %slice3A : vector<2000x1xi1> to vector<2000x1xi1>
        %broadcast_in_dim3A_635 = vector.broadcast %broadcast_in_dim3A_634 : vector<2000x1xi1> to vector<2000x128xi1>
        %broadcast_in_dim3A_636 = vector.broadcast %cond3A_121 : f32 to vector<2000x128xf32>
        %select_n3A = arith.select %broadcast_in_dim3A_635, %max3A_72, %broadcast_in_dim3A_636 : vector<2000x128xi1>, vector<2000x128xf32>
        %reduce_max3A_637 = arith.constant dense<0xFF800000> : vector<128xf32>
        %reduce_max3A_638 = vector.multi_reduction <maximumf>, %select_n3A, %reduce_max3A_637 [0] : vector<2000x128xf32> to vector<128xf32>
        %broadcast_in_dim3A_639 = vector.shape_cast %reduce_max3A_638 : vector<128xf32> to vector<1x128xf32>
        %get3A_640 = arith.constant 56 : index
        %get3A_641 = arith.constant 0 : index
        %get3A_642 = vector.load %arg12[%get3A_640, %get3A_641] : memref<64x128xf32, #tpu.memory_space<vmem>>, vector<1x128xf32>
        %max3A_643 = arith.maximumf %get3A_642, %broadcast_in_dim3A_639 : vector<1x128xf32>
        %swap3A_644 = arith.constant 56 : index
        %swap3A_645 = arith.constant 0 : index
        %swap3A_646 = vector.load %arg12[%swap3A_644, %swap3A_645] : memref<64x128xf32, #tpu.memory_space<vmem>>, vector<1x128xf32>
        tpu.vector_store %arg12[%swap3A_644, %swap3A_645], %max3A_643 {strides = array<i32>} : memref<64x128xf32, #tpu.memory_space<vmem>>, vector<1x128xf32>,
      } else {
      }
      %le3A_578 = arith.constant 57 : i32
      %le3A_579 = arith.cmpi sle, %reduce_min3A_108, %le3A_578 : i32
      %ge3A_580 = arith.constant 57 : i32
      %ge3A_581 = arith.cmpi sge, %reduce_max3A_112, %ge3A_580 : i32
      %and3A_582 = arith.andi %le3A_579, %ge3A_581 : i1
      %convert_element_type3A_583 = arith.extui %and3A_582 : i1 to i32
      %cond3A_584 = arith.constant 0 : i32
      %cond3A_585 = arith.cmpi ne, %convert_element_type3A_583, %cond3A_584 : i32
      scf.if %cond3A_585 {
        %slice3A = vector.extract_strided_slice %eq3A_79 {offsets = [0, 57], sizes = [2000, 1], strides = [1, 1]} : vector<2000x64xi1> to vector<2000x1xi1>
        %broadcast_in_dim3A_634 = vector.shape_cast %slice3A : vector<2000x1xi1> to vector<2000x1xi1>
        %broadcast_in_dim3A_635 = vector.broadcast %broadcast_in_dim3A_634 : vector<2000x1xi1> to vector<2000x128xi1>
        %broadcast_in_dim3A_636 = vector.broadcast %cond3A_121 : f32 to vector<2000x128xf32>
        %select_n3A = arith.select %broadcast_in_dim3A_635, %max3A_72, %broadcast_in_dim3A_636 : vector<2000x128xi1>, vector<2000x128xf32>
        %reduce_max3A_637 = arith.constant dense<0xFF800000> : vector<128xf32>
        %reduce_max3A_638 = vector.multi_reduction <maximumf>, %select_n3A, %reduce_max3A_637 [0] : vector<2000x128xf32> to vector<128xf32>
        %broadcast_in_dim3A_639 = vector.shape_cast %reduce_max3A_638 : vector<128xf32> to vector<1x128xf32>
        %get3A_640 = arith.constant 57 : index
        %get3A_641 = arith.constant 0 : index
        %get3A_642 = vector.load %arg12[%get3A_640, %get3A_641] : memref<64x128xf32, #tpu.memory_space<vmem>>, vector<1x128xf32>
        %max3A_643 = arith.maximumf %get3A_642, %broadcast_in_dim3A_639 : vector<1x128xf32>
        %swap3A_644 = arith.constant 57 : index
        %swap3A_645 = arith.constant 0 : index
        %swap3A_646 = vector.load %arg12[%swap3A_644, %swap3A_645] : memref<64x128xf32, #tpu.memory_space<vmem>>, vector<1x128xf32>
        tpu.vector_store %arg12[%swap3A_644, %swap3A_645], %max3A_643 {strides = array<i32>} : memref<64x128xf32, #tpu.memory_space<vmem>>, vector<1x128xf32>,
      } else {
      }
      %le3A_586 = arith.constant 58 : i32
      %le3A_587 = arith.cmpi sle, %reduce_min3A_108, %le3A_586 : i32
      %ge3A_588 = arith.constant 58 : i32
      %ge3A_589 = arith.cmpi sge, %reduce_max3A_112, %ge3A_588 : i32
      %and3A_590 = arith.andi %le3A_587, %ge3A_589 : i1
      %convert_element_type3A_591 = arith.extui %and3A_590 : i1 to i32
      %cond3A_592 = arith.constant 0 : i32
      %cond3A_593 = arith.cmpi ne, %convert_element_type3A_591, %cond3A_592 : i32
      scf.if %cond3A_593 {
        %slice3A = vector.extract_strided_slice %eq3A_79 {offsets = [0, 58], sizes = [2000, 1], strides = [1, 1]} : vector<2000x64xi1> to vector<2000x1xi1>
        %broadcast_in_dim3A_634 = vector.shape_cast %slice3A : vector<2000x1xi1> to vector<2000x1xi1>
        %broadcast_in_dim3A_635 = vector.broadcast %broadcast_in_dim3A_634 : vector<2000x1xi1> to vector<2000x128xi1>
        %broadcast_in_dim3A_636 = vector.broadcast %cond3A_121 : f32 to vector<2000x128xf32>
        %select_n3A = arith.select %broadcast_in_dim3A_635, %max3A_72, %broadcast_in_dim3A_636 : vector<2000x128xi1>, vector<2000x128xf32>
        %reduce_max3A_637 = arith.constant dense<0xFF800000> : vector<128xf32>
        %reduce_max3A_638 = vector.multi_reduction <maximumf>, %select_n3A, %reduce_max3A_637 [0] : vector<2000x128xf32> to vector<128xf32>
        %broadcast_in_dim3A_639 = vector.shape_cast %reduce_max3A_638 : vector<128xf32> to vector<1x128xf32>
        %get3A_640 = arith.constant 58 : index
        %get3A_641 = arith.constant 0 : index
        %get3A_642 = vector.load %arg12[%get3A_640, %get3A_641] : memref<64x128xf32, #tpu.memory_space<vmem>>, vector<1x128xf32>
        %max3A_643 = arith.maximumf %get3A_642, %broadcast_in_dim3A_639 : vector<1x128xf32>
        %swap3A_644 = arith.constant 58 : index
        %swap3A_645 = arith.constant 0 : index
        %swap3A_646 = vector.load %arg12[%swap3A_644, %swap3A_645] : memref<64x128xf32, #tpu.memory_space<vmem>>, vector<1x128xf32>
        tpu.vector_store %arg12[%swap3A_644, %swap3A_645], %max3A_643 {strides = array<i32>} : memref<64x128xf32, #tpu.memory_space<vmem>>, vector<1x128xf32>,
      } else {
      }
      %le3A_594 = arith.constant 59 : i32
      %le3A_595 = arith.cmpi sle, %reduce_min3A_108, %le3A_594 : i32
      %ge3A_596 = arith.constant 59 : i32
      %ge3A_597 = arith.cmpi sge, %reduce_max3A_112, %ge3A_596 : i32
      %and3A_598 = arith.andi %le3A_595, %ge3A_597 : i1
      %convert_element_type3A_599 = arith.extui %and3A_598 : i1 to i32
      %cond3A_600 = arith.constant 0 : i32
      %cond3A_601 = arith.cmpi ne, %convert_element_type3A_599, %cond3A_600 : i32
      scf.if %cond3A_601 {
        %slice3A = vector.extract_strided_slice %eq3A_79 {offsets = [0, 59], sizes = [2000, 1], strides = [1, 1]} : vector<2000x64xi1> to vector<2000x1xi1>
        %broadcast_in_dim3A_634 = vector.shape_cast %slice3A : vector<2000x1xi1> to vector<2000x1xi1>
        %broadcast_in_dim3A_635 = vector.broadcast %broadcast_in_dim3A_634 : vector<2000x1xi1> to vector<2000x128xi1>
        %broadcast_in_dim3A_636 = vector.broadcast %cond3A_121 : f32 to vector<2000x128xf32>
        %select_n3A = arith.select %broadcast_in_dim3A_635, %max3A_72, %broadcast_in_dim3A_636 : vector<2000x128xi1>, vector<2000x128xf32>
        %reduce_max3A_637 = arith.constant dense<0xFF800000> : vector<128xf32>
        %reduce_max3A_638 = vector.multi_reduction <maximumf>, %select_n3A, %reduce_max3A_637 [0] : vector<2000x128xf32> to vector<128xf32>
        %broadcast_in_dim3A_639 = vector.shape_cast %reduce_max3A_638 : vector<128xf32> to vector<1x128xf32>
        %get3A_640 = arith.constant 59 : index
        %get3A_641 = arith.constant 0 : index
        %get3A_642 = vector.load %arg12[%get3A_640, %get3A_641] : memref<64x128xf32, #tpu.memory_space<vmem>>, vector<1x128xf32>
        %max3A_643 = arith.maximumf %get3A_642, %broadcast_in_dim3A_639 : vector<1x128xf32>
        %swap3A_644 = arith.constant 59 : index
        %swap3A_645 = arith.constant 0 : index
        %swap3A_646 = vector.load %arg12[%swap3A_644, %swap3A_645] : memref<64x128xf32, #tpu.memory_space<vmem>>, vector<1x128xf32>
        tpu.vector_store %arg12[%swap3A_644, %swap3A_645], %max3A_643 {strides = array<i32>} : memref<64x128xf32, #tpu.memory_space<vmem>>, vector<1x128xf32>,
      } else {
      }
      %le3A_602 = arith.constant 60 : i32
      %le3A_603 = arith.cmpi sle, %reduce_min3A_108, %le3A_602 : i32
      %ge3A_604 = arith.constant 60 : i32
      %ge3A_605 = arith.cmpi sge, %reduce_max3A_112, %ge3A_604 : i32
      %and3A_606 = arith.andi %le3A_603, %ge3A_605 : i1
      %convert_element_type3A_607 = arith.extui %and3A_606 : i1 to i32
      %cond3A_608 = arith.constant 0 : i32
      %cond3A_609 = arith.cmpi ne, %convert_element_type3A_607, %cond3A_608 : i32
      scf.if %cond3A_609 {
        %slice3A = vector.extract_strided_slice %eq3A_79 {offsets = [0, 60], sizes = [2000, 1], strides = [1, 1]} : vector<2000x64xi1> to vector<2000x1xi1>
        %broadcast_in_dim3A_634 = vector.shape_cast %slice3A : vector<2000x1xi1> to vector<2000x1xi1>
        %broadcast_in_dim3A_635 = vector.broadcast %broadcast_in_dim3A_634 : vector<2000x1xi1> to vector<2000x128xi1>
        %broadcast_in_dim3A_636 = vector.broadcast %cond3A_121 : f32 to vector<2000x128xf32>
        %select_n3A = arith.select %broadcast_in_dim3A_635, %max3A_72, %broadcast_in_dim3A_636 : vector<2000x128xi1>, vector<2000x128xf32>
        %reduce_max3A_637 = arith.constant dense<0xFF800000> : vector<128xf32>
        %reduce_max3A_638 = vector.multi_reduction <maximumf>, %select_n3A, %reduce_max3A_637 [0] : vector<2000x128xf32> to vector<128xf32>
        %broadcast_in_dim3A_639 = vector.shape_cast %reduce_max3A_638 : vector<128xf32> to vector<1x128xf32>
        %get3A_640 = arith.constant 60 : index
        %get3A_641 = arith.constant 0 : index
        %get3A_642 = vector.load %arg12[%get3A_640, %get3A_641] : memref<64x128xf32, #tpu.memory_space<vmem>>, vector<1x128xf32>
        %max3A_643 = arith.maximumf %get3A_642, %broadcast_in_dim3A_639 : vector<1x128xf32>
        %swap3A_644 = arith.constant 60 : index
        %swap3A_645 = arith.constant 0 : index
        %swap3A_646 = vector.load %arg12[%swap3A_644, %swap3A_645] : memref<64x128xf32, #tpu.memory_space<vmem>>, vector<1x128xf32>
        tpu.vector_store %arg12[%swap3A_644, %swap3A_645], %max3A_643 {strides = array<i32>} : memref<64x128xf32, #tpu.memory_space<vmem>>, vector<1x128xf32>,
      } else {
      }
      %le3A_610 = arith.constant 61 : i32
      %le3A_611 = arith.cmpi sle, %reduce_min3A_108, %le3A_610 : i32
      %ge3A_612 = arith.constant 61 : i32
      %ge3A_613 = arith.cmpi sge, %reduce_max3A_112, %ge3A_612 : i32
      %and3A_614 = arith.andi %le3A_611, %ge3A_613 : i1
      %convert_element_type3A_615 = arith.extui %and3A_614 : i1 to i32
      %cond3A_616 = arith.constant 0 : i32
      %cond3A_617 = arith.cmpi ne, %convert_element_type3A_615, %cond3A_616 : i32
      scf.if %cond3A_617 {
        %slice3A = vector.extract_strided_slice %eq3A_79 {offsets = [0, 61], sizes = [2000, 1], strides = [1, 1]} : vector<2000x64xi1> to vector<2000x1xi1>
        %broadcast_in_dim3A_634 = vector.shape_cast %slice3A : vector<2000x1xi1> to vector<2000x1xi1>
        %broadcast_in_dim3A_635 = vector.broadcast %broadcast_in_dim3A_634 : vector<2000x1xi1> to vector<2000x128xi1>
        %broadcast_in_dim3A_636 = vector.broadcast %cond3A_121 : f32 to vector<2000x128xf32>
        %select_n3A = arith.select %broadcast_in_dim3A_635, %max3A_72, %broadcast_in_dim3A_636 : vector<2000x128xi1>, vector<2000x128xf32>
        %reduce_max3A_637 = arith.constant dense<0xFF800000> : vector<128xf32>
        %reduce_max3A_638 = vector.multi_reduction <maximumf>, %select_n3A, %reduce_max3A_637 [0] : vector<2000x128xf32> to vector<128xf32>
        %broadcast_in_dim3A_639 = vector.shape_cast %reduce_max3A_638 : vector<128xf32> to vector<1x128xf32>
        %get3A_640 = arith.constant 61 : index
        %get3A_641 = arith.constant 0 : index
        %get3A_642 = vector.load %arg12[%get3A_640, %get3A_641] : memref<64x128xf32, #tpu.memory_space<vmem>>, vector<1x128xf32>
        %max3A_643 = arith.maximumf %get3A_642, %broadcast_in_dim3A_639 : vector<1x128xf32>
        %swap3A_644 = arith.constant 61 : index
        %swap3A_645 = arith.constant 0 : index
        %swap3A_646 = vector.load %arg12[%swap3A_644, %swap3A_645] : memref<64x128xf32, #tpu.memory_space<vmem>>, vector<1x128xf32>
        tpu.vector_store %arg12[%swap3A_644, %swap3A_645], %max3A_643 {strides = array<i32>} : memref<64x128xf32, #tpu.memory_space<vmem>>, vector<1x128xf32>,
      } else {
      }
      %le3A_618 = arith.constant 62 : i32
      %le3A_619 = arith.cmpi sle, %reduce_min3A_108, %le3A_618 : i32
      %ge3A_620 = arith.constant 62 : i32
      %ge3A_621 = arith.cmpi sge, %reduce_max3A_112, %ge3A_620 : i32
      %and3A_622 = arith.andi %le3A_619, %ge3A_621 : i1
      %convert_element_type3A_623 = arith.extui %and3A_622 : i1 to i32
      %cond3A_624 = arith.constant 0 : i32
      %cond3A_625 = arith.cmpi ne, %convert_element_type3A_623, %cond3A_624 : i32
      scf.if %cond3A_625 {
        %slice3A = vector.extract_strided_slice %eq3A_79 {offsets = [0, 62], sizes = [2000, 1], strides = [1, 1]} : vector<2000x64xi1> to vector<2000x1xi1>
        %broadcast_in_dim3A_634 = vector.shape_cast %slice3A : vector<2000x1xi1> to vector<2000x1xi1>
        %broadcast_in_dim3A_635 = vector.broadcast %broadcast_in_dim3A_634 : vector<2000x1xi1> to vector<2000x128xi1>
        %broadcast_in_dim3A_636 = vector.broadcast %cond3A_121 : f32 to vector<2000x128xf32>
        %select_n3A = arith.select %broadcast_in_dim3A_635, %max3A_72, %broadcast_in_dim3A_636 : vector<2000x128xi1>, vector<2000x128xf32>
        %reduce_max3A_637 = arith.constant dense<0xFF800000> : vector<128xf32>
        %reduce_max3A_638 = vector.multi_reduction <maximumf>, %select_n3A, %reduce_max3A_637 [0] : vector<2000x128xf32> to vector<128xf32>
        %broadcast_in_dim3A_639 = vector.shape_cast %reduce_max3A_638 : vector<128xf32> to vector<1x128xf32>
        %get3A_640 = arith.constant 62 : index
        %get3A_641 = arith.constant 0 : index
        %get3A_642 = vector.load %arg12[%get3A_640, %get3A_641] : memref<64x128xf32, #tpu.memory_space<vmem>>, vector<1x128xf32>
        %max3A_643 = arith.maximumf %get3A_642, %broadcast_in_dim3A_639 : vector<1x128xf32>
        %swap3A_644 = arith.constant 62 : index
        %swap3A_645 = arith.constant 0 : index
        %swap3A_646 = vector.load %arg12[%swap3A_644, %swap3A_645] : memref<64x128xf32, #tpu.memory_space<vmem>>, vector<1x128xf32>
        tpu.vector_store %arg12[%swap3A_644, %swap3A_645], %max3A_643 {strides = array<i32>} : memref<64x128xf32, #tpu.memory_space<vmem>>, vector<1x128xf32>,
      } else {
      }
      %le3A_626 = arith.constant 63 : i32
      %le3A_627 = arith.cmpi sle, %reduce_min3A_108, %le3A_626 : i32
      %ge3A_628 = arith.constant 63 : i32
      %ge3A_629 = arith.cmpi sge, %reduce_max3A_112, %ge3A_628 : i32
      %and3A_630 = arith.andi %le3A_627, %ge3A_629 : i1
      %convert_element_type3A_631 = arith.extui %and3A_630 : i1 to i32
      %cond3A_632 = arith.constant 0 : i32
      %cond3A_633 = arith.cmpi ne, %convert_element_type3A_631, %cond3A_632 : i32
      scf.if %cond3A_633 {
        %slice3A = vector.extract_strided_slice %eq3A_79 {offsets = [0, 63], sizes = [2000, 1], strides = [1, 1]} : vector<2000x64xi1> to vector<2000x1xi1>
        %broadcast_in_dim3A_634 = vector.shape_cast %slice3A : vector<2000x1xi1> to vector<2000x1xi1>
        %broadcast_in_dim3A_635 = vector.broadcast %broadcast_in_dim3A_634 : vector<2000x1xi1> to vector<2000x128xi1>
        %broadcast_in_dim3A_636 = vector.broadcast %cond3A_121 : f32 to vector<2000x128xf32>
        %select_n3A = arith.select %broadcast_in_dim3A_635, %max3A_72, %broadcast_in_dim3A_636 : vector<2000x128xi1>, vector<2000x128xf32>
        %reduce_max3A_637 = arith.constant dense<0xFF800000> : vector<128xf32>
        %reduce_max3A_638 = vector.multi_reduction <maximumf>, %select_n3A, %reduce_max3A_637 [0] : vector<2000x128xf32> to vector<128xf32>
        %broadcast_in_dim3A_639 = vector.shape_cast %reduce_max3A_638 : vector<128xf32> to vector<1x128xf32>
        %get3A_640 = arith.constant 63 : index
        %get3A_641 = arith.constant 0 : index
        %get3A_642 = vector.load %arg12[%get3A_640, %get3A_641] : memref<64x128xf32, #tpu.memory_space<vmem>>, vector<1x128xf32>
        %max3A_643 = arith.maximumf %get3A_642, %broadcast_in_dim3A_639 : vector<1x128xf32>
        %swap3A_644 = arith.constant 63 : index
        %swap3A_645 = arith.constant 0 : index
        %swap3A_646 = vector.load %arg12[%swap3A_644, %swap3A_645] : memref<64x128xf32, #tpu.memory_space<vmem>>, vector<1x128xf32>
        tpu.vector_store %arg12[%swap3A_644, %swap3A_645], %max3A_643 {strides = array<i32>} : memref<64x128xf32, #tpu.memory_space<vmem>>, vector<1x128xf32>,
      } else {
      }
    } else {
    }
    return
  }
  func.func @transform_0(%arg0: i32) -> (i32, i32, i32) {
    %c0_i32 = arith.constant 0 : i32
    %c0_i32_0 = arith.constant 0 : i32
    %c0_i32_1 = arith.constant 0 : i32
    return %c0_i32, %arg0, %c0_i32_0 : i32, i32, i32
  }
  func.func @transform_1(%arg0: i32) -> (i32, i32, i32) {
    %c0_i32 = arith.constant 0 : i32
    %c0_i32_0 = arith.constant 0 : i32
    %c0_i32_1 = arith.constant 0 : i32
    return %c0_i32, %arg0, %c0_i32_0 : i32, i32, i32
  }
  func.func @transform_2(%arg0: i32) -> (i32, i32) {
    %c0_i32 = arith.constant 0 : i32
    %c0_i32_0 = arith.constant 0 : i32
    return %arg0, %c0_i32 : i32, i32
  }
  func.func @transform_3(%arg0: i32) -> (i32, i32) {
    %c0_i32 = arith.constant 0 : i32
    %c0_i32_0 = arith.constant 0 : i32
    %c0_i32_1 = arith.constant 0 : i32
    return %c0_i32, %c0_i32_0 : i32, i32
  }
  func.func @transform_4(%arg0: i32) -> (i32, i32) {
    %c0_i32 = arith.constant 0 : i32
    %c0_i32_0 = arith.constant 0 : i32
    %c0_i32_1 = arith.constant 0 : i32
    return %c0_i32, %c0_i32_0 : i32, i32
  }
  func.func @transform_5(%arg0: i32) -> i32 {
    %c0_i32 = arith.constant 0 : i32
    %c0_i32_0 = arith.constant 0 : i32
    return %c0_i32 : i32
  }
  func.func @transform_6(%arg0: i32) -> i32 {
    %c0_i32 = arith.constant 0 : i32
    %c0_i32_0 = arith.constant 0 : i32
    return %c0_i32 : i32
  }
  func.func @transform_7(%arg0: i32) -> i32 {
    %c0_i32 = arith.constant 0 : i32
    %c0_i32_0 = arith.constant 0 : i32
    return %c0_i32 : i32
  }
  func.func @transform_8(%arg0: i32) -> (i32, i32, i32) {
    %c0_i32 = arith.constant 0 : i32
    %c0_i32_0 = arith.constant 0 : i32
    %c0_i32_1 = arith.constant 0 : i32
    return %arg0, %c0_i32, %c0_i32_0 : i32, i32, i32
  }
  func.func @transform_9(%arg0: i32) -> (i32, i32) {
    %c0_i32 = arith.constant 0 : i32
    %c0_i32_0 = arith.constant 0 : i32
    return %arg0, %c0_i32 : i32, i32
  }
  func.func @transform_10(%arg0: i32) -> (i32, i32) {
    %c0_i32 = arith.constant 0 : i32
    %c0_i32_0 = arith.constant 0 : i32
    %c0_i32_1 = arith.constant 0 : i32
    return %c0_i32, %c0_i32_0 : i32, i32
  }
  func.func @transform_11(%arg0: i32) -> (i32, i32) {
    %c0_i32 = arith.constant 0 : i32
    %c0_i32_0 = arith.constant 0 : i32
    %c0_i32_1 = arith.constant 0 : i32
    return %c0_i32, %c0_i32_0 : i32, i32
  }
  func.func @transform_12(%arg0: i32) -> (i32, i32) {
    %c0_i32 = arith.constant 0 : i32
    %c0_i32_0 = arith.constant 0 : i32
    %c0_i32_1 = arith.constant 0 : i32
    return %c0_i32, %c0_i32_0 : i32, i32
  }
}

module attributes {stable_mosaic.version = 14 : i64} {
  func.func @_head_body(%arg0: memref<64x128xf32, #tpu.memory_space<vmem>>, %arg1: memref<64x128xf32, #tpu.memory_space<vmem>>, %arg2: memref<64x128xf32, #tpu.memory_space<vmem>>, %arg3: memref<256x10xf32, #tpu.memory_space<vmem>>, %arg4: memref<1x10xf32, #tpu.memory_space<vmem>>, %arg5: memref<64x10xf32, #tpu.memory_space<vmem>>) attributes {dimension_semantics = [], scalar_prefetch = 0 : i64, scratch_operands = 0 : i64, tpu.core_type = #tpu.core_type<tc>} {
    %get3A = arith.constant 0 : index
    %get3A_0 = arith.constant 0 : index
    %get3A_1 = vector.load %arg0[%get3A, %get3A_0] : memref<64x128xf32, #tpu.memory_space<vmem>>, vector<64x128xf32>
    %get3A_2 = arith.constant 0 : index
    %get3A_3 = arith.constant 0 : index
    %get3A_4 = vector.load %arg2[%get3A_2, %get3A_3] : memref<64x128xf32, #tpu.memory_space<vmem>>, vector<64x128xf32>
    %max3A = arith.constant 1.000000e+00 : f32
    %max3A_5 = vector.broadcast %max3A : f32 to vector<64x128xf32>
    %max3A_6 = arith.maximumf %get3A_4, %max3A_5 : vector<64x128xf32>
    %div3A = arith.divf %get3A_1, %max3A_6 : vector<64x128xf32>
    %get3A_7 = arith.constant 0 : index
    %get3A_8 = arith.constant 0 : index
    %get3A_9 = vector.load %arg1[%get3A_7, %get3A_8] : memref<64x128xf32, #tpu.memory_space<vmem>>, vector<64x128xf32>
    %concatenate3A = tpu.concatenate %div3A, %get3A_9 in 1 : vector<64x128xf32>, vector<64x128xf32> -> vector<64x256xf32>
    %get3A_10 = arith.constant 0 : index
    %get3A_11 = arith.constant 0 : index
    %get3A_12 = vector.load %arg3[%get3A_10, %get3A_11] : memref<256x10xf32, #tpu.memory_space<vmem>>, vector<256x10xf32>
    %dot_general3A = arith.constant dense<0.000000e+00> : vector<64x10xf32>
    %dot_general3A_13 = tpu.matmul %concatenate3A, %get3A_12, %dot_general3A {dimension_numbers = #tpu.dot_dimension_numbers<[1], [0], [0], [1], [0, 0, 1, 1], [], []>, transpose_lhs_hint = false} : vector<64x256xf32>, vector<256x10xf32>, vector<64x10xf32> -> vector<64x10xf32>
    %get3A_14 = arith.constant 0 : index
    %get3A_15 = arith.constant 0 : index
    %get3A_16 = vector.load %arg4[%get3A_14, %get3A_15] : memref<1x10xf32, #tpu.memory_space<vmem>>, vector<1x10xf32>
    %add3A = vector.broadcast %get3A_16 : vector<1x10xf32> to vector<64x10xf32>
    %add3A_17 = arith.addf %dot_general3A_13, %add3A : vector<64x10xf32>
    %swap3A = arith.constant 0 : index
    %swap3A_18 = arith.constant 0 : index
    %swap3A_19 = vector.load %arg5[%swap3A, %swap3A_18] : memref<64x10xf32, #tpu.memory_space<vmem>>, vector<64x10xf32>
    tpu.vector_store %arg5[%swap3A, %swap3A_18], %add3A_17 {strides = array<i32>} : memref<64x10xf32, #tpu.memory_space<vmem>>, vector<64x10xf32>,
    return
  }
}

</mosaic_0001>

<sc_bundles>
// kernel: kernel.12.cloned.1.call-start
scs
__scs_entry_jumppad:
0x0: {  	(pc) =	sbr.rel $0x88, $3  }
0x1: {  	(tag) =	ssettag $0x0;
	lr =	simm.s32 $0x1  }
0x2: {  	[smem:$0x3F8F] =	sst lr;
	_ =	strace $0xD0000000  }
0x3: {  	_ = 	snop  }
0x4: {  	_ = 	snop  }
0x5: {  	_ = 	snop  }
0x6: {  	_ = 	snop  }
0x7: {  	_ = 	snop  }
__scs_overlays_trampoline_lowered:
0x8: {  	[smem:$0x3F9E] =	sst s0  }
0x9: {  	[smem:$0x3F9F] =	sst s1  }
0xa: {  	[smem:$0x3FA0] =	sst s2  }
0xb: {  	[smem:$0x3FA1] =	sst s3  }
0xc: {  	[smem:$0x3FA2] =	sst s4  }
0xd: {  	[smem:$0x3FA3] =	sst s5  }
0xe: {  	[smem:$0x3FA4] =	sst s6  }
0xf: {  	[smem:$0x3FA5] =	sst s7  }
0x10: {  	[smem:$0x3FA6] =	sst s8  }
0x11: {  	[smem:$0x3FA7] =	sst s9;
	s0 =	simm.s32 @!p0 $0x0  }
0x12: {  	s1 =	sld [smem:$0x3F8D];
	s0 =	simm.s32 @p0 $0x1  }
0x13: {  	[smem:$0x3FA8] =	sst s0;
	s0 =	simm.s32 @!p1 $0x0  }
0x14: {  	s2 =	sld [smem:$0x3F8C];
	s0 =	simm.s32 @p1 $0x1  }
0x15: {  	[smem:$0x3FA9] =	sst s0;
	s0 =	simm.s32 @!p2 $0x0  }
0x16: {  	s3 =	sld [smem:$0x3FDB];
	s0 =	simm.s32 @p2 $0x1  }
0x17: {  	s4 =	simm.s32 $0x1BF5;
	[smem:$0x3FAB] =	sst s0  }
0x18: {  	s0 =	sld [smem:$0x3F8E];
	_ =	swait.ge [sflag:s4], $0x0  }
0x19: {  	s7 =	sld [smem:$0x3F8F]  }
0x1a: {  	s8 =	sadd.s32 $0xFFFFE003, lr  }
0x1b: {  	s9 =	sadd.s32 $0xFFFFFEF7, lr;
	s5 =	simm.s32 $0xFFFFFFFF;
	p2 =	slt.u32 s8, $0xFFFFF086  }
0x1c: {  	p1 =	slt.u32 s9, $0xF7A;
	s5 =	simm.s32 @!p2 $0x0  }
0x1d: {  	s5 =	simm.s32 @p1 $0x1;
	p0 =	seq.s32 s7, s2  }
0x1e: {  	s7 =	smul.u32 @!p0 $0xF7A, s2;
	p2 =	seq.s32 @!p0 s5, $0x0  }
0x1f: {  	s9 =	smul.u32 $0xF7A, s1;
	s8 =	simm.s32 @!p0 $0x1BF5;
	p2 =	por !p2, p0  }
0x20: {  	[sflag:s8] =	ssyncset.s32 @!p0 $0xFFFFF086;
	s6 =	sadd.s32 @!p0 s3, s7;
	s7 =	simm.s32 @!p0 $0x108  }
0x21: {  	s3 =	sadd.s32 s3, s9;
	s6 =	sadd.s32 @!p0 $0x88, s6;
	s7 =	simm.s32 @p2 $0x1082  }
0x22: {  	[simem:s7], [sflag:s8] =	dma.local @!p0 [hbm:s6], $0xF7A  }
0x23: {  	s9 =	sor.u32 $0xD0000000, s2;
	s6 =	simm.s32 $0x108;
	_ =	swait.ge @!p0 [sflag:s8], $0x0  }
0x24: {  	s3 =	sadd.s32 $0x88, s3;
	s6 =	simm.s32 @!p1 $0x1082;
	[sflag:s4] =	ssyncset.s32 $0xFFFFF086  }
0x25: {  	[simem:s6], [sflag:s4] =	dma.local [hbm:s3], $0xF7A  }
0x26: {  	[smem:$0x3F8F] =	sst s1;
	(tag) =	ssettag s2;
	_ =	strace s9  }
0x27: {  	s1 =	sld [smem:$0x3F9F]  }
0x28: {  	s2 =	sld [smem:$0x3FA0]  }
0x29: {  	s4 =	sld [smem:$0x3FA2]  }
0x2a: {  	p0 =	seq.s32 s5, $0x0;
	s5 =	sld [smem:$0x3FA3]  }
0x2b: {  	s6 =	sld [smem:$0x3FA4]  }
0x2c: {  	s7 =	sld [smem:$0x3FA5]  }
0x2d: {  	s3 =	simm.s32 $0x108;
	s8 =	sld [smem:$0x3FA6]  }
0x2e: {  	s3 =	simm.s32 @!p0 $0x1082;
	s9 =	sld [smem:$0x3FA7]  }
0x2f: {  	lr =	sadd.s32 s0, s3;
	s0 =	sld [smem:$0x3F9E]  }
0x30: {  	s3 =	sld [smem:$0x3FA1]  }
0x31: {  	[smem:$0x3FAA] =	sst s10  }
0x32: {  	s10 =	sld [smem:$0x3FA8];
	_ =	sdelay $0x3  }
0x33: {  	p0 =	seq.s32 s10, $0x1;
	s10 =	sld [smem:$0x3FAA];
	_ =	sdelay $0x3  }
0x34: {  	[smem:$0x3FAA] =	sst s10  }
0x35: {  	s10 =	sld [smem:$0x3FA9];
	_ =	sdelay $0x3  }
0x36: {  	p1 =	seq.s32 s10, $0x1;
	s10 =	sld [smem:$0x3FAA];
	_ =	sdelay $0x3  }
0x37: {  	[smem:$0x3FAA] =	sst s10  }
0x38: {  	s10 =	sld [smem:$0x3FAB]  }
0x39: {  	_ = 	snop;
	(pc) =	sbr.ind lr, $3  }
0x3a: {  	_ = 	snop  }
0x3b: {  	_ = 	snop  }
0x3c: {  	p2 =	seq.s32 s10, $0x1;
	s10 =	sld [smem:$0x3FAA]  }
0x3d: {  	_ =	shalt  }
0x3e: {  	_ =	shalt  }
0x3f: {  	_ =	shalt  }
0x40: {  	_ =	shalt  }
0x41: {  	_ =	shalt  }
0x42: {  	_ =	shalt  }
0x43: {  	_ =	shalt  }
0x44: {  	_ =	shalt  }
0x45: {  	_ =	shalt  }
0x46: {  	_ =	shalt  }
0x47: {  	_ =	shalt  }
0x48: {  	_ =	shalt  }
0x49: {  	_ =	shalt  }
0x4a: {  	_ =	shalt  }
0x4b: {  	_ =	shalt  }
0x4c: {  	_ =	shalt  }
0x4d: {  	_ =	shalt  }
0x4e: {  	_ =	shalt  }
0x4f: {  	_ =	shalt  }
0x50: {  	_ =	shalt  }
0x51: {  	_ =	shalt  }
0x52: {  	_ =	shalt  }
0x53: {  	_ =	shalt  }
0x54: {  	_ =	shalt  }
0x55: {  	_ =	shalt  }
0x56: {  	_ =	shalt  }
0x57: {  	_ =	shalt  }
0x58: {  	_ =	shalt  }
0x59: {  	_ =	shalt  }
0x5a: {  	_ =	shalt  }
0x5b: {  	_ =	shalt  }
0x5c: {  	_ =	shalt  }
0x5d: {  	_ =	shalt  }
0x5e: {  	_ =	shalt  }
0x5f: {  	_ =	shalt  }
0x60: {  	_ =	shalt  }
0x61: {  	_ =	shalt  }
0x62: {  	_ =	shalt  }
0x63: {  	_ =	shalt  }
0x64: {  	_ =	shalt  }
0x65: {  	_ =	shalt  }
0x66: {  	_ =	shalt  }
0x67: {  	_ =	shalt  }
0x68: {  	_ =	shalt  }
0x69: {  	_ =	shalt  }
0x6a: {  	_ =	shalt  }
0x6b: {  	_ =	shalt  }
0x6c: {  	_ =	shalt  }
0x6d: {  	_ =	shalt  }
0x6e: {  	_ =	shalt  }
0x6f: {  	_ =	shalt  }
0x70: {  	_ =	shalt  }
0x71: {  	_ =	shalt  }
0x72: {  	_ =	shalt  }
0x73: {  	_ =	shalt  }
0x74: {  	_ =	shalt  }
0x75: {  	_ =	shalt  }
0x76: {  	_ =	shalt  }
0x77: {  	_ =	shalt  }
0x78: {  	_ =	shalt  }
0x79: {  	_ =	shalt  }
0x7a: {  	_ =	shalt  }
0x7b: {  	_ =	shalt  }
0x7c: {  	_ =	shalt  }
0x7d: {  	_ =	shalt  }
0x7e: {  	_ =	shalt  }
0x7f: {  	_ =	shalt  }
0x80: {  	_ =	shalt  }
0x81: {  	_ =	shalt  }
0x82: {  	_ =	shalt  }
0x83: {  	_ =	shalt  }
0x84: {  	_ =	shalt  }
0x85: {  	_ =	shalt  }
0x86: {  	_ =	shalt  }
0x87: {  	_ =	shalt  }
.Lfunc_end0:
.L_simem_size_0:
called_computation.1_lowered:
.L_overlay_start_0:
0x88: {  	s2 =	sld [smem:$0x3FD9]  }
0x89: {  	s3 =	sld [smem:$0x3FFE];
	_ =	sdelay $0x1  }
0x8a: {  	s1 =	srdreg.scid  }
0x8b: {  	s0 =	sand.u32 $0x1, s1  }
0x8c: {  	s16 =	sshll.u32 s0, $0xA;
	s2 =	sadd.s32 s3, s2  }
0x8d: {  	s2 =	sadd.s32 s2, s16  }
0x8e: {  	[smem:$0x3FB6] =	sst s2  }
0x8f: {  	_ = 	snop  }
0x90: {  	(tm) =	ssettm $0x1  }
0x91: {  	s17 =	sld [smem:$0x3FFB];
	_ =	sdelay $0x3  }
0x92: {  	_ =	strace s17  }
0x93: {  	s2 =	sld [smem:$0x3FFC];
	_ =	sdelay $0x3  }
0x94: {  	_ =	strace s2  }
0x95: {  	s2 =	sld [smem:$0x3FFD];
	_ =	sdelay $0x3  }
0x96: {  	_ =	strace s2  }
0x97: {  	_ =	strace $0x8FFFFFFF  }
0x98: {  	s18 =	sld [smem:$0x3FDB];
	_ =	sdelay $0x1  }
0x99: {  	s19 =	simm.s32 $_scs_section_size  }
0x9a: {  	s4 =	simm.s32 $_size__tile_overlayer_lowered;
	s5 =	simm.s32 $_tile_overlayer_lowered  }
0x9b: {  	s22 =	simm.s32 $0x1BFF;
	s21 =	sshll.u32 s5, $0x1;
	s2 =	sadd.s32 s19, s18  }
0x9c: {  	s6 =	simm.s32 $0x0;
	s20 =	sshll.u32 s4, $0x1;
	s4 =	sadd.s32 s21, s2  }
0x9d: {  	[timem:s6], [sflag:s22] =	dma.local [hbm:s4], s20  }
0x9e: {  	_ =	swait.ge [sflag:s22], s20  }
0x9f: {  	s3 =	ssub.s32 $0x0, s20;
	[sflag:s22] =	ssyncset.done $0x0  }
0xa0: {  	[sflag:s22] =	ssyncadd.s32 s3;
	_ =	sdelay $0x1  }
0xa1: {  	s23 =	simm.s32 $0x1B8B  }
0xa2: {  	_ =	swait.ge [sflag:s23], $0x1  }
0xa3: {  	[sflag:s23] =	ssyncset.done $0x0  }
0xa4: {  	s25 =	simm.s32 $0x1B8E;
	s24 =	sld [smem:$0x3FFE];
	[sflag:s23] =	ssyncadd.s32 $0xFFFFFFFF  }
0xa5: {  	s26 =	simm.s32 $execute0_lowered;
	[smem:$0x3FD2] =	sst s25  }
0xa6: {  	s4 =	sshll.u32 s26, $0x1;
	_ =	strace $0x80000046;
	[dreg:$0x1] =	wrdreg $0xFFFFFFFF  }
0xa7: {  	s28 =	simm.s32 $_size_execute0_lowered;
	s2 =	sadd.s32 s2, s4;
	[dreg:$0x0] =	wrdreg $0x0  }
0xa8: {  	s4 =	sshll.u32 s28, $0x1;
	[dreg:$0x2] =	wrdreg s2  }
0xa9: {  	[dreg:$0x3] =	wrdreg s4  }
0xaa: {  	[dreg:$0x4] =	wrdreg $0xC0  }
0xab: {  	_ =	task [dreg:s6], $0x5FFFF  }
0xac: {  	[dreg:$0x1] =	wrdreg $0xFFFFFFFF  }
0xad: {  	[dreg:$0x0] =	wrdreg $0x60  }
0xae: {  	[dreg:$0x2] =	wrdreg s24  }
0xaf: {  	[dreg:$0x3] =	wrdreg $0x0  }
0xb0: {  	[dreg:$0x4] =	wrdreg $0xA  }
0xb1: {  	_ =	task.clear_ibuf [dreg:s6], $0x5FFFF;
	_ =	strace $0x90000046  }
0xb2: {  	s29 =	simm.s32 $0xA;
	_ =	strace $0x80000048  }
0xb3: {  	_ =	swait.ge [sflag:s29], $0x1  }
0xb4: {  	[sflag:s29] =	ssyncadd.s32 $0xFFFFFFFF  }
0xb5: {  	_ =	strace $0x90000048  }
0xb6: {  	_ =	sfence  }
0xb7: {  	s30 =	sld [smem:$0x0];
	_ =	sdelay $0x2  }
0xb8: {  	s31 =	sshll.u32 s1, $0xD;
	s1 =	sshrl.u32 s1, $0x2  }
0xb9: {  	s3 =	sand.u32 $0x4000, s31;
	s1 =	sadd.s32 s1, s30  }
0xba: {  	s0 =	sor.u32 s3, s0;
	s1 =	sshll.u32 s1, $0x11  }
0xbb: {  	s0 =	sor.u32 s1, s0  }
0xbc: {  	s0 =	sadd.s32 $0x8F2B, s0  }
0xbd: {  	[sflag:s0] =	ssyncadd.remote.s32 $0x1  }
0xbe: {  	_ =	sfence.sel $0xFFFF  }
0xbf: {  	[dreg:$0x0] =	wrdreg $0xFFFFFFFF;
	(pc) =	sbr.abs _section_cstart, $3  }
0xc0: {  	[dreg:$0x1] =	wrdreg $0xFFFFFFFF  }
0xc1: {  	_ =	task.clear_ibuf [dreg:s6], $0x2FFFF;
	_ =	strace $0x9FFFFFFF  }
0xc2: {  	(tm) =	ssettm $0x7FFFFFFF  }
0xc3: {  	_ =	shalt  }
tec
execute0_lowered:
.L_overlay_start_1:
0x0: {  	(tag) =	ssettag $0x1  }
0x1: {  	s0 =	rddreg [dreg:$0x0];
	s2 =	srdreg.scid  }
0x2: {  	s12 =	stileid.u32;
	s1 =	rddreg [dreg:$0x1];
	s17 =	simm.s32 $0x50  }
0x3: {  	s18 =	simm.s32 $0x18780;
	s20 =	simm.s32 $0x1AF80;
	s29 =	simm.s32 $0x5  }
0x4: {  	s31 =	simm.s32 $0x3;
	s19 =	simm.s32 $0x6;
	s28 =	simm.s32 $0x0  }
0x5: {  	s5 =	sand.u32 $0x1, s2;
	s3 =	sshll.u32 s12, $0x1;
	s7 =	smul.u32 $0x13800, s12  }
0x6: {  	s2 =	simm.s32 $0x0;
	s10 =	smul.u32 $0x4E000, s12;
	s11 =	sadd.s32 $0x65400, s0  }
0x7: {  	s16 =	sadd.s32 $0x138000, s1;
	p0 =	sne.s32 s12, $0x0;
	s30 =	sshll.u32 s12, $0x6  }
0x8: {  	s12 =	simm.s32 $0x7;
	s3 =	sor.u32 s5, s3;
	[smem:$0x7FF] =	sst s2  }
0x9: {  	s21 =	ssub.s32 $0x2, s5;
	s23 =	smul.u32 $0x138800, s5;
	s14 =	sor.u32 $0x1C07, s30  }
0xa: {  	s16 =	sshrl.u32 @!p0 s16, $0x3;
	s4 =	smul.u32 $0x4E2, s3;
	_ =	strace $0x80000047  }
0xb: {  	s3 =	sadd.s32 $0x17000, s0;
	s8 =	sshrl.u32 s7, $0x3;
	s9 =	sshrl.u32 s21, $0x1  }
0xc: {  	s22 =	sshrl.u32 s10, $0x2;
	s8 =	sadd.s32 s8, s0;
	s13 =	ssub.s32 s21, s9  }
0xd: {  	s15 =	sadd.s32 s22, s1;
	s24 =	sadd.s32 s7, s23;
	s25 =	sshrl.u32 s23, $0x3  }
0xe: {  	s7 =	sadd.s32 $0x65200, s0;
	s22 =	simm.s32 $0x1D780;
	s23 =	simm.s32 $0x1  }
0xf: {  	s6 =	sadd.s32 s4, s0;
	s26 =	sshrl.u32 s24, $0x3;
	s9 =	sadd.s32 s11, s25  }
0x10: {  	s10 =	smax.u32 s13, $0x1;
	s13 =	simm.s32 $0x16000;
	s15 =	sshrl.u32 s15, $0x3  }
0x11: {  	s24 =	simm.s32 $0x4;
	s25 =	simm.s32 $0x186C0;
	s4 =	sadd.s32 $0xD200, s6  }
0x12: {  	s5 =	sadd.s32 $0x3400, s6;
	s6 =	sadd.s32 $0x3E200, s8;
	s8 =	sadd.s32 s11, s26  }
0x13: {  	s9 =	sadd.s32 $0x27000, s9;
	s11 =	simm.s32 $0x13880;
	s26 =	simm.s32 $0x2  }
.LBB2_1:
0x14: {  	[tilespmem:s11], [sflag:$0x7] =	stream.linear.gather [hbm4b:s4+s2], $0x2710, $0x38;
	[tilespmem:$0x1FF80] =	vst v63  }
0x15: {  	_ =	swait.ge [sflag:s12], $0x2710  }
0x16: {  	[sflag:s12] =	ssyncset.done $0x0  }
0x17: {  	[sflag:s12] =	ssyncadd.s32 $0xFFFFD8F0  }
0x18: {  	[tilespmem:s13], [sflag:$0x7] =	stream.linear.gather [hbm4b:s5+s2], $0x2710, $0x38;
	[tilespmem:$0x1FF80] =	vst v63  }
0x19: {  	_ =	swait.ge [sflag:s12], $0x2710  }
0x1a: {  	[sflag:s12] =	ssyncset.done $0x0  }
0x1b: {  	[sflag:s12] =	ssyncadd.s32 $0xFFFFD8F0  }
0x1c: {  	[spmem:s15], [sflag:s14] =	dma.local [hbm:s6], $0x2700  }
0x1d: {  	_ =	swait.ge [sflag:s12], $0x2700  }
0x1e: {  	[sflag:s12] =	ssyncset.done $0x0  }
0x1f: {  	s0 =	simm.s32 @!p0 $0x7;
	[sflag:s12] =	ssyncadd.s32 $0xFFFFD900  }
0x20: {  	[spmem:s16], [sflag:s14] =	dma.local @!p0 [hbm:s7], $0x100  }
0x21: {  	_ =	swait.ge @!p0 [sflag:s0], $0x100  }
0x22: {  	[sflag:s0] =	ssyncset.done @!p0 $0x0  }
0x23: {  	[sflag:s0] =	ssyncadd.s32 @!p0 $0xFFFFFF00  }
0x24: {  	[bflag:$0x0] =	sbarrier.arrive $0xFFFF  }
0x25: {  	[tilespmem:s18], [sflag:$0x1] =	stream.indirect.gather [hbm4b:s3+s17], $0x80, s11, s17, $0xb8;
	[tilespmem:$0x1FF80] =	vst v63  }
0x26: {  	s21 =	simm.s32 $0x138D0  }
0x27: {  	[tilespmem:s20], [sflag:$0x2] =	stream.indirect.gather [hbm4b:s3+s17], $0x80, s21, s17, $0xb8;
	[tilespmem:$0x1FF80] =	vst v63  }
0x28: {  	s21 =	simm.s32 $0x13920  }
0x29: {  	[tilespmem:s22], [sflag:$0x3] =	stream.indirect.gather [hbm4b:s3+s17], $0x80, s21, s17, $0xb8;
	[tilespmem:$0x1FF80] =	vst v63  }
0x2a: {  	_ =	swait.ge [sflag:s23], $0x2800  }
0x2b: {  	[sflag:s23] =	ssyncset.done $0x0  }
0x2c: {  	[sflag:s23] =	ssyncadd.s32 $0xFFFFD800  }
0x2d: {  	[spmem:s1] =	stream.indirect.scatter.add.f32 [tilespmem:s18], [sflag:$0x4], $0x80, s13, s17, $0xb8;
	[tilespmem:$0x1FF80] =	vst v63  }
0x2e: {  	_ =	swait.ge [sflag:s24], $0x2800  }
0x2f: {  	[sflag:s24] =	ssyncset.done $0x0  }
0x30: {  	s21 =	simm.s32 $0x13970;
	[sflag:s24] =	ssyncadd.s32 $0xFFFFD800  }
0x31: {  	[tilespmem:s18], [sflag:$0x1] =	stream.indirect.gather [hbm4b:s3+s17], $0x80, s21, s17, $0xb8;
	[tilespmem:$0x1FF80] =	vst v63  }
0x32: {  	_ =	swait.ge [sflag:s26], $0x2800  }
0x33: {  	[sflag:s26] =	ssyncset.done $0x0  }
0x34: {  	s21 =	simm.s32 $0x16050;
	[sflag:s26] =	ssyncadd.s32 $0xFFFFD800  }
0x35: {  	[spmem:s1] =	stream.indirect.scatter.add.f32 [tilespmem:s20], [sflag:$0x5], $0x80, s21, s17, $0xb8;
	[tilespmem:$0x1FF80] =	vst v63  }
0x36: {  	_ =	swait.ge [sflag:s29], $0x2800  }
0x37: {  	[sflag:s29] =	ssyncset.done $0x0  }
0x38: {  	s21 =	simm.s32 $0x139C0;
	[sflag:s29] =	ssyncadd.s32 $0xFFFFD800  }
0x39: {  	[tilespmem:s20], [sflag:$0x2] =	stream.indirect.gather [hbm4b:s3+s17], $0x80, s21, s17, $0xb8;
	[tilespmem:$0x1FF80] =	vst v63  }
0x3a: {  	_ =	swait.ge [sflag:s31], $0x2800  }
0x3b: {  	[sflag:s31] =	ssyncset.done $0x0  }
0x3c: {  	s21 =	simm.s32 $0x160A0;
	[sflag:s31] =	ssyncadd.s32 $0xFFFFD800  }
0x3d: {  	[spmem:s1] =	stream.indirect.scatter.add.f32 [tilespmem:s22], [sflag:$0x6], $0x80, s21, s17, $0xb8;
	[tilespmem:$0x1FF80] =	vst v63  }
0x3e: {  	_ =	swait.ge [sflag:s19], $0x2800  }
0x3f: {  	[sflag:s19] =	ssyncset.done $0x0  }
0x40: {  	s21 =	simm.s32 $0x13A10;
	[sflag:s19] =	ssyncadd.s32 $0xFFFFD800  }
0x41: {  	[tilespmem:s22], [sflag:$0x3] =	stream.indirect.gather [hbm4b:s3+s17], $0x80, s21, s17, $0xb8;
	[tilespmem:$0x1FF80] =	vst v63  }
0x42: {  	_ =	swait.ge [sflag:s23], $0x2800  }
0x43: {  	[sflag:s23] =	ssyncset.done $0x0  }
0x44: {  	s21 =	simm.s32 $0x160F0;
	[sflag:s23] =	ssyncadd.s32 $0xFFFFD800  }
0x45: {  	[spmem:s1] =	stream.indirect.scatter.add.f32 [tilespmem:s18], [sflag:$0x4], $0x80, s21, s17, $0xb8;
	[tilespmem:$0x1FF80] =	vst v63  }
0x46: {  	_ =	swait.ge [sflag:s24], $0x2800  }
0x47: {  	[sflag:s24] =	ssyncset.done $0x0  }
0x48: {  	s21 =	simm.s32 $0x13A60;
	[sflag:s24] =	ssyncadd.s32 $0xFFFFD800  }
0x49: {  	[tilespmem:s18], [sflag:$0x1] =	stream.indirect.gather [hbm4b:s3+s17], $0x80, s21, s17, $0xb8;
	[tilespmem:$0x1FF80] =	vst v63  }
0x4a: {  	_ =	swait.ge [sflag:s26], $0x2800  }
0x4b: {  	[sflag:s26] =	ssyncset.done $0x0  }
0x4c: {  	s21 =	simm.s32 $0x16140;
	[sflag:s26] =	ssyncadd.s32 $0xFFFFD800  }
0x4d: {  	[spmem:s1] =	stream.indirect.scatter.add.f32 [tilespmem:s20], [sflag:$0x5], $0x80, s21, s17, $0xb8;
	[tilespmem:$0x1FF80] =	vst v63  }
0x4e: {  	_ =	swait.ge [sflag:s29], $0x2800  }
0x4f: {  	[sflag:s29] =	ssyncset.done $0x0  }
0x50: {  	s21 =	simm.s32 $0x13AB0;
	[sflag:s29] =	ssyncadd.s32 $0xFFFFD800  }
0x51: {  	[tilespmem:s20], [sflag:$0x2] =	stream.indirect.gather [hbm4b:s3+s17], $0x80, s21, s17, $0xb8;
	[tilespmem:$0x1FF80] =	vst v63  }
0x52: {  	_ =	swait.ge [sflag:s31], $0x2800  }
0x53: {  	[sflag:s31] =	ssyncset.done $0x0  }
0x54: {  	s30 =	simm.s32 $0x3C0;
	s0 =	simm.s32 $0x16190;
	[sflag:s31] =	ssyncadd.s32 $0xFFFFD800  }
.LBB2_2:
0x55: {  	[spmem:s1] =	stream.indirect.scatter.add.f32 [tilespmem:s22], [sflag:$0x6], $0x80, s0, s17, $0xb8;
	[tilespmem:$0x1FF80] =	vst v63  }
0x56: {  	s0 =	smov.u32 s30  }
0x57: {  	p1 =	sne.s32 s30, $0x9240;
	s30 =	sadd.s32 $0x3C0, s30;
	_ =	swait.ge [sflag:s19], $0x2800  }
0x58: {  	s0 =	sshra.s32 s0, $0x2;
	[sflag:s19] =	ssyncset.done $0x0  }
0x59: {  	s21 =	sadd.s32 $0x13A10, s0;
	[sflag:s19] =	ssyncadd.s32 $0xFFFFD800  }
0x5a: {  	[tilespmem:s22], [sflag:$0x3] =	stream.indirect.gather [hbm4b:s3+s17], $0x80, s21, s17, $0xb8;
	[tilespmem:$0x1FF80] =	vst v63  }
0x5b: {  	_ =	swait.ge [sflag:s23], $0x2800  }
0x5c: {  	[sflag:s23] =	ssyncset.done $0x0  }
0x5d: {  	s21 =	sadd.s32 $0x160F0, s0;
	[sflag:s23] =	ssyncadd.s32 $0xFFFFD800  }
0x5e: {  	[spmem:s1] =	stream.indirect.scatter.add.f32 [tilespmem:s18], [sflag:$0x4], $0x80, s21, s17, $0xb8;
	[tilespmem:$0x1FF80] =	vst v63  }
0x5f: {  	_ =	swait.ge [sflag:s24], $0x2800  }
0x60: {  	[sflag:s24] =	ssyncset.done $0x0  }
0x61: {  	s21 =	sadd.s32 $0x13A60, s0;
	[sflag:s24] =	ssyncadd.s32 $0xFFFFD800  }
0x62: {  	[tilespmem:s18], [sflag:$0x1] =	stream.indirect.gather [hbm4b:s3+s17], $0x80, s21, s17, $0xb8;
	[tilespmem:$0x1FF80] =	vst v63  }
0x63: {  	_ =	swait.ge [sflag:s26], $0x2800  }
0x64: {  	[sflag:s26] =	ssyncset.done $0x0  }
0x65: {  	s21 =	sadd.s32 $0x16140, s0;
	[sflag:s26] =	ssyncadd.s32 $0xFFFFD800  }
0x66: {  	[spmem:s1] =	stream.indirect.scatter.add.f32 [tilespmem:s20], [sflag:$0x5], $0x80, s21, s17, $0xb8;
	[tilespmem:$0x1FF80] =	vst v63  }
0x67: {  	_ =	swait.ge [sflag:s29], $0x2800  }
0x68: {  	[sflag:s29] =	ssyncset.done $0x0  }
.Ltmp0:
0x69: {  	s21 =	sadd.s32 $0x13AB0, s0;
	[sflag:s29] =	ssyncadd.s32 $0xFFFFD800;
	(pc) =	sbr.rel @p1 .LBB2_2-.Ltmp0, $4  }
0x6a: {  	[tilespmem:s20], [sflag:$0x2] =	stream.indirect.gather [hbm4b:s3+s17], $0x80, s21, s17, $0xb8;
	[tilespmem:$0x1FF80] =	vst v63  }
0x6b: {  	_ =	swait.ge [sflag:s31], $0x2800  }
0x6c: {  	[sflag:s31] =	ssyncset.done $0x0  }
0x6d: {  	s0 =	sadd.s32 $0x16190, s0;
	[sflag:s31] =	ssyncadd.s32 $0xFFFFD800  }
0x6e: {  	[spmem:s1] =	stream.indirect.scatter.add.f32 [tilespmem:s22], [sflag:$0x6], $0x80, s0, s17, $0xb8;
	[tilespmem:$0x1FF80] =	vst v63  }
0x6f: {  	_ =	swait.ge [sflag:s23], $0x2800  }
0x70: {  	[sflag:s23] =	ssyncset.done $0x0  }
0x71: {  	s30 =	simm.s32 $0x18670;
	[sflag:s23] =	ssyncadd.s32 $0xFFFFD800  }
0x72: {  	[spmem:s1] =	stream.indirect.scatter.add.f32 [tilespmem:s18], [sflag:$0x4], $0x80, s30, s17, $0xb8;
	[tilespmem:$0x1FF80] =	vst v63  }
0x73: {  	_ =	swait.ge [sflag:s26], $0x2800  }
0x74: {  	[sflag:s26] =	ssyncset.done $0x0  }
0x75: {  	[sflag:s26] =	ssyncadd.s32 $0xFFFFD800  }
0x76: {  	[spmem:s1] =	stream.indirect.scatter.add.f32 [tilespmem:s20], [sflag:$0x5], $0x80, s25, s17, $0xb8;
	[tilespmem:$0x1FF80] =	vst v63  }
0x77: {  	_ =	swait.ge [sflag:s24], $0x2800  }
0x78: {  	[sflag:s24] =	ssyncset.done $0x0  }
0x79: {  	[sflag:s24] =	ssyncadd.s32 $0xFFFFD800  }
0x7a: {  	_ =	swait.ge [sflag:s29], $0x2800  }
0x7b: {  	[sflag:s29] =	ssyncset.done $0x0  }
0x7c: {  	[sflag:s29] =	ssyncadd.s32 $0xFFFFD800  }
0x7d: {  	_ =	swait.ge [sflag:s19], $0x2800  }
0x7e: {  	[sflag:s19] =	ssyncset.done $0x0  }
0x7f: {  	[sflag:s19] =	ssyncadd.s32 $0xFFFFD800  }
0x80: {  	[bflag:$0x0] =	sbarrier.arrive $0xFFFF  }
0x81: {  	[hbm:s8], [sflag:s14] =	dma.local [spmem:s15], $0x2700  }
0x82: {  	s28 =	sadd.s32 $0x1, s28;
	_ =	swait.ge [sflag:s12], $0x2700  }
0x83: {  	p1 =	sne.s32 s28, s10;
	[sflag:s12] =	ssyncset.done $0x0  }
.Ltmp1:
0x84: {  	s0 =	simm.s32 @!p0 $0x7;
	[sflag:s12] =	ssyncadd.s32 $0xFFFFD900;
	(pc) =	sbr.rel @p1 .LBB2_1-.Ltmp1, $4  }
0x85: {  	[hbm:s9], [sflag:s14] =	dma.local @!p0 [spmem:s16], $0x100  }
0x86: {  	_ =	swait.ge @!p0 [sflag:s0], $0x100  }
0x87: {  	[sflag:s0] =	ssyncset.done @!p0 $0x0  }
0x88: {  	[sflag:s0] =	ssyncadd.s32 @!p0 $0xFFFFFF00  }
0x89: {  	_ =	sfence.sel $0x180000  }
0x8a: {  	[bflag:$0x0] =	sbarrier.arrive $0xFFFF  }
0x8b: {  	_ =	strace $0x90000047  }
0x8c: {  	[bflag:$0x2] =	sbarrier.arrive $0xFFFF  }
0x8d: {  	s0 =	rddreg [dreg:$0x2]  }
0x8e: {  	s0 =	sadd.s32 @!p0 $0x100000, s0  }
0x8f: {  	[sflag:s0] =	ssyncadd.tile.s32 @!p0 $0x1;
	_ =	shalt  }
.Lfunc_end2:
_tile_overlayer_lowered:
.L_overlay_start_2:
0x90: {  	(tag) =	ssettag $0x2  }
0x91: {  	s0 =	rddreg [dreg:$0x0];
	s2 =	stileid.u32  }
0x92: {  	s1 =	rddreg [dreg:$0x1];
	p0 =	sne.s32 s2, $0x0  }
0x93: {  	s3 =	rddreg [dreg:$0x2];
	[bflag:$0x3] =	sbarrier.arrive $0xFFFF;
	s2 =	simm.s32 @!p0 $0x1C07  }
0x94: {  	[timem:s3], [sflag:s2] =	dma.local @!p0 [hbm:s0], s1  }
0x95: {  	s0 =	simm.s32 @!p0 $0x7  }
0x96: {  	_ =	swait.ge @!p0 [sflag:s0], s1  }
0x97: {  	s1 =	ssub.s32 @!p0 $0x0, s1;
	[sflag:s0] =	ssyncset.done @!p0 $0x0  }
0x98: {  	[sflag:s0] =	ssyncadd.s32 @!p0 s1  }
0x99: {  	[bflag:$0x3] =	sbarrier.arrive $0xFFFF  }
0x9a: {  	_ =	shalt  }

// kernel: kernel.15.cloned.1.call-start
scs
__scs_entry_jumppad:
0x0: {  	(pc) =	sbr.rel $0x88, $3  }
0x1: {  	(tag) =	ssettag $0x0;
	lr =	simm.s32 $0x1  }
0x2: {  	[smem:$0x3F8F] =	sst lr;
	_ =	strace $0xD0000000  }
0x3: {  	_ = 	snop  }
0x4: {  	_ = 	snop  }
0x5: {  	_ = 	snop  }
0x6: {  	_ = 	snop  }
0x7: {  	_ = 	snop  }
__scs_overlays_trampoline_lowered:
0x8: {  	[smem:$0x3F9E] =	sst s0  }
0x9: {  	[smem:$0x3F9F] =	sst s1  }
0xa: {  	[smem:$0x3FA0] =	sst s2  }
0xb: {  	[smem:$0x3FA1] =	sst s3  }
0xc: {  	[smem:$0x3FA2] =	sst s4  }
0xd: {  	[smem:$0x3FA3] =	sst s5  }
0xe: {  	[smem:$0x3FA4] =	sst s6  }
0xf: {  	[smem:$0x3FA5] =	sst s7  }
0x10: {  	[smem:$0x3FA6] =	sst s8  }
0x11: {  	[smem:$0x3FA7] =	sst s9;
	s0 =	simm.s32 @!p0 $0x0  }
0x12: {  	s1 =	sld [smem:$0x3F8D];
	s0 =	simm.s32 @p0 $0x1  }
0x13: {  	[smem:$0x3FA8] =	sst s0;
	s0 =	simm.s32 @!p1 $0x0  }
0x14: {  	s2 =	sld [smem:$0x3F8C];
	s0 =	simm.s32 @p1 $0x1  }
0x15: {  	[smem:$0x3FA9] =	sst s0;
	s0 =	simm.s32 @!p2 $0x0  }
0x16: {  	s3 =	sld [smem:$0x3FDB];
	s0 =	simm.s32 @p2 $0x1  }
0x17: {  	s4 =	simm.s32 $0x1BF5;
	[smem:$0x3FAB] =	sst s0  }
0x18: {  	s0 =	sld [smem:$0x3F8E];
	_ =	swait.ge [sflag:s4], $0x0  }
0x19: {  	s7 =	sld [smem:$0x3F8F]  }
0x1a: {  	s8 =	sadd.s32 $0xFFFFE003, lr  }
0x1b: {  	s9 =	sadd.s32 $0xFFFFFEF7, lr;
	s5 =	simm.s32 $0xFFFFFFFF;
	p2 =	slt.u32 s8, $0xFFFFF086  }
0x1c: {  	p1 =	slt.u32 s9, $0xF7A;
	s5 =	simm.s32 @!p2 $0x0  }
0x1d: {  	s5 =	simm.s32 @p1 $0x1;
	p0 =	seq.s32 s7, s2  }
0x1e: {  	s7 =	smul.u32 @!p0 $0xF7A, s2;
	p2 =	seq.s32 @!p0 s5, $0x0  }
0x1f: {  	s9 =	smul.u32 $0xF7A, s1;
	s8 =	simm.s32 @!p0 $0x1BF5;
	p2 =	por !p2, p0  }
0x20: {  	[sflag:s8] =	ssyncset.s32 @!p0 $0xFFFFF086;
	s6 =	sadd.s32 @!p0 s3, s7;
	s7 =	simm.s32 @!p0 $0x108  }
0x21: {  	s3 =	sadd.s32 s3, s9;
	s6 =	sadd.s32 @!p0 $0x88, s6;
	s7 =	simm.s32 @p2 $0x1082  }
0x22: {  	[simem:s7], [sflag:s8] =	dma.local @!p0 [hbm:s6], $0xF7A  }
0x23: {  	s9 =	sor.u32 $0xD0000000, s2;
	s6 =	simm.s32 $0x108;
	_ =	swait.ge @!p0 [sflag:s8], $0x0  }
0x24: {  	s3 =	sadd.s32 $0x88, s3;
	s6 =	simm.s32 @!p1 $0x1082;
	[sflag:s4] =	ssyncset.s32 $0xFFFFF086  }
0x25: {  	[simem:s6], [sflag:s4] =	dma.local [hbm:s3], $0xF7A  }
0x26: {  	[smem:$0x3F8F] =	sst s1;
	(tag) =	ssettag s2;
	_ =	strace s9  }
0x27: {  	s1 =	sld [smem:$0x3F9F]  }
0x28: {  	s2 =	sld [smem:$0x3FA0]  }
0x29: {  	s4 =	sld [smem:$0x3FA2]  }
0x2a: {  	p0 =	seq.s32 s5, $0x0;
	s5 =	sld [smem:$0x3FA3]  }
0x2b: {  	s6 =	sld [smem:$0x3FA4]  }
0x2c: {  	s7 =	sld [smem:$0x3FA5]  }
0x2d: {  	s3 =	simm.s32 $0x108;
	s8 =	sld [smem:$0x3FA6]  }
0x2e: {  	s3 =	simm.s32 @!p0 $0x1082;
	s9 =	sld [smem:$0x3FA7]  }
0x2f: {  	lr =	sadd.s32 s0, s3;
	s0 =	sld [smem:$0x3F9E]  }
0x30: {  	s3 =	sld [smem:$0x3FA1]  }
0x31: {  	[smem:$0x3FAA] =	sst s10  }
0x32: {  	s10 =	sld [smem:$0x3FA8];
	_ =	sdelay $0x3  }
0x33: {  	p0 =	seq.s32 s10, $0x1;
	s10 =	sld [smem:$0x3FAA];
	_ =	sdelay $0x3  }
0x34: {  	[smem:$0x3FAA] =	sst s10  }
0x35: {  	s10 =	sld [smem:$0x3FA9];
	_ =	sdelay $0x3  }
0x36: {  	p1 =	seq.s32 s10, $0x1;
	s10 =	sld [smem:$0x3FAA];
	_ =	sdelay $0x3  }
0x37: {  	[smem:$0x3FAA] =	sst s10  }
0x38: {  	s10 =	sld [smem:$0x3FAB]  }
0x39: {  	_ = 	snop;
	(pc) =	sbr.ind lr, $3  }
0x3a: {  	_ = 	snop  }
0x3b: {  	_ = 	snop  }
0x3c: {  	p2 =	seq.s32 s10, $0x1;
	s10 =	sld [smem:$0x3FAA]  }
0x3d: {  	_ =	shalt  }
0x3e: {  	_ =	shalt  }
0x3f: {  	_ =	shalt  }
0x40: {  	_ =	shalt  }
0x41: {  	_ =	shalt  }
0x42: {  	_ =	shalt  }
0x43: {  	_ =	shalt  }
0x44: {  	_ =	shalt  }
0x45: {  	_ =	shalt  }
0x46: {  	_ =	shalt  }
0x47: {  	_ =	shalt  }
0x48: {  	_ =	shalt  }
0x49: {  	_ =	shalt  }
0x4a: {  	_ =	shalt  }
0x4b: {  	_ =	shalt  }
0x4c: {  	_ =	shalt  }
0x4d: {  	_ =	shalt  }
0x4e: {  	_ =	shalt  }
0x4f: {  	_ =	shalt  }
0x50: {  	_ =	shalt  }
0x51: {  	_ =	shalt  }
0x52: {  	_ =	shalt  }
0x53: {  	_ =	shalt  }
0x54: {  	_ =	shalt  }
0x55: {  	_ =	shalt  }
0x56: {  	_ =	shalt  }
0x57: {  	_ =	shalt  }
0x58: {  	_ =	shalt  }
0x59: {  	_ =	shalt  }
0x5a: {  	_ =	shalt  }
0x5b: {  	_ =	shalt  }
0x5c: {  	_ =	shalt  }
0x5d: {  	_ =	shalt  }
0x5e: {  	_ =	shalt  }
0x5f: {  	_ =	shalt  }
0x60: {  	_ =	shalt  }
0x61: {  	_ =	shalt  }
0x62: {  	_ =	shalt  }
0x63: {  	_ =	shalt  }
0x64: {  	_ =	shalt  }
0x65: {  	_ =	shalt  }
0x66: {  	_ =	shalt  }
0x67: {  	_ =	shalt  }
0x68: {  	_ =	shalt  }
0x69: {  	_ =	shalt  }
0x6a: {  	_ =	shalt  }
0x6b: {  	_ =	shalt  }
0x6c: {  	_ =	shalt  }
0x6d: {  	_ =	shalt  }
0x6e: {  	_ =	shalt  }
0x6f: {  	_ =	shalt  }
0x70: {  	_ =	shalt  }
0x71: {  	_ =	shalt  }
0x72: {  	_ =	shalt  }
0x73: {  	_ =	shalt  }
0x74: {  	_ =	shalt  }
0x75: {  	_ =	shalt  }
0x76: {  	_ =	shalt  }
0x77: {  	_ =	shalt  }
0x78: {  	_ =	shalt  }
0x79: {  	_ =	shalt  }
0x7a: {  	_ =	shalt  }
0x7b: {  	_ =	shalt  }
0x7c: {  	_ =	shalt  }
0x7d: {  	_ =	shalt  }
0x7e: {  	_ =	shalt  }
0x7f: {  	_ =	shalt  }
0x80: {  	_ =	shalt  }
0x81: {  	_ =	shalt  }
0x82: {  	_ =	shalt  }
0x83: {  	_ =	shalt  }
0x84: {  	_ =	shalt  }
0x85: {  	_ =	shalt  }
0x86: {  	_ =	shalt  }
0x87: {  	_ =	shalt  }
.Lfunc_end0:
.L_simem_size_0:
called_computation.2_lowered:
.L_overlay_start_0:
0x88: {  	s2 =	sld [smem:$0x3FD9]  }
0x89: {  	s3 =	sld [smem:$0x3FFE];
	_ =	sdelay $0x1  }
0x8a: {  	s1 =	srdreg.scid  }
0x8b: {  	s0 =	sand.u32 $0x1, s1  }
0x8c: {  	s16 =	sshll.u32 s0, $0xA;
	s2 =	sadd.s32 s3, s2  }
0x8d: {  	s2 =	sadd.s32 s2, s16  }
0x8e: {  	[smem:$0x3FB6] =	sst s2  }
0x8f: {  	_ = 	snop  }
0x90: {  	(tm) =	ssettm $0x1  }
0x91: {  	s17 =	sld [smem:$0x3FFB];
	_ =	sdelay $0x3  }
0x92: {  	_ =	strace s17  }
0x93: {  	s2 =	sld [smem:$0x3FFC];
	_ =	sdelay $0x3  }
0x94: {  	_ =	strace s2  }
0x95: {  	s2 =	sld [smem:$0x3FFD];
	_ =	sdelay $0x3  }
0x96: {  	_ =	strace s2  }
0x97: {  	_ =	strace $0x8FFFFFFF  }
0x98: {  	s18 =	sld [smem:$0x3FDB];
	_ =	sdelay $0x1  }
0x99: {  	s19 =	simm.s32 $_scs_section_size  }
0x9a: {  	s4 =	simm.s32 $_size__tile_overlayer_lowered;
	s5 =	simm.s32 $_tile_overlayer_lowered  }
0x9b: {  	s22 =	simm.s32 $0x1BFF;
	s21 =	sshll.u32 s5, $0x1;
	s2 =	sadd.s32 s19, s18  }
0x9c: {  	s6 =	simm.s32 $0x0;
	s20 =	sshll.u32 s4, $0x1;
	s4 =	sadd.s32 s21, s2  }
0x9d: {  	[timem:s6], [sflag:s22] =	dma.local [hbm:s4], s20  }
0x9e: {  	_ =	swait.ge [sflag:s22], s20  }
0x9f: {  	s3 =	ssub.s32 $0x0, s20;
	[sflag:s22] =	ssyncset.done $0x0  }
0xa0: {  	[sflag:s22] =	ssyncadd.s32 s3;
	_ =	sdelay $0x1  }
0xa1: {  	s23 =	simm.s32 $0x1B8B  }
0xa2: {  	_ =	swait.ge [sflag:s23], $0x1  }
0xa3: {  	[sflag:s23] =	ssyncset.done $0x0  }
0xa4: {  	s25 =	simm.s32 $0x1B8E;
	s24 =	sld [smem:$0x3FFE];
	[sflag:s23] =	ssyncadd.s32 $0xFFFFFFFF  }
0xa5: {  	s26 =	simm.s32 $execute0_lowered;
	[smem:$0x3FD2] =	sst s25  }
0xa6: {  	s4 =	sshll.u32 s26, $0x1;
	_ =	strace $0x8000004C;
	[dreg:$0x1] =	wrdreg $0xFFFFFFFF  }
0xa7: {  	s28 =	simm.s32 $_size_execute0_lowered;
	s2 =	sadd.s32 s2, s4;
	[dreg:$0x0] =	wrdreg $0x0  }
0xa8: {  	s4 =	sshll.u32 s28, $0x1;
	[dreg:$0x2] =	wrdreg s2  }
0xa9: {  	[dreg:$0x3] =	wrdreg s4  }
0xaa: {  	[dreg:$0x4] =	wrdreg $0xC0  }
0xab: {  	_ =	task [dreg:s6], $0x5FFFF  }
0xac: {  	[dreg:$0x1] =	wrdreg $0xFFFFFFFF  }
0xad: {  	[dreg:$0x0] =	wrdreg $0x60  }
0xae: {  	[dreg:$0x2] =	wrdreg s24  }
0xaf: {  	[dreg:$0x3] =	wrdreg $0x0  }
0xb0: {  	[dreg:$0x4] =	wrdreg $0x9  }
0xb1: {  	_ =	task.clear_ibuf [dreg:s6], $0x5FFFF;
	_ =	strace $0x9000004C  }
0xb2: {  	s29 =	simm.s32 $0x9;
	_ =	strace $0x8000004E  }
0xb3: {  	_ =	swait.ge [sflag:s29], $0x1  }
0xb4: {  	[sflag:s29] =	ssyncadd.s32 $0xFFFFFFFF  }
0xb5: {  	_ =	strace $0x9000004E  }
0xb6: {  	_ =	sfence  }
0xb7: {  	s30 =	sld [smem:$0x0];
	_ =	sdelay $0x2  }
0xb8: {  	s31 =	sshll.u32 s1, $0xD;
	s1 =	sshrl.u32 s1, $0x2  }
0xb9: {  	s3 =	sand.u32 $0x4000, s31;
	s1 =	sadd.s32 s1, s30  }
0xba: {  	s0 =	sor.u32 s3, s0;
	s1 =	sshll.u32 s1, $0x11  }
0xbb: {  	s0 =	sor.u32 s1, s0  }
0xbc: {  	s0 =	sadd.s32 $0x8F2B, s0  }
0xbd: {  	[sflag:s0] =	ssyncadd.remote.s32 $0x1  }
0xbe: {  	_ =	sfence.sel $0xFFFF  }
0xbf: {  	[dreg:$0x0] =	wrdreg $0xFFFFFFFF;
	(pc) =	sbr.abs _section_cstart, $3  }
0xc0: {  	[dreg:$0x1] =	wrdreg $0xFFFFFFFF  }
0xc1: {  	_ =	task.clear_ibuf [dreg:s6], $0x2FFFF;
	_ =	strace $0x9FFFFFFF  }
0xc2: {  	(tm) =	ssettm $0x7FFFFFFF  }
0xc3: {  	_ =	shalt  }
tec
execute0_lowered:
.L_overlay_start_1:
0x0: {  	(tag) =	ssettag $0x1  }
0x1: {  	s0 =	rddreg [dreg:$0x0];
	s2 =	srdreg.scid  }
0x2: {  	s12 =	stileid.u32;
	s1 =	rddreg [dreg:$0x1];
	s17 =	simm.s32 $0x50  }
0x3: {  	s18 =	simm.s32 $0x18780;
	s20 =	simm.s32 $0x1AF80;
	s29 =	simm.s32 $0x5  }
0x4: {  	s31 =	simm.s32 $0x3;
	s19 =	simm.s32 $0x6;
	s28 =	simm.s32 $0x0  }
0x5: {  	s5 =	sand.u32 $0x1, s2;
	s3 =	sshll.u32 s12, $0x1;
	s7 =	smul.u32 $0x13800, s12  }
0x6: {  	s2 =	simm.s32 $0x0;
	s10 =	smul.u32 $0x4E000, s12;
	s11 =	sadd.s32 $0x65400, s0  }
0x7: {  	s16 =	sadd.s32 $0x138000, s1;
	p0 =	sne.s32 s12, $0x0;
	s30 =	sshll.u32 s12, $0x6  }
0x8: {  	s12 =	simm.s32 $0x7;
	s3 =	sor.u32 s5, s3;
	[smem:$0x7FF] =	sst s2  }
0x9: {  	s21 =	ssub.s32 $0x2, s5;
	s23 =	smul.u32 $0x138800, s5;
	s14 =	sor.u32 $0x1C07, s30  }
0xa: {  	s16 =	sshrl.u32 @!p0 s16, $0x3;
	s4 =	smul.u32 $0x4E2, s3;
	_ =	strace $0x8000004D  }
0xb: {  	s3 =	sadd.s32 $0x17000, s0;
	s8 =	sshrl.u32 s7, $0x3;
	s9 =	sshrl.u32 s21, $0x1  }
0xc: {  	s22 =	sshrl.u32 s10, $0x2;
	s8 =	sadd.s32 s8, s0;
	s13 =	ssub.s32 s21, s9  }
0xd: {  	s15 =	sadd.s32 s22, s1;
	s24 =	sadd.s32 s7, s23;
	s25 =	sshrl.u32 s23, $0x3  }
0xe: {  	s7 =	sadd.s32 $0x65200, s0;
	s22 =	simm.s32 $0x1D780;
	s23 =	simm.s32 $0x1  }
0xf: {  	s6 =	sadd.s32 s4, s0;
	s26 =	sshrl.u32 s24, $0x3;
	s9 =	sadd.s32 s11, s25  }
0x10: {  	s10 =	smax.u32 s13, $0x1;
	s13 =	simm.s32 $0x16000;
	s15 =	sshrl.u32 s15, $0x3  }
0x11: {  	s24 =	simm.s32 $0x4;
	s25 =	simm.s32 $0x186C0;
	s4 =	sadd.s32 $0xD200, s6  }
0x12: {  	s5 =	sadd.s32 $0x3400, s6;
	s6 =	sadd.s32 $0x3E200, s8;
	s8 =	sadd.s32 s11, s26  }
0x13: {  	s9 =	sadd.s32 $0x27000, s9;
	s11 =	simm.s32 $0x13880;
	s26 =	simm.s32 $0x2  }
.LBB2_1:
0x14: {  	[tilespmem:s11], [sflag:$0x7] =	stream.linear.gather [hbm4b:s4+s2], $0x2710, $0x38;
	[tilespmem:$0x1FF80] =	vst v63  }
0x15: {  	_ =	swait.ge [sflag:s12], $0x2710  }
0x16: {  	[sflag:s12] =	ssyncset.done $0x0  }
0x17: {  	[sflag:s12] =	ssyncadd.s32 $0xFFFFD8F0  }
0x18: {  	[tilespmem:s13], [sflag:$0x7] =	stream.linear.gather [hbm4b:s5+s2], $0x2710, $0x38;
	[tilespmem:$0x1FF80] =	vst v63  }
0x19: {  	_ =	swait.ge [sflag:s12], $0x2710  }
0x1a: {  	[sflag:s12] =	ssyncset.done $0x0  }
0x1b: {  	[sflag:s12] =	ssyncadd.s32 $0xFFFFD8F0  }
0x1c: {  	[spmem:s15], [sflag:s14] =	dma.local [hbm:s6], $0x2700  }
0x1d: {  	_ =	swait.ge [sflag:s12], $0x2700  }
0x1e: {  	[sflag:s12] =	ssyncset.done $0x0  }
0x1f: {  	s0 =	simm.s32 @!p0 $0x7;
	[sflag:s12] =	ssyncadd.s32 $0xFFFFD900  }
0x20: {  	[spmem:s16], [sflag:s14] =	dma.local @!p0 [hbm:s7], $0x100  }
0x21: {  	_ =	swait.ge @!p0 [sflag:s0], $0x100  }
0x22: {  	[sflag:s0] =	ssyncset.done @!p0 $0x0  }
0x23: {  	[sflag:s0] =	ssyncadd.s32 @!p0 $0xFFFFFF00  }
0x24: {  	[bflag:$0x0] =	sbarrier.arrive $0xFFFF  }
0x25: {  	[tilespmem:s18], [sflag:$0x1] =	stream.indirect.gather [hbm4b:s3+s17], $0x80, s11, s17, $0xb8;
	[tilespmem:$0x1FF80] =	vst v63  }
0x26: {  	s21 =	simm.s32 $0x138D0  }
0x27: {  	[tilespmem:s20], [sflag:$0x2] =	stream.indirect.gather [hbm4b:s3+s17], $0x80, s21, s17, $0xb8;
	[tilespmem:$0x1FF80] =	vst v63  }
0x28: {  	s21 =	simm.s32 $0x13920  }
0x29: {  	[tilespmem:s22], [sflag:$0x3] =	stream.indirect.gather [hbm4b:s3+s17], $0x80, s21, s17, $0xb8;
	[tilespmem:$0x1FF80] =	vst v63  }
0x2a: {  	_ =	swait.ge [sflag:s23], $0x2800  }
0x2b: {  	[sflag:s23] =	ssyncset.done $0x0  }
0x2c: {  	[sflag:s23] =	ssyncadd.s32 $0xFFFFD800  }
0x2d: {  	[spmem:s1] =	stream.indirect.scatter.add.f32 [tilespmem:s18], [sflag:$0x4], $0x80, s13, s17, $0xb8;
	[tilespmem:$0x1FF80] =	vst v63  }
0x2e: {  	_ =	swait.ge [sflag:s24], $0x2800  }
0x2f: {  	[sflag:s24] =	ssyncset.done $0x0  }
0x30: {  	s21 =	simm.s32 $0x13970;
	[sflag:s24] =	ssyncadd.s32 $0xFFFFD800  }
0x31: {  	[tilespmem:s18], [sflag:$0x1] =	stream.indirect.gather [hbm4b:s3+s17], $0x80, s21, s17, $0xb8;
	[tilespmem:$0x1FF80] =	vst v63  }
0x32: {  	_ =	swait.ge [sflag:s26], $0x2800  }
0x33: {  	[sflag:s26] =	ssyncset.done $0x0  }
0x34: {  	s21 =	simm.s32 $0x16050;
	[sflag:s26] =	ssyncadd.s32 $0xFFFFD800  }
0x35: {  	[spmem:s1] =	stream.indirect.scatter.add.f32 [tilespmem:s20], [sflag:$0x5], $0x80, s21, s17, $0xb8;
	[tilespmem:$0x1FF80] =	vst v63  }
0x36: {  	_ =	swait.ge [sflag:s29], $0x2800  }
0x37: {  	[sflag:s29] =	ssyncset.done $0x0  }
0x38: {  	s21 =	simm.s32 $0x139C0;
	[sflag:s29] =	ssyncadd.s32 $0xFFFFD800  }
0x39: {  	[tilespmem:s20], [sflag:$0x2] =	stream.indirect.gather [hbm4b:s3+s17], $0x80, s21, s17, $0xb8;
	[tilespmem:$0x1FF80] =	vst v63  }
0x3a: {  	_ =	swait.ge [sflag:s31], $0x2800  }
0x3b: {  	[sflag:s31] =	ssyncset.done $0x0  }
0x3c: {  	s21 =	simm.s32 $0x160A0;
	[sflag:s31] =	ssyncadd.s32 $0xFFFFD800  }
0x3d: {  	[spmem:s1] =	stream.indirect.scatter.add.f32 [tilespmem:s22], [sflag:$0x6], $0x80, s21, s17, $0xb8;
	[tilespmem:$0x1FF80] =	vst v63  }
0x3e: {  	_ =	swait.ge [sflag:s19], $0x2800  }
0x3f: {  	[sflag:s19] =	ssyncset.done $0x0  }
0x40: {  	s21 =	simm.s32 $0x13A10;
	[sflag:s19] =	ssyncadd.s32 $0xFFFFD800  }
0x41: {  	[tilespmem:s22], [sflag:$0x3] =	stream.indirect.gather [hbm4b:s3+s17], $0x80, s21, s17, $0xb8;
	[tilespmem:$0x1FF80] =	vst v63  }
0x42: {  	_ =	swait.ge [sflag:s23], $0x2800  }
0x43: {  	[sflag:s23] =	ssyncset.done $0x0  }
0x44: {  	s21 =	simm.s32 $0x160F0;
	[sflag:s23] =	ssyncadd.s32 $0xFFFFD800  }
0x45: {  	[spmem:s1] =	stream.indirect.scatter.add.f32 [tilespmem:s18], [sflag:$0x4], $0x80, s21, s17, $0xb8;
	[tilespmem:$0x1FF80] =	vst v63  }
0x46: {  	_ =	swait.ge [sflag:s24], $0x2800  }
0x47: {  	[sflag:s24] =	ssyncset.done $0x0  }
0x48: {  	s21 =	simm.s32 $0x13A60;
	[sflag:s24] =	ssyncadd.s32 $0xFFFFD800  }
0x49: {  	[tilespmem:s18], [sflag:$0x1] =	stream.indirect.gather [hbm4b:s3+s17], $0x80, s21, s17, $0xb8;
	[tilespmem:$0x1FF80] =	vst v63  }
0x4a: {  	_ =	swait.ge [sflag:s26], $0x2800  }
0x4b: {  	[sflag:s26] =	ssyncset.done $0x0  }
0x4c: {  	s21 =	simm.s32 $0x16140;
	[sflag:s26] =	ssyncadd.s32 $0xFFFFD800  }
0x4d: {  	[spmem:s1] =	stream.indirect.scatter.add.f32 [tilespmem:s20], [sflag:$0x5], $0x80, s21, s17, $0xb8;
	[tilespmem:$0x1FF80] =	vst v63  }
0x4e: {  	_ =	swait.ge [sflag:s29], $0x2800  }
0x4f: {  	[sflag:s29] =	ssyncset.done $0x0  }
0x50: {  	s21 =	simm.s32 $0x13AB0;
	[sflag:s29] =	ssyncadd.s32 $0xFFFFD800  }
0x51: {  	[tilespmem:s20], [sflag:$0x2] =	stream.indirect.gather [hbm4b:s3+s17], $0x80, s21, s17, $0xb8;
	[tilespmem:$0x1FF80] =	vst v63  }
0x52: {  	_ =	swait.ge [sflag:s31], $0x2800  }
0x53: {  	[sflag:s31] =	ssyncset.done $0x0  }
0x54: {  	s30 =	simm.s32 $0x3C0;
	s0 =	simm.s32 $0x16190;
	[sflag:s31] =	ssyncadd.s32 $0xFFFFD800  }
.LBB2_2:
0x55: {  	[spmem:s1] =	stream.indirect.scatter.add.f32 [tilespmem:s22], [sflag:$0x6], $0x80, s0, s17, $0xb8;
	[tilespmem:$0x1FF80] =	vst v63  }
0x56: {  	s0 =	smov.u32 s30  }
0x57: {  	p1 =	sne.s32 s30, $0x9240;
	s30 =	sadd.s32 $0x3C0, s30;
	_ =	swait.ge [sflag:s19], $0x2800  }
0x58: {  	s0 =	sshra.s32 s0, $0x2;
	[sflag:s19] =	ssyncset.done $0x0  }
0x59: {  	s21 =	sadd.s32 $0x13A10, s0;
	[sflag:s19] =	ssyncadd.s32 $0xFFFFD800  }
0x5a: {  	[tilespmem:s22], [sflag:$0x3] =	stream.indirect.gather [hbm4b:s3+s17], $0x80, s21, s17, $0xb8;
	[tilespmem:$0x1FF80] =	vst v63  }
0x5b: {  	_ =	swait.ge [sflag:s23], $0x2800  }
0x5c: {  	[sflag:s23] =	ssyncset.done $0x0  }
0x5d: {  	s21 =	sadd.s32 $0x160F0, s0;
	[sflag:s23] =	ssyncadd.s32 $0xFFFFD800  }
0x5e: {  	[spmem:s1] =	stream.indirect.scatter.add.f32 [tilespmem:s18], [sflag:$0x4], $0x80, s21, s17, $0xb8;
	[tilespmem:$0x1FF80] =	vst v63  }
0x5f: {  	_ =	swait.ge [sflag:s24], $0x2800  }
0x60: {  	[sflag:s24] =	ssyncset.done $0x0  }
0x61: {  	s21 =	sadd.s32 $0x13A60, s0;
	[sflag:s24] =	ssyncadd.s32 $0xFFFFD800  }
0x62: {  	[tilespmem:s18], [sflag:$0x1] =	stream.indirect.gather [hbm4b:s3+s17], $0x80, s21, s17, $0xb8;
	[tilespmem:$0x1FF80] =	vst v63  }
0x63: {  	_ =	swait.ge [sflag:s26], $0x2800  }
0x64: {  	[sflag:s26] =	ssyncset.done $0x0  }
0x65: {  	s21 =	sadd.s32 $0x16140, s0;
	[sflag:s26] =	ssyncadd.s32 $0xFFFFD800  }
0x66: {  	[spmem:s1] =	stream.indirect.scatter.add.f32 [tilespmem:s20], [sflag:$0x5], $0x80, s21, s17, $0xb8;
	[tilespmem:$0x1FF80] =	vst v63  }
0x67: {  	_ =	swait.ge [sflag:s29], $0x2800  }
0x68: {  	[sflag:s29] =	ssyncset.done $0x0  }
.Ltmp0:
0x69: {  	s21 =	sadd.s32 $0x13AB0, s0;
	[sflag:s29] =	ssyncadd.s32 $0xFFFFD800;
	(pc) =	sbr.rel @p1 .LBB2_2-.Ltmp0, $4  }
0x6a: {  	[tilespmem:s20], [sflag:$0x2] =	stream.indirect.gather [hbm4b:s3+s17], $0x80, s21, s17, $0xb8;
	[tilespmem:$0x1FF80] =	vst v63  }
0x6b: {  	_ =	swait.ge [sflag:s31], $0x2800  }
0x6c: {  	[sflag:s31] =	ssyncset.done $0x0  }
0x6d: {  	s0 =	sadd.s32 $0x16190, s0;
	[sflag:s31] =	ssyncadd.s32 $0xFFFFD800  }
0x6e: {  	[spmem:s1] =	stream.indirect.scatter.add.f32 [tilespmem:s22], [sflag:$0x6], $0x80, s0, s17, $0xb8;
	[tilespmem:$0x1FF80] =	vst v63  }
0x6f: {  	_ =	swait.ge [sflag:s23], $0x2800  }
0x70: {  	[sflag:s23] =	ssyncset.done $0x0  }
0x71: {  	s30 =	simm.s32 $0x18670;
	[sflag:s23] =	ssyncadd.s32 $0xFFFFD800  }
0x72: {  	[spmem:s1] =	stream.indirect.scatter.add.f32 [tilespmem:s18], [sflag:$0x4], $0x80, s30, s17, $0xb8;
	[tilespmem:$0x1FF80] =	vst v63  }
0x73: {  	_ =	swait.ge [sflag:s26], $0x2800  }
0x74: {  	[sflag:s26] =	ssyncset.done $0x0  }
0x75: {  	[sflag:s26] =	ssyncadd.s32 $0xFFFFD800  }
0x76: {  	[spmem:s1] =	stream.indirect.scatter.add.f32 [tilespmem:s20], [sflag:$0x5], $0x80, s25, s17, $0xb8;
	[tilespmem:$0x1FF80] =	vst v63  }
0x77: {  	_ =	swait.ge [sflag:s24], $0x2800  }
0x78: {  	[sflag:s24] =	ssyncset.done $0x0  }
0x79: {  	[sflag:s24] =	ssyncadd.s32 $0xFFFFD800  }
0x7a: {  	_ =	swait.ge [sflag:s29], $0x2800  }
0x7b: {  	[sflag:s29] =	ssyncset.done $0x0  }
0x7c: {  	[sflag:s29] =	ssyncadd.s32 $0xFFFFD800  }
0x7d: {  	_ =	swait.ge [sflag:s19], $0x2800  }
0x7e: {  	[sflag:s19] =	ssyncset.done $0x0  }
0x7f: {  	[sflag:s19] =	ssyncadd.s32 $0xFFFFD800  }
0x80: {  	[bflag:$0x0] =	sbarrier.arrive $0xFFFF  }
0x81: {  	[hbm:s8], [sflag:s14] =	dma.local [spmem:s15], $0x2700  }
0x82: {  	s28 =	sadd.s32 $0x1, s28;
	_ =	swait.ge [sflag:s12], $0x2700  }
0x83: {  	p1 =	sne.s32 s28, s10;
	[sflag:s12] =	ssyncset.done $0x0  }
.Ltmp1:
0x84: {  	s0 =	simm.s32 @!p0 $0x7;
	[sflag:s12] =	ssyncadd.s32 $0xFFFFD900;
	(pc) =	sbr.rel @p1 .LBB2_1-.Ltmp1, $4  }
0x85: {  	[hbm:s9], [sflag:s14] =	dma.local @!p0 [spmem:s16], $0x100  }
0x86: {  	_ =	swait.ge @!p0 [sflag:s0], $0x100  }
0x87: {  	[sflag:s0] =	ssyncset.done @!p0 $0x0  }
0x88: {  	[sflag:s0] =	ssyncadd.s32 @!p0 $0xFFFFFF00  }
0x89: {  	_ =	sfence.sel $0x180000  }
0x8a: {  	[bflag:$0x0] =	sbarrier.arrive $0xFFFF  }
0x8b: {  	_ =	strace $0x9000004D  }
0x8c: {  	[bflag:$0x2] =	sbarrier.arrive $0xFFFF  }
0x8d: {  	s0 =	rddreg [dreg:$0x2]  }
0x8e: {  	s0 =	sadd.s32 @!p0 $0x100000, s0  }
0x8f: {  	[sflag:s0] =	ssyncadd.tile.s32 @!p0 $0x1;
	_ =	shalt  }
.Lfunc_end2:
_tile_overlayer_lowered:
.L_overlay_start_2:
0x90: {  	(tag) =	ssettag $0x2  }
0x91: {  	s0 =	rddreg [dreg:$0x0];
	s2 =	stileid.u32  }
0x92: {  	s1 =	rddreg [dreg:$0x1];
	p0 =	sne.s32 s2, $0x0  }
0x93: {  	s3 =	rddreg [dreg:$0x2];
	[bflag:$0x3] =	sbarrier.arrive $0xFFFF;
	s2 =	simm.s32 @!p0 $0x1C07  }
0x94: {  	[timem:s3], [sflag:s2] =	dma.local @!p0 [hbm:s0], s1  }
0x95: {  	s0 =	simm.s32 @!p0 $0x7  }
0x96: {  	_ =	swait.ge @!p0 [sflag:s0], s1  }
0x97: {  	s1 =	ssub.s32 @!p0 $0x0, s1;
	[sflag:s0] =	ssyncset.done @!p0 $0x0  }
0x98: {  	[sflag:s0] =	ssyncadd.s32 @!p0 s1  }
0x99: {  	[bflag:$0x3] =	sbarrier.arrive $0xFFFF  }
0x9a: {  	_ =	shalt  }

// kernel: kernel.9.cloned.1.call-start
scs
__scs_entry_jumppad:
0x0: {  	(pc) =	sbr.rel $0x88, $3  }
0x1: {  	(tag) =	ssettag $0x0;
	lr =	simm.s32 $0x1  }
0x2: {  	[smem:$0x3F8F] =	sst lr;
	_ =	strace $0xD0000000  }
0x3: {  	_ = 	snop  }
0x4: {  	_ = 	snop  }
0x5: {  	_ = 	snop  }
0x6: {  	_ = 	snop  }
0x7: {  	_ = 	snop  }
__scs_overlays_trampoline_lowered:
0x8: {  	[smem:$0x3F9E] =	sst s0  }
0x9: {  	[smem:$0x3F9F] =	sst s1  }
0xa: {  	[smem:$0x3FA0] =	sst s2  }
0xb: {  	[smem:$0x3FA1] =	sst s3  }
0xc: {  	[smem:$0x3FA2] =	sst s4  }
0xd: {  	[smem:$0x3FA3] =	sst s5  }
0xe: {  	[smem:$0x3FA4] =	sst s6  }
0xf: {  	[smem:$0x3FA5] =	sst s7  }
0x10: {  	[smem:$0x3FA6] =	sst s8  }
0x11: {  	[smem:$0x3FA7] =	sst s9;
	s0 =	simm.s32 @!p0 $0x0  }
0x12: {  	s1 =	sld [smem:$0x3F8D];
	s0 =	simm.s32 @p0 $0x1  }
0x13: {  	[smem:$0x3FA8] =	sst s0;
	s0 =	simm.s32 @!p1 $0x0  }
0x14: {  	s2 =	sld [smem:$0x3F8C];
	s0 =	simm.s32 @p1 $0x1  }
0x15: {  	[smem:$0x3FA9] =	sst s0;
	s0 =	simm.s32 @!p2 $0x0  }
0x16: {  	s3 =	sld [smem:$0x3FDB];
	s0 =	simm.s32 @p2 $0x1  }
0x17: {  	s4 =	simm.s32 $0x1BF5;
	[smem:$0x3FAB] =	sst s0  }
0x18: {  	s0 =	sld [smem:$0x3F8E];
	_ =	swait.ge [sflag:s4], $0x0  }
0x19: {  	s7 =	sld [smem:$0x3F8F]  }
0x1a: {  	s8 =	sadd.s32 $0xFFFFE003, lr  }
0x1b: {  	s9 =	sadd.s32 $0xFFFFFEF7, lr;
	s5 =	simm.s32 $0xFFFFFFFF;
	p2 =	slt.u32 s8, $0xFFFFF086  }
0x1c: {  	p1 =	slt.u32 s9, $0xF7A;
	s5 =	simm.s32 @!p2 $0x0  }
0x1d: {  	s5 =	simm.s32 @p1 $0x1;
	p0 =	seq.s32 s7, s2  }
0x1e: {  	s7 =	smul.u32 @!p0 $0xF7A, s2;
	p2 =	seq.s32 @!p0 s5, $0x0  }
0x1f: {  	s9 =	smul.u32 $0xF7A, s1;
	s8 =	simm.s32 @!p0 $0x1BF5;
	p2 =	por !p2, p0  }
0x20: {  	[sflag:s8] =	ssyncset.s32 @!p0 $0xFFFFF086;
	s6 =	sadd.s32 @!p0 s3, s7;
	s7 =	simm.s32 @!p0 $0x108  }
0x21: {  	s3 =	sadd.s32 s3, s9;
	s6 =	sadd.s32 @!p0 $0x88, s6;
	s7 =	simm.s32 @p2 $0x1082  }
0x22: {  	[simem:s7], [sflag:s8] =	dma.local @!p0 [hbm:s6], $0xF7A  }
0x23: {  	s9 =	sor.u32 $0xD0000000, s2;
	s6 =	simm.s32 $0x108;
	_ =	swait.ge @!p0 [sflag:s8], $0x0  }
0x24: {  	s3 =	sadd.s32 $0x88, s3;
	s6 =	simm.s32 @!p1 $0x1082;
	[sflag:s4] =	ssyncset.s32 $0xFFFFF086  }
0x25: {  	[simem:s6], [sflag:s4] =	dma.local [hbm:s3], $0xF7A  }
0x26: {  	[smem:$0x3F8F] =	sst s1;
	(tag) =	ssettag s2;
	_ =	strace s9  }
0x27: {  	s1 =	sld [smem:$0x3F9F]  }
0x28: {  	s2 =	sld [smem:$0x3FA0]  }
0x29: {  	s4 =	sld [smem:$0x3FA2]  }
0x2a: {  	p0 =	seq.s32 s5, $0x0;
	s5 =	sld [smem:$0x3FA3]  }
0x2b: {  	s6 =	sld [smem:$0x3FA4]  }
0x2c: {  	s7 =	sld [smem:$0x3FA5]  }
0x2d: {  	s3 =	simm.s32 $0x108;
	s8 =	sld [smem:$0x3FA6]  }
0x2e: {  	s3 =	simm.s32 @!p0 $0x1082;
	s9 =	sld [smem:$0x3FA7]  }
0x2f: {  	lr =	sadd.s32 s0, s3;
	s0 =	sld [smem:$0x3F9E]  }
0x30: {  	s3 =	sld [smem:$0x3FA1]  }
0x31: {  	[smem:$0x3FAA] =	sst s10  }
0x32: {  	s10 =	sld [smem:$0x3FA8];
	_ =	sdelay $0x3  }
0x33: {  	p0 =	seq.s32 s10, $0x1;
	s10 =	sld [smem:$0x3FAA];
	_ =	sdelay $0x3  }
0x34: {  	[smem:$0x3FAA] =	sst s10  }
0x35: {  	s10 =	sld [smem:$0x3FA9];
	_ =	sdelay $0x3  }
0x36: {  	p1 =	seq.s32 s10, $0x1;
	s10 =	sld [smem:$0x3FAA];
	_ =	sdelay $0x3  }
0x37: {  	[smem:$0x3FAA] =	sst s10  }
0x38: {  	s10 =	sld [smem:$0x3FAB]  }
0x39: {  	_ = 	snop;
	(pc) =	sbr.ind lr, $3  }
0x3a: {  	_ = 	snop  }
0x3b: {  	_ = 	snop  }
0x3c: {  	p2 =	seq.s32 s10, $0x1;
	s10 =	sld [smem:$0x3FAA]  }
0x3d: {  	_ =	shalt  }
0x3e: {  	_ =	shalt  }
0x3f: {  	_ =	shalt  }
0x40: {  	_ =	shalt  }
0x41: {  	_ =	shalt  }
0x42: {  	_ =	shalt  }
0x43: {  	_ =	shalt  }
0x44: {  	_ =	shalt  }
0x45: {  	_ =	shalt  }
0x46: {  	_ =	shalt  }
0x47: {  	_ =	shalt  }
0x48: {  	_ =	shalt  }
0x49: {  	_ =	shalt  }
0x4a: {  	_ =	shalt  }
0x4b: {  	_ =	shalt  }
0x4c: {  	_ =	shalt  }
0x4d: {  	_ =	shalt  }
0x4e: {  	_ =	shalt  }
0x4f: {  	_ =	shalt  }
0x50: {  	_ =	shalt  }
0x51: {  	_ =	shalt  }
0x52: {  	_ =	shalt  }
0x53: {  	_ =	shalt  }
0x54: {  	_ =	shalt  }
0x55: {  	_ =	shalt  }
0x56: {  	_ =	shalt  }
0x57: {  	_ =	shalt  }
0x58: {  	_ =	shalt  }
0x59: {  	_ =	shalt  }
0x5a: {  	_ =	shalt  }
0x5b: {  	_ =	shalt  }
0x5c: {  	_ =	shalt  }
0x5d: {  	_ =	shalt  }
0x5e: {  	_ =	shalt  }
0x5f: {  	_ =	shalt  }
0x60: {  	_ =	shalt  }
0x61: {  	_ =	shalt  }
0x62: {  	_ =	shalt  }
0x63: {  	_ =	shalt  }
0x64: {  	_ =	shalt  }
0x65: {  	_ =	shalt  }
0x66: {  	_ =	shalt  }
0x67: {  	_ =	shalt  }
0x68: {  	_ =	shalt  }
0x69: {  	_ =	shalt  }
0x6a: {  	_ =	shalt  }
0x6b: {  	_ =	shalt  }
0x6c: {  	_ =	shalt  }
0x6d: {  	_ =	shalt  }
0x6e: {  	_ =	shalt  }
0x6f: {  	_ =	shalt  }
0x70: {  	_ =	shalt  }
0x71: {  	_ =	shalt  }
0x72: {  	_ =	shalt  }
0x73: {  	_ =	shalt  }
0x74: {  	_ =	shalt  }
0x75: {  	_ =	shalt  }
0x76: {  	_ =	shalt  }
0x77: {  	_ =	shalt  }
0x78: {  	_ =	shalt  }
0x79: {  	_ =	shalt  }
0x7a: {  	_ =	shalt  }
0x7b: {  	_ =	shalt  }
0x7c: {  	_ =	shalt  }
0x7d: {  	_ =	shalt  }
0x7e: {  	_ =	shalt  }
0x7f: {  	_ =	shalt  }
0x80: {  	_ =	shalt  }
0x81: {  	_ =	shalt  }
0x82: {  	_ =	shalt  }
0x83: {  	_ =	shalt  }
0x84: {  	_ =	shalt  }
0x85: {  	_ =	shalt  }
0x86: {  	_ =	shalt  }
0x87: {  	_ =	shalt  }
.Lfunc_end0:
.L_simem_size_0:
called_computation_lowered:
.L_overlay_start_0:
0x88: {  	s2 =	sld [smem:$0x3FD9]  }
0x89: {  	s3 =	sld [smem:$0x3FFE];
	_ =	sdelay $0x1  }
0x8a: {  	s1 =	srdreg.scid  }
0x8b: {  	s0 =	sand.u32 $0x1, s1  }
0x8c: {  	s17 =	sshll.u32 s0, $0xA;
	s2 =	sadd.s32 s3, s2  }
0x8d: {  	s2 =	sadd.s32 s2, s17  }
0x8e: {  	[smem:$0x3FB6] =	sst s2  }
0x8f: {  	_ = 	snop  }
0x90: {  	(tm) =	ssettm $0x1  }
0x91: {  	s18 =	sld [smem:$0x3FFB];
	_ =	sdelay $0x3  }
0x92: {  	_ =	strace s18  }
0x93: {  	s2 =	sld [smem:$0x3FFC];
	_ =	sdelay $0x3  }
0x94: {  	_ =	strace s2  }
0x95: {  	s2 =	sld [smem:$0x3FFD];
	_ =	sdelay $0x3  }
0x96: {  	_ =	strace s2  }
0x97: {  	_ =	strace $0x8FFFFFFF  }
0x98: {  	s19 =	sld [smem:$0x3FDB];
	_ =	sdelay $0x1  }
0x99: {  	s20 =	simm.s32 $_scs_section_size  }
0x9a: {  	s4 =	simm.s32 $_size__tile_overlayer_lowered;
	s5 =	simm.s32 $_tile_overlayer_lowered  }
0x9b: {  	s6 =	simm.s32 $0x1BFF;
	s21 =	sshll.u32 s5, $0x1;
	s3 =	sadd.s32 s20, s19  }
0x9c: {  	s22 =	simm.s32 $0x0;
	s4 =	sshll.u32 s4, $0x1;
	s5 =	sadd.s32 s21, s3  }
0x9d: {  	[timem:s22], [sflag:s6] =	dma.local [hbm:s5], s4  }
0x9e: {  	_ =	swait.ge [sflag:s6], s4  }
0x9f: {  	s4 =	ssub.s32 $0x0, s4;
	[sflag:s6] =	ssyncset.done $0x0  }
0xa0: {  	[sflag:s6] =	ssyncadd.s32 s4;
	_ =	sdelay $0x1  }
0xa1: {  	s23 =	simm.s32 $0x1B8B  }
0xa2: {  	_ =	swait.ge [sflag:s23], $0x1  }
0xa3: {  	[sflag:s23] =	ssyncset.done $0x0  }
0xa4: {  	[sflag:s23] =	ssyncadd.s32 $0xFFFFFFFF  }
0xa5: {  	s4 =	sld [smem:$0x0]  }
0xa6: {  	s5 =	sand.u32 $0xFFFFFFFE, s1  }
0xa7: {  	p0 =	sne.s32 s1, s5  }
0xa8: {  	s5 =	sshll.u32 @p0 s5, $0xE  }
0xa9: {  	s5 =	sadd.s32 @p0 $0x11B8D, s5;
	s6 =	sshll.u32 @p0 s4, $0x11  }
0xaa: {  	s5 =	sor.u32 @p0 s6, s5  }
0xab: {  	[sflag:s5] =	ssyncadd.remote.s32 @p0 $0x1;
	_ =	sdelay $0x1  }
0xac: {  	s5 =	simm.s32 @p0 $0x1B8D  }
0xad: {  	_ =	swait.eq @p0 [sflag:s5], $0x1  }
0xae: {  	[sflag:s5] =	ssyncadd.s32 @p0 $0xFFFFFFFF  }
0xaf: {  	s6 =	sshll.u32 @!p0 s1, $0xE  }
0xb0: {  	s6 =	sor.u32 @!p0 $0x4000, s6;
	s5 =	simm.s32 @!p0 $0x1B8D  }
0xb1: {  	s4 =	sshll.u32 @!p0 s4, $0x11;
	s6 =	sadd.s32 @!p0 $0x11B8D, s6;
	_ =	swait.eq @!p0 [sflag:s5], $0x1  }
0xb2: {  	s4 =	sor.u32 @!p0 s4, s6;
	[sflag:s5] =	ssyncadd.s32 @!p0 $0xFFFFFFFF  }
0xb3: {  	s25 =	simm.s32 $0x1B8E;
	s24 =	sld [smem:$0x3FFE];
	[sflag:s4] =	ssyncadd.remote.s32 @!p0 $0x1  }
0xb4: {  	s26 =	simm.s32 $execute0_lowered;
	[smem:$0x3FD2] =	sst s25  }
0xb5: {  	s5 =	sshll.u32 s26, $0x1;
	_ =	strace $0x80000049;
	[dreg:$0x1] =	wrdreg $0xFFFFFFFF  }
0xb6: {  	s28 =	simm.s32 $_size_execute0_lowered;
	s3 =	sadd.s32 s3, s5;
	[dreg:$0x0] =	wrdreg $0x0  }
0xb7: {  	s5 =	sshll.u32 s28, $0x1;
	[dreg:$0x2] =	wrdreg s3  }
0xb8: {  	[dreg:$0x3] =	wrdreg s5  }
0xb9: {  	[dreg:$0x4] =	wrdreg $0xC0  }
0xba: {  	_ =	task [dreg:s22], $0x5FFFF  }
0xbb: {  	[dreg:$0x1] =	wrdreg $0xFFFFFFFF  }
0xbc: {  	[dreg:$0x0] =	wrdreg $0x60  }
0xbd: {  	[dreg:$0x2] =	wrdreg s24  }
0xbe: {  	[dreg:$0x3] =	wrdreg $0x0  }
0xbf: {  	[dreg:$0x4] =	wrdreg $0x9  }
0xc0: {  	_ =	task.clear_ibuf [dreg:s22], $0x5FFFF;
	_ =	strace $0x90000049  }
0xc1: {  	s29 =	simm.s32 $0x9;
	_ =	strace $0x8000004B  }
0xc2: {  	_ =	swait.ge [sflag:s29], $0x1  }
0xc3: {  	[sflag:s29] =	ssyncadd.s32 $0xFFFFFFFF  }
0xc4: {  	_ =	strace $0x9000004B  }
0xc5: {  	_ =	sfence  }
0xc6: {  	s30 =	sld [smem:$0x0];
	_ =	sdelay $0x2  }
0xc7: {  	s31 =	sshll.u32 s1, $0xD;
	s1 =	sshrl.u32 s1, $0x2  }
0xc8: {  	s4 =	sand.u32 $0x4000, s31;
	s1 =	sadd.s32 s1, s30  }
0xc9: {  	s0 =	sor.u32 s4, s0;
	s1 =	sshll.u32 s1, $0x11  }
0xca: {  	s0 =	sor.u32 s1, s0  }
0xcb: {  	s0 =	sadd.s32 $0x8F2B, s0  }
0xcc: {  	[sflag:s0] =	ssyncadd.remote.s32 $0x1  }
0xcd: {  	_ =	sfence.sel $0xFFFF  }
0xce: {  	[dreg:$0x0] =	wrdreg $0xFFFFFFFF;
	(pc) =	sbr.abs _section_cstart, $3  }
0xcf: {  	[dreg:$0x1] =	wrdreg $0xFFFFFFFF  }
0xd0: {  	_ =	task.clear_ibuf [dreg:s22], $0x2FFFF;
	_ =	strace $0x9FFFFFFF  }
0xd1: {  	(tm) =	ssettm $0x7FFFFFFF  }
tec
execute0_lowered:
.L_overlay_start_1:
0x0: {  	(tag) =	ssettag $0x1  }
0x1: {  	s0 =	srdreg.scid;
	s5 =	rddreg [dreg:$0x0]  }
0x2: {  	s9 =	stileid.u32;
	s1 =	rddreg [dreg:$0x1]  }
0x3: {  	s2 =	simm.s32 $0x0;
	s14 =	simm.s32 $0x50;
	s15 =	simm.s32 $0x16000  }
0x4: {  	s16 =	simm.s32 $0x1;
	s17 =	simm.s32 $0x0;
	s3 =	sand.u32 $0x1, s0  }
0x5: {  	s28 =	sshll.u32 s9, $0x1;
	s0 =	rddreg [dreg:$0x2];
	s6 =	smul.u32 $0x13800, s9  }
0x6: {  	[smem:$0x7FF] =	sst s2;
	s8 =	smul.u32 $0x4E000, s9;
	s10 =	sadd.s32 $0xB3600, s5  }
0x7: {  	p0 =	sne.s32 s9, $0x0;
	s31 =	sshll.u32 s9, $0x6;
	s9 =	simm.s32 $0x13880  }
0x8: {  	s4 =	sor.u32 s3, s28;
	_ =	strace $0x8000004A;
	s13 =	smul.u32 $0x138800, s3  }
0x9: {  	s11 =	ssub.s32 $0x2, s3;
	s4 =	smul.u32 $0x4E2, s4;
	s7 =	sshrl.u32 s6, $0x3  }
0xa: {  	s12 =	sshrl.u32 s11, $0x1;
	s8 =	sshrl.u32 s8, $0x2;
	s7 =	sadd.s32 s7, s5  }
0xb: {  	s11 =	ssub.s32 s11, s12;
	s29 =	sadd.s32 s8, s1;
	s6 =	sadd.s32 s6, s13  }
0xc: {  	s30 =	sshrl.u32 s13, $0x3;
	s13 =	sadd.s32 $0x138000, s1;
	s4 =	sadd.s32 s4, s5  }
0xd: {  	s6 =	sshrl.u32 s6, $0x3;
	s5 =	sadd.s32 $0x65200, s5;
	s8 =	smax.u32 s11, $0x1  }
0xe: {  	s11 =	sor.u32 $0x1C02, s31;
	s12 =	sshrl.u32 s29, $0x3;
	s13 =	sshrl.u32 @!p0 s13, $0x3  }
0xf: {  	s3 =	sadd.s32 $0x3400, s4;
	s4 =	sadd.s32 $0x3E200, s7;
	s7 =	sadd.s32 s10, s30  }
0x10: {  	v0 =	vimm.f32 $1.000000000e+00;
	s6 =	sadd.s32 s10, s6;
	s10 =	simm.s32 $0x2;
	s7 =	sadd.s32 $0x27000, s7  }
.LBB2_1:
0x11: {  	[tilespmem:s9], [sflag:$0x2] =	stream.linear.gather [hbm4b:s3+s2], $0x2710, $0x38;
	[tilespmem:$0x18800] =	vst v63  }
0x12: {  	_ =	swait.ge [sflag:s10], $0x2710  }
0x13: {  	[sflag:s10] =	ssyncset.done $0x0  }
0x14: {  	[sflag:s10] =	ssyncadd.s32 $0xFFFFD8F0  }
0x15: {  	[spmem:s12], [sflag:s11] =	dma.local [hbm:s4], $0x2700  }
0x16: {  	_ =	swait.ge [sflag:s10], $0x2700  }
0x17: {  	[sflag:s10] =	ssyncset.done $0x0  }
0x18: {  	s18 =	simm.s32 @!p0 $0x2;
	[sflag:s10] =	ssyncadd.s32 $0xFFFFD900  }
0x19: {  	[spmem:s13], [sflag:s11] =	dma.local @!p0 [hbm:s5], $0x100  }
0x1a: {  	_ =	swait.ge @!p0 [sflag:s18], $0x100  }
0x1b: {  	[sflag:s18] =	ssyncset.done @!p0 $0x0  }
0x1c: {  	s19 =	simm.s32 $0x200;
	[sflag:s18] =	ssyncadd.s32 @!p0 $0xFFFFFF00;
	s18 =	simm.s32 $0x0  }
.LBB2_2:
0x1d: {  	p1 =	sne.s32 s19, $0x9E00;
	[tilespmem:s18+$0x16070] =	vst v0  }
0x1e: {  	[tilespmem:s18+$0x16000] =	vst v0  }
0x1f: {  	[tilespmem:s18+$0x16010] =	vst v0  }
.Ltmp0:
0x20: {  	[tilespmem:s18+$0x16020] =	vst v0;
	(pc) =	sbr.rel @p1 .LBB2_2-.Ltmp0, $4  }
0x21: {  	[tilespmem:s18+$0x16030] =	vst v0  }
0x22: {  	[tilespmem:s18+$0x16040] =	vst v0  }
0x23: {  	[tilespmem:s18+$0x16050] =	vst v0  }
0x24: {  	[tilespmem:s18+$0x16060] =	vst v0;
	s18 =	sshra.s32 s19, $0x2;
	s19 =	sadd.s32 $0x200, s19  }
0x25: {  	[tilespmem:s18+$0x16070] =	vst v0  }
0x26: {  	[tilespmem:s18+$0x16000] =	vst v0  }
0x27: {  	[tilespmem:s18+$0x16010] =	vst v0  }
0x28: {  	[tilespmem:s18+$0x16020] =	vst v0  }
0x29: {  	[tilespmem:s18+$0x16030] =	vst v0  }
0x2a: {  	[tilespmem:s18+$0x16040] =	vst v0  }
0x2b: {  	[tilespmem:s18+$0x16050] =	vst v0  }
0x2c: {  	[tilespmem:s18+$0x16060] =	vst v0  }
0x2d: {  	s26 =	simm.s32 $0x13880;
	[bflag:$0x0] =	sbarrier.arrive $0xFFFF  }
0x2e: {  	[spmem:s1] =	stream.indirect.scatter.add.f32 [tilespmem:s15], [sflag:$0x1], $0x80, s26, s14, $0xb8;
	[tilespmem:$0x18800] =	vst v63  }
0x2f: {  	s28 =	simm.s32 $0x138D0  }
0x30: {  	[spmem:s1] =	stream.indirect.scatter.add.f32 [tilespmem:s15], [sflag:$0x1], $0x80, s28, s14, $0xb8;
	[tilespmem:$0x18800] =	vst v63  }
0x31: {  	s29 =	simm.s32 $0x13920  }
0x32: {  	[spmem:s1] =	stream.indirect.scatter.add.f32 [tilespmem:s15], [sflag:$0x1], $0x80, s29, s14, $0xb8;
	[tilespmem:$0x18800] =	vst v63  }
0x33: {  	s30 =	simm.s32 $0x13970  }
0x34: {  	[spmem:s1] =	stream.indirect.scatter.add.f32 [tilespmem:s15], [sflag:$0x1], $0x80, s30, s14, $0xb8;
	[tilespmem:$0x18800] =	vst v63  }
0x35: {  	s31 =	simm.s32 $0x139C0  }
0x36: {  	[spmem:s1] =	stream.indirect.scatter.add.f32 [tilespmem:s15], [sflag:$0x1], $0x80, s31, s14, $0xb8;
	[tilespmem:$0x18800] =	vst v63  }
0x37: {  	_ =	swait.ge [sflag:s16], $0x2800  }
0x38: {  	[sflag:s16] =	ssyncset.done $0x0  }
0x39: {  	[sflag:s16] =	ssyncadd.s32 $0xFFFFD800  }
0x3a: {  	_ =	swait.ge [sflag:s16], $0x2800  }
0x3b: {  	[sflag:s16] =	ssyncset.done $0x0  }
0x3c: {  	[sflag:s16] =	ssyncadd.s32 $0xFFFFD800  }
0x3d: {  	_ =	swait.ge [sflag:s16], $0x2800  }
0x3e: {  	[sflag:s16] =	ssyncset.done $0x0  }
0x3f: {  	[sflag:s16] =	ssyncadd.s32 $0xFFFFD800  }
0x40: {  	_ =	swait.ge [sflag:s16], $0x2800  }
0x41: {  	[sflag:s16] =	ssyncset.done $0x0  }
0x42: {  	[sflag:s16] =	ssyncadd.s32 $0xFFFFD800  }
0x43: {  	_ =	swait.ge [sflag:s16], $0x2800  }
0x44: {  	s19 =	simm.s32 $0xC80;
	s18 =	simm.s32 $0x190;
	[sflag:s16] =	ssyncset.done $0x0  }
.LBB2_4:
0x45: {  	s20 =	sadd.s32 $0x13880, s18  }
0x46: {  	[sflag:s16] =	ssyncadd.s32 $0xFFFFD800;
	s21 =	smov.u32 s19;
	s22 =	sadd.s32 $0x640, s19  }
0x47: {  	[spmem:s1] =	stream.indirect.scatter.add.f32 [tilespmem:s15], [sflag:$0x1], $0x80, s20, s14, $0xb8;
	[tilespmem:$0x18800] =	vst v63  }
0x48: {  	p1 =	sne.s32 s19, $0x9600;
	s19 =	sadd.s32 $0x138D0, s18  }
0x49: {  	[spmem:s1] =	stream.indirect.scatter.add.f32 [tilespmem:s15], [sflag:$0x1], $0x80, s19, s14, $0xb8;
	[tilespmem:$0x18800] =	vst v63  }
0x4a: {  	s19 =	sadd.s32 $0x13920, s18  }
0x4b: {  	[spmem:s1] =	stream.indirect.scatter.add.f32 [tilespmem:s15], [sflag:$0x1], $0x80, s19, s14, $0xb8;
	[tilespmem:$0x18800] =	vst v63  }
0x4c: {  	s19 =	sadd.s32 $0x13970, s18  }
0x4d: {  	[spmem:s1] =	stream.indirect.scatter.add.f32 [tilespmem:s15], [sflag:$0x1], $0x80, s19, s14, $0xb8;
	[tilespmem:$0x18800] =	vst v63  }
0x4e: {  	s18 =	sadd.s32 $0x139C0, s18  }
0x4f: {  	[spmem:s1] =	stream.indirect.scatter.add.f32 [tilespmem:s15], [sflag:$0x1], $0x80, s18, s14, $0xb8;
	[tilespmem:$0x18800] =	vst v63  }
0x50: {  	_ =	swait.ge [sflag:s16], $0x2800  }
0x51: {  	[sflag:s16] =	ssyncset.done $0x0  }
0x52: {  	[sflag:s16] =	ssyncadd.s32 $0xFFFFD800  }
0x53: {  	_ =	swait.ge [sflag:s16], $0x2800  }
0x54: {  	[sflag:s16] =	ssyncset.done $0x0  }
0x55: {  	[sflag:s16] =	ssyncadd.s32 $0xFFFFD800  }
0x56: {  	_ =	swait.ge [sflag:s16], $0x2800  }
0x57: {  	[sflag:s16] =	ssyncset.done $0x0  }
0x58: {  	[sflag:s16] =	ssyncadd.s32 $0xFFFFD800  }
.Ltmp1:
0x59: {  	_ =	swait.ge [sflag:s16], $0x2800;
	(pc) =	sbr.rel @p1 .LBB2_4-.Ltmp1, $4  }
0x5a: {  	[sflag:s16] =	ssyncset.done $0x0  }
0x5b: {  	[sflag:s16] =	ssyncadd.s32 $0xFFFFD800  }
0x5c: {  	_ =	swait.ge [sflag:s16], $0x2800  }
0x5d: {  	s19 =	smov.u32 s22;
	s18 =	sshra.s32 s21, $0x2;
	[sflag:s16] =	ssyncset.done $0x0  }
0x5e: {  	s19 =	sadd.s32 $0x13880, s18;
	[sflag:s16] =	ssyncadd.s32 $0xFFFFD800  }
0x5f: {  	[spmem:s1] =	stream.indirect.scatter.add.f32 [tilespmem:s15], [sflag:$0x1], $0x80, s19, s14, $0xb8;
	[tilespmem:$0x18800] =	vst v63  }
0x60: {  	s28 =	sadd.s32 $0x138D0, s18  }
0x61: {  	[spmem:s1] =	stream.indirect.scatter.add.f32 [tilespmem:s15], [sflag:$0x1], $0x80, s28, s14, $0xb8;
	[tilespmem:$0x18800] =	vst v63  }
0x62: {  	s29 =	sadd.s32 $0x13920, s18  }
0x63: {  	[spmem:s1] =	stream.indirect.scatter.add.f32 [tilespmem:s15], [sflag:$0x1], $0x80, s29, s14, $0xb8;
	[tilespmem:$0x18800] =	vst v63  }
0x64: {  	s30 =	sadd.s32 $0x13970, s18  }
0x65: {  	[spmem:s1] =	stream.indirect.scatter.add.f32 [tilespmem:s15], [sflag:$0x1], $0x80, s30, s14, $0xb8;
	[tilespmem:$0x18800] =	vst v63  }
0x66: {  	s31 =	sadd.s32 $0x139C0, s18  }
0x67: {  	[spmem:s1] =	stream.indirect.scatter.add.f32 [tilespmem:s15], [sflag:$0x1], $0x80, s31, s14, $0xb8;
	[tilespmem:$0x18800] =	vst v63  }
0x68: {  	_ =	swait.ge [sflag:s16], $0x2800  }
0x69: {  	[sflag:s16] =	ssyncset.done $0x0  }
0x6a: {  	[sflag:s16] =	ssyncadd.s32 $0xFFFFD800  }
0x6b: {  	_ =	swait.ge [sflag:s16], $0x2800  }
0x6c: {  	[sflag:s16] =	ssyncset.done $0x0  }
0x6d: {  	[sflag:s16] =	ssyncadd.s32 $0xFFFFD800  }
0x6e: {  	_ =	swait.ge [sflag:s16], $0x2800  }
0x6f: {  	[sflag:s16] =	ssyncset.done $0x0  }
0x70: {  	[sflag:s16] =	ssyncadd.s32 $0xFFFFD800  }
0x71: {  	_ =	swait.ge [sflag:s16], $0x2800  }
0x72: {  	[sflag:s16] =	ssyncset.done $0x0  }
0x73: {  	[sflag:s16] =	ssyncadd.s32 $0xFFFFD800  }
0x74: {  	_ =	swait.ge [sflag:s16], $0x2800  }
0x75: {  	[sflag:s16] =	ssyncset.done $0x0  }
0x76: {  	[sflag:s16] =	ssyncadd.s32 $0xFFFFD800  }
0x77: {  	[bflag:$0x0] =	sbarrier.arrive $0xFFFF  }
0x78: {  	[hbm:s6], [sflag:s11] =	dma.local [spmem:s12], $0x2700  }
0x79: {  	s17 =	sadd.s32 $0x1, s17;
	_ =	swait.ge [sflag:s10], $0x2700  }
0x7a: {  	p1 =	sne.s32 s17, s8;
	[sflag:s10] =	ssyncset.done $0x0  }
.Ltmp2:
0x7b: {  	s18 =	simm.s32 @!p0 $0x2;
	[sflag:s10] =	ssyncadd.s32 $0xFFFFD900;
	(pc) =	sbr.rel @p1 .LBB2_1-.Ltmp2, $4  }
0x7c: {  	[hbm:s7], [sflag:s11] =	dma.local @!p0 [spmem:s13], $0x100  }
0x7d: {  	_ =	swait.ge @!p0 [sflag:s18], $0x100  }
0x7e: {  	[sflag:s18] =	ssyncset.done @!p0 $0x0  }
0x7f: {  	[sflag:s18] =	ssyncadd.s32 @!p0 $0xFFFFFF00  }
0x80: {  	_ =	sfence.sel $0x180000  }
0x81: {  	[bflag:$0x0] =	sbarrier.arrive $0xFFFF  }
0x82: {  	_ =	strace $0x9000004A  }
0x83: {  	s0 =	sadd.s32 @!p0 $0x100000, s0;
	[bflag:$0x2] =	sbarrier.arrive $0xFFFF  }
0x84: {  	[sflag:s0] =	ssyncadd.tile.s32 @!p0 $0x1;
	_ =	shalt  }
.Lfunc_end2:
_tile_overlayer_lowered:
.L_overlay_start_2:
0x85: {  	(tag) =	ssettag $0x2  }
0x86: {  	s0 =	rddreg [dreg:$0x0];
	s2 =	stileid.u32  }
0x87: {  	s1 =	rddreg [dreg:$0x1];
	p0 =	sne.s32 s2, $0x0  }
0x88: {  	s3 =	rddreg [dreg:$0x2];
	[bflag:$0x3] =	sbarrier.arrive $0xFFFF;
	s2 =	simm.s32 @!p0 $0x1C02  }
0x89: {  	[timem:s3], [sflag:s2] =	dma.local @!p0 [hbm:s0], s1  }
0x8a: {  	s0 =	simm.s32 @!p0 $0x2  }
0x8b: {  	_ =	swait.ge @!p0 [sflag:s0], s1  }
0x8c: {  	s1 =	ssub.s32 @!p0 $0x0, s1;
	[sflag:s0] =	ssyncset.done @!p0 $0x0  }
0x8d: {  	[sflag:s0] =	ssyncadd.s32 @!p0 s1  }
0x8e: {  	[bflag:$0x3] =	sbarrier.arrive $0xFFFF  }
0x8f: {  	_ =	shalt  }

</sc_bundles>
